<compile_context>
chip_gen: v7x
topology: tpu7x:2x2x1
jax: 0.10.2.dev20260603
libtpu: 0.0.44.dev20260713+nightly
codegen_flags: <defaults>
</compile_context>

<pallas_src>
import jax
import jax.numpy as jnp
from jax import lax
from jax.experimental import pallas as pl
from jax.experimental.pallas import tpu as pltpu
from jax.experimental.pallas import tpu_sc as plsc

NL, NA, NG = 5000, 2500, 100
NE = 10000
HID, OUTD = 256, 128
HH = 128
LP, AP, GP = 5120, 2560, 128
EP = 10240
NT = 16
EPT = EP // NT
CH = 80
NCH = EPT // CH
ZR = 80
CW = 16
F32 = jnp.float32

_MESH = plsc.VectorSubcoreMesh(core_axis_name="c", subcore_axis_name="s")

_SEG_SCRATCH = [
    pltpu.VMEM((EPT,), jnp.int32),
    pltpu.VMEM((EPT,), jnp.int32),
    pltpu.VMEM((CH, HH), F32),
    pltpu.VMEM((CH, HH), F32),
    pltpu.VMEM((ZR, HH), F32),
    pltpu.VMEM((CH, HH), F32),
    pltpu.VMEM_SHARED((LP, HH), F32),
    pltpu.SemaphoreType.DMA,
    pltpu.SemaphoreType.DMA,
    pltpu.SemaphoreType.DMA,
    pltpu.SemaphoreType.DMA,
]
_SEG1_SCRATCH = _SEG_SCRATCH + [
    pltpu.VMEM_SHARED((LP, HH), F32),
]


def _phase_maker(idx_all, dst_all, rows, zrow_v, ones_v, acc, cnt, gsem,
                 ssem, cid, tid):

    def phase(src_h, dst_h, tab_h, out_h, cnt_h, rpt, counts):
        rbase = tid * rpt
        for z in range(rpt // ZR):
            pltpu.sync_copy(zrow_v, acc.at[pl.ds(rbase + z * ZR, ZR)])
            if counts:
                pltpu.sync_copy(zrow_v, cnt.at[pl.ds(rbase + z * ZR, ZR)])
        plsc.subcore_barrier()
        ebase = cid * EP + tid * EPT
        gd = [None] * NCH
        sd = [None] * NCH
        pltpu.sync_copy(src_h.at[pl.ds(ebase, EPT)], idx_all)
        pltpu.sync_copy(dst_h.at[pl.ds(ebase, EPT)], dst_all)
        ic = lambda k: idx_all.at[pl.ds(k * CH, CH)]
        dc = lambda k: dst_all.at[pl.ds(k * CH, CH)]
        gd[0] = pltpu.async_copy(tab_h.at[ic(0)], rows[0], gsem[0])
        for k in range(NCH):
            b = k & 1
            nb = 1 - b
            if k + 1 < NCH:
                if k >= 1:
                    sd[k - 1].wait()
                gd[k + 1] = pltpu.async_copy(tab_h.at[ic(k + 1)], rows[nb],
                                             gsem[nb])
            gd[k].wait()
            sd[k] = pltpu.async_copy(rows[b], acc.at[dc(k)], ssem[b],
                                     add=True)
            if counts:
                pltpu.sync_copy(ones_v, cnt.at[dc(k)], add=True)
        sd[NCH - 1].wait()
        if NCH >= 2:
            sd[NCH - 2].wait()
        plsc.subcore_barrier()
        obase = cid * rpt * NT + rbase
        pltpu.sync_copy(acc.at[pl.ds(rbase, rpt)],
                        out_h.at[pl.ds(obase, rpt)])
        if counts:
            pltpu.sync_copy(cnt.at[pl.ds(rbase, rpt)],
                            cnt_h.at[pl.ds(obase, rpt)])
        plsc.subcore_barrier()

    return phase


def _seg1_kernel():
    out_type = (
        jax.ShapeDtypeStruct((2 * LP, HH), F32),
        jax.ShapeDtypeStruct((2 * LP, HH), F32),
        jax.ShapeDtypeStruct((2 * AP, HH), F32),
        jax.ShapeDtypeStruct((2 * AP, HH), F32),
        jax.ShapeDtypeStruct((2 * LP, HH), F32),
        jax.ShapeDtypeStruct((2 * AP, HH), F32),
    )

    def body(src_bl, src_bh, dst_b, src_sl, src_sh, dst_s, tab_b, tab_s,
             zrow_h, ones_h,
             out_bl, out_bh, out_sl, out_sh, cnt_b, cnt_s,
             idx_all, dst_all, rows0, rows1, zrow_v, ones_v, acc,
             gsem0, gsem1, ssem0, ssem1, cnt):
        cid = lax.axis_index("c")
        tid = lax.axis_index("s")
        pltpu.sync_copy(zrow_h, zrow_v)
        pltpu.sync_copy(ones_h, ones_v)
        phase = _phase_maker(idx_all, dst_all, (rows0, rows1),
                             zrow_v, ones_v, acc, cnt,
                             (gsem0, gsem1), (ssem0, ssem1), cid, tid)
        phase(src_bl, dst_b, tab_b, out_bl, cnt_b, LP // NT, True)
        phase(src_bh, dst_b, tab_b, out_bh, None, LP // NT, False)
        phase(src_sl, dst_s, tab_s, out_sl, cnt_s, AP // NT, True)
        phase(src_sh, dst_s, tab_s, out_sh, None, AP // NT, False)

    return pl.kernel(body, out_type=out_type, mesh=_MESH,
                     scratch_types=_SEG1_SCRATCH)


def _seg2_kernel():
    out_type = (
        jax.ShapeDtypeStruct((2 * LP, HH), F32),
        jax.ShapeDtypeStruct((2 * AP, HH), F32),
    )

    def body(src_b, dst_b, src_s, dst_s, tab_b, tab_s, zrow_h,
             out_b, out_s,
             idx_all, dst_all, rows0, rows1, zrow_v, ones_v, acc,
             gsem0, gsem1, ssem0, ssem1):
        cid = lax.axis_index("c")
        tid = lax.axis_index("s")
        pltpu.sync_copy(zrow_h, zrow_v)
        phase = _phase_maker(idx_all, dst_all, (rows0, rows1),
                             zrow_v, ones_v, acc, None,
                             (gsem0, gsem1), (ssem0, ssem1), cid, tid)
        phase(src_b, dst_b, tab_b, out_b, None, LP // NT, False)
        phase(src_s, dst_s, tab_s, out_s, None, AP // NT, False)

    return pl.kernel(body, out_type=out_type, mesh=_MESH,
                     scratch_types=_SEG_SCRATCH)


def _tc1_livro(s2l, s2h, c2, s4l, s4h, c4, w2, w4, b2, b4, wl1, wl3, wr2, wr4):
    BLK = 256

    def body(s2lr, s2hr, c2r, s4lr, s4hr, c4r, w2r, w4r, b2r, b4r,
             a1r, a3r, r2r, r4r, po, rlo):
        cc2 = jnp.maximum(c2r[:, 0:1], 1.0)
        cc4 = jnp.maximum(c4r[:, 0:1], 1.0)
        s2 = jnp.concatenate([s2lr[...], s2hr[...]], axis=1)
        s4 = jnp.concatenate([s4lr[...], s4hr[...]], axis=1)
        h = (s2 / cc2 + b2r[...] + w2r[...] + s4 / cc4 + b4r[...] + w4r[...]) * 0.5
        h = jnp.maximum(h, 0.0)
        po[0] = jnp.dot(h, a1r[...], preferred_element_type=F32)
        po[1] = jnp.dot(h, a3r[...], preferred_element_type=F32)
        rlo[...] = jnp.dot(h, r2r[...] + r4r[...], preferred_element_type=F32)

    row = lambda i: (i, 0)
    fix = lambda i: (0, 0)
    return pl.pallas_call(
        body,
        grid=(LP // BLK,),
        in_specs=[
            pl.BlockSpec((BLK, HH), row), pl.BlockSpec((BLK, HH), row),
            pl.BlockSpec((BLK, HH), row),
            pl.BlockSpec((BLK, HH), row), pl.BlockSpec((BLK, HH), row),
            pl.BlockSpec((BLK, HH), row),
            pl.BlockSpec((BLK, HID), row), pl.BlockSpec((BLK, HID), row),
            pl.BlockSpec((1, HID), fix), pl.BlockSpec((1, HID), fix),
            pl.BlockSpec((HID, OUTD), fix), pl.BlockSpec((HID, OUTD), fix),
            pl.BlockSpec((HID, OUTD), fix), pl.BlockSpec((HID, OUTD), fix),
        ],
        out_specs=[pl.BlockSpec((2, BLK, OUTD), lambda i: (0, i, 0)),
                   pl.BlockSpec((BLK, OUTD), row)],
        out_shape=[jax.ShapeDtypeStruct((2, LP, OUTD), F32),
                   jax.ShapeDtypeStruct((LP, OUTD), F32)],
    )(s2l, s2h, c2, s4l, s4h, c4, w2, w4, b2, b4, wl1, wl3, wr2, wr4)


def _tc1_single(s1l, s1h, c1, w1, b1, wl, wr, rows, blk):
    def body(s1lr, s1hr, c1r, w1r, b1r, wlr, wrr, po, ro):
        cc = jnp.maximum(c1r[:, 0:1], 1.0)
        s1 = jnp.concatenate([s1lr[...], s1hr[...]], axis=1)
        h = jnp.maximum(s1 / cc + b1r[...] + w1r[...], 0.0)
        po[...] = jnp.dot(h, wlr[...], preferred_element_type=F32)
        ro[...] = jnp.dot(h, wrr[...], preferred_element_type=F32)

    row = lambda i: (i, 0)
    fix = lambda i: (0, 0)
    return pl.pallas_call(
        body,
        grid=(rows // blk,),
        in_specs=[
            pl.BlockSpec((blk, HH), row), pl.BlockSpec((blk, HH), row),
            pl.BlockSpec((blk, HH), row),
            pl.BlockSpec((blk, HID), row), pl.BlockSpec((1, HID), fix),
            pl.BlockSpec((HID, OUTD), fix), pl.BlockSpec((HID, OUTD), fix),
        ],
        out_specs=[pl.BlockSpec((blk, OUTD), row)] * 2,
        out_shape=[jax.ShapeDtypeStruct((rows, OUTD), F32)] * 2,
    )(s1l, s1h, c1, w1, b1, wl, wr)


def _l2n(v):
    n = jnp.sqrt(jnp.sum(v * v, axis=1, keepdims=True))
    return v / jnp.maximum(n, 1e-12)


def _tc2_livro(s2, c2, s4, c4, rl, b2, b4, rows):
    BLK = 256

    def body(s2r, c2r, s4r, c4r, rlr, b2r, b4r, o):
        cc2 = jnp.maximum(c2r[:, 0:1], 1.0)
        cc4 = jnp.maximum(c4r[:, 0:1], 1.0)
        v = (s2r[...] / cc2 + s4r[...] / cc4 + b2r[...] + b4r[...]
             + rlr[...]) * 0.5
        o[...] = _l2n(v)

    row = lambda i: (i, 0)
    fix = lambda i: (0, 0)
    return pl.pallas_call(
        body,
        grid=(LP // BLK,),
        in_specs=[
            pl.BlockSpec((BLK, OUTD), row), pl.BlockSpec((BLK, HH), row),
            pl.BlockSpec((BLK, OUTD), row), pl.BlockSpec((BLK, HH), row),
            pl.BlockSpec((BLK, OUTD), row),
            pl.BlockSpec((1, OUTD), fix), pl.BlockSpec((1, OUTD), fix),
        ],
        out_specs=pl.BlockSpec((BLK, OUTD), row),
        out_shape=jax.ShapeDtypeStruct((rows, OUTD), F32),
    )(s2, c2, s4, c4, rl, b2, b4)


def _tc2_single(s1, c1, r1, b1, rows, blk, orows):
    def body(s1r, c1r, r1r, b1r, o):
        cc = jnp.maximum(c1r[:, 0:1], 1.0)
        o[...] = _l2n(s1r[...] / cc + b1r[...] + r1r[...])

    row = lambda i: (i, 0)
    fix = lambda i: (0, 0)
    return pl.pallas_call(
        body,
        grid=(rows // blk,),
        in_specs=[
            pl.BlockSpec((blk, OUTD), row), pl.BlockSpec((blk, HH), row),
            pl.BlockSpec((blk, OUTD), row), pl.BlockSpec((1, OUTD), fix),
        ],
        out_specs=pl.BlockSpec((blk, OUTD), row),
        out_shape=jax.ShapeDtypeStruct((orows, OUTD), F32),
    )(s1, c1, r1, b1)


def kernel(src_escrito_por, dst_escrito_por, src_escreveu, dst_escreveu,
           src_tem_genero, dst_tem_genero, src_pertence_a, dst_pertence_a,
           Wl1_e1, b1_e1, Wr1_e1, Wl1_e2, b1_e2, Wr1_e2,
           Wl1_e3, b1_e3, Wr1_e3, Wl1_e4, b1_e4, Wr1_e4,
           Wl2_e1, b2_e1, Wr2_e1, Wl2_e2, b2_e2, Wr2_e2,
           Wl2_e3, b2_e3, Wr2_e3, Wl2_e4, b2_e4, Wr2_e4):
    i32 = jnp.int32

    def pad_e(a, fill):
        return jnp.concatenate([a, jnp.full((EP - NE,), fill, i32)])

    s1p, d1p = pad_e(src_escrito_por, 0), pad_e(dst_escrito_por, NA)
    s2p, d2p = pad_e(src_escreveu, 0), pad_e(dst_escreveu, NL)
    s3p, d3p = pad_e(src_tem_genero, 0), pad_e(dst_tem_genero, NG)
    s4p, d4p = pad_e(src_pertence_a, 0), pad_e(dst_pertence_a, NL)

    src_b1 = jnp.concatenate([s2p, s4p + NA])
    dst_b = jnp.concatenate([d2p, d4p])
    src_s1 = jnp.concatenate([s1p, s3p + NL])
    dst_s = jnp.concatenate([d1p, d3p])
    src_b2 = jnp.concatenate([s2p, s4p + AP])
    src_s2 = jnp.concatenate([s1p, s3p + LP])

    zrow = jnp.zeros((ZR, HH), F32)
    ones = jnp.ones((CH, HH), F32)

    tab_b = jnp.concatenate([Wl1_e2.reshape(-1, HH), Wl1_e4.reshape(-1, HH)])
    tab_s = jnp.concatenate([Wl1_e1.reshape(-1, HH), Wl1_e3.reshape(-1, HH)])
    src_b_lo = src_b1 * 2
    src_s_lo = src_s1 * 2
    out_bl, out_bh, out_sl, out_sh, cnt_b, cnt_s = _seg1_kernel()(
        src_b_lo, src_b_lo + 1, dst_b, src_s_lo, src_s_lo + 1, dst_s,
        tab_b, tab_s, zrow, ones)
    cnt_e2, cnt_e4 = cnt_b[:LP], cnt_b[LP:]
    cnt_e1, cnt_e3 = cnt_s[:AP], cnt_s[AP:]

    b = lambda x: x.reshape(1, -1)

    P13, RL = _tc1_livro(out_bl[:LP], out_bh[:LP], cnt_e2,
                         out_bl[LP:], out_bh[LP:], cnt_e4,
                         Wr1_e2, Wr1_e4, b(b1_e2), b(b1_e4),
                         Wl2_e1, Wl2_e3, Wr2_e2, Wr2_e4)
    P2, R1 = _tc1_single(out_sl[:AP], out_sh[:AP], cnt_e1, Wr1_e1, b(b1_e1),
                         Wl2_e2, Wr2_e1, AP, 256)
    P4, R3 = _tc1_single(out_sl[AP:AP + GP], out_sh[AP:AP + GP], cnt_e3[:GP],
                         Wr1_e3, b(b1_e3), Wl2_e4, Wr2_e3, GP, GP)

    tab_b2 = jnp.concatenate([P2, P4])
    tab_s2 = P13.reshape(2 * LP, OUTD)
    out2_b, out2_s = _seg2_kernel()(
        src_b2, dst_b, src_s2, dst_s, tab_b2, tab_s2, zrow)

    out_l = _tc2_livro(out2_b[:LP], cnt_e2, out2_b[LP:], cnt_e4, RL,
                       b(b2_e2), b(b2_e4), NL)
    out_a = _tc2_single(out2_s[:AP], cnt_e1, R1, b(b2_e1), AP, 256, NA)
    out_g = _tc2_single(out2_s[AP:AP + GP], cnt_e3[:GP], R3, b(b2_e3),
                        GP, GP, NG)

    return (out_l, out_a, out_g)

# --- scband reference (transcript-rebuilt; emitter-appended) ---
"""Pipeline reference for scband-gnn-17652315586927 (READ-ONLY COPY).

The authoritative reference and input builder live on the scoring server;
editing this copy changes nothing except your own understanding.
"""

import jax, jax.numpy as jnp
import numpy as np

N_LIVRO = 5000
N_AUTOR = 2500
N_GENERO = 100
E = 10000
HID = 256
OUT = 128

_EDGE_SPECS = [
    ("src_escrito_por", N_LIVRO), ("dst_escrito_por", N_AUTOR),
    ("src_escreveu", N_AUTOR), ("dst_escreveu", N_LIVRO),
    ("src_tem_genero", N_LIVRO), ("dst_tem_genero", N_GENERO),
    ("src_pertence_a", N_GENERO), ("dst_pertence_a", N_LIVRO),
]

_PARAM_SPECS = [
    ("Wl1_e1", (N_LIVRO, HID)), ("b1_e1", (HID,)), ("Wr1_e1", (N_AUTOR, HID)),
    ("Wl1_e2", (N_AUTOR, HID)), ("b1_e2", (HID,)), ("Wr1_e2", (N_LIVRO, HID)),
    ("Wl1_e3", (N_LIVRO, HID)), ("b1_e3", (HID,)), ("Wr1_e3", (N_GENERO, HID)),
    ("Wl1_e4", (N_GENERO, HID)), ("b1_e4", (HID,)), ("Wr1_e4", (N_LIVRO, HID)),
    ("Wl2_e1", (HID, OUT)), ("b2_e1", (OUT,)), ("Wr2_e1", (HID, OUT)),
    ("Wl2_e2", (HID, OUT)), ("b2_e2", (OUT,)), ("Wr2_e2", (HID, OUT)),
    ("Wl2_e3", (HID, OUT)), ("b2_e3", (OUT,)), ("Wr2_e3", (HID, OUT)),
    ("Wl2_e4", (HID, OUT)), ("b2_e4", (OUT,)), ("Wr2_e4", (HID, OUT)),
]


def setup_inputs(seed: int = 0):
    key = jax.random.key(seed)
    inp = {}
    for i, (name, hi) in enumerate(_EDGE_SPECS):
        inp[name] = jax.random.randint(jax.random.fold_in(key, i), (E,), 0, hi, dtype=jnp.int32)
    for j, (name, shape) in enumerate(_PARAM_SPECS):
        k = jax.random.fold_in(key, 100 + j)
        inp[name] = jax.random.normal(k, shape, dtype=jnp.float32) / np.sqrt(shape[0])
    return inp


def _sage(x_src, x_dst, src, dst, n_dst, Wl, bl, Wr):
    # PyG SAGEConv (aggr='mean', root_weight=True): lin_l(mean_j x_j) + lin_r(x_i)
    msgs = jnp.take(x_src, src, axis=0)
    agg = jax.ops.segment_sum(msgs, dst, num_segments=n_dst)
    cnt = jax.ops.segment_sum(jnp.ones((src.shape[0],), dtype=msgs.dtype), dst, num_segments=n_dst)
    mean = agg / jnp.clip(cnt, 1.0)[:, None]
    return mean @ Wl + bl + x_dst @ Wr


def _l2norm(v):
    n = jnp.linalg.norm(v, axis=1, keepdims=True)
    return v / jnp.maximum(n, 1e-12)


def reference(src_escrito_por, dst_escrito_por, src_escreveu, dst_escreveu,
              src_tem_genero, dst_tem_genero, src_pertence_a, dst_pertence_a,
              Wl1_e1, b1_e1, Wr1_e1, Wl1_e2, b1_e2, Wr1_e2,
              Wl1_e3, b1_e3, Wr1_e3, Wl1_e4, b1_e4, Wr1_e4,
              Wl2_e1, b2_e1, Wr2_e1, Wl2_e2, b2_e2, Wr2_e2,
              Wl2_e3, b2_e3, Wr2_e3, Wl2_e4, b2_e4, Wr2_e4):
    x_livro = jnp.eye(N_LIVRO, dtype=jnp.float32)
    x_autor = jnp.eye(N_AUTOR, dtype=jnp.float32)
    x_genero = jnp.eye(N_GENERO, dtype=jnp.float32)
    # conv1 (HeteroConv aggr='mean' across edge types per dst node type)
    a1 = _sage(x_livro, x_autor, src_escrito_por, dst_escrito_por, N_AUTOR, Wl1_e1, b1_e1, Wr1_e1)
    l1a = _sage(x_autor, x_livro, src_escreveu, dst_escreveu, N_LIVRO, Wl1_e2, b1_e2, Wr1_e2)
    g1 = _sage(x_livro, x_genero, src_tem_genero, dst_tem_genero, N_GENERO, Wl1_e3, b1_e3, Wr1_e3)
    l1b = _sage(x_genero, x_livro, src_pertence_a, dst_pertence_a, N_LIVRO, Wl1_e4, b1_e4, Wr1_e4)
    h_livro = jax.nn.relu((l1a + l1b) / 2.0)
    h_autor = jax.nn.relu(a1)
    h_genero = jax.nn.relu(g1)
    # conv2
    a2 = _sage(h_livro, h_autor, src_escrito_por, dst_escrito_por, N_AUTOR, Wl2_e1, b2_e1, Wr2_e1)
    l2a = _sage(h_autor, h_livro, src_escreveu, dst_escreveu, N_LIVRO, Wl2_e2, b2_e2, Wr2_e2)
    g2 = _sage(h_livro, h_genero, src_tem_genero, dst_tem_genero, N_GENERO, Wl2_e3, b2_e3, Wr2_e3)
    l2b = _sage(h_genero, h_livro, src_pertence_a, dst_pertence_a, N_LIVRO, Wl2_e4, b2_e4, Wr2_e4)
    out_livro = _l2norm((l2a + l2b) / 2.0)
    out_autor = _l2norm(a2)
    out_genero = _l2norm(g2)
    return (out_livro, out_autor, out_genero)

if __name__ == "__main__":
    import jax
    _d = setup_inputs()
    print(jax.jit(kernel)(*tuple(_d.values())))

</pallas_src>

<mosaic_0001>
#map = affine_map<(d0, d1) -> (0)>
#map1 = affine_map<(d0, d1) -> (0, 0)>
module attributes {stable_mosaic.version = 14 : i64} {
  func.func @body(%arg0: i32, %arg1: i32, %arg2: memref<20480xi32, #tpu.memory_space<hbm>>, %arg3: memref<20480xi32, #tpu.memory_space<hbm>>, %arg4: memref<20480xi32, #tpu.memory_space<hbm>>, %arg5: memref<20480xi32, #tpu.memory_space<hbm>>, %arg6: memref<2688x128xf32, #tpu.memory_space<hbm>>, %arg7: memref<10240x128xf32, #tpu.memory_space<hbm>>, %arg8: memref<80x128xf32, #tpu.memory_space<hbm>>, %arg9: memref<10240x128xf32, #tpu.memory_space<hbm>>, %arg10: memref<5120x128xf32, #tpu.memory_space<hbm>>, %arg11: memref<640xi32, #tpu.memory_space<vmem>>, %arg12: memref<640xi32, #tpu.memory_space<vmem>>, %arg13: memref<80x128xf32, #tpu.memory_space<vmem>>, %arg14: memref<80x128xf32, #tpu.memory_space<vmem>>, %arg15: memref<80x128xf32, #tpu.memory_space<vmem>>, %arg16: memref<80x128xf32, #tpu.memory_space<vmem>>, %arg17: memref<5120x128xf32, #tpu.memory_space<vmem_shared>>, %arg18: memref<!tpu.dma_semaphore, #tpu.memory_space<semaphore_mem>>, %arg19: memref<!tpu.dma_semaphore, #tpu.memory_space<semaphore_mem>>, %arg20: memref<!tpu.dma_semaphore, #tpu.memory_space<semaphore_mem>>, %arg21: memref<!tpu.dma_semaphore, #tpu.memory_space<semaphore_mem>>) attributes {dimension_semantics = [#tpu.dimension_semantics<core_parallel>, #tpu.dimension_semantics<subcore_parallel>], iteration_bounds = array<i64: 2, 16>, scalar_prefetch = 0 : i64, scratch_operands = 11 : i64, tpu.core_type = #tpu.core_type<sc_vector_subcore>, window_params = [{transform_indices = #map}, {transform_indices = #map}, {transform_indices = #map}, {transform_indices = #map}, {transform_indices = #map1}, {transform_indices = #map1}, {transform_indices = #map1}, {transform_indices = #map1}, {transform_indices = #map1}]} {
    "tpu.region"() ({
      %run_scoped3A = tpu.sem_alloc : memref<!tpu.dma_semaphore, #tpu.memory_space<semaphore_mem>>
      tpu.enqueue_dma source(%arg8 : memref<80x128xf32, #tpu.memory_space<hbm>>) target(%arg15 : memref<80x128xf32, #tpu.memory_space<vmem>>) target_semaphore(%run_scoped3A : memref<!tpu.dma_semaphore, #tpu.memory_space<semaphore_mem>>)
      tpu.wait_dma2 semaphore(%run_scoped3A : memref<!tpu.dma_semaphore, #tpu.memory_space<semaphore_mem>>) src(%arg8 : memref<80x128xf32, #tpu.memory_space<hbm>>) dst(%arg15 : memref<80x128xf32, #tpu.memory_space<vmem>>)
      tpu.yield
    }) : () -> ()
    %mul3A = arith.constant 320 : i32
    %mul3A_0 = arith.muli %arg1, %mul3A : i32
    %add3A = arith.constant 0 : i32
    %add3A_1 = arith.addi %mul3A_0, %add3A : i32
    "tpu.region"() ({
      %run_scoped3A = tpu.sem_alloc : memref<!tpu.dma_semaphore, #tpu.memory_space<semaphore_mem>>
      %dma_start3A_357 = arith.constant 0 : i32
      %dma_start3A_358 = tpu.memref_slice %arg17[%add3A_1, %dma_start3A_357] : memref<5120x128xf32, #tpu.memory_space<vmem_shared>> -> memref<80x128xf32, #tpu.memory_space<vmem_shared>>
      %dma_start3A_359 = arith.constant 0 : i32
      %dma_start3A_360 = tpu.memref_slice %arg17[%add3A_1, %dma_start3A_359] : memref<5120x128xf32, #tpu.memory_space<vmem_shared>> -> memref<80x128xf32, #tpu.memory_space<vmem_shared>>
      tpu.enqueue_dma source(%arg15 : memref<80x128xf32, #tpu.memory_space<vmem>>) target(%dma_start3A_360 : memref<80x128xf32, #tpu.memory_space<vmem_shared>>) target_semaphore(%run_scoped3A : memref<!tpu.dma_semaphore, #tpu.memory_space<semaphore_mem>>)
      %dma_wait3A_361 = arith.constant 0 : i32
      %dma_wait3A_362 = tpu.memref_slice %arg17[%add3A_1, %dma_wait3A_361] : memref<5120x128xf32, #tpu.memory_space<vmem_shared>> -> memref<80x128xf32, #tpu.memory_space<vmem_shared>>
      %dma_wait3A_363 = arith.constant 0 : i32
      %dma_wait3A_364 = tpu.memref_slice %arg17[%add3A_1, %dma_wait3A_363] : memref<5120x128xf32, #tpu.memory_space<vmem_shared>> -> memref<80x128xf32, #tpu.memory_space<vmem_shared>>
      tpu.wait_dma2 semaphore(%run_scoped3A : memref<!tpu.dma_semaphore, #tpu.memory_space<semaphore_mem>>) src(%arg15 : memref<80x128xf32, #tpu.memory_space<vmem>>) dst(%dma_wait3A_364 : memref<80x128xf32, #tpu.memory_space<vmem_shared>>)
      tpu.yield
    }) : () -> ()
    %add3A_2 = arith.constant 80 : i32
    %add3A_3 = arith.addi %mul3A_0, %add3A_2 : i32
    "tpu.region"() ({
      %run_scoped3A = tpu.sem_alloc : memref<!tpu.dma_semaphore, #tpu.memory_space<semaphore_mem>>
      %dma_start3A_357 = arith.constant 0 : i32
      %dma_start3A_358 = tpu.memref_slice %arg17[%add3A_3, %dma_start3A_357] : memref<5120x128xf32, #tpu.memory_space<vmem_shared>> -> memref<80x128xf32, #tpu.memory_space<vmem_shared>>
      %dma_start3A_359 = arith.constant 0 : i32
      %dma_start3A_360 = tpu.memref_slice %arg17[%add3A_3, %dma_start3A_359] : memref<5120x128xf32, #tpu.memory_space<vmem_shared>> -> memref<80x128xf32, #tpu.memory_space<vmem_shared>>
      tpu.enqueue_dma source(%arg15 : memref<80x128xf32, #tpu.memory_space<vmem>>) target(%dma_start3A_360 : memref<80x128xf32, #tpu.memory_space<vmem_shared>>) target_semaphore(%run_scoped3A : memref<!tpu.dma_semaphore, #tpu.memory_space<semaphore_mem>>)
      %dma_wait3A_361 = arith.constant 0 : i32
      %dma_wait3A_362 = tpu.memref_slice %arg17[%add3A_3, %dma_wait3A_361] : memref<5120x128xf32, #tpu.memory_space<vmem_shared>> -> memref<80x128xf32, #tpu.memory_space<vmem_shared>>
      %dma_wait3A_363 = arith.constant 0 : i32
      %dma_wait3A_364 = tpu.memref_slice %arg17[%add3A_3, %dma_wait3A_363] : memref<5120x128xf32, #tpu.memory_space<vmem_shared>> -> memref<80x128xf32, #tpu.memory_space<vmem_shared>>
      tpu.wait_dma2 semaphore(%run_scoped3A : memref<!tpu.dma_semaphore, #tpu.memory_space<semaphore_mem>>) src(%arg15 : memref<80x128xf32, #tpu.memory_space<vmem>>) dst(%dma_wait3A_364 : memref<80x128xf32, #tpu.memory_space<vmem_shared>>)
      tpu.yield
    }) : () -> ()
    %add3A_4 = arith.constant 160 : i32
    %add3A_5 = arith.addi %mul3A_0, %add3A_4 : i32
    "tpu.region"() ({
      %run_scoped3A = tpu.sem_alloc : memref<!tpu.dma_semaphore, #tpu.memory_space<semaphore_mem>>
      %dma_start3A_357 = arith.constant 0 : i32
      %dma_start3A_358 = tpu.memref_slice %arg17[%add3A_5, %dma_start3A_357] : memref<5120x128xf32, #tpu.memory_space<vmem_shared>> -> memref<80x128xf32, #tpu.memory_space<vmem_shared>>
      %dma_start3A_359 = arith.constant 0 : i32
      %dma_start3A_360 = tpu.memref_slice %arg17[%add3A_5, %dma_start3A_359] : memref<5120x128xf32, #tpu.memory_space<vmem_shared>> -> memref<80x128xf32, #tpu.memory_space<vmem_shared>>
      tpu.enqueue_dma source(%arg15 : memref<80x128xf32, #tpu.memory_space<vmem>>) target(%dma_start3A_360 : memref<80x128xf32, #tpu.memory_space<vmem_shared>>) target_semaphore(%run_scoped3A : memref<!tpu.dma_semaphore, #tpu.memory_space<semaphore_mem>>)
      %dma_wait3A_361 = arith.constant 0 : i32
      %dma_wait3A_362 = tpu.memref_slice %arg17[%add3A_5, %dma_wait3A_361] : memref<5120x128xf32, #tpu.memory_space<vmem_shared>> -> memref<80x128xf32, #tpu.memory_space<vmem_shared>>
      %dma_wait3A_363 = arith.constant 0 : i32
      %dma_wait3A_364 = tpu.memref_slice %arg17[%add3A_5, %dma_wait3A_363] : memref<5120x128xf32, #tpu.memory_space<vmem_shared>> -> memref<80x128xf32, #tpu.memory_space<vmem_shared>>
      tpu.wait_dma2 semaphore(%run_scoped3A : memref<!tpu.dma_semaphore, #tpu.memory_space<semaphore_mem>>) src(%arg15 : memref<80x128xf32, #tpu.memory_space<vmem>>) dst(%dma_wait3A_364 : memref<80x128xf32, #tpu.memory_space<vmem_shared>>)
      tpu.yield
    }) : () -> ()
    %add3A_6 = arith.constant 240 : i32
    %add3A_7 = arith.addi %mul3A_0, %add3A_6 : i32
    "tpu.region"() ({
      %run_scoped3A = tpu.sem_alloc : memref<!tpu.dma_semaphore, #tpu.memory_space<semaphore_mem>>
      %dma_start3A_357 = arith.constant 0 : i32
      %dma_start3A_358 = tpu.memref_slice %arg17[%add3A_7, %dma_start3A_357] : memref<5120x128xf32, #tpu.memory_space<vmem_shared>> -> memref<80x128xf32, #tpu.memory_space<vmem_shared>>
      %dma_start3A_359 = arith.constant 0 : i32
      %dma_start3A_360 = tpu.memref_slice %arg17[%add3A_7, %dma_start3A_359] : memref<5120x128xf32, #tpu.memory_space<vmem_shared>> -> memref<80x128xf32, #tpu.memory_space<vmem_shared>>
      tpu.enqueue_dma source(%arg15 : memref<80x128xf32, #tpu.memory_space<vmem>>) target(%dma_start3A_360 : memref<80x128xf32, #tpu.memory_space<vmem_shared>>) target_semaphore(%run_scoped3A : memref<!tpu.dma_semaphore, #tpu.memory_space<semaphore_mem>>)
      %dma_wait3A_361 = arith.constant 0 : i32
      %dma_wait3A_362 = tpu.memref_slice %arg17[%add3A_7, %dma_wait3A_361] : memref<5120x128xf32, #tpu.memory_space<vmem_shared>> -> memref<80x128xf32, #tpu.memory_space<vmem_shared>>
      %dma_wait3A_363 = arith.constant 0 : i32
      %dma_wait3A_364 = tpu.memref_slice %arg17[%add3A_7, %dma_wait3A_363] : memref<5120x128xf32, #tpu.memory_space<vmem_shared>> -> memref<80x128xf32, #tpu.memory_space<vmem_shared>>
      tpu.wait_dma2 semaphore(%run_scoped3A : memref<!tpu.dma_semaphore, #tpu.memory_space<semaphore_mem>>) src(%arg15 : memref<80x128xf32, #tpu.memory_space<vmem>>) dst(%dma_wait3A_364 : memref<80x128xf32, #tpu.memory_space<vmem_shared>>)
      tpu.yield
    }) : () -> ()
    %barrier3A = arith.constant 0 : index
    tpu.barrier barrier_id(%barrier3A)
    %mul3A_8 = arith.constant 10240 : i32
    %mul3A_9 = arith.muli %arg0, %mul3A_8 : i32
    %mul3A_10 = arith.constant 640 : i32
    %mul3A_11 = arith.muli %arg1, %mul3A_10 : i32
    %add3A_12 = arith.addi %mul3A_9, %mul3A_11 : i32
    "tpu.region"() ({
      %run_scoped3A = tpu.sem_alloc : memref<!tpu.dma_semaphore, #tpu.memory_space<semaphore_mem>>
      %dma_start3A_357 = tpu.memref_slice %arg2[%add3A_12] : memref<20480xi32, #tpu.memory_space<hbm>> -> memref<640xi32, #tpu.memory_space<hbm>>
      %dma_start3A_358 = tpu.memref_slice %arg2[%add3A_12] : memref<20480xi32, #tpu.memory_space<hbm>> -> memref<640xi32, #tpu.memory_space<hbm>>
      tpu.enqueue_dma source(%dma_start3A_358 : memref<640xi32, #tpu.memory_space<hbm>>) target(%arg11 : memref<640xi32, #tpu.memory_space<vmem>>) target_semaphore(%run_scoped3A : memref<!tpu.dma_semaphore, #tpu.memory_space<semaphore_mem>>)
      %dma_wait3A_359 = tpu.memref_slice %arg2[%add3A_12] : memref<20480xi32, #tpu.memory_space<hbm>> -> memref<640xi32, #tpu.memory_space<hbm>>
      %dma_wait3A_360 = tpu.memref_slice %arg2[%add3A_12] : memref<20480xi32, #tpu.memory_space<hbm>> -> memref<640xi32, #tpu.memory_space<hbm>>
      tpu.wait_dma2 semaphore(%run_scoped3A : memref<!tpu.dma_semaphore, #tpu.memory_space<semaphore_mem>>) src(%dma_wait3A_360 : memref<640xi32, #tpu.memory_space<hbm>>) dst(%arg11 : memref<640xi32, #tpu.memory_space<vmem>>)
      tpu.yield
    }) : () -> ()
    "tpu.region"() ({
      %run_scoped3A = tpu.sem_alloc : memref<!tpu.dma_semaphore, #tpu.memory_space<semaphore_mem>>
      %dma_start3A_357 = tpu.memref_slice %arg3[%add3A_12] : memref<20480xi32, #tpu.memory_space<hbm>> -> memref<640xi32, #tpu.memory_space<hbm>>
      %dma_start3A_358 = tpu.memref_slice %arg3[%add3A_12] : memref<20480xi32, #tpu.memory_space<hbm>> -> memref<640xi32, #tpu.memory_space<hbm>>
      tpu.enqueue_dma source(%dma_start3A_358 : memref<640xi32, #tpu.memory_space<hbm>>) target(%arg12 : memref<640xi32, #tpu.memory_space<vmem>>) target_semaphore(%run_scoped3A : memref<!tpu.dma_semaphore, #tpu.memory_space<semaphore_mem>>)
      %dma_wait3A_359 = tpu.memref_slice %arg3[%add3A_12] : memref<20480xi32, #tpu.memory_space<hbm>> -> memref<640xi32, #tpu.memory_space<hbm>>
      %dma_wait3A_360 = tpu.memref_slice %arg3[%add3A_12] : memref<20480xi32, #tpu.memory_space<hbm>> -> memref<640xi32, #tpu.memory_space<hbm>>
      tpu.wait_dma2 semaphore(%run_scoped3A : memref<!tpu.dma_semaphore, #tpu.memory_space<semaphore_mem>>) src(%dma_wait3A_360 : memref<640xi32, #tpu.memory_space<hbm>>) dst(%arg12 : memref<640xi32, #tpu.memory_space<vmem>>)
      tpu.yield
    }) : () -> ()
    %dma_start3A = arith.constant 0 : i32
    %dma_start3A_13 = tpu.memref_slice %arg11[%dma_start3A] : memref<640xi32, #tpu.memory_space<vmem>> -> memref<80xi32, #tpu.memory_space<vmem>>
    %dma_start3A_14 = arith.constant 0 : i32
    %dma_start3A_15 = arith.constant 0 : i32
    %dma_start3A_16 = tpu.memref_slice %arg6[%dma_start3A_14, %dma_start3A_15] : memref<2688x128xf32, #tpu.memory_space<hbm>> -> memref<2688x128xf32, #tpu.memory_space<hbm>>
    tpu.enqueue_indirect_dma source(%dma_start3A_16 : memref<2688x128xf32, #tpu.memory_space<hbm>>) target(%arg13 : memref<80x128xf32, #tpu.memory_space<vmem>>) offsets(%dma_start3A_13 : memref<80xi32, #tpu.memory_space<vmem>>) semaphore(%arg18 : memref<!tpu.dma_semaphore, #tpu.memory_space<semaphore_mem>>)
    %dma_start3A_17 = arith.constant 80 : i32
    %dma_start3A_18 = tpu.memref_slice %arg11[%dma_start3A_17] : memref<640xi32, #tpu.memory_space<vmem>> -> memref<80xi32, #tpu.memory_space<vmem>>
    %dma_start3A_19 = arith.constant 0 : i32
    %dma_start3A_20 = arith.constant 0 : i32
    %dma_start3A_21 = tpu.memref_slice %arg6[%dma_start3A_19, %dma_start3A_20] : memref<2688x128xf32, #tpu.memory_space<hbm>> -> memref<2688x128xf32, #tpu.memory_space<hbm>>
    tpu.enqueue_indirect_dma source(%dma_start3A_21 : memref<2688x128xf32, #tpu.memory_space<hbm>>) target(%arg14 : memref<80x128xf32, #tpu.memory_space<vmem>>) offsets(%dma_start3A_18 : memref<80xi32, #tpu.memory_space<vmem>>) semaphore(%arg19 : memref<!tpu.dma_semaphore, #tpu.memory_space<semaphore_mem>>)
    %dma_wait3A = arith.constant 0 : i32
    %dma_wait3A_22 = tpu.memref_slice %arg11[%dma_wait3A] : memref<640xi32, #tpu.memory_space<vmem>> -> memref<80xi32, #tpu.memory_space<vmem>>
    %dma_wait3A_23 = arith.constant 0 : i32
    %dma_wait3A_24 = arith.constant 0 : i32
    %dma_wait3A_25 = tpu.memref_slice %arg6[%dma_wait3A_23, %dma_wait3A_24] : memref<2688x128xf32, #tpu.memory_space<hbm>> -> memref<2688x128xf32, #tpu.memory_space<hbm>>
    tpu.wait_indirect_dma semaphore(%arg18 : memref<!tpu.dma_semaphore, #tpu.memory_space<semaphore_mem>>) src(%dma_wait3A_25 : memref<2688x128xf32, #tpu.memory_space<hbm>>) dst(%arg13 : memref<80x128xf32, #tpu.memory_space<vmem>>)
    %dma_start3A_26 = arith.constant 0 : i32
    %dma_start3A_27 = tpu.memref_slice %arg12[%dma_start3A_26] : memref<640xi32, #tpu.memory_space<vmem>> -> memref<80xi32, #tpu.memory_space<vmem>>
    %dma_start3A_28 = arith.constant 0 : i32
    %dma_start3A_29 = arith.constant 0 : i32
    %dma_start3A_30 = tpu.memref_slice %arg17[%dma_start3A_28, %dma_start3A_29] : memref<5120x128xf32, #tpu.memory_space<vmem_shared>> -> memref<5120x128xf32, #tpu.memory_space<vmem_shared>>
    tpu.enqueue_indirect_dma source(%arg13 : memref<80x128xf32, #tpu.memory_space<vmem>>) target(%dma_start3A_30 : memref<5120x128xf32, #tpu.memory_space<vmem_shared>>) offsets(%dma_start3A_27 : memref<80xi32, #tpu.memory_space<vmem>>) semaphore(%arg20 : memref<!tpu.dma_semaphore, #tpu.memory_space<semaphore_mem>>) {add = true}
    %dma_wait3A_31 = arith.constant 0 : i32
    %dma_wait3A_32 = tpu.memref_slice %arg12[%dma_wait3A_31] : memref<640xi32, #tpu.memory_space<vmem>> -> memref<80xi32, #tpu.memory_space<vmem>>
    %dma_wait3A_33 = arith.constant 0 : i32
    %dma_wait3A_34 = arith.constant 0 : i32
    %dma_wait3A_35 = tpu.memref_slice %arg17[%dma_wait3A_33, %dma_wait3A_34] : memref<5120x128xf32, #tpu.memory_space<vmem_shared>> -> memref<5120x128xf32, #tpu.memory_space<vmem_shared>>
    tpu.wait_indirect_dma semaphore(%arg20 : memref<!tpu.dma_semaphore, #tpu.memory_space<semaphore_mem>>) src(%arg13 : memref<80x128xf32, #tpu.memory_space<vmem>>) dst(%dma_wait3A_35 : memref<5120x128xf32, #tpu.memory_space<vmem_shared>>)
    %dma_start3A_36 = arith.constant 160 : i32
    %dma_start3A_37 = tpu.memref_slice %arg11[%dma_start3A_36] : memref<640xi32, #tpu.memory_space<vmem>> -> memref<80xi32, #tpu.memory_space<vmem>>
    %dma_start3A_38 = arith.constant 0 : i32
    %dma_start3A_39 = arith.constant 0 : i32
    %dma_start3A_40 = tpu.memref_slice %arg6[%dma_start3A_38, %dma_start3A_39] : memref<2688x128xf32, #tpu.memory_space<hbm>> -> memref<2688x128xf32, #tpu.memory_space<hbm>>
    tpu.enqueue_indirect_dma source(%dma_start3A_40 : memref<2688x128xf32, #tpu.memory_space<hbm>>) target(%arg13 : memref<80x128xf32, #tpu.memory_space<vmem>>) offsets(%dma_start3A_37 : memref<80xi32, #tpu.memory_space<vmem>>) semaphore(%arg18 : memref<!tpu.dma_semaphore, #tpu.memory_space<semaphore_mem>>)
    %dma_wait3A_41 = arith.constant 80 : i32
    %dma_wait3A_42 = tpu.memref_slice %arg11[%dma_wait3A_41] : memref<640xi32, #tpu.memory_space<vmem>> -> memref<80xi32, #tpu.memory_space<vmem>>
    %dma_wait3A_43 = arith.constant 0 : i32
    %dma_wait3A_44 = arith.constant 0 : i32
    %dma_wait3A_45 = tpu.memref_slice %arg6[%dma_wait3A_43, %dma_wait3A_44] : memref<2688x128xf32, #tpu.memory_space<hbm>> -> memref<2688x128xf32, #tpu.memory_space<hbm>>
    tpu.wait_indirect_dma semaphore(%arg19 : memref<!tpu.dma_semaphore, #tpu.memory_space<semaphore_mem>>) src(%dma_wait3A_45 : memref<2688x128xf32, #tpu.memory_space<hbm>>) dst(%arg14 : memref<80x128xf32, #tpu.memory_space<vmem>>)
    %dma_start3A_46 = arith.constant 80 : i32
    %dma_start3A_47 = tpu.memref_slice %arg12[%dma_start3A_46] : memref<640xi32, #tpu.memory_space<vmem>> -> memref<80xi32, #tpu.memory_space<vmem>>
    %dma_start3A_48 = arith.constant 0 : i32
    %dma_start3A_49 = arith.constant 0 : i32
    %dma_start3A_50 = tpu.memref_slice %arg17[%dma_start3A_48, %dma_start3A_49] : memref<5120x128xf32, #tpu.memory_space<vmem_shared>> -> memref<5120x128xf32, #tpu.memory_space<vmem_shared>>
    tpu.enqueue_indirect_dma source(%arg14 : memref<80x128xf32, #tpu.memory_space<vmem>>) target(%dma_start3A_50 : memref<5120x128xf32, #tpu.memory_space<vmem_shared>>) offsets(%dma_start3A_47 : memref<80xi32, #tpu.memory_space<vmem>>) semaphore(%arg21 : memref<!tpu.dma_semaphore, #tpu.memory_space<semaphore_mem>>) {add = true}
    %dma_wait3A_51 = arith.constant 80 : i32
    %dma_wait3A_52 = tpu.memref_slice %arg12[%dma_wait3A_51] : memref<640xi32, #tpu.memory_space<vmem>> -> memref<80xi32, #tpu.memory_space<vmem>>
    %dma_wait3A_53 = arith.constant 0 : i32
    %dma_wait3A_54 = arith.constant 0 : i32
    %dma_wait3A_55 = tpu.memref_slice %arg17[%dma_wait3A_53, %dma_wait3A_54] : memref<5120x128xf32, #tpu.memory_space<vmem_shared>> -> memref<5120x128xf32, #tpu.memory_space<vmem_shared>>
    tpu.wait_indirect_dma semaphore(%arg21 : memref<!tpu.dma_semaphore, #tpu.memory_space<semaphore_mem>>) src(%arg14 : memref<80x128xf32, #tpu.memory_space<vmem>>) dst(%dma_wait3A_55 : memref<5120x128xf32, #tpu.memory_space<vmem_shared>>)
    %dma_start3A_56 = arith.constant 240 : i32
    %dma_start3A_57 = tpu.memref_slice %arg11[%dma_start3A_56] : memref<640xi32, #tpu.memory_space<vmem>> -> memref<80xi32, #tpu.memory_space<vmem>>
    %dma_start3A_58 = arith.constant 0 : i32
    %dma_start3A_59 = arith.constant 0 : i32
    %dma_start3A_60 = tpu.memref_slice %arg6[%dma_start3A_58, %dma_start3A_59] : memref<2688x128xf32, #tpu.memory_space<hbm>> -> memref<2688x128xf32, #tpu.memory_space<hbm>>
    tpu.enqueue_indirect_dma source(%dma_start3A_60 : memref<2688x128xf32, #tpu.memory_space<hbm>>) target(%arg14 : memref<80x128xf32, #tpu.memory_space<vmem>>) offsets(%dma_start3A_57 : memref<80xi32, #tpu.memory_space<vmem>>) semaphore(%arg19 : memref<!tpu.dma_semaphore, #tpu.memory_space<semaphore_mem>>)
    %dma_wait3A_61 = arith.constant 160 : i32
    %dma_wait3A_62 = tpu.memref_slice %arg11[%dma_wait3A_61] : memref<640xi32, #tpu.memory_space<vmem>> -> memref<80xi32, #tpu.memory_space<vmem>>
    %dma_wait3A_63 = arith.constant 0 : i32
    %dma_wait3A_64 = arith.constant 0 : i32
    %dma_wait3A_65 = tpu.memref_slice %arg6[%dma_wait3A_63, %dma_wait3A_64] : memref<2688x128xf32, #tpu.memory_space<hbm>> -> memref<2688x128xf32, #tpu.memory_space<hbm>>
    tpu.wait_indirect_dma semaphore(%arg18 : memref<!tpu.dma_semaphore, #tpu.memory_space<semaphore_mem>>) src(%dma_wait3A_65 : memref<2688x128xf32, #tpu.memory_space<hbm>>) dst(%arg13 : memref<80x128xf32, #tpu.memory_space<vmem>>)
    %dma_start3A_66 = arith.constant 160 : i32
    %dma_start3A_67 = tpu.memref_slice %arg12[%dma_start3A_66] : memref<640xi32, #tpu.memory_space<vmem>> -> memref<80xi32, #tpu.memory_space<vmem>>
    %dma_start3A_68 = arith.constant 0 : i32
    %dma_start3A_69 = arith.constant 0 : i32
    %dma_start3A_70 = tpu.memref_slice %arg17[%dma_start3A_68, %dma_start3A_69] : memref<5120x128xf32, #tpu.memory_space<vmem_shared>> -> memref<5120x128xf32, #tpu.memory_space<vmem_shared>>
    tpu.enqueue_indirect_dma source(%arg13 : memref<80x128xf32, #tpu.memory_space<vmem>>) target(%dma_start3A_70 : memref<5120x128xf32, #tpu.memory_space<vmem_shared>>) offsets(%dma_start3A_67 : memref<80xi32, #tpu.memory_space<vmem>>) semaphore(%arg20 : memref<!tpu.dma_semaphore, #tpu.memory_space<semaphore_mem>>) {add = true}
    %dma_wait3A_71 = arith.constant 160 : i32
    %dma_wait3A_72 = tpu.memref_slice %arg12[%dma_wait3A_71] : memref<640xi32, #tpu.memory_space<vmem>> -> memref<80xi32, #tpu.memory_space<vmem>>
    %dma_wait3A_73 = arith.constant 0 : i32
    %dma_wait3A_74 = arith.constant 0 : i32
    %dma_wait3A_75 = tpu.memref_slice %arg17[%dma_wait3A_73, %dma_wait3A_74] : memref<5120x128xf32, #tpu.memory_space<vmem_shared>> -> memref<5120x128xf32, #tpu.memory_space<vmem_shared>>
    tpu.wait_indirect_dma semaphore(%arg20 : memref<!tpu.dma_semaphore, #tpu.memory_space<semaphore_mem>>) src(%arg13 : memref<80x128xf32, #tpu.memory_space<vmem>>) dst(%dma_wait3A_75 : memref<5120x128xf32, #tpu.memory_space<vmem_shared>>)
    %dma_start3A_76 = arith.constant 320 : i32
    %dma_start3A_77 = tpu.memref_slice %arg11[%dma_start3A_76] : memref<640xi32, #tpu.memory_space<vmem>> -> memref<80xi32, #tpu.memory_space<vmem>>
    %dma_start3A_78 = arith.constant 0 : i32
    %dma_start3A_79 = arith.constant 0 : i32
    %dma_start3A_80 = tpu.memref_slice %arg6[%dma_start3A_78, %dma_start3A_79] : memref<2688x128xf32, #tpu.memory_space<hbm>> -> memref<2688x128xf32, #tpu.memory_space<hbm>>
    tpu.enqueue_indirect_dma source(%dma_start3A_80 : memref<2688x128xf32, #tpu.memory_space<hbm>>) target(%arg13 : memref<80x128xf32, #tpu.memory_space<vmem>>) offsets(%dma_start3A_77 : memref<80xi32, #tpu.memory_space<vmem>>) semaphore(%arg18 : memref<!tpu.dma_semaphore, #tpu.memory_space<semaphore_mem>>)
    %dma_wait3A_81 = arith.constant 240 : i32
    %dma_wait3A_82 = tpu.memref_slice %arg11[%dma_wait3A_81] : memref<640xi32, #tpu.memory_space<vmem>> -> memref<80xi32, #tpu.memory_space<vmem>>
    %dma_wait3A_83 = arith.constant 0 : i32
    %dma_wait3A_84 = arith.constant 0 : i32
    %dma_wait3A_85 = tpu.memref_slice %arg6[%dma_wait3A_83, %dma_wait3A_84] : memref<2688x128xf32, #tpu.memory_space<hbm>> -> memref<2688x128xf32, #tpu.memory_space<hbm>>
    tpu.wait_indirect_dma semaphore(%arg19 : memref<!tpu.dma_semaphore, #tpu.memory_space<semaphore_mem>>) src(%dma_wait3A_85 : memref<2688x128xf32, #tpu.memory_space<hbm>>) dst(%arg14 : memref<80x128xf32, #tpu.memory_space<vmem>>)
    %dma_start3A_86 = arith.constant 240 : i32
    %dma_start3A_87 = tpu.memref_slice %arg12[%dma_start3A_86] : memref<640xi32, #tpu.memory_space<vmem>> -> memref<80xi32, #tpu.memory_space<vmem>>
    %dma_start3A_88 = arith.constant 0 : i32
    %dma_start3A_89 = arith.constant 0 : i32
    %dma_start3A_90 = tpu.memref_slice %arg17[%dma_start3A_88, %dma_start3A_89] : memref<5120x128xf32, #tpu.memory_space<vmem_shared>> -> memref<5120x128xf32, #tpu.memory_space<vmem_shared>>
    tpu.enqueue_indirect_dma source(%arg14 : memref<80x128xf32, #tpu.memory_space<vmem>>) target(%dma_start3A_90 : memref<5120x128xf32, #tpu.memory_space<vmem_shared>>) offsets(%dma_start3A_87 : memref<80xi32, #tpu.memory_space<vmem>>) semaphore(%arg21 : memref<!tpu.dma_semaphore, #tpu.memory_space<semaphore_mem>>) {add = true}
    %dma_wait3A_91 = arith.constant 240 : i32
    %dma_wait3A_92 = tpu.memref_slice %arg12[%dma_wait3A_91] : memref<640xi32, #tpu.memory_space<vmem>> -> memref<80xi32, #tpu.memory_space<vmem>>
    %dma_wait3A_93 = arith.constant 0 : i32
    %dma_wait3A_94 = arith.constant 0 : i32
    %dma_wait3A_95 = tpu.memref_slice %arg17[%dma_wait3A_93, %dma_wait3A_94] : memref<5120x128xf32, #tpu.memory_space<vmem_shared>> -> memref<5120x128xf32, #tpu.memory_space<vmem_shared>>
    tpu.wait_indirect_dma semaphore(%arg21 : memref<!tpu.dma_semaphore, #tpu.memory_space<semaphore_mem>>) src(%arg14 : memref<80x128xf32, #tpu.memory_space<vmem>>) dst(%dma_wait3A_95 : memref<5120x128xf32, #tpu.memory_space<vmem_shared>>)
    %dma_start3A_96 = arith.constant 400 : i32
    %dma_start3A_97 = tpu.memref_slice %arg11[%dma_start3A_96] : memref<640xi32, #tpu.memory_space<vmem>> -> memref<80xi32, #tpu.memory_space<vmem>>
    %dma_start3A_98 = arith.constant 0 : i32
    %dma_start3A_99 = arith.constant 0 : i32
    %dma_start3A_100 = tpu.memref_slice %arg6[%dma_start3A_98, %dma_start3A_99] : memref<2688x128xf32, #tpu.memory_space<hbm>> -> memref<2688x128xf32, #tpu.memory_space<hbm>>
    tpu.enqueue_indirect_dma source(%dma_start3A_100 : memref<2688x128xf32, #tpu.memory_space<hbm>>) target(%arg14 : memref<80x128xf32, #tpu.memory_space<vmem>>) offsets(%dma_start3A_97 : memref<80xi32, #tpu.memory_space<vmem>>) semaphore(%arg19 : memref<!tpu.dma_semaphore, #tpu.memory_space<semaphore_mem>>)
    %dma_wait3A_101 = arith.constant 320 : i32
    %dma_wait3A_102 = tpu.memref_slice %arg11[%dma_wait3A_101] : memref<640xi32, #tpu.memory_space<vmem>> -> memref<80xi32, #tpu.memory_space<vmem>>
    %dma_wait3A_103 = arith.constant 0 : i32
    %dma_wait3A_104 = arith.constant 0 : i32
    %dma_wait3A_105 = tpu.memref_slice %arg6[%dma_wait3A_103, %dma_wait3A_104] : memref<2688x128xf32, #tpu.memory_space<hbm>> -> memref<2688x128xf32, #tpu.memory_space<hbm>>
    tpu.wait_indirect_dma semaphore(%arg18 : memref<!tpu.dma_semaphore, #tpu.memory_space<semaphore_mem>>) src(%dma_wait3A_105 : memref<2688x128xf32, #tpu.memory_space<hbm>>) dst(%arg13 : memref<80x128xf32, #tpu.memory_space<vmem>>)
    %dma_start3A_106 = arith.constant 320 : i32
    %dma_start3A_107 = tpu.memref_slice %arg12[%dma_start3A_106] : memref<640xi32, #tpu.memory_space<vmem>> -> memref<80xi32, #tpu.memory_space<vmem>>
    %dma_start3A_108 = arith.constant 0 : i32
    %dma_start3A_109 = arith.constant 0 : i32
    %dma_start3A_110 = tpu.memref_slice %arg17[%dma_start3A_108, %dma_start3A_109] : memref<5120x128xf32, #tpu.memory_space<vmem_shared>> -> memref<5120x128xf32, #tpu.memory_space<vmem_shared>>
    tpu.enqueue_indirect_dma source(%arg13 : memref<80x128xf32, #tpu.memory_space<vmem>>) target(%dma_start3A_110 : memref<5120x128xf32, #tpu.memory_space<vmem_shared>>) offsets(%dma_start3A_107 : memref<80xi32, #tpu.memory_space<vmem>>) semaphore(%arg20 : memref<!tpu.dma_semaphore, #tpu.memory_space<semaphore_mem>>) {add = true}
    %dma_wait3A_111 = arith.constant 320 : i32
    %dma_wait3A_112 = tpu.memref_slice %arg12[%dma_wait3A_111] : memref<640xi32, #tpu.memory_space<vmem>> -> memref<80xi32, #tpu.memory_space<vmem>>
    %dma_wait3A_113 = arith.constant 0 : i32
    %dma_wait3A_114 = arith.constant 0 : i32
    %dma_wait3A_115 = tpu.memref_slice %arg17[%dma_wait3A_113, %dma_wait3A_114] : memref<5120x128xf32, #tpu.memory_space<vmem_shared>> -> memref<5120x128xf32, #tpu.memory_space<vmem_shared>>
    tpu.wait_indirect_dma semaphore(%arg20 : memref<!tpu.dma_semaphore, #tpu.memory_space<semaphore_mem>>) src(%arg13 : memref<80x128xf32, #tpu.memory_space<vmem>>) dst(%dma_wait3A_115 : memref<5120x128xf32, #tpu.memory_space<vmem_shared>>)
    %dma_start3A_116 = arith.constant 480 : i32
    %dma_start3A_117 = tpu.memref_slice %arg11[%dma_start3A_116] : memref<640xi32, #tpu.memory_space<vmem>> -> memref<80xi32, #tpu.memory_space<vmem>>
    %dma_start3A_118 = arith.constant 0 : i32
    %dma_start3A_119 = arith.constant 0 : i32
    %dma_start3A_120 = tpu.memref_slice %arg6[%dma_start3A_118, %dma_start3A_119] : memref<2688x128xf32, #tpu.memory_space<hbm>> -> memref<2688x128xf32, #tpu.memory_space<hbm>>
    tpu.enqueue_indirect_dma source(%dma_start3A_120 : memref<2688x128xf32, #tpu.memory_space<hbm>>) target(%arg13 : memref<80x128xf32, #tpu.memory_space<vmem>>) offsets(%dma_start3A_117 : memref<80xi32, #tpu.memory_space<vmem>>) semaphore(%arg18 : memref<!tpu.dma_semaphore, #tpu.memory_space<semaphore_mem>>)
    %dma_wait3A_121 = arith.constant 400 : i32
    %dma_wait3A_122 = tpu.memref_slice %arg11[%dma_wait3A_121] : memref<640xi32, #tpu.memory_space<vmem>> -> memref<80xi32, #tpu.memory_space<vmem>>
    %dma_wait3A_123 = arith.constant 0 : i32
    %dma_wait3A_124 = arith.constant 0 : i32
    %dma_wait3A_125 = tpu.memref_slice %arg6[%dma_wait3A_123, %dma_wait3A_124] : memref<2688x128xf32, #tpu.memory_space<hbm>> -> memref<2688x128xf32, #tpu.memory_space<hbm>>
    tpu.wait_indirect_dma semaphore(%arg19 : memref<!tpu.dma_semaphore, #tpu.memory_space<semaphore_mem>>) src(%dma_wait3A_125 : memref<2688x128xf32, #tpu.memory_space<hbm>>) dst(%arg14 : memref<80x128xf32, #tpu.memory_space<vmem>>)
    %dma_start3A_126 = arith.constant 400 : i32
    %dma_start3A_127 = tpu.memref_slice %arg12[%dma_start3A_126] : memref<640xi32, #tpu.memory_space<vmem>> -> memref<80xi32, #tpu.memory_space<vmem>>
    %dma_start3A_128 = arith.constant 0 : i32
    %dma_start3A_129 = arith.constant 0 : i32
    %dma_start3A_130 = tpu.memref_slice %arg17[%dma_start3A_128, %dma_start3A_129] : memref<5120x128xf32, #tpu.memory_space<vmem_shared>> -> memref<5120x128xf32, #tpu.memory_space<vmem_shared>>
    tpu.enqueue_indirect_dma source(%arg14 : memref<80x128xf32, #tpu.memory_space<vmem>>) target(%dma_start3A_130 : memref<5120x128xf32, #tpu.memory_space<vmem_shared>>) offsets(%dma_start3A_127 : memref<80xi32, #tpu.memory_space<vmem>>) semaphore(%arg21 : memref<!tpu.dma_semaphore, #tpu.memory_space<semaphore_mem>>) {add = true}
    %dma_wait3A_131 = arith.constant 400 : i32
    %dma_wait3A_132 = tpu.memref_slice %arg12[%dma_wait3A_131] : memref<640xi32, #tpu.memory_space<vmem>> -> memref<80xi32, #tpu.memory_space<vmem>>
    %dma_wait3A_133 = arith.constant 0 : i32
    %dma_wait3A_134 = arith.constant 0 : i32
    %dma_wait3A_135 = tpu.memref_slice %arg17[%dma_wait3A_133, %dma_wait3A_134] : memref<5120x128xf32, #tpu.memory_space<vmem_shared>> -> memref<5120x128xf32, #tpu.memory_space<vmem_shared>>
    tpu.wait_indirect_dma semaphore(%arg21 : memref<!tpu.dma_semaphore, #tpu.memory_space<semaphore_mem>>) src(%arg14 : memref<80x128xf32, #tpu.memory_space<vmem>>) dst(%dma_wait3A_135 : memref<5120x128xf32, #tpu.memory_space<vmem_shared>>)
    %dma_start3A_136 = arith.constant 560 : i32
    %dma_start3A_137 = tpu.memref_slice %arg11[%dma_start3A_136] : memref<640xi32, #tpu.memory_space<vmem>> -> memref<80xi32, #tpu.memory_space<vmem>>
    %dma_start3A_138 = arith.constant 0 : i32
    %dma_start3A_139 = arith.constant 0 : i32
    %dma_start3A_140 = tpu.memref_slice %arg6[%dma_start3A_138, %dma_start3A_139] : memref<2688x128xf32, #tpu.memory_space<hbm>> -> memref<2688x128xf32, #tpu.memory_space<hbm>>
    tpu.enqueue_indirect_dma source(%dma_start3A_140 : memref<2688x128xf32, #tpu.memory_space<hbm>>) target(%arg14 : memref<80x128xf32, #tpu.memory_space<vmem>>) offsets(%dma_start3A_137 : memref<80xi32, #tpu.memory_space<vmem>>) semaphore(%arg19 : memref<!tpu.dma_semaphore, #tpu.memory_space<semaphore_mem>>)
    %dma_wait3A_141 = arith.constant 480 : i32
    %dma_wait3A_142 = tpu.memref_slice %arg11[%dma_wait3A_141] : memref<640xi32, #tpu.memory_space<vmem>> -> memref<80xi32, #tpu.memory_space<vmem>>
    %dma_wait3A_143 = arith.constant 0 : i32
    %dma_wait3A_144 = arith.constant 0 : i32
    %dma_wait3A_145 = tpu.memref_slice %arg6[%dma_wait3A_143, %dma_wait3A_144] : memref<2688x128xf32, #tpu.memory_space<hbm>> -> memref<2688x128xf32, #tpu.memory_space<hbm>>
    tpu.wait_indirect_dma semaphore(%arg18 : memref<!tpu.dma_semaphore, #tpu.memory_space<semaphore_mem>>) src(%dma_wait3A_145 : memref<2688x128xf32, #tpu.memory_space<hbm>>) dst(%arg13 : memref<80x128xf32, #tpu.memory_space<vmem>>)
    %dma_start3A_146 = arith.constant 480 : i32
    %dma_start3A_147 = tpu.memref_slice %arg12[%dma_start3A_146] : memref<640xi32, #tpu.memory_space<vmem>> -> memref<80xi32, #tpu.memory_space<vmem>>
    %dma_start3A_148 = arith.constant 0 : i32
    %dma_start3A_149 = arith.constant 0 : i32
    %dma_start3A_150 = tpu.memref_slice %arg17[%dma_start3A_148, %dma_start3A_149] : memref<5120x128xf32, #tpu.memory_space<vmem_shared>> -> memref<5120x128xf32, #tpu.memory_space<vmem_shared>>
    tpu.enqueue_indirect_dma source(%arg13 : memref<80x128xf32, #tpu.memory_space<vmem>>) target(%dma_start3A_150 : memref<5120x128xf32, #tpu.memory_space<vmem_shared>>) offsets(%dma_start3A_147 : memref<80xi32, #tpu.memory_space<vmem>>) semaphore(%arg20 : memref<!tpu.dma_semaphore, #tpu.memory_space<semaphore_mem>>) {add = true}
    %dma_wait3A_151 = arith.constant 560 : i32
    %dma_wait3A_152 = tpu.memref_slice %arg11[%dma_wait3A_151] : memref<640xi32, #tpu.memory_space<vmem>> -> memref<80xi32, #tpu.memory_space<vmem>>
    %dma_wait3A_153 = arith.constant 0 : i32
    %dma_wait3A_154 = arith.constant 0 : i32
    %dma_wait3A_155 = tpu.memref_slice %arg6[%dma_wait3A_153, %dma_wait3A_154] : memref<2688x128xf32, #tpu.memory_space<hbm>> -> memref<2688x128xf32, #tpu.memory_space<hbm>>
    tpu.wait_indirect_dma semaphore(%arg19 : memref<!tpu.dma_semaphore, #tpu.memory_space<semaphore_mem>>) src(%dma_wait3A_155 : memref<2688x128xf32, #tpu.memory_space<hbm>>) dst(%arg14 : memref<80x128xf32, #tpu.memory_space<vmem>>)
    %dma_start3A_156 = arith.constant 560 : i32
    %dma_start3A_157 = tpu.memref_slice %arg12[%dma_start3A_156] : memref<640xi32, #tpu.memory_space<vmem>> -> memref<80xi32, #tpu.memory_space<vmem>>
    %dma_start3A_158 = arith.constant 0 : i32
    %dma_start3A_159 = arith.constant 0 : i32
    %dma_start3A_160 = tpu.memref_slice %arg17[%dma_start3A_158, %dma_start3A_159] : memref<5120x128xf32, #tpu.memory_space<vmem_shared>> -> memref<5120x128xf32, #tpu.memory_space<vmem_shared>>
    tpu.enqueue_indirect_dma source(%arg14 : memref<80x128xf32, #tpu.memory_space<vmem>>) target(%dma_start3A_160 : memref<5120x128xf32, #tpu.memory_space<vmem_shared>>) offsets(%dma_start3A_157 : memref<80xi32, #tpu.memory_space<vmem>>) semaphore(%arg21 : memref<!tpu.dma_semaphore, #tpu.memory_space<semaphore_mem>>) {add = true}
    %dma_wait3A_161 = arith.constant 560 : i32
    %dma_wait3A_162 = tpu.memref_slice %arg12[%dma_wait3A_161] : memref<640xi32, #tpu.memory_space<vmem>> -> memref<80xi32, #tpu.memory_space<vmem>>
    %dma_wait3A_163 = arith.constant 0 : i32
    %dma_wait3A_164 = arith.constant 0 : i32
    %dma_wait3A_165 = tpu.memref_slice %arg17[%dma_wait3A_163, %dma_wait3A_164] : memref<5120x128xf32, #tpu.memory_space<vmem_shared>> -> memref<5120x128xf32, #tpu.memory_space<vmem_shared>>
    tpu.wait_indirect_dma semaphore(%arg21 : memref<!tpu.dma_semaphore, #tpu.memory_space<semaphore_mem>>) src(%arg14 : memref<80x128xf32, #tpu.memory_space<vmem>>) dst(%dma_wait3A_165 : memref<5120x128xf32, #tpu.memory_space<vmem_shared>>)
    %dma_wait3A_166 = arith.constant 480 : i32
    %dma_wait3A_167 = tpu.memref_slice %arg12[%dma_wait3A_166] : memref<640xi32, #tpu.memory_space<vmem>> -> memref<80xi32, #tpu.memory_space<vmem>>
    %dma_wait3A_168 = arith.constant 0 : i32
    %dma_wait3A_169 = arith.constant 0 : i32
    %dma_wait3A_170 = tpu.memref_slice %arg17[%dma_wait3A_168, %dma_wait3A_169] : memref<5120x128xf32, #tpu.memory_space<vmem_shared>> -> memref<5120x128xf32, #tpu.memory_space<vmem_shared>>
    tpu.wait_indirect_dma semaphore(%arg20 : memref<!tpu.dma_semaphore, #tpu.memory_space<semaphore_mem>>) src(%arg13 : memref<80x128xf32, #tpu.memory_space<vmem>>) dst(%dma_wait3A_170 : memref<5120x128xf32, #tpu.memory_space<vmem_shared>>)
    %barrier3A_171 = arith.constant 0 : index
    tpu.barrier barrier_id(%barrier3A_171)
    %mul3A_172 = arith.constant 320 : i32
    %mul3A_173 = arith.muli %arg0, %mul3A_172 : i32
    %mul3A_174 = arith.constant 16 : i32
    %mul3A_175 = arith.muli %mul3A_173, %mul3A_174 : i32
    %add3A_176 = arith.addi %mul3A_175, %mul3A_0 : i32
    "tpu.region"() ({
      %run_scoped3A = tpu.sem_alloc : memref<!tpu.dma_semaphore, #tpu.memory_space<semaphore_mem>>
      %dma_start3A_357 = arith.constant 0 : i32
      %dma_start3A_358 = tpu.memref_slice %arg9[%add3A_176, %dma_start3A_357] : memref<10240x128xf32, #tpu.memory_space<hbm>> -> memref<320x128xf32, #tpu.memory_space<hbm>>
      %dma_start3A_359 = arith.constant 0 : i32
      %dma_start3A_360 = tpu.memref_slice %arg17[%mul3A_0, %dma_start3A_359] : memref<5120x128xf32, #tpu.memory_space<vmem_shared>> -> memref<320x128xf32, #tpu.memory_space<vmem_shared>>
      tpu.enqueue_dma source(%dma_start3A_360 : memref<320x128xf32, #tpu.memory_space<vmem_shared>>) target(%dma_start3A_358 : memref<320x128xf32, #tpu.memory_space<hbm>>) target_semaphore(%run_scoped3A : memref<!tpu.dma_semaphore, #tpu.memory_space<semaphore_mem>>)
      %dma_wait3A_361 = arith.constant 0 : i32
      %dma_wait3A_362 = tpu.memref_slice %arg9[%add3A_176, %dma_wait3A_361] : memref<10240x128xf32, #tpu.memory_space<hbm>> -> memref<320x128xf32, #tpu.memory_space<hbm>>
      %dma_wait3A_363 = arith.constant 0 : i32
      %dma_wait3A_364 = tpu.memref_slice %arg17[%mul3A_0, %dma_wait3A_363] : memref<5120x128xf32, #tpu.memory_space<vmem_shared>> -> memref<320x128xf32, #tpu.memory_space<vmem_shared>>
      tpu.wait_dma2 semaphore(%run_scoped3A : memref<!tpu.dma_semaphore, #tpu.memory_space<semaphore_mem>>) src(%dma_wait3A_364 : memref<320x128xf32, #tpu.memory_space<vmem_shared>>) dst(%dma_wait3A_362 : memref<320x128xf32, #tpu.memory_space<hbm>>)
      tpu.yield
    }) : () -> ()
    %barrier3A_177 = arith.constant 0 : index
    tpu.barrier barrier_id(%barrier3A_177)
    %mul3A_178 = arith.constant 160 : i32
    %mul3A_179 = arith.muli %arg1, %mul3A_178 : i32
    %add3A_180 = arith.constant 0 : i32
    %add3A_181 = arith.addi %mul3A_179, %add3A_180 : i32
    "tpu.region"() ({
      %run_scoped3A = tpu.sem_alloc : memref<!tpu.dma_semaphore, #tpu.memory_space<semaphore_mem>>
      %dma_start3A_357 = arith.constant 0 : i32
      %dma_start3A_358 = tpu.memref_slice %arg17[%add3A_181, %dma_start3A_357] : memref<5120x128xf32, #tpu.memory_space<vmem_shared>> -> memref<80x128xf32, #tpu.memory_space<vmem_shared>>
      %dma_start3A_359 = arith.constant 0 : i32
      %dma_start3A_360 = tpu.memref_slice %arg17[%add3A_181, %dma_start3A_359] : memref<5120x128xf32, #tpu.memory_space<vmem_shared>> -> memref<80x128xf32, #tpu.memory_space<vmem_shared>>
      tpu.enqueue_dma source(%arg15 : memref<80x128xf32, #tpu.memory_space<vmem>>) target(%dma_start3A_360 : memref<80x128xf32, #tpu.memory_space<vmem_shared>>) target_semaphore(%run_scoped3A : memref<!tpu.dma_semaphore, #tpu.memory_space<semaphore_mem>>)
      %dma_wait3A_361 = arith.constant 0 : i32
      %dma_wait3A_362 = tpu.memref_slice %arg17[%add3A_181, %dma_wait3A_361] : memref<5120x128xf32, #tpu.memory_space<vmem_shared>> -> memref<80x128xf32, #tpu.memory_space<vmem_shared>>
      %dma_wait3A_363 = arith.constant 0 : i32
      %dma_wait3A_364 = tpu.memref_slice %arg17[%add3A_181, %dma_wait3A_363] : memref<5120x128xf32, #tpu.memory_space<vmem_shared>> -> memref<80x128xf32, #tpu.memory_space<vmem_shared>>
      tpu.wait_dma2 semaphore(%run_scoped3A : memref<!tpu.dma_semaphore, #tpu.memory_space<semaphore_mem>>) src(%arg15 : memref<80x128xf32, #tpu.memory_space<vmem>>) dst(%dma_wait3A_364 : memref<80x128xf32, #tpu.memory_space<vmem_shared>>)
      tpu.yield
    }) : () -> ()
    %add3A_182 = arith.constant 80 : i32
    %add3A_183 = arith.addi %mul3A_179, %add3A_182 : i32
    "tpu.region"() ({
      %run_scoped3A = tpu.sem_alloc : memref<!tpu.dma_semaphore, #tpu.memory_space<semaphore_mem>>
      %dma_start3A_357 = arith.constant 0 : i32
      %dma_start3A_358 = tpu.memref_slice %arg17[%add3A_183, %dma_start3A_357] : memref<5120x128xf32, #tpu.memory_space<vmem_shared>> -> memref<80x128xf32, #tpu.memory_space<vmem_shared>>
      %dma_start3A_359 = arith.constant 0 : i32
      %dma_start3A_360 = tpu.memref_slice %arg17[%add3A_183, %dma_start3A_359] : memref<5120x128xf32, #tpu.memory_space<vmem_shared>> -> memref<80x128xf32, #tpu.memory_space<vmem_shared>>
      tpu.enqueue_dma source(%arg15 : memref<80x128xf32, #tpu.memory_space<vmem>>) target(%dma_start3A_360 : memref<80x128xf32, #tpu.memory_space<vmem_shared>>) target_semaphore(%run_scoped3A : memref<!tpu.dma_semaphore, #tpu.memory_space<semaphore_mem>>)
      %dma_wait3A_361 = arith.constant 0 : i32
      %dma_wait3A_362 = tpu.memref_slice %arg17[%add3A_183, %dma_wait3A_361] : memref<5120x128xf32, #tpu.memory_space<vmem_shared>> -> memref<80x128xf32, #tpu.memory_space<vmem_shared>>
      %dma_wait3A_363 = arith.constant 0 : i32
      %dma_wait3A_364 = tpu.memref_slice %arg17[%add3A_183, %dma_wait3A_363] : memref<5120x128xf32, #tpu.memory_space<vmem_shared>> -> memref<80x128xf32, #tpu.memory_space<vmem_shared>>
      tpu.wait_dma2 semaphore(%run_scoped3A : memref<!tpu.dma_semaphore, #tpu.memory_space<semaphore_mem>>) src(%arg15 : memref<80x128xf32, #tpu.memory_space<vmem>>) dst(%dma_wait3A_364 : memref<80x128xf32, #tpu.memory_space<vmem_shared>>)
      tpu.yield
    }) : () -> ()
    %barrier3A_184 = arith.constant 0 : index
    tpu.barrier barrier_id(%barrier3A_184)
    %mul3A_185 = arith.constant 10240 : i32
    %mul3A_186 = arith.muli %arg0, %mul3A_185 : i32
    %mul3A_187 = arith.constant 640 : i32
    %mul3A_188 = arith.muli %arg1, %mul3A_187 : i32
    %add3A_189 = arith.addi %mul3A_186, %mul3A_188 : i32
    "tpu.region"() ({
      %run_scoped3A = tpu.sem_alloc : memref<!tpu.dma_semaphore, #tpu.memory_space<semaphore_mem>>
      %dma_start3A_357 = tpu.memref_slice %arg4[%add3A_189] : memref<20480xi32, #tpu.memory_space<hbm>> -> memref<640xi32, #tpu.memory_space<hbm>>
      %dma_start3A_358 = tpu.memref_slice %arg4[%add3A_189] : memref<20480xi32, #tpu.memory_space<hbm>> -> memref<640xi32, #tpu.memory_space<hbm>>
      tpu.enqueue_dma source(%dma_start3A_358 : memref<640xi32, #tpu.memory_space<hbm>>) target(%arg11 : memref<640xi32, #tpu.memory_space<vmem>>) target_semaphore(%run_scoped3A : memref<!tpu.dma_semaphore, #tpu.memory_space<semaphore_mem>>)
      %dma_wait3A_359 = tpu.memref_slice %arg4[%add3A_189] : memref<20480xi32, #tpu.memory_space<hbm>> -> memref<640xi32, #tpu.memory_space<hbm>>
      %dma_wait3A_360 = tpu.memref_slice %arg4[%add3A_189] : memref<20480xi32, #tpu.memory_space<hbm>> -> memref<640xi32, #tpu.memory_space<hbm>>
      tpu.wait_dma2 semaphore(%run_scoped3A : memref<!tpu.dma_semaphore, #tpu.memory_space<semaphore_mem>>) src(%dma_wait3A_360 : memref<640xi32, #tpu.memory_space<hbm>>) dst(%arg11 : memref<640xi32, #tpu.memory_space<vmem>>)
      tpu.yield
    }) : () -> ()
    "tpu.region"() ({
      %run_scoped3A = tpu.sem_alloc : memref<!tpu.dma_semaphore, #tpu.memory_space<semaphore_mem>>
      %dma_start3A_357 = tpu.memref_slice %arg5[%add3A_189] : memref<20480xi32, #tpu.memory_space<hbm>> -> memref<640xi32, #tpu.memory_space<hbm>>
      %dma_start3A_358 = tpu.memref_slice %arg5[%add3A_189] : memref<20480xi32, #tpu.memory_space<hbm>> -> memref<640xi32, #tpu.memory_space<hbm>>
      tpu.enqueue_dma source(%dma_start3A_358 : memref<640xi32, #tpu.memory_space<hbm>>) target(%arg12 : memref<640xi32, #tpu.memory_space<vmem>>) target_semaphore(%run_scoped3A : memref<!tpu.dma_semaphore, #tpu.memory_space<semaphore_mem>>)
      %dma_wait3A_359 = tpu.memref_slice %arg5[%add3A_189] : memref<20480xi32, #tpu.memory_space<hbm>> -> memref<640xi32, #tpu.memory_space<hbm>>
      %dma_wait3A_360 = tpu.memref_slice %arg5[%add3A_189] : memref<20480xi32, #tpu.memory_space<hbm>> -> memref<640xi32, #tpu.memory_space<hbm>>
      tpu.wait_dma2 semaphore(%run_scoped3A : memref<!tpu.dma_semaphore, #tpu.memory_space<semaphore_mem>>) src(%dma_wait3A_360 : memref<640xi32, #tpu.memory_space<hbm>>) dst(%arg12 : memref<640xi32, #tpu.memory_space<vmem>>)
      tpu.yield
    }) : () -> ()
    %dma_start3A_190 = arith.constant 0 : i32
    %dma_start3A_191 = tpu.memref_slice %arg11[%dma_start3A_190] : memref<640xi32, #tpu.memory_space<vmem>> -> memref<80xi32, #tpu.memory_space<vmem>>
    %dma_start3A_192 = arith.constant 0 : i32
    %dma_start3A_193 = arith.constant 0 : i32
    %dma_start3A_194 = tpu.memref_slice %arg7[%dma_start3A_192, %dma_start3A_193] : memref<10240x128xf32, #tpu.memory_space<hbm>> -> memref<10240x128xf32, #tpu.memory_space<hbm>>
    tpu.enqueue_indirect_dma source(%dma_start3A_194 : memref<10240x128xf32, #tpu.memory_space<hbm>>) target(%arg13 : memref<80x128xf32, #tpu.memory_space<vmem>>) offsets(%dma_start3A_191 : memref<80xi32, #tpu.memory_space<vmem>>) semaphore(%arg18 : memref<!tpu.dma_semaphore, #tpu.memory_space<semaphore_mem>>)
    %dma_start3A_195 = arith.constant 80 : i32
    %dma_start3A_196 = tpu.memref_slice %arg11[%dma_start3A_195] : memref<640xi32, #tpu.memory_space<vmem>> -> memref<80xi32, #tpu.memory_space<vmem>>
    %dma_start3A_197 = arith.constant 0 : i32
    %dma_start3A_198 = arith.constant 0 : i32
    %dma_start3A_199 = tpu.memref_slice %arg7[%dma_start3A_197, %dma_start3A_198] : memref<10240x128xf32, #tpu.memory_space<hbm>> -> memref<10240x128xf32, #tpu.memory_space<hbm>>
    tpu.enqueue_indirect_dma source(%dma_start3A_199 : memref<10240x128xf32, #tpu.memory_space<hbm>>) target(%arg14 : memref<80x128xf32, #tpu.memory_space<vmem>>) offsets(%dma_start3A_196 : memref<80xi32, #tpu.memory_space<vmem>>) semaphore(%arg19 : memref<!tpu.dma_semaphore, #tpu.memory_space<semaphore_mem>>)
    %dma_wait3A_200 = arith.constant 0 : i32
    %dma_wait3A_201 = tpu.memref_slice %arg11[%dma_wait3A_200] : memref<640xi32, #tpu.memory_space<vmem>> -> memref<80xi32, #tpu.memory_space<vmem>>
    %dma_wait3A_202 = arith.constant 0 : i32
    %dma_wait3A_203 = arith.constant 0 : i32
    %dma_wait3A_204 = tpu.memref_slice %arg7[%dma_wait3A_202, %dma_wait3A_203] : memref<10240x128xf32, #tpu.memory_space<hbm>> -> memref<10240x128xf32, #tpu.memory_space<hbm>>
    tpu.wait_indirect_dma semaphore(%arg18 : memref<!tpu.dma_semaphore, #tpu.memory_space<semaphore_mem>>) src(%dma_wait3A_204 : memref<10240x128xf32, #tpu.memory_space<hbm>>) dst(%arg13 : memref<80x128xf32, #tpu.memory_space<vmem>>)
    %dma_start3A_205 = arith.constant 0 : i32
    %dma_start3A_206 = tpu.memref_slice %arg12[%dma_start3A_205] : memref<640xi32, #tpu.memory_space<vmem>> -> memref<80xi32, #tpu.memory_space<vmem>>
    %dma_start3A_207 = arith.constant 0 : i32
    %dma_start3A_208 = arith.constant 0 : i32
    %dma_start3A_209 = tpu.memref_slice %arg17[%dma_start3A_207, %dma_start3A_208] : memref<5120x128xf32, #tpu.memory_space<vmem_shared>> -> memref<5120x128xf32, #tpu.memory_space<vmem_shared>>
    tpu.enqueue_indirect_dma source(%arg13 : memref<80x128xf32, #tpu.memory_space<vmem>>) target(%dma_start3A_209 : memref<5120x128xf32, #tpu.memory_space<vmem_shared>>) offsets(%dma_start3A_206 : memref<80xi32, #tpu.memory_space<vmem>>) semaphore(%arg20 : memref<!tpu.dma_semaphore, #tpu.memory_space<semaphore_mem>>) {add = true}
    %dma_wait3A_210 = arith.constant 0 : i32
    %dma_wait3A_211 = tpu.memref_slice %arg12[%dma_wait3A_210] : memref<640xi32, #tpu.memory_space<vmem>> -> memref<80xi32, #tpu.memory_space<vmem>>
    %dma_wait3A_212 = arith.constant 0 : i32
    %dma_wait3A_213 = arith.constant 0 : i32
    %dma_wait3A_214 = tpu.memref_slice %arg17[%dma_wait3A_212, %dma_wait3A_213] : memref<5120x128xf32, #tpu.memory_space<vmem_shared>> -> memref<5120x128xf32, #tpu.memory_space<vmem_shared>>
    tpu.wait_indirect_dma semaphore(%arg20 : memref<!tpu.dma_semaphore, #tpu.memory_space<semaphore_mem>>) src(%arg13 : memref<80x128xf32, #tpu.memory_space<vmem>>) dst(%dma_wait3A_214 : memref<5120x128xf32, #tpu.memory_space<vmem_shared>>)
    %dma_start3A_215 = arith.constant 160 : i32
    %dma_start3A_216 = tpu.memref_slice %arg11[%dma_start3A_215] : memref<640xi32, #tpu.memory_space<vmem>> -> memref<80xi32, #tpu.memory_space<vmem>>
    %dma_start3A_217 = arith.constant 0 : i32
    %dma_start3A_218 = arith.constant 0 : i32
    %dma_start3A_219 = tpu.memref_slice %arg7[%dma_start3A_217, %dma_start3A_218] : memref<10240x128xf32, #tpu.memory_space<hbm>> -> memref<10240x128xf32, #tpu.memory_space<hbm>>
    tpu.enqueue_indirect_dma source(%dma_start3A_219 : memref<10240x128xf32, #tpu.memory_space<hbm>>) target(%arg13 : memref<80x128xf32, #tpu.memory_space<vmem>>) offsets(%dma_start3A_216 : memref<80xi32, #tpu.memory_space<vmem>>) semaphore(%arg18 : memref<!tpu.dma_semaphore, #tpu.memory_space<semaphore_mem>>)
    %dma_wait3A_220 = arith.constant 80 : i32
    %dma_wait3A_221 = tpu.memref_slice %arg11[%dma_wait3A_220] : memref<640xi32, #tpu.memory_space<vmem>> -> memref<80xi32, #tpu.memory_space<vmem>>
    %dma_wait3A_222 = arith.constant 0 : i32
    %dma_wait3A_223 = arith.constant 0 : i32
    %dma_wait3A_224 = tpu.memref_slice %arg7[%dma_wait3A_222, %dma_wait3A_223] : memref<10240x128xf32, #tpu.memory_space<hbm>> -> memref<10240x128xf32, #tpu.memory_space<hbm>>
    tpu.wait_indirect_dma semaphore(%arg19 : memref<!tpu.dma_semaphore, #tpu.memory_space<semaphore_mem>>) src(%dma_wait3A_224 : memref<10240x128xf32, #tpu.memory_space<hbm>>) dst(%arg14 : memref<80x128xf32, #tpu.memory_space<vmem>>)
    %dma_start3A_225 = arith.constant 80 : i32
    %dma_start3A_226 = tpu.memref_slice %arg12[%dma_start3A_225] : memref<640xi32, #tpu.memory_space<vmem>> -> memref<80xi32, #tpu.memory_space<vmem>>
    %dma_start3A_227 = arith.constant 0 : i32
    %dma_start3A_228 = arith.constant 0 : i32
    %dma_start3A_229 = tpu.memref_slice %arg17[%dma_start3A_227, %dma_start3A_228] : memref<5120x128xf32, #tpu.memory_space<vmem_shared>> -> memref<5120x128xf32, #tpu.memory_space<vmem_shared>>
    tpu.enqueue_indirect_dma source(%arg14 : memref<80x128xf32, #tpu.memory_space<vmem>>) target(%dma_start3A_229 : memref<5120x128xf32, #tpu.memory_space<vmem_shared>>) offsets(%dma_start3A_226 : memref<80xi32, #tpu.memory_space<vmem>>) semaphore(%arg21 : memref<!tpu.dma_semaphore, #tpu.memory_space<semaphore_mem>>) {add = true}
    %dma_wait3A_230 = arith.constant 80 : i32
    %dma_wait3A_231 = tpu.memref_slice %arg12[%dma_wait3A_230] : memref<640xi32, #tpu.memory_space<vmem>> -> memref<80xi32, #tpu.memory_space<vmem>>
    %dma_wait3A_232 = arith.constant 0 : i32
    %dma_wait3A_233 = arith.constant 0 : i32
    %dma_wait3A_234 = tpu.memref_slice %arg17[%dma_wait3A_232, %dma_wait3A_233] : memref<5120x128xf32, #tpu.memory_space<vmem_shared>> -> memref<5120x128xf32, #tpu.memory_space<vmem_shared>>
    tpu.wait_indirect_dma semaphore(%arg21 : memref<!tpu.dma_semaphore, #tpu.memory_space<semaphore_mem>>) src(%arg14 : memref<80x128xf32, #tpu.memory_space<vmem>>) dst(%dma_wait3A_234 : memref<5120x128xf32, #tpu.memory_space<vmem_shared>>)
    %dma_start3A_235 = arith.constant 240 : i32
    %dma_start3A_236 = tpu.memref_slice %arg11[%dma_start3A_235] : memref<640xi32, #tpu.memory_space<vmem>> -> memref<80xi32, #tpu.memory_space<vmem>>
    %dma_start3A_237 = arith.constant 0 : i32
    %dma_start3A_238 = arith.constant 0 : i32
    %dma_start3A_239 = tpu.memref_slice %arg7[%dma_start3A_237, %dma_start3A_238] : memref<10240x128xf32, #tpu.memory_space<hbm>> -> memref<10240x128xf32, #tpu.memory_space<hbm>>
    tpu.enqueue_indirect_dma source(%dma_start3A_239 : memref<10240x128xf32, #tpu.memory_space<hbm>>) target(%arg14 : memref<80x128xf32, #tpu.memory_space<vmem>>) offsets(%dma_start3A_236 : memref<80xi32, #tpu.memory_space<vmem>>) semaphore(%arg19 : memref<!tpu.dma_semaphore, #tpu.memory_space<semaphore_mem>>)
    %dma_wait3A_240 = arith.constant 160 : i32
    %dma_wait3A_241 = tpu.memref_slice %arg11[%dma_wait3A_240] : memref<640xi32, #tpu.memory_space<vmem>> -> memref<80xi32, #tpu.memory_space<vmem>>
    %dma_wait3A_242 = arith.constant 0 : i32
    %dma_wait3A_243 = arith.constant 0 : i32
    %dma_wait3A_244 = tpu.memref_slice %arg7[%dma_wait3A_242, %dma_wait3A_243] : memref<10240x128xf32, #tpu.memory_space<hbm>> -> memref<10240x128xf32, #tpu.memory_space<hbm>>
    tpu.wait_indirect_dma semaphore(%arg18 : memref<!tpu.dma_semaphore, #tpu.memory_space<semaphore_mem>>) src(%dma_wait3A_244 : memref<10240x128xf32, #tpu.memory_space<hbm>>) dst(%arg13 : memref<80x128xf32, #tpu.memory_space<vmem>>)
    %dma_start3A_245 = arith.constant 160 : i32
    %dma_start3A_246 = tpu.memref_slice %arg12[%dma_start3A_245] : memref<640xi32, #tpu.memory_space<vmem>> -> memref<80xi32, #tpu.memory_space<vmem>>
    %dma_start3A_247 = arith.constant 0 : i32
    %dma_start3A_248 = arith.constant 0 : i32
    %dma_start3A_249 = tpu.memref_slice %arg17[%dma_start3A_247, %dma_start3A_248] : memref<5120x128xf32, #tpu.memory_space<vmem_shared>> -> memref<5120x128xf32, #tpu.memory_space<vmem_shared>>
    tpu.enqueue_indirect_dma source(%arg13 : memref<80x128xf32, #tpu.memory_space<vmem>>) target(%dma_start3A_249 : memref<5120x128xf32, #tpu.memory_space<vmem_shared>>) offsets(%dma_start3A_246 : memref<80xi32, #tpu.memory_space<vmem>>) semaphore(%arg20 : memref<!tpu.dma_semaphore, #tpu.memory_space<semaphore_mem>>) {add = true}
    %dma_wait3A_250 = arith.constant 160 : i32
    %dma_wait3A_251 = tpu.memref_slice %arg12[%dma_wait3A_250] : memref<640xi32, #tpu.memory_space<vmem>> -> memref<80xi32, #tpu.memory_space<vmem>>
    %dma_wait3A_252 = arith.constant 0 : i32
    %dma_wait3A_253 = arith.constant 0 : i32
    %dma_wait3A_254 = tpu.memref_slice %arg17[%dma_wait3A_252, %dma_wait3A_253] : memref<5120x128xf32, #tpu.memory_space<vmem_shared>> -> memref<5120x128xf32, #tpu.memory_space<vmem_shared>>
    tpu.wait_indirect_dma semaphore(%arg20 : memref<!tpu.dma_semaphore, #tpu.memory_space<semaphore_mem>>) src(%arg13 : memref<80x128xf32, #tpu.memory_space<vmem>>) dst(%dma_wait3A_254 : memref<5120x128xf32, #tpu.memory_space<vmem_shared>>)
    %dma_start3A_255 = arith.constant 320 : i32
    %dma_start3A_256 = tpu.memref_slice %arg11[%dma_start3A_255] : memref<640xi32, #tpu.memory_space<vmem>> -> memref<80xi32, #tpu.memory_space<vmem>>
    %dma_start3A_257 = arith.constant 0 : i32
    %dma_start3A_258 = arith.constant 0 : i32
    %dma_start3A_259 = tpu.memref_slice %arg7[%dma_start3A_257, %dma_start3A_258] : memref<10240x128xf32, #tpu.memory_space<hbm>> -> memref<10240x128xf32, #tpu.memory_space<hbm>>
    tpu.enqueue_indirect_dma source(%dma_start3A_259 : memref<10240x128xf32, #tpu.memory_space<hbm>>) target(%arg13 : memref<80x128xf32, #tpu.memory_space<vmem>>) offsets(%dma_start3A_256 : memref<80xi32, #tpu.memory_space<vmem>>) semaphore(%arg18 : memref<!tpu.dma_semaphore, #tpu.memory_space<semaphore_mem>>)
    %dma_wait3A_260 = arith.constant 240 : i32
    %dma_wait3A_261 = tpu.memref_slice %arg11[%dma_wait3A_260] : memref<640xi32, #tpu.memory_space<vmem>> -> memref<80xi32, #tpu.memory_space<vmem>>
    %dma_wait3A_262 = arith.constant 0 : i32
    %dma_wait3A_263 = arith.constant 0 : i32
    %dma_wait3A_264 = tpu.memref_slice %arg7[%dma_wait3A_262, %dma_wait3A_263] : memref<10240x128xf32, #tpu.memory_space<hbm>> -> memref<10240x128xf32, #tpu.memory_space<hbm>>
    tpu.wait_indirect_dma semaphore(%arg19 : memref<!tpu.dma_semaphore, #tpu.memory_space<semaphore_mem>>) src(%dma_wait3A_264 : memref<10240x128xf32, #tpu.memory_space<hbm>>) dst(%arg14 : memref<80x128xf32, #tpu.memory_space<vmem>>)
    %dma_start3A_265 = arith.constant 240 : i32
    %dma_start3A_266 = tpu.memref_slice %arg12[%dma_start3A_265] : memref<640xi32, #tpu.memory_space<vmem>> -> memref<80xi32, #tpu.memory_space<vmem>>
    %dma_start3A_267 = arith.constant 0 : i32
    %dma_start3A_268 = arith.constant 0 : i32
    %dma_start3A_269 = tpu.memref_slice %arg17[%dma_start3A_267, %dma_start3A_268] : memref<5120x128xf32, #tpu.memory_space<vmem_shared>> -> memref<5120x128xf32, #tpu.memory_space<vmem_shared>>
    tpu.enqueue_indirect_dma source(%arg14 : memref<80x128xf32, #tpu.memory_space<vmem>>) target(%dma_start3A_269 : memref<5120x128xf32, #tpu.memory_space<vmem_shared>>) offsets(%dma_start3A_266 : memref<80xi32, #tpu.memory_space<vmem>>) semaphore(%arg21 : memref<!tpu.dma_semaphore, #tpu.memory_space<semaphore_mem>>) {add = true}
    %dma_wait3A_270 = arith.constant 240 : i32
    %dma_wait3A_271 = tpu.memref_slice %arg12[%dma_wait3A_270] : memref<640xi32, #tpu.memory_space<vmem>> -> memref<80xi32, #tpu.memory_space<vmem>>
    %dma_wait3A_272 = arith.constant 0 : i32
    %dma_wait3A_273 = arith.constant 0 : i32
    %dma_wait3A_274 = tpu.memref_slice %arg17[%dma_wait3A_272, %dma_wait3A_273] : memref<5120x128xf32, #tpu.memory_space<vmem_shared>> -> memref<5120x128xf32, #tpu.memory_space<vmem_shared>>
    tpu.wait_indirect_dma semaphore(%arg21 : memref<!tpu.dma_semaphore, #tpu.memory_space<semaphore_mem>>) src(%arg14 : memref<80x128xf32, #tpu.memory_space<vmem>>) dst(%dma_wait3A_274 : memref<5120x128xf32, #tpu.memory_space<vmem_shared>>)
    %dma_start3A_275 = arith.constant 400 : i32
    %dma_start3A_276 = tpu.memref_slice %arg11[%dma_start3A_275] : memref<640xi32, #tpu.memory_space<vmem>> -> memref<80xi32, #tpu.memory_space<vmem>>
    %dma_start3A_277 = arith.constant 0 : i32
    %dma_start3A_278 = arith.constant 0 : i32
    %dma_start3A_279 = tpu.memref_slice %arg7[%dma_start3A_277, %dma_start3A_278] : memref<10240x128xf32, #tpu.memory_space<hbm>> -> memref<10240x128xf32, #tpu.memory_space<hbm>>
    tpu.enqueue_indirect_dma source(%dma_start3A_279 : memref<10240x128xf32, #tpu.memory_space<hbm>>) target(%arg14 : memref<80x128xf32, #tpu.memory_space<vmem>>) offsets(%dma_start3A_276 : memref<80xi32, #tpu.memory_space<vmem>>) semaphore(%arg19 : memref<!tpu.dma_semaphore, #tpu.memory_space<semaphore_mem>>)
    %dma_wait3A_280 = arith.constant 320 : i32
    %dma_wait3A_281 = tpu.memref_slice %arg11[%dma_wait3A_280] : memref<640xi32, #tpu.memory_space<vmem>> -> memref<80xi32, #tpu.memory_space<vmem>>
    %dma_wait3A_282 = arith.constant 0 : i32
    %dma_wait3A_283 = arith.constant 0 : i32
    %dma_wait3A_284 = tpu.memref_slice %arg7[%dma_wait3A_282, %dma_wait3A_283] : memref<10240x128xf32, #tpu.memory_space<hbm>> -> memref<10240x128xf32, #tpu.memory_space<hbm>>
    tpu.wait_indirect_dma semaphore(%arg18 : memref<!tpu.dma_semaphore, #tpu.memory_space<semaphore_mem>>) src(%dma_wait3A_284 : memref<10240x128xf32, #tpu.memory_space<hbm>>) dst(%arg13 : memref<80x128xf32, #tpu.memory_space<vmem>>)
    %dma_start3A_285 = arith.constant 320 : i32
    %dma_start3A_286 = tpu.memref_slice %arg12[%dma_start3A_285] : memref<640xi32, #tpu.memory_space<vmem>> -> memref<80xi32, #tpu.memory_space<vmem>>
    %dma_start3A_287 = arith.constant 0 : i32
    %dma_start3A_288 = arith.constant 0 : i32
    %dma_start3A_289 = tpu.memref_slice %arg17[%dma_start3A_287, %dma_start3A_288] : memref<5120x128xf32, #tpu.memory_space<vmem_shared>> -> memref<5120x128xf32, #tpu.memory_space<vmem_shared>>
    tpu.enqueue_indirect_dma source(%arg13 : memref<80x128xf32, #tpu.memory_space<vmem>>) target(%dma_start3A_289 : memref<5120x128xf32, #tpu.memory_space<vmem_shared>>) offsets(%dma_start3A_286 : memref<80xi32, #tpu.memory_space<vmem>>) semaphore(%arg20 : memref<!tpu.dma_semaphore, #tpu.memory_space<semaphore_mem>>) {add = true}
    %dma_wait3A_290 = arith.constant 320 : i32
    %dma_wait3A_291 = tpu.memref_slice %arg12[%dma_wait3A_290] : memref<640xi32, #tpu.memory_space<vmem>> -> memref<80xi32, #tpu.memory_space<vmem>>
    %dma_wait3A_292 = arith.constant 0 : i32
    %dma_wait3A_293 = arith.constant 0 : i32
    %dma_wait3A_294 = tpu.memref_slice %arg17[%dma_wait3A_292, %dma_wait3A_293] : memref<5120x128xf32, #tpu.memory_space<vmem_shared>> -> memref<5120x128xf32, #tpu.memory_space<vmem_shared>>
    tpu.wait_indirect_dma semaphore(%arg20 : memref<!tpu.dma_semaphore, #tpu.memory_space<semaphore_mem>>) src(%arg13 : memref<80x128xf32, #tpu.memory_space<vmem>>) dst(%dma_wait3A_294 : memref<5120x128xf32, #tpu.memory_space<vmem_shared>>)
    %dma_start3A_295 = arith.constant 480 : i32
    %dma_start3A_296 = tpu.memref_slice %arg11[%dma_start3A_295] : memref<640xi32, #tpu.memory_space<vmem>> -> memref<80xi32, #tpu.memory_space<vmem>>
    %dma_start3A_297 = arith.constant 0 : i32
    %dma_start3A_298 = arith.constant 0 : i32
    %dma_start3A_299 = tpu.memref_slice %arg7[%dma_start3A_297, %dma_start3A_298] : memref<10240x128xf32, #tpu.memory_space<hbm>> -> memref<10240x128xf32, #tpu.memory_space<hbm>>
    tpu.enqueue_indirect_dma source(%dma_start3A_299 : memref<10240x128xf32, #tpu.memory_space<hbm>>) target(%arg13 : memref<80x128xf32, #tpu.memory_space<vmem>>) offsets(%dma_start3A_296 : memref<80xi32, #tpu.memory_space<vmem>>) semaphore(%arg18 : memref<!tpu.dma_semaphore, #tpu.memory_space<semaphore_mem>>)
    %dma_wait3A_300 = arith.constant 400 : i32
    %dma_wait3A_301 = tpu.memref_slice %arg11[%dma_wait3A_300] : memref<640xi32, #tpu.memory_space<vmem>> -> memref<80xi32, #tpu.memory_space<vmem>>
    %dma_wait3A_302 = arith.constant 0 : i32
    %dma_wait3A_303 = arith.constant 0 : i32
    %dma_wait3A_304 = tpu.memref_slice %arg7[%dma_wait3A_302, %dma_wait3A_303] : memref<10240x128xf32, #tpu.memory_space<hbm>> -> memref<10240x128xf32, #tpu.memory_space<hbm>>
    tpu.wait_indirect_dma semaphore(%arg19 : memref<!tpu.dma_semaphore, #tpu.memory_space<semaphore_mem>>) src(%dma_wait3A_304 : memref<10240x128xf32, #tpu.memory_space<hbm>>) dst(%arg14 : memref<80x128xf32, #tpu.memory_space<vmem>>)
    %dma_start3A_305 = arith.constant 400 : i32
    %dma_start3A_306 = tpu.memref_slice %arg12[%dma_start3A_305] : memref<640xi32, #tpu.memory_space<vmem>> -> memref<80xi32, #tpu.memory_space<vmem>>
    %dma_start3A_307 = arith.constant 0 : i32
    %dma_start3A_308 = arith.constant 0 : i32
    %dma_start3A_309 = tpu.memref_slice %arg17[%dma_start3A_307, %dma_start3A_308] : memref<5120x128xf32, #tpu.memory_space<vmem_shared>> -> memref<5120x128xf32, #tpu.memory_space<vmem_shared>>
    tpu.enqueue_indirect_dma source(%arg14 : memref<80x128xf32, #tpu.memory_space<vmem>>) target(%dma_start3A_309 : memref<5120x128xf32, #tpu.memory_space<vmem_shared>>) offsets(%dma_start3A_306 : memref<80xi32, #tpu.memory_space<vmem>>) semaphore(%arg21 : memref<!tpu.dma_semaphore, #tpu.memory_space<semaphore_mem>>) {add = true}
    %dma_wait3A_310 = arith.constant 400 : i32
    %dma_wait3A_311 = tpu.memref_slice %arg12[%dma_wait3A_310] : memref<640xi32, #tpu.memory_space<vmem>> -> memref<80xi32, #tpu.memory_space<vmem>>
    %dma_wait3A_312 = arith.constant 0 : i32
    %dma_wait3A_313 = arith.constant 0 : i32
    %dma_wait3A_314 = tpu.memref_slice %arg17[%dma_wait3A_312, %dma_wait3A_313] : memref<5120x128xf32, #tpu.memory_space<vmem_shared>> -> memref<5120x128xf32, #tpu.memory_space<vmem_shared>>
    tpu.wait_indirect_dma semaphore(%arg21 : memref<!tpu.dma_semaphore, #tpu.memory_space<semaphore_mem>>) src(%arg14 : memref<80x128xf32, #tpu.memory_space<vmem>>) dst(%dma_wait3A_314 : memref<5120x128xf32, #tpu.memory_space<vmem_shared>>)
    %dma_start3A_315 = arith.constant 560 : i32
    %dma_start3A_316 = tpu.memref_slice %arg11[%dma_start3A_315] : memref<640xi32, #tpu.memory_space<vmem>> -> memref<80xi32, #tpu.memory_space<vmem>>
    %dma_start3A_317 = arith.constant 0 : i32
    %dma_start3A_318 = arith.constant 0 : i32
    %dma_start3A_319 = tpu.memref_slice %arg7[%dma_start3A_317, %dma_start3A_318] : memref<10240x128xf32, #tpu.memory_space<hbm>> -> memref<10240x128xf32, #tpu.memory_space<hbm>>
    tpu.enqueue_indirect_dma source(%dma_start3A_319 : memref<10240x128xf32, #tpu.memory_space<hbm>>) target(%arg14 : memref<80x128xf32, #tpu.memory_space<vmem>>) offsets(%dma_start3A_316 : memref<80xi32, #tpu.memory_space<vmem>>) semaphore(%arg19 : memref<!tpu.dma_semaphore, #tpu.memory_space<semaphore_mem>>)
    %dma_wait3A_320 = arith.constant 480 : i32
    %dma_wait3A_321 = tpu.memref_slice %arg11[%dma_wait3A_320] : memref<640xi32, #tpu.memory_space<vmem>> -> memref<80xi32, #tpu.memory_space<vmem>>
    %dma_wait3A_322 = arith.constant 0 : i32
    %dma_wait3A_323 = arith.constant 0 : i32
    %dma_wait3A_324 = tpu.memref_slice %arg7[%dma_wait3A_322, %dma_wait3A_323] : memref<10240x128xf32, #tpu.memory_space<hbm>> -> memref<10240x128xf32, #tpu.memory_space<hbm>>
    tpu.wait_indirect_dma semaphore(%arg18 : memref<!tpu.dma_semaphore, #tpu.memory_space<semaphore_mem>>) src(%dma_wait3A_324 : memref<10240x128xf32, #tpu.memory_space<hbm>>) dst(%arg13 : memref<80x128xf32, #tpu.memory_space<vmem>>)
    %dma_start3A_325 = arith.constant 480 : i32
    %dma_start3A_326 = tpu.memref_slice %arg12[%dma_start3A_325] : memref<640xi32, #tpu.memory_space<vmem>> -> memref<80xi32, #tpu.memory_space<vmem>>
    %dma_start3A_327 = arith.constant 0 : i32
    %dma_start3A_328 = arith.constant 0 : i32
    %dma_start3A_329 = tpu.memref_slice %arg17[%dma_start3A_327, %dma_start3A_328] : memref<5120x128xf32, #tpu.memory_space<vmem_shared>> -> memref<5120x128xf32, #tpu.memory_space<vmem_shared>>
    tpu.enqueue_indirect_dma source(%arg13 : memref<80x128xf32, #tpu.memory_space<vmem>>) target(%dma_start3A_329 : memref<5120x128xf32, #tpu.memory_space<vmem_shared>>) offsets(%dma_start3A_326 : memref<80xi32, #tpu.memory_space<vmem>>) semaphore(%arg20 : memref<!tpu.dma_semaphore, #tpu.memory_space<semaphore_mem>>) {add = true}
    %dma_wait3A_330 = arith.constant 560 : i32
    %dma_wait3A_331 = tpu.memref_slice %arg11[%dma_wait3A_330] : memref<640xi32, #tpu.memory_space<vmem>> -> memref<80xi32, #tpu.memory_space<vmem>>
    %dma_wait3A_332 = arith.constant 0 : i32
    %dma_wait3A_333 = arith.constant 0 : i32
    %dma_wait3A_334 = tpu.memref_slice %arg7[%dma_wait3A_332, %dma_wait3A_333] : memref<10240x128xf32, #tpu.memory_space<hbm>> -> memref<10240x128xf32, #tpu.memory_space<hbm>>
    tpu.wait_indirect_dma semaphore(%arg19 : memref<!tpu.dma_semaphore, #tpu.memory_space<semaphore_mem>>) src(%dma_wait3A_334 : memref<10240x128xf32, #tpu.memory_space<hbm>>) dst(%arg14 : memref<80x128xf32, #tpu.memory_space<vmem>>)
    %dma_start3A_335 = arith.constant 560 : i32
    %dma_start3A_336 = tpu.memref_slice %arg12[%dma_start3A_335] : memref<640xi32, #tpu.memory_space<vmem>> -> memref<80xi32, #tpu.memory_space<vmem>>
    %dma_start3A_337 = arith.constant 0 : i32
    %dma_start3A_338 = arith.constant 0 : i32
    %dma_start3A_339 = tpu.memref_slice %arg17[%dma_start3A_337, %dma_start3A_338] : memref<5120x128xf32, #tpu.memory_space<vmem_shared>> -> memref<5120x128xf32, #tpu.memory_space<vmem_shared>>
    tpu.enqueue_indirect_dma source(%arg14 : memref<80x128xf32, #tpu.memory_space<vmem>>) target(%dma_start3A_339 : memref<5120x128xf32, #tpu.memory_space<vmem_shared>>) offsets(%dma_start3A_336 : memref<80xi32, #tpu.memory_space<vmem>>) semaphore(%arg21 : memref<!tpu.dma_semaphore, #tpu.memory_space<semaphore_mem>>) {add = true}
    %dma_wait3A_340 = arith.constant 560 : i32
    %dma_wait3A_341 = tpu.memref_slice %arg12[%dma_wait3A_340] : memref<640xi32, #tpu.memory_space<vmem>> -> memref<80xi32, #tpu.memory_space<vmem>>
    %dma_wait3A_342 = arith.constant 0 : i32
    %dma_wait3A_343 = arith.constant 0 : i32
    %dma_wait3A_344 = tpu.memref_slice %arg17[%dma_wait3A_342, %dma_wait3A_343] : memref<5120x128xf32, #tpu.memory_space<vmem_shared>> -> memref<5120x128xf32, #tpu.memory_space<vmem_shared>>
    tpu.wait_indirect_dma semaphore(%arg21 : memref<!tpu.dma_semaphore, #tpu.memory_space<semaphore_mem>>) src(%arg14 : memref<80x128xf32, #tpu.memory_space<vmem>>) dst(%dma_wait3A_344 : memref<5120x128xf32, #tpu.memory_space<vmem_shared>>)
    %dma_wait3A_345 = arith.constant 480 : i32
    %dma_wait3A_346 = tpu.memref_slice %arg12[%dma_wait3A_345] : memref<640xi32, #tpu.memory_space<vmem>> -> memref<80xi32, #tpu.memory_space<vmem>>
    %dma_wait3A_347 = arith.constant 0 : i32
    %dma_wait3A_348 = arith.constant 0 : i32
    %dma_wait3A_349 = tpu.memref_slice %arg17[%dma_wait3A_347, %dma_wait3A_348] : memref<5120x128xf32, #tpu.memory_space<vmem_shared>> -> memref<5120x128xf32, #tpu.memory_space<vmem_shared>>
    tpu.wait_indirect_dma semaphore(%arg20 : memref<!tpu.dma_semaphore, #tpu.memory_space<semaphore_mem>>) src(%arg13 : memref<80x128xf32, #tpu.memory_space<vmem>>) dst(%dma_wait3A_349 : memref<5120x128xf32, #tpu.memory_space<vmem_shared>>)
    %barrier3A_350 = arith.constant 0 : index
    tpu.barrier barrier_id(%barrier3A_350)
    %mul3A_351 = arith.constant 160 : i32
    %mul3A_352 = arith.muli %arg0, %mul3A_351 : i32
    %mul3A_353 = arith.constant 16 : i32
    %mul3A_354 = arith.muli %mul3A_352, %mul3A_353 : i32
    %add3A_355 = arith.addi %mul3A_354, %mul3A_179 : i32
    "tpu.region"() ({
      %run_scoped3A = tpu.sem_alloc : memref<!tpu.dma_semaphore, #tpu.memory_space<semaphore_mem>>
      %dma_start3A_357 = arith.constant 0 : i32
      %dma_start3A_358 = tpu.memref_slice %arg10[%add3A_355, %dma_start3A_357] : memref<5120x128xf32, #tpu.memory_space<hbm>> -> memref<160x128xf32, #tpu.memory_space<hbm>>
      %dma_start3A_359 = arith.constant 0 : i32
      %dma_start3A_360 = tpu.memref_slice %arg17[%mul3A_179, %dma_start3A_359] : memref<5120x128xf32, #tpu.memory_space<vmem_shared>> -> memref<160x128xf32, #tpu.memory_space<vmem_shared>>
      tpu.enqueue_dma source(%dma_start3A_360 : memref<160x128xf32, #tpu.memory_space<vmem_shared>>) target(%dma_start3A_358 : memref<160x128xf32, #tpu.memory_space<hbm>>) target_semaphore(%run_scoped3A : memref<!tpu.dma_semaphore, #tpu.memory_space<semaphore_mem>>)
      %dma_wait3A_361 = arith.constant 0 : i32
      %dma_wait3A_362 = tpu.memref_slice %arg10[%add3A_355, %dma_wait3A_361] : memref<5120x128xf32, #tpu.memory_space<hbm>> -> memref<160x128xf32, #tpu.memory_space<hbm>>
      %dma_wait3A_363 = arith.constant 0 : i32
      %dma_wait3A_364 = tpu.memref_slice %arg17[%mul3A_179, %dma_wait3A_363] : memref<5120x128xf32, #tpu.memory_space<vmem_shared>> -> memref<160x128xf32, #tpu.memory_space<vmem_shared>>
      tpu.wait_dma2 semaphore(%run_scoped3A : memref<!tpu.dma_semaphore, #tpu.memory_space<semaphore_mem>>) src(%dma_wait3A_364 : memref<160x128xf32, #tpu.memory_space<vmem_shared>>) dst(%dma_wait3A_362 : memref<160x128xf32, #tpu.memory_space<hbm>>)
      tpu.yield
    }) : () -> ()
    %barrier3A_356 = arith.constant 0 : index
    tpu.barrier barrier_id(%barrier3A_356)
    return
  }
}

#map = affine_map<(d0, d1) -> (0)>
#map1 = affine_map<(d0, d1) -> (0, 0)>
module attributes {stable_mosaic.version = 14 : i64} {
  func.func @body(%arg0: i32, %arg1: i32, %arg2: memref<20480xi32, #tpu.memory_space<hbm>>, %arg3: memref<20480xi32, #tpu.memory_space<hbm>>, %arg4: memref<20480xi32, #tpu.memory_space<hbm>>, %arg5: memref<20480xi32, #tpu.memory_space<hbm>>, %arg6: memref<20480xi32, #tpu.memory_space<hbm>>, %arg7: memref<20480xi32, #tpu.memory_space<hbm>>, %arg8: memref<5200x128xf32, #tpu.memory_space<hbm>>, %arg9: memref<20000x128xf32, #tpu.memory_space<hbm>>, %arg10: memref<80x128xf32, #tpu.memory_space<hbm>>, %arg11: memref<80x128xf32, #tpu.memory_space<hbm>>, %arg12: memref<10240x128xf32, #tpu.memory_space<hbm>>, %arg13: memref<10240x128xf32, #tpu.memory_space<hbm>>, %arg14: memref<5120x128xf32, #tpu.memory_space<hbm>>, %arg15: memref<5120x128xf32, #tpu.memory_space<hbm>>, %arg16: memref<10240x128xf32, #tpu.memory_space<hbm>>, %arg17: memref<5120x128xf32, #tpu.memory_space<hbm>>, %arg18: memref<640xi32, #tpu.memory_space<vmem>>, %arg19: memref<640xi32, #tpu.memory_space<vmem>>, %arg20: memref<80x128xf32, #tpu.memory_space<vmem>>, %arg21: memref<80x128xf32, #tpu.memory_space<vmem>>, %arg22: memref<80x128xf32, #tpu.memory_space<vmem>>, %arg23: memref<80x128xf32, #tpu.memory_space<vmem>>, %arg24: memref<5120x128xf32, #tpu.memory_space<vmem_shared>>, %arg25: memref<!tpu.dma_semaphore, #tpu.memory_space<semaphore_mem>>, %arg26: memref<!tpu.dma_semaphore, #tpu.memory_space<semaphore_mem>>, %arg27: memref<!tpu.dma_semaphore, #tpu.memory_space<semaphore_mem>>, %arg28: memref<!tpu.dma_semaphore, #tpu.memory_space<semaphore_mem>>, %arg29: memref<5120x128xf32, #tpu.memory_space<vmem_shared>>) attributes {dimension_semantics = [#tpu.dimension_semantics<core_parallel>, #tpu.dimension_semantics<subcore_parallel>], iteration_bounds = array<i64: 2, 16>, scalar_prefetch = 0 : i64, scratch_operands = 12 : i64, tpu.core_type = #tpu.core_type<sc_vector_subcore>, window_params = [{transform_indices = #map}, {transform_indices = #map}, {transform_indices = #map}, {transform_indices = #map}, {transform_indices = #map}, {transform_indices = #map}, {transform_indices = #map1}, {transform_indices = #map1}, {transform_indices = #map1}, {transform_indices = #map1}, {transform_indices = #map1}, {transform_indices = #map1}, {transform_indices = #map1}, {transform_indices = #map1}, {transform_indices = #map1}, {transform_indices = #map1}]} {
    "tpu.region"() ({
      %run_scoped3A = tpu.sem_alloc : memref<!tpu.dma_semaphore, #tpu.memory_space<semaphore_mem>>
      tpu.enqueue_dma source(%arg10 : memref<80x128xf32, #tpu.memory_space<hbm>>) target(%arg22 : memref<80x128xf32, #tpu.memory_space<vmem>>) target_semaphore(%run_scoped3A : memref<!tpu.dma_semaphore, #tpu.memory_space<semaphore_mem>>)
      tpu.wait_dma2 semaphore(%run_scoped3A : memref<!tpu.dma_semaphore, #tpu.memory_space<semaphore_mem>>) src(%arg10 : memref<80x128xf32, #tpu.memory_space<hbm>>) dst(%arg22 : memref<80x128xf32, #tpu.memory_space<vmem>>)
      tpu.yield
    }) : () -> ()
    "tpu.region"() ({
      %run_scoped3A = tpu.sem_alloc : memref<!tpu.dma_semaphore, #tpu.memory_space<semaphore_mem>>
      tpu.enqueue_dma source(%arg11 : memref<80x128xf32, #tpu.memory_space<hbm>>) target(%arg23 : memref<80x128xf32, #tpu.memory_space<vmem>>) target_semaphore(%run_scoped3A : memref<!tpu.dma_semaphore, #tpu.memory_space<semaphore_mem>>)
      tpu.wait_dma2 semaphore(%run_scoped3A : memref<!tpu.dma_semaphore, #tpu.memory_space<semaphore_mem>>) src(%arg11 : memref<80x128xf32, #tpu.memory_space<hbm>>) dst(%arg23 : memref<80x128xf32, #tpu.memory_space<vmem>>)
      tpu.yield
    }) : () -> ()
    %mul3A = arith.constant 320 : i32
    %mul3A_0 = arith.muli %arg1, %mul3A : i32
    %add3A = arith.constant 0 : i32
    %add3A_1 = arith.addi %mul3A_0, %add3A : i32
    "tpu.region"() ({
      %run_scoped3A = tpu.sem_alloc : memref<!tpu.dma_semaphore, #tpu.memory_space<semaphore_mem>>
      %dma_start3A_731 = arith.constant 0 : i32
      %dma_start3A_732 = tpu.memref_slice %arg24[%add3A_1, %dma_start3A_731] : memref<5120x128xf32, #tpu.memory_space<vmem_shared>> -> memref<80x128xf32, #tpu.memory_space<vmem_shared>>
      %dma_start3A_733 = arith.constant 0 : i32
      %dma_start3A_734 = tpu.memref_slice %arg24[%add3A_1, %dma_start3A_733] : memref<5120x128xf32, #tpu.memory_space<vmem_shared>> -> memref<80x128xf32, #tpu.memory_space<vmem_shared>>
      tpu.enqueue_dma source(%arg22 : memref<80x128xf32, #tpu.memory_space<vmem>>) target(%dma_start3A_734 : memref<80x128xf32, #tpu.memory_space<vmem_shared>>) target_semaphore(%run_scoped3A : memref<!tpu.dma_semaphore, #tpu.memory_space<semaphore_mem>>)
      %dma_wait3A_735 = arith.constant 0 : i32
      %dma_wait3A_736 = tpu.memref_slice %arg24[%add3A_1, %dma_wait3A_735] : memref<5120x128xf32, #tpu.memory_space<vmem_shared>> -> memref<80x128xf32, #tpu.memory_space<vmem_shared>>
      %dma_wait3A_737 = arith.constant 0 : i32
      %dma_wait3A_738 = tpu.memref_slice %arg24[%add3A_1, %dma_wait3A_737] : memref<5120x128xf32, #tpu.memory_space<vmem_shared>> -> memref<80x128xf32, #tpu.memory_space<vmem_shared>>
      tpu.wait_dma2 semaphore(%run_scoped3A : memref<!tpu.dma_semaphore, #tpu.memory_space<semaphore_mem>>) src(%arg22 : memref<80x128xf32, #tpu.memory_space<vmem>>) dst(%dma_wait3A_738 : memref<80x128xf32, #tpu.memory_space<vmem_shared>>)
      tpu.yield
    }) : () -> ()
    %add3A_2 = arith.constant 0 : i32
    %add3A_3 = arith.addi %mul3A_0, %add3A_2 : i32
    "tpu.region"() ({
      %run_scoped3A = tpu.sem_alloc : memref<!tpu.dma_semaphore, #tpu.memory_space<semaphore_mem>>
      %dma_start3A_731 = arith.constant 0 : i32
      %dma_start3A_732 = tpu.memref_slice %arg29[%add3A_3, %dma_start3A_731] : memref<5120x128xf32, #tpu.memory_space<vmem_shared>> -> memref<80x128xf32, #tpu.memory_space<vmem_shared>>
      %dma_start3A_733 = arith.constant 0 : i32
      %dma_start3A_734 = tpu.memref_slice %arg29[%add3A_3, %dma_start3A_733] : memref<5120x128xf32, #tpu.memory_space<vmem_shared>> -> memref<80x128xf32, #tpu.memory_space<vmem_shared>>
      tpu.enqueue_dma source(%arg22 : memref<80x128xf32, #tpu.memory_space<vmem>>) target(%dma_start3A_734 : memref<80x128xf32, #tpu.memory_space<vmem_shared>>) target_semaphore(%run_scoped3A : memref<!tpu.dma_semaphore, #tpu.memory_space<semaphore_mem>>)
      %dma_wait3A_735 = arith.constant 0 : i32
      %dma_wait3A_736 = tpu.memref_slice %arg29[%add3A_3, %dma_wait3A_735] : memref<5120x128xf32, #tpu.memory_space<vmem_shared>> -> memref<80x128xf32, #tpu.memory_space<vmem_shared>>
      %dma_wait3A_737 = arith.constant 0 : i32
      %dma_wait3A_738 = tpu.memref_slice %arg29[%add3A_3, %dma_wait3A_737] : memref<5120x128xf32, #tpu.memory_space<vmem_shared>> -> memref<80x128xf32, #tpu.memory_space<vmem_shared>>
      tpu.wait_dma2 semaphore(%run_scoped3A : memref<!tpu.dma_semaphore, #tpu.memory_space<semaphore_mem>>) src(%arg22 : memref<80x128xf32, #tpu.memory_space<vmem>>) dst(%dma_wait3A_738 : memref<80x128xf32, #tpu.memory_space<vmem_shared>>)
      tpu.yield
    }) : () -> ()
    %add3A_4 = arith.constant 80 : i32
    %add3A_5 = arith.addi %mul3A_0, %add3A_4 : i32
    "tpu.region"() ({
      %run_scoped3A = tpu.sem_alloc : memref<!tpu.dma_semaphore, #tpu.memory_space<semaphore_mem>>
      %dma_start3A_731 = arith.constant 0 : i32
      %dma_start3A_732 = tpu.memref_slice %arg24[%add3A_5, %dma_start3A_731] : memref<5120x128xf32, #tpu.memory_space<vmem_shared>> -> memref<80x128xf32, #tpu.memory_space<vmem_shared>>
      %dma_start3A_733 = arith.constant 0 : i32
      %dma_start3A_734 = tpu.memref_slice %arg24[%add3A_5, %dma_start3A_733] : memref<5120x128xf32, #tpu.memory_space<vmem_shared>> -> memref<80x128xf32, #tpu.memory_space<vmem_shared>>
      tpu.enqueue_dma source(%arg22 : memref<80x128xf32, #tpu.memory_space<vmem>>) target(%dma_start3A_734 : memref<80x128xf32, #tpu.memory_space<vmem_shared>>) target_semaphore(%run_scoped3A : memref<!tpu.dma_semaphore, #tpu.memory_space<semaphore_mem>>)
      %dma_wait3A_735 = arith.constant 0 : i32
      %dma_wait3A_736 = tpu.memref_slice %arg24[%add3A_5, %dma_wait3A_735] : memref<5120x128xf32, #tpu.memory_space<vmem_shared>> -> memref<80x128xf32, #tpu.memory_space<vmem_shared>>
      %dma_wait3A_737 = arith.constant 0 : i32
      %dma_wait3A_738 = tpu.memref_slice %arg24[%add3A_5, %dma_wait3A_737] : memref<5120x128xf32, #tpu.memory_space<vmem_shared>> -> memref<80x128xf32, #tpu.memory_space<vmem_shared>>
      tpu.wait_dma2 semaphore(%run_scoped3A : memref<!tpu.dma_semaphore, #tpu.memory_space<semaphore_mem>>) src(%arg22 : memref<80x128xf32, #tpu.memory_space<vmem>>) dst(%dma_wait3A_738 : memref<80x128xf32, #tpu.memory_space<vmem_shared>>)
      tpu.yield
    }) : () -> ()
    %add3A_6 = arith.constant 80 : i32
    %add3A_7 = arith.addi %mul3A_0, %add3A_6 : i32
    "tpu.region"() ({
      %run_scoped3A = tpu.sem_alloc : memref<!tpu.dma_semaphore, #tpu.memory_space<semaphore_mem>>
      %dma_start3A_731 = arith.constant 0 : i32
      %dma_start3A_732 = tpu.memref_slice %arg29[%add3A_7, %dma_start3A_731] : memref<5120x128xf32, #tpu.memory_space<vmem_shared>> -> memref<80x128xf32, #tpu.memory_space<vmem_shared>>
      %dma_start3A_733 = arith.constant 0 : i32
      %dma_start3A_734 = tpu.memref_slice %arg29[%add3A_7, %dma_start3A_733] : memref<5120x128xf32, #tpu.memory_space<vmem_shared>> -> memref<80x128xf32, #tpu.memory_space<vmem_shared>>
      tpu.enqueue_dma source(%arg22 : memref<80x128xf32, #tpu.memory_space<vmem>>) target(%dma_start3A_734 : memref<80x128xf32, #tpu.memory_space<vmem_shared>>) target_semaphore(%run_scoped3A : memref<!tpu.dma_semaphore, #tpu.memory_space<semaphore_mem>>)
      %dma_wait3A_735 = arith.constant 0 : i32
      %dma_wait3A_736 = tpu.memref_slice %arg29[%add3A_7, %dma_wait3A_735] : memref<5120x128xf32, #tpu.memory_space<vmem_shared>> -> memref<80x128xf32, #tpu.memory_space<vmem_shared>>
      %dma_wait3A_737 = arith.constant 0 : i32
      %dma_wait3A_738 = tpu.memref_slice %arg29[%add3A_7, %dma_wait3A_737] : memref<5120x128xf32, #tpu.memory_space<vmem_shared>> -> memref<80x128xf32, #tpu.memory_space<vmem_shared>>
      tpu.wait_dma2 semaphore(%run_scoped3A : memref<!tpu.dma_semaphore, #tpu.memory_space<semaphore_mem>>) src(%arg22 : memref<80x128xf32, #tpu.memory_space<vmem>>) dst(%dma_wait3A_738 : memref<80x128xf32, #tpu.memory_space<vmem_shared>>)
      tpu.yield
    }) : () -> ()
    %add3A_8 = arith.constant 160 : i32
    %add3A_9 = arith.addi %mul3A_0, %add3A_8 : i32
    "tpu.region"() ({
      %run_scoped3A = tpu.sem_alloc : memref<!tpu.dma_semaphore, #tpu.memory_space<semaphore_mem>>
      %dma_start3A_731 = arith.constant 0 : i32
      %dma_start3A_732 = tpu.memref_slice %arg24[%add3A_9, %dma_start3A_731] : memref<5120x128xf32, #tpu.memory_space<vmem_shared>> -> memref<80x128xf32, #tpu.memory_space<vmem_shared>>
      %dma_start3A_733 = arith.constant 0 : i32
      %dma_start3A_734 = tpu.memref_slice %arg24[%add3A_9, %dma_start3A_733] : memref<5120x128xf32, #tpu.memory_space<vmem_shared>> -> memref<80x128xf32, #tpu.memory_space<vmem_shared>>
      tpu.enqueue_dma source(%arg22 : memref<80x128xf32, #tpu.memory_space<vmem>>) target(%dma_start3A_734 : memref<80x128xf32, #tpu.memory_space<vmem_shared>>) target_semaphore(%run_scoped3A : memref<!tpu.dma_semaphore, #tpu.memory_space<semaphore_mem>>)
      %dma_wait3A_735 = arith.constant 0 : i32
      %dma_wait3A_736 = tpu.memref_slice %arg24[%add3A_9, %dma_wait3A_735] : memref<5120x128xf32, #tpu.memory_space<vmem_shared>> -> memref<80x128xf32, #tpu.memory_space<vmem_shared>>
      %dma_wait3A_737 = arith.constant 0 : i32
      %dma_wait3A_738 = tpu.memref_slice %arg24[%add3A_9, %dma_wait3A_737] : memref<5120x128xf32, #tpu.memory_space<vmem_shared>> -> memref<80x128xf32, #tpu.memory_space<vmem_shared>>
      tpu.wait_dma2 semaphore(%run_scoped3A : memref<!tpu.dma_semaphore, #tpu.memory_space<semaphore_mem>>) src(%arg22 : memref<80x128xf32, #tpu.memory_space<vmem>>) dst(%dma_wait3A_738 : memref<80x128xf32, #tpu.memory_space<vmem_shared>>)
      tpu.yield
    }) : () -> ()
    %add3A_10 = arith.constant 160 : i32
    %add3A_11 = arith.addi %mul3A_0, %add3A_10 : i32
    "tpu.region"() ({
      %run_scoped3A = tpu.sem_alloc : memref<!tpu.dma_semaphore, #tpu.memory_space<semaphore_mem>>
      %dma_start3A_731 = arith.constant 0 : i32
      %dma_start3A_732 = tpu.memref_slice %arg29[%add3A_11, %dma_start3A_731] : memref<5120x128xf32, #tpu.memory_space<vmem_shared>> -> memref<80x128xf32, #tpu.memory_space<vmem_shared>>
      %dma_start3A_733 = arith.constant 0 : i32
      %dma_start3A_734 = tpu.memref_slice %arg29[%add3A_11, %dma_start3A_733] : memref<5120x128xf32, #tpu.memory_space<vmem_shared>> -> memref<80x128xf32, #tpu.memory_space<vmem_shared>>
      tpu.enqueue_dma source(%arg22 : memref<80x128xf32, #tpu.memory_space<vmem>>) target(%dma_start3A_734 : memref<80x128xf32, #tpu.memory_space<vmem_shared>>) target_semaphore(%run_scoped3A : memref<!tpu.dma_semaphore, #tpu.memory_space<semaphore_mem>>)
      %dma_wait3A_735 = arith.constant 0 : i32
      %dma_wait3A_736 = tpu.memref_slice %arg29[%add3A_11, %dma_wait3A_735] : memref<5120x128xf32, #tpu.memory_space<vmem_shared>> -> memref<80x128xf32, #tpu.memory_space<vmem_shared>>
      %dma_wait3A_737 = arith.constant 0 : i32
      %dma_wait3A_738 = tpu.memref_slice %arg29[%add3A_11, %dma_wait3A_737] : memref<5120x128xf32, #tpu.memory_space<vmem_shared>> -> memref<80x128xf32, #tpu.memory_space<vmem_shared>>
      tpu.wait_dma2 semaphore(%run_scoped3A : memref<!tpu.dma_semaphore, #tpu.memory_space<semaphore_mem>>) src(%arg22 : memref<80x128xf32, #tpu.memory_space<vmem>>) dst(%dma_wait3A_738 : memref<80x128xf32, #tpu.memory_space<vmem_shared>>)
      tpu.yield
    }) : () -> ()
    %add3A_12 = arith.constant 240 : i32
    %add3A_13 = arith.addi %mul3A_0, %add3A_12 : i32
    "tpu.region"() ({
      %run_scoped3A = tpu.sem_alloc : memref<!tpu.dma_semaphore, #tpu.memory_space<semaphore_mem>>
      %dma_start3A_731 = arith.constant 0 : i32
      %dma_start3A_732 = tpu.memref_slice %arg24[%add3A_13, %dma_start3A_731] : memref<5120x128xf32, #tpu.memory_space<vmem_shared>> -> memref<80x128xf32, #tpu.memory_space<vmem_shared>>
      %dma_start3A_733 = arith.constant 0 : i32
      %dma_start3A_734 = tpu.memref_slice %arg24[%add3A_13, %dma_start3A_733] : memref<5120x128xf32, #tpu.memory_space<vmem_shared>> -> memref<80x128xf32, #tpu.memory_space<vmem_shared>>
      tpu.enqueue_dma source(%arg22 : memref<80x128xf32, #tpu.memory_space<vmem>>) target(%dma_start3A_734 : memref<80x128xf32, #tpu.memory_space<vmem_shared>>) target_semaphore(%run_scoped3A : memref<!tpu.dma_semaphore, #tpu.memory_space<semaphore_mem>>)
      %dma_wait3A_735 = arith.constant 0 : i32
      %dma_wait3A_736 = tpu.memref_slice %arg24[%add3A_13, %dma_wait3A_735] : memref<5120x128xf32, #tpu.memory_space<vmem_shared>> -> memref<80x128xf32, #tpu.memory_space<vmem_shared>>
      %dma_wait3A_737 = arith.constant 0 : i32
      %dma_wait3A_738 = tpu.memref_slice %arg24[%add3A_13, %dma_wait3A_737] : memref<5120x128xf32, #tpu.memory_space<vmem_shared>> -> memref<80x128xf32, #tpu.memory_space<vmem_shared>>
      tpu.wait_dma2 semaphore(%run_scoped3A : memref<!tpu.dma_semaphore, #tpu.memory_space<semaphore_mem>>) src(%arg22 : memref<80x128xf32, #tpu.memory_space<vmem>>) dst(%dma_wait3A_738 : memref<80x128xf32, #tpu.memory_space<vmem_shared>>)
      tpu.yield
    }) : () -> ()
    %add3A_14 = arith.constant 240 : i32
    %add3A_15 = arith.addi %mul3A_0, %add3A_14 : i32
    "tpu.region"() ({
      %run_scoped3A = tpu.sem_alloc : memref<!tpu.dma_semaphore, #tpu.memory_space<semaphore_mem>>
      %dma_start3A_731 = arith.constant 0 : i32
      %dma_start3A_732 = tpu.memref_slice %arg29[%add3A_15, %dma_start3A_731] : memref<5120x128xf32, #tpu.memory_space<vmem_shared>> -> memref<80x128xf32, #tpu.memory_space<vmem_shared>>
      %dma_start3A_733 = arith.constant 0 : i32
      %dma_start3A_734 = tpu.memref_slice %arg29[%add3A_15, %dma_start3A_733] : memref<5120x128xf32, #tpu.memory_space<vmem_shared>> -> memref<80x128xf32, #tpu.memory_space<vmem_shared>>
      tpu.enqueue_dma source(%arg22 : memref<80x128xf32, #tpu.memory_space<vmem>>) target(%dma_start3A_734 : memref<80x128xf32, #tpu.memory_space<vmem_shared>>) target_semaphore(%run_scoped3A : memref<!tpu.dma_semaphore, #tpu.memory_space<semaphore_mem>>)
      %dma_wait3A_735 = arith.constant 0 : i32
      %dma_wait3A_736 = tpu.memref_slice %arg29[%add3A_15, %dma_wait3A_735] : memref<5120x128xf32, #tpu.memory_space<vmem_shared>> -> memref<80x128xf32, #tpu.memory_space<vmem_shared>>
      %dma_wait3A_737 = arith.constant 0 : i32
      %dma_wait3A_738 = tpu.memref_slice %arg29[%add3A_15, %dma_wait3A_737] : memref<5120x128xf32, #tpu.memory_space<vmem_shared>> -> memref<80x128xf32, #tpu.memory_space<vmem_shared>>
      tpu.wait_dma2 semaphore(%run_scoped3A : memref<!tpu.dma_semaphore, #tpu.memory_space<semaphore_mem>>) src(%arg22 : memref<80x128xf32, #tpu.memory_space<vmem>>) dst(%dma_wait3A_738 : memref<80x128xf32, #tpu.memory_space<vmem_shared>>)
      tpu.yield
    }) : () -> ()
    %barrier3A = arith.constant 0 : index
    tpu.barrier barrier_id(%barrier3A)
    %mul3A_16 = arith.constant 10240 : i32
    %mul3A_17 = arith.muli %arg0, %mul3A_16 : i32
    %mul3A_18 = arith.constant 640 : i32
    %mul3A_19 = arith.muli %arg1, %mul3A_18 : i32
    %add3A_20 = arith.addi %mul3A_17, %mul3A_19 : i32
    "tpu.region"() ({
      %run_scoped3A = tpu.sem_alloc : memref<!tpu.dma_semaphore, #tpu.memory_space<semaphore_mem>>
      %dma_start3A_731 = tpu.memref_slice %arg2[%add3A_20] : memref<20480xi32, #tpu.memory_space<hbm>> -> memref<640xi32, #tpu.memory_space<hbm>>
      %dma_start3A_732 = tpu.memref_slice %arg2[%add3A_20] : memref<20480xi32, #tpu.memory_space<hbm>> -> memref<640xi32, #tpu.memory_space<hbm>>
      tpu.enqueue_dma source(%dma_start3A_732 : memref<640xi32, #tpu.memory_space<hbm>>) target(%arg18 : memref<640xi32, #tpu.memory_space<vmem>>) target_semaphore(%run_scoped3A : memref<!tpu.dma_semaphore, #tpu.memory_space<semaphore_mem>>)
      %dma_wait3A_733 = tpu.memref_slice %arg2[%add3A_20] : memref<20480xi32, #tpu.memory_space<hbm>> -> memref<640xi32, #tpu.memory_space<hbm>>
      %dma_wait3A_734 = tpu.memref_slice %arg2[%add3A_20] : memref<20480xi32, #tpu.memory_space<hbm>> -> memref<640xi32, #tpu.memory_space<hbm>>
      tpu.wait_dma2 semaphore(%run_scoped3A : memref<!tpu.dma_semaphore, #tpu.memory_space<semaphore_mem>>) src(%dma_wait3A_734 : memref<640xi32, #tpu.memory_space<hbm>>) dst(%arg18 : memref<640xi32, #tpu.memory_space<vmem>>)
      tpu.yield
    }) : () -> ()
    "tpu.region"() ({
      %run_scoped3A = tpu.sem_alloc : memref<!tpu.dma_semaphore, #tpu.memory_space<semaphore_mem>>
      %dma_start3A_731 = tpu.memref_slice %arg4[%add3A_20] : memref<20480xi32, #tpu.memory_space<hbm>> -> memref<640xi32, #tpu.memory_space<hbm>>
      %dma_start3A_732 = tpu.memref_slice %arg4[%add3A_20] : memref<20480xi32, #tpu.memory_space<hbm>> -> memref<640xi32, #tpu.memory_space<hbm>>
      tpu.enqueue_dma source(%dma_start3A_732 : memref<640xi32, #tpu.memory_space<hbm>>) target(%arg19 : memref<640xi32, #tpu.memory_space<vmem>>) target_semaphore(%run_scoped3A : memref<!tpu.dma_semaphore, #tpu.memory_space<semaphore_mem>>)
      %dma_wait3A_733 = tpu.memref_slice %arg4[%add3A_20] : memref<20480xi32, #tpu.memory_space<hbm>> -> memref<640xi32, #tpu.memory_space<hbm>>
      %dma_wait3A_734 = tpu.memref_slice %arg4[%add3A_20] : memref<20480xi32, #tpu.memory_space<hbm>> -> memref<640xi32, #tpu.memory_space<hbm>>
      tpu.wait_dma2 semaphore(%run_scoped3A : memref<!tpu.dma_semaphore, #tpu.memory_space<semaphore_mem>>) src(%dma_wait3A_734 : memref<640xi32, #tpu.memory_space<hbm>>) dst(%arg19 : memref<640xi32, #tpu.memory_space<vmem>>)
      tpu.yield
    }) : () -> ()
    %dma_start3A = arith.constant 0 : i32
    %dma_start3A_21 = tpu.memref_slice %arg18[%dma_start3A] : memref<640xi32, #tpu.memory_space<vmem>> -> memref<80xi32, #tpu.memory_space<vmem>>
    %dma_start3A_22 = arith.constant 0 : i32
    %dma_start3A_23 = arith.constant 0 : i32
    %dma_start3A_24 = tpu.memref_slice %arg8[%dma_start3A_22, %dma_start3A_23] : memref<5200x128xf32, #tpu.memory_space<hbm>> -> memref<5200x128xf32, #tpu.memory_space<hbm>>
    tpu.enqueue_indirect_dma source(%dma_start3A_24 : memref<5200x128xf32, #tpu.memory_space<hbm>>) target(%arg20 : memref<80x128xf32, #tpu.memory_space<vmem>>) offsets(%dma_start3A_21 : memref<80xi32, #tpu.memory_space<vmem>>) semaphore(%arg25 : memref<!tpu.dma_semaphore, #tpu.memory_space<semaphore_mem>>)
    %dma_start3A_25 = arith.constant 80 : i32
    %dma_start3A_26 = tpu.memref_slice %arg18[%dma_start3A_25] : memref<640xi32, #tpu.memory_space<vmem>> -> memref<80xi32, #tpu.memory_space<vmem>>
    %dma_start3A_27 = arith.constant 0 : i32
    %dma_start3A_28 = arith.constant 0 : i32
    %dma_start3A_29 = tpu.memref_slice %arg8[%dma_start3A_27, %dma_start3A_28] : memref<5200x128xf32, #tpu.memory_space<hbm>> -> memref<5200x128xf32, #tpu.memory_space<hbm>>
    tpu.enqueue_indirect_dma source(%dma_start3A_29 : memref<5200x128xf32, #tpu.memory_space<hbm>>) target(%arg21 : memref<80x128xf32, #tpu.memory_space<vmem>>) offsets(%dma_start3A_26 : memref<80xi32, #tpu.memory_space<vmem>>) semaphore(%arg26 : memref<!tpu.dma_semaphore, #tpu.memory_space<semaphore_mem>>)
    %dma_wait3A = arith.constant 0 : i32
    %dma_wait3A_30 = tpu.memref_slice %arg18[%dma_wait3A] : memref<640xi32, #tpu.memory_space<vmem>> -> memref<80xi32, #tpu.memory_space<vmem>>
    %dma_wait3A_31 = arith.constant 0 : i32
    %dma_wait3A_32 = arith.constant 0 : i32
    %dma_wait3A_33 = tpu.memref_slice %arg8[%dma_wait3A_31, %dma_wait3A_32] : memref<5200x128xf32, #tpu.memory_space<hbm>> -> memref<5200x128xf32, #tpu.memory_space<hbm>>
    tpu.wait_indirect_dma semaphore(%arg25 : memref<!tpu.dma_semaphore, #tpu.memory_space<semaphore_mem>>) src(%dma_wait3A_33 : memref<5200x128xf32, #tpu.memory_space<hbm>>) dst(%arg20 : memref<80x128xf32, #tpu.memory_space<vmem>>)
    %dma_start3A_34 = arith.constant 0 : i32
    %dma_start3A_35 = tpu.memref_slice %arg19[%dma_start3A_34] : memref<640xi32, #tpu.memory_space<vmem>> -> memref<80xi32, #tpu.memory_space<vmem>>
    %dma_start3A_36 = arith.constant 0 : i32
    %dma_start3A_37 = arith.constant 0 : i32
    %dma_start3A_38 = tpu.memref_slice %arg24[%dma_start3A_36, %dma_start3A_37] : memref<5120x128xf32, #tpu.memory_space<vmem_shared>> -> memref<5120x128xf32, #tpu.memory_space<vmem_shared>>
    tpu.enqueue_indirect_dma source(%arg20 : memref<80x128xf32, #tpu.memory_space<vmem>>) target(%dma_start3A_38 : memref<5120x128xf32, #tpu.memory_space<vmem_shared>>) offsets(%dma_start3A_35 : memref<80xi32, #tpu.memory_space<vmem>>) semaphore(%arg27 : memref<!tpu.dma_semaphore, #tpu.memory_space<semaphore_mem>>) {add = true}
    "tpu.region"() ({
      %run_scoped3A = tpu.sem_alloc : memref<!tpu.dma_semaphore, #tpu.memory_space<semaphore_mem>>
      %dma_start3A_731 = arith.constant 0 : i32
      %dma_start3A_732 = tpu.memref_slice %arg19[%dma_start3A_731] : memref<640xi32, #tpu.memory_space<vmem>> -> memref<80xi32, #tpu.memory_space<vmem>>
      %dma_start3A_733 = arith.constant 0 : i32
      %dma_start3A_734 = arith.constant 0 : i32
      %dma_start3A_735 = tpu.memref_slice %arg29[%dma_start3A_733, %dma_start3A_734] : memref<5120x128xf32, #tpu.memory_space<vmem_shared>> -> memref<5120x128xf32, #tpu.memory_space<vmem_shared>>
      tpu.enqueue_indirect_dma source(%arg23 : memref<80x128xf32, #tpu.memory_space<vmem>>) target(%dma_start3A_735 : memref<5120x128xf32, #tpu.memory_space<vmem_shared>>) offsets(%dma_start3A_732 : memref<80xi32, #tpu.memory_space<vmem>>) semaphore(%run_scoped3A : memref<!tpu.dma_semaphore, #tpu.memory_space<semaphore_mem>>) {add = true}
      %dma_wait3A_736 = arith.constant 0 : i32
      %dma_wait3A_737 = tpu.memref_slice %arg19[%dma_wait3A_736] : memref<640xi32, #tpu.memory_space<vmem>> -> memref<80xi32, #tpu.memory_space<vmem>>
      %dma_wait3A_738 = arith.constant 0 : i32
      %dma_wait3A_739 = arith.constant 0 : i32
      %dma_wait3A_740 = tpu.memref_slice %arg29[%dma_wait3A_738, %dma_wait3A_739] : memref<5120x128xf32, #tpu.memory_space<vmem_shared>> -> memref<5120x128xf32, #tpu.memory_space<vmem_shared>>
      tpu.wait_indirect_dma semaphore(%run_scoped3A : memref<!tpu.dma_semaphore, #tpu.memory_space<semaphore_mem>>) src(%arg23 : memref<80x128xf32, #tpu.memory_space<vmem>>) dst(%dma_wait3A_740 : memref<5120x128xf32, #tpu.memory_space<vmem_shared>>)
      tpu.yield
    }) : () -> ()
    %dma_wait3A_39 = arith.constant 0 : i32
    %dma_wait3A_40 = tpu.memref_slice %arg19[%dma_wait3A_39] : memref<640xi32, #tpu.memory_space<vmem>> -> memref<80xi32, #tpu.memory_space<vmem>>
    %dma_wait3A_41 = arith.constant 0 : i32
    %dma_wait3A_42 = arith.constant 0 : i32
    %dma_wait3A_43 = tpu.memref_slice %arg24[%dma_wait3A_41, %dma_wait3A_42] : memref<5120x128xf32, #tpu.memory_space<vmem_shared>> -> memref<5120x128xf32, #tpu.memory_space<vmem_shared>>
    tpu.wait_indirect_dma semaphore(%arg27 : memref<!tpu.dma_semaphore, #tpu.memory_space<semaphore_mem>>) src(%arg20 : memref<80x128xf32, #tpu.memory_space<vmem>>) dst(%dma_wait3A_43 : memref<5120x128xf32, #tpu.memory_space<vmem_shared>>)
    %dma_start3A_44 = arith.constant 160 : i32
    %dma_start3A_45 = tpu.memref_slice %arg18[%dma_start3A_44] : memref<640xi32, #tpu.memory_space<vmem>> -> memref<80xi32, #tpu.memory_space<vmem>>
    %dma_start3A_46 = arith.constant 0 : i32
    %dma_start3A_47 = arith.constant 0 : i32
    %dma_start3A_48 = tpu.memref_slice %arg8[%dma_start3A_46, %dma_start3A_47] : memref<5200x128xf32, #tpu.memory_space<hbm>> -> memref<5200x128xf32, #tpu.memory_space<hbm>>
    tpu.enqueue_indirect_dma source(%dma_start3A_48 : memref<5200x128xf32, #tpu.memory_space<hbm>>) target(%arg20 : memref<80x128xf32, #tpu.memory_space<vmem>>) offsets(%dma_start3A_45 : memref<80xi32, #tpu.memory_space<vmem>>) semaphore(%arg25 : memref<!tpu.dma_semaphore, #tpu.memory_space<semaphore_mem>>)
    %dma_wait3A_49 = arith.constant 80 : i32
    %dma_wait3A_50 = tpu.memref_slice %arg18[%dma_wait3A_49] : memref<640xi32, #tpu.memory_space<vmem>> -> memref<80xi32, #tpu.memory_space<vmem>>
    %dma_wait3A_51 = arith.constant 0 : i32
    %dma_wait3A_52 = arith.constant 0 : i32
    %dma_wait3A_53 = tpu.memref_slice %arg8[%dma_wait3A_51, %dma_wait3A_52] : memref<5200x128xf32, #tpu.memory_space<hbm>> -> memref<5200x128xf32, #tpu.memory_space<hbm>>
    tpu.wait_indirect_dma semaphore(%arg26 : memref<!tpu.dma_semaphore, #tpu.memory_space<semaphore_mem>>) src(%dma_wait3A_53 : memref<5200x128xf32, #tpu.memory_space<hbm>>) dst(%arg21 : memref<80x128xf32, #tpu.memory_space<vmem>>)
    %dma_start3A_54 = arith.constant 80 : i32
    %dma_start3A_55 = tpu.memref_slice %arg19[%dma_start3A_54] : memref<640xi32, #tpu.memory_space<vmem>> -> memref<80xi32, #tpu.memory_space<vmem>>
    %dma_start3A_56 = arith.constant 0 : i32
    %dma_start3A_57 = arith.constant 0 : i32
    %dma_start3A_58 = tpu.memref_slice %arg24[%dma_start3A_56, %dma_start3A_57] : memref<5120x128xf32, #tpu.memory_space<vmem_shared>> -> memref<5120x128xf32, #tpu.memory_space<vmem_shared>>
    tpu.enqueue_indirect_dma source(%arg21 : memref<80x128xf32, #tpu.memory_space<vmem>>) target(%dma_start3A_58 : memref<5120x128xf32, #tpu.memory_space<vmem_shared>>) offsets(%dma_start3A_55 : memref<80xi32, #tpu.memory_space<vmem>>) semaphore(%arg28 : memref<!tpu.dma_semaphore, #tpu.memory_space<semaphore_mem>>) {add = true}
    "tpu.region"() ({
      %run_scoped3A = tpu.sem_alloc : memref<!tpu.dma_semaphore, #tpu.memory_space<semaphore_mem>>
      %dma_start3A_731 = arith.constant 80 : i32
      %dma_start3A_732 = tpu.memref_slice %arg19[%dma_start3A_731] : memref<640xi32, #tpu.memory_space<vmem>> -> memref<80xi32, #tpu.memory_space<vmem>>
      %dma_start3A_733 = arith.constant 0 : i32
      %dma_start3A_734 = arith.constant 0 : i32
      %dma_start3A_735 = tpu.memref_slice %arg29[%dma_start3A_733, %dma_start3A_734] : memref<5120x128xf32, #tpu.memory_space<vmem_shared>> -> memref<5120x128xf32, #tpu.memory_space<vmem_shared>>
      tpu.enqueue_indirect_dma source(%arg23 : memref<80x128xf32, #tpu.memory_space<vmem>>) target(%dma_start3A_735 : memref<5120x128xf32, #tpu.memory_space<vmem_shared>>) offsets(%dma_start3A_732 : memref<80xi32, #tpu.memory_space<vmem>>) semaphore(%run_scoped3A : memref<!tpu.dma_semaphore, #tpu.memory_space<semaphore_mem>>) {add = true}
      %dma_wait3A_736 = arith.constant 80 : i32
      %dma_wait3A_737 = tpu.memref_slice %arg19[%dma_wait3A_736] : memref<640xi32, #tpu.memory_space<vmem>> -> memref<80xi32, #tpu.memory_space<vmem>>
      %dma_wait3A_738 = arith.constant 0 : i32
      %dma_wait3A_739 = arith.constant 0 : i32
      %dma_wait3A_740 = tpu.memref_slice %arg29[%dma_wait3A_738, %dma_wait3A_739] : memref<5120x128xf32, #tpu.memory_space<vmem_shared>> -> memref<5120x128xf32, #tpu.memory_space<vmem_shared>>
      tpu.wait_indirect_dma semaphore(%run_scoped3A : memref<!tpu.dma_semaphore, #tpu.memory_space<semaphore_mem>>) src(%arg23 : memref<80x128xf32, #tpu.memory_space<vmem>>) dst(%dma_wait3A_740 : memref<5120x128xf32, #tpu.memory_space<vmem_shared>>)
      tpu.yield
    }) : () -> ()
    %dma_wait3A_59 = arith.constant 80 : i32
    %dma_wait3A_60 = tpu.memref_slice %arg19[%dma_wait3A_59] : memref<640xi32, #tpu.memory_space<vmem>> -> memref<80xi32, #tpu.memory_space<vmem>>
    %dma_wait3A_61 = arith.constant 0 : i32
    %dma_wait3A_62 = arith.constant 0 : i32
    %dma_wait3A_63 = tpu.memref_slice %arg24[%dma_wait3A_61, %dma_wait3A_62] : memref<5120x128xf32, #tpu.memory_space<vmem_shared>> -> memref<5120x128xf32, #tpu.memory_space<vmem_shared>>
    tpu.wait_indirect_dma semaphore(%arg28 : memref<!tpu.dma_semaphore, #tpu.memory_space<semaphore_mem>>) src(%arg21 : memref<80x128xf32, #tpu.memory_space<vmem>>) dst(%dma_wait3A_63 : memref<5120x128xf32, #tpu.memory_space<vmem_shared>>)
    %dma_start3A_64 = arith.constant 240 : i32
    %dma_start3A_65 = tpu.memref_slice %arg18[%dma_start3A_64] : memref<640xi32, #tpu.memory_space<vmem>> -> memref<80xi32, #tpu.memory_space<vmem>>
    %dma_start3A_66 = arith.constant 0 : i32
    %dma_start3A_67 = arith.constant 0 : i32
    %dma_start3A_68 = tpu.memref_slice %arg8[%dma_start3A_66, %dma_start3A_67] : memref<5200x128xf32, #tpu.memory_space<hbm>> -> memref<5200x128xf32, #tpu.memory_space<hbm>>
    tpu.enqueue_indirect_dma source(%dma_start3A_68 : memref<5200x128xf32, #tpu.memory_space<hbm>>) target(%arg21 : memref<80x128xf32, #tpu.memory_space<vmem>>) offsets(%dma_start3A_65 : memref<80xi32, #tpu.memory_space<vmem>>) semaphore(%arg26 : memref<!tpu.dma_semaphore, #tpu.memory_space<semaphore_mem>>)
    %dma_wait3A_69 = arith.constant 160 : i32
    %dma_wait3A_70 = tpu.memref_slice %arg18[%dma_wait3A_69] : memref<640xi32, #tpu.memory_space<vmem>> -> memref<80xi32, #tpu.memory_space<vmem>>
    %dma_wait3A_71 = arith.constant 0 : i32
    %dma_wait3A_72 = arith.constant 0 : i32
    %dma_wait3A_73 = tpu.memref_slice %arg8[%dma_wait3A_71, %dma_wait3A_72] : memref<5200x128xf32, #tpu.memory_space<hbm>> -> memref<5200x128xf32, #tpu.memory_space<hbm>>
    tpu.wait_indirect_dma semaphore(%arg25 : memref<!tpu.dma_semaphore, #tpu.memory_space<semaphore_mem>>) src(%dma_wait3A_73 : memref<5200x128xf32, #tpu.memory_space<hbm>>) dst(%arg20 : memref<80x128xf32, #tpu.memory_space<vmem>>)
    %dma_start3A_74 = arith.constant 160 : i32
    %dma_start3A_75 = tpu.memref_slice %arg19[%dma_start3A_74] : memref<640xi32, #tpu.memory_space<vmem>> -> memref<80xi32, #tpu.memory_space<vmem>>
    %dma_start3A_76 = arith.constant 0 : i32
    %dma_start3A_77 = arith.constant 0 : i32
    %dma_start3A_78 = tpu.memref_slice %arg24[%dma_start3A_76, %dma_start3A_77] : memref<5120x128xf32, #tpu.memory_space<vmem_shared>> -> memref<5120x128xf32, #tpu.memory_space<vmem_shared>>
    tpu.enqueue_indirect_dma source(%arg20 : memref<80x128xf32, #tpu.memory_space<vmem>>) target(%dma_start3A_78 : memref<5120x128xf32, #tpu.memory_space<vmem_shared>>) offsets(%dma_start3A_75 : memref<80xi32, #tpu.memory_space<vmem>>) semaphore(%arg27 : memref<!tpu.dma_semaphore, #tpu.memory_space<semaphore_mem>>) {add = true}
    "tpu.region"() ({
      %run_scoped3A = tpu.sem_alloc : memref<!tpu.dma_semaphore, #tpu.memory_space<semaphore_mem>>
      %dma_start3A_731 = arith.constant 160 : i32
      %dma_start3A_732 = tpu.memref_slice %arg19[%dma_start3A_731] : memref<640xi32, #tpu.memory_space<vmem>> -> memref<80xi32, #tpu.memory_space<vmem>>
      %dma_start3A_733 = arith.constant 0 : i32
      %dma_start3A_734 = arith.constant 0 : i32
      %dma_start3A_735 = tpu.memref_slice %arg29[%dma_start3A_733, %dma_start3A_734] : memref<5120x128xf32, #tpu.memory_space<vmem_shared>> -> memref<5120x128xf32, #tpu.memory_space<vmem_shared>>
      tpu.enqueue_indirect_dma source(%arg23 : memref<80x128xf32, #tpu.memory_space<vmem>>) target(%dma_start3A_735 : memref<5120x128xf32, #tpu.memory_space<vmem_shared>>) offsets(%dma_start3A_732 : memref<80xi32, #tpu.memory_space<vmem>>) semaphore(%run_scoped3A : memref<!tpu.dma_semaphore, #tpu.memory_space<semaphore_mem>>) {add = true}
      %dma_wait3A_736 = arith.constant 160 : i32
      %dma_wait3A_737 = tpu.memref_slice %arg19[%dma_wait3A_736] : memref<640xi32, #tpu.memory_space<vmem>> -> memref<80xi32, #tpu.memory_space<vmem>>
      %dma_wait3A_738 = arith.constant 0 : i32
      %dma_wait3A_739 = arith.constant 0 : i32
      %dma_wait3A_740 = tpu.memref_slice %arg29[%dma_wait3A_738, %dma_wait3A_739] : memref<5120x128xf32, #tpu.memory_space<vmem_shared>> -> memref<5120x128xf32, #tpu.memory_space<vmem_shared>>
      tpu.wait_indirect_dma semaphore(%run_scoped3A : memref<!tpu.dma_semaphore, #tpu.memory_space<semaphore_mem>>) src(%arg23 : memref<80x128xf32, #tpu.memory_space<vmem>>) dst(%dma_wait3A_740 : memref<5120x128xf32, #tpu.memory_space<vmem_shared>>)
      tpu.yield
    }) : () -> ()
    %dma_wait3A_79 = arith.constant 160 : i32
    %dma_wait3A_80 = tpu.memref_slice %arg19[%dma_wait3A_79] : memref<640xi32, #tpu.memory_space<vmem>> -> memref<80xi32, #tpu.memory_space<vmem>>
    %dma_wait3A_81 = arith.constant 0 : i32
    %dma_wait3A_82 = arith.constant 0 : i32
    %dma_wait3A_83 = tpu.memref_slice %arg24[%dma_wait3A_81, %dma_wait3A_82] : memref<5120x128xf32, #tpu.memory_space<vmem_shared>> -> memref<5120x128xf32, #tpu.memory_space<vmem_shared>>
    tpu.wait_indirect_dma semaphore(%arg27 : memref<!tpu.dma_semaphore, #tpu.memory_space<semaphore_mem>>) src(%arg20 : memref<80x128xf32, #tpu.memory_space<vmem>>) dst(%dma_wait3A_83 : memref<5120x128xf32, #tpu.memory_space<vmem_shared>>)
    %dma_start3A_84 = arith.constant 320 : i32
    %dma_start3A_85 = tpu.memref_slice %arg18[%dma_start3A_84] : memref<640xi32, #tpu.memory_space<vmem>> -> memref<80xi32, #tpu.memory_space<vmem>>
    %dma_start3A_86 = arith.constant 0 : i32
    %dma_start3A_87 = arith.constant 0 : i32
    %dma_start3A_88 = tpu.memref_slice %arg8[%dma_start3A_86, %dma_start3A_87] : memref<5200x128xf32, #tpu.memory_space<hbm>> -> memref<5200x128xf32, #tpu.memory_space<hbm>>
    tpu.enqueue_indirect_dma source(%dma_start3A_88 : memref<5200x128xf32, #tpu.memory_space<hbm>>) target(%arg20 : memref<80x128xf32, #tpu.memory_space<vmem>>) offsets(%dma_start3A_85 : memref<80xi32, #tpu.memory_space<vmem>>) semaphore(%arg25 : memref<!tpu.dma_semaphore, #tpu.memory_space<semaphore_mem>>)
    %dma_wait3A_89 = arith.constant 240 : i32
    %dma_wait3A_90 = tpu.memref_slice %arg18[%dma_wait3A_89] : memref<640xi32, #tpu.memory_space<vmem>> -> memref<80xi32, #tpu.memory_space<vmem>>
    %dma_wait3A_91 = arith.constant 0 : i32
    %dma_wait3A_92 = arith.constant 0 : i32
    %dma_wait3A_93 = tpu.memref_slice %arg8[%dma_wait3A_91, %dma_wait3A_92] : memref<5200x128xf32, #tpu.memory_space<hbm>> -> memref<5200x128xf32, #tpu.memory_space<hbm>>
    tpu.wait_indirect_dma semaphore(%arg26 : memref<!tpu.dma_semaphore, #tpu.memory_space<semaphore_mem>>) src(%dma_wait3A_93 : memref<5200x128xf32, #tpu.memory_space<hbm>>) dst(%arg21 : memref<80x128xf32, #tpu.memory_space<vmem>>)
    %dma_start3A_94 = arith.constant 240 : i32
    %dma_start3A_95 = tpu.memref_slice %arg19[%dma_start3A_94] : memref<640xi32, #tpu.memory_space<vmem>> -> memref<80xi32, #tpu.memory_space<vmem>>
    %dma_start3A_96 = arith.constant 0 : i32
    %dma_start3A_97 = arith.constant 0 : i32
    %dma_start3A_98 = tpu.memref_slice %arg24[%dma_start3A_96, %dma_start3A_97] : memref<5120x128xf32, #tpu.memory_space<vmem_shared>> -> memref<5120x128xf32, #tpu.memory_space<vmem_shared>>
    tpu.enqueue_indirect_dma source(%arg21 : memref<80x128xf32, #tpu.memory_space<vmem>>) target(%dma_start3A_98 : memref<5120x128xf32, #tpu.memory_space<vmem_shared>>) offsets(%dma_start3A_95 : memref<80xi32, #tpu.memory_space<vmem>>) semaphore(%arg28 : memref<!tpu.dma_semaphore, #tpu.memory_space<semaphore_mem>>) {add = true}
    "tpu.region"() ({
      %run_scoped3A = tpu.sem_alloc : memref<!tpu.dma_semaphore, #tpu.memory_space<semaphore_mem>>
      %dma_start3A_731 = arith.constant 240 : i32
      %dma_start3A_732 = tpu.memref_slice %arg19[%dma_start3A_731] : memref<640xi32, #tpu.memory_space<vmem>> -> memref<80xi32, #tpu.memory_space<vmem>>
      %dma_start3A_733 = arith.constant 0 : i32
      %dma_start3A_734 = arith.constant 0 : i32
      %dma_start3A_735 = tpu.memref_slice %arg29[%dma_start3A_733, %dma_start3A_734] : memref<5120x128xf32, #tpu.memory_space<vmem_shared>> -> memref<5120x128xf32, #tpu.memory_space<vmem_shared>>
      tpu.enqueue_indirect_dma source(%arg23 : memref<80x128xf32, #tpu.memory_space<vmem>>) target(%dma_start3A_735 : memref<5120x128xf32, #tpu.memory_space<vmem_shared>>) offsets(%dma_start3A_732 : memref<80xi32, #tpu.memory_space<vmem>>) semaphore(%run_scoped3A : memref<!tpu.dma_semaphore, #tpu.memory_space<semaphore_mem>>) {add = true}
      %dma_wait3A_736 = arith.constant 240 : i32
      %dma_wait3A_737 = tpu.memref_slice %arg19[%dma_wait3A_736] : memref<640xi32, #tpu.memory_space<vmem>> -> memref<80xi32, #tpu.memory_space<vmem>>
      %dma_wait3A_738 = arith.constant 0 : i32
      %dma_wait3A_739 = arith.constant 0 : i32
      %dma_wait3A_740 = tpu.memref_slice %arg29[%dma_wait3A_738, %dma_wait3A_739] : memref<5120x128xf32, #tpu.memory_space<vmem_shared>> -> memref<5120x128xf32, #tpu.memory_space<vmem_shared>>
      tpu.wait_indirect_dma semaphore(%run_scoped3A : memref<!tpu.dma_semaphore, #tpu.memory_space<semaphore_mem>>) src(%arg23 : memref<80x128xf32, #tpu.memory_space<vmem>>) dst(%dma_wait3A_740 : memref<5120x128xf32, #tpu.memory_space<vmem_shared>>)
      tpu.yield
    }) : () -> ()
    %dma_wait3A_99 = arith.constant 240 : i32
    %dma_wait3A_100 = tpu.memref_slice %arg19[%dma_wait3A_99] : memref<640xi32, #tpu.memory_space<vmem>> -> memref<80xi32, #tpu.memory_space<vmem>>
    %dma_wait3A_101 = arith.constant 0 : i32
    %dma_wait3A_102 = arith.constant 0 : i32
    %dma_wait3A_103 = tpu.memref_slice %arg24[%dma_wait3A_101, %dma_wait3A_102] : memref<5120x128xf32, #tpu.memory_space<vmem_shared>> -> memref<5120x128xf32, #tpu.memory_space<vmem_shared>>
    tpu.wait_indirect_dma semaphore(%arg28 : memref<!tpu.dma_semaphore, #tpu.memory_space<semaphore_mem>>) src(%arg21 : memref<80x128xf32, #tpu.memory_space<vmem>>) dst(%dma_wait3A_103 : memref<5120x128xf32, #tpu.memory_space<vmem_shared>>)
    %dma_start3A_104 = arith.constant 400 : i32
    %dma_start3A_105 = tpu.memref_slice %arg18[%dma_start3A_104] : memref<640xi32, #tpu.memory_space<vmem>> -> memref<80xi32, #tpu.memory_space<vmem>>
    %dma_start3A_106 = arith.constant 0 : i32
    %dma_start3A_107 = arith.constant 0 : i32
    %dma_start3A_108 = tpu.memref_slice %arg8[%dma_start3A_106, %dma_start3A_107] : memref<5200x128xf32, #tpu.memory_space<hbm>> -> memref<5200x128xf32, #tpu.memory_space<hbm>>
    tpu.enqueue_indirect_dma source(%dma_start3A_108 : memref<5200x128xf32, #tpu.memory_space<hbm>>) target(%arg21 : memref<80x128xf32, #tpu.memory_space<vmem>>) offsets(%dma_start3A_105 : memref<80xi32, #tpu.memory_space<vmem>>) semaphore(%arg26 : memref<!tpu.dma_semaphore, #tpu.memory_space<semaphore_mem>>)
    %dma_wait3A_109 = arith.constant 320 : i32
    %dma_wait3A_110 = tpu.memref_slice %arg18[%dma_wait3A_109] : memref<640xi32, #tpu.memory_space<vmem>> -> memref<80xi32, #tpu.memory_space<vmem>>
    %dma_wait3A_111 = arith.constant 0 : i32
    %dma_wait3A_112 = arith.constant 0 : i32
    %dma_wait3A_113 = tpu.memref_slice %arg8[%dma_wait3A_111, %dma_wait3A_112] : memref<5200x128xf32, #tpu.memory_space<hbm>> -> memref<5200x128xf32, #tpu.memory_space<hbm>>
    tpu.wait_indirect_dma semaphore(%arg25 : memref<!tpu.dma_semaphore, #tpu.memory_space<semaphore_mem>>) src(%dma_wait3A_113 : memref<5200x128xf32, #tpu.memory_space<hbm>>) dst(%arg20 : memref<80x128xf32, #tpu.memory_space<vmem>>)
    %dma_start3A_114 = arith.constant 320 : i32
    %dma_start3A_115 = tpu.memref_slice %arg19[%dma_start3A_114] : memref<640xi32, #tpu.memory_space<vmem>> -> memref<80xi32, #tpu.memory_space<vmem>>
    %dma_start3A_116 = arith.constant 0 : i32
    %dma_start3A_117 = arith.constant 0 : i32
    %dma_start3A_118 = tpu.memref_slice %arg24[%dma_start3A_116, %dma_start3A_117] : memref<5120x128xf32, #tpu.memory_space<vmem_shared>> -> memref<5120x128xf32, #tpu.memory_space<vmem_shared>>
    tpu.enqueue_indirect_dma source(%arg20 : memref<80x128xf32, #tpu.memory_space<vmem>>) target(%dma_start3A_118 : memref<5120x128xf32, #tpu.memory_space<vmem_shared>>) offsets(%dma_start3A_115 : memref<80xi32, #tpu.memory_space<vmem>>) semaphore(%arg27 : memref<!tpu.dma_semaphore, #tpu.memory_space<semaphore_mem>>) {add = true}
    "tpu.region"() ({
      %run_scoped3A = tpu.sem_alloc : memref<!tpu.dma_semaphore, #tpu.memory_space<semaphore_mem>>
      %dma_start3A_731 = arith.constant 320 : i32
      %dma_start3A_732 = tpu.memref_slice %arg19[%dma_start3A_731] : memref<640xi32, #tpu.memory_space<vmem>> -> memref<80xi32, #tpu.memory_space<vmem>>
      %dma_start3A_733 = arith.constant 0 : i32
      %dma_start3A_734 = arith.constant 0 : i32
      %dma_start3A_735 = tpu.memref_slice %arg29[%dma_start3A_733, %dma_start3A_734] : memref<5120x128xf32, #tpu.memory_space<vmem_shared>> -> memref<5120x128xf32, #tpu.memory_space<vmem_shared>>
      tpu.enqueue_indirect_dma source(%arg23 : memref<80x128xf32, #tpu.memory_space<vmem>>) target(%dma_start3A_735 : memref<5120x128xf32, #tpu.memory_space<vmem_shared>>) offsets(%dma_start3A_732 : memref<80xi32, #tpu.memory_space<vmem>>) semaphore(%run_scoped3A : memref<!tpu.dma_semaphore, #tpu.memory_space<semaphore_mem>>) {add = true}
      %dma_wait3A_736 = arith.constant 320 : i32
      %dma_wait3A_737 = tpu.memref_slice %arg19[%dma_wait3A_736] : memref<640xi32, #tpu.memory_space<vmem>> -> memref<80xi32, #tpu.memory_space<vmem>>
      %dma_wait3A_738 = arith.constant 0 : i32
      %dma_wait3A_739 = arith.constant 0 : i32
      %dma_wait3A_740 = tpu.memref_slice %arg29[%dma_wait3A_738, %dma_wait3A_739] : memref<5120x128xf32, #tpu.memory_space<vmem_shared>> -> memref<5120x128xf32, #tpu.memory_space<vmem_shared>>
      tpu.wait_indirect_dma semaphore(%run_scoped3A : memref<!tpu.dma_semaphore, #tpu.memory_space<semaphore_mem>>) src(%arg23 : memref<80x128xf32, #tpu.memory_space<vmem>>) dst(%dma_wait3A_740 : memref<5120x128xf32, #tpu.memory_space<vmem_shared>>)
      tpu.yield
    }) : () -> ()
    %dma_wait3A_119 = arith.constant 320 : i32
    %dma_wait3A_120 = tpu.memref_slice %arg19[%dma_wait3A_119] : memref<640xi32, #tpu.memory_space<vmem>> -> memref<80xi32, #tpu.memory_space<vmem>>
    %dma_wait3A_121 = arith.constant 0 : i32
    %dma_wait3A_122 = arith.constant 0 : i32
    %dma_wait3A_123 = tpu.memref_slice %arg24[%dma_wait3A_121, %dma_wait3A_122] : memref<5120x128xf32, #tpu.memory_space<vmem_shared>> -> memref<5120x128xf32, #tpu.memory_space<vmem_shared>>
    tpu.wait_indirect_dma semaphore(%arg27 : memref<!tpu.dma_semaphore, #tpu.memory_space<semaphore_mem>>) src(%arg20 : memref<80x128xf32, #tpu.memory_space<vmem>>) dst(%dma_wait3A_123 : memref<5120x128xf32, #tpu.memory_space<vmem_shared>>)
    %dma_start3A_124 = arith.constant 480 : i32
    %dma_start3A_125 = tpu.memref_slice %arg18[%dma_start3A_124] : memref<640xi32, #tpu.memory_space<vmem>> -> memref<80xi32, #tpu.memory_space<vmem>>
    %dma_start3A_126 = arith.constant 0 : i32
    %dma_start3A_127 = arith.constant 0 : i32
    %dma_start3A_128 = tpu.memref_slice %arg8[%dma_start3A_126, %dma_start3A_127] : memref<5200x128xf32, #tpu.memory_space<hbm>> -> memref<5200x128xf32, #tpu.memory_space<hbm>>
    tpu.enqueue_indirect_dma source(%dma_start3A_128 : memref<5200x128xf32, #tpu.memory_space<hbm>>) target(%arg20 : memref<80x128xf32, #tpu.memory_space<vmem>>) offsets(%dma_start3A_125 : memref<80xi32, #tpu.memory_space<vmem>>) semaphore(%arg25 : memref<!tpu.dma_semaphore, #tpu.memory_space<semaphore_mem>>)
    %dma_wait3A_129 = arith.constant 400 : i32
    %dma_wait3A_130 = tpu.memref_slice %arg18[%dma_wait3A_129] : memref<640xi32, #tpu.memory_space<vmem>> -> memref<80xi32, #tpu.memory_space<vmem>>
    %dma_wait3A_131 = arith.constant 0 : i32
    %dma_wait3A_132 = arith.constant 0 : i32
    %dma_wait3A_133 = tpu.memref_slice %arg8[%dma_wait3A_131, %dma_wait3A_132] : memref<5200x128xf32, #tpu.memory_space<hbm>> -> memref<5200x128xf32, #tpu.memory_space<hbm>>
    tpu.wait_indirect_dma semaphore(%arg26 : memref<!tpu.dma_semaphore, #tpu.memory_space<semaphore_mem>>) src(%dma_wait3A_133 : memref<5200x128xf32, #tpu.memory_space<hbm>>) dst(%arg21 : memref<80x128xf32, #tpu.memory_space<vmem>>)
    %dma_start3A_134 = arith.constant 400 : i32
    %dma_start3A_135 = tpu.memref_slice %arg19[%dma_start3A_134] : memref<640xi32, #tpu.memory_space<vmem>> -> memref<80xi32, #tpu.memory_space<vmem>>
    %dma_start3A_136 = arith.constant 0 : i32
    %dma_start3A_137 = arith.constant 0 : i32
    %dma_start3A_138 = tpu.memref_slice %arg24[%dma_start3A_136, %dma_start3A_137] : memref<5120x128xf32, #tpu.memory_space<vmem_shared>> -> memref<5120x128xf32, #tpu.memory_space<vmem_shared>>
    tpu.enqueue_indirect_dma source(%arg21 : memref<80x128xf32, #tpu.memory_space<vmem>>) target(%dma_start3A_138 : memref<5120x128xf32, #tpu.memory_space<vmem_shared>>) offsets(%dma_start3A_135 : memref<80xi32, #tpu.memory_space<vmem>>) semaphore(%arg28 : memref<!tpu.dma_semaphore, #tpu.memory_space<semaphore_mem>>) {add = true}
    "tpu.region"() ({
      %run_scoped3A = tpu.sem_alloc : memref<!tpu.dma_semaphore, #tpu.memory_space<semaphore_mem>>
      %dma_start3A_731 = arith.constant 400 : i32
      %dma_start3A_732 = tpu.memref_slice %arg19[%dma_start3A_731] : memref<640xi32, #tpu.memory_space<vmem>> -> memref<80xi32, #tpu.memory_space<vmem>>
      %dma_start3A_733 = arith.constant 0 : i32
      %dma_start3A_734 = arith.constant 0 : i32
      %dma_start3A_735 = tpu.memref_slice %arg29[%dma_start3A_733, %dma_start3A_734] : memref<5120x128xf32, #tpu.memory_space<vmem_shared>> -> memref<5120x128xf32, #tpu.memory_space<vmem_shared>>
      tpu.enqueue_indirect_dma source(%arg23 : memref<80x128xf32, #tpu.memory_space<vmem>>) target(%dma_start3A_735 : memref<5120x128xf32, #tpu.memory_space<vmem_shared>>) offsets(%dma_start3A_732 : memref<80xi32, #tpu.memory_space<vmem>>) semaphore(%run_scoped3A : memref<!tpu.dma_semaphore, #tpu.memory_space<semaphore_mem>>) {add = true}
      %dma_wait3A_736 = arith.constant 400 : i32
      %dma_wait3A_737 = tpu.memref_slice %arg19[%dma_wait3A_736] : memref<640xi32, #tpu.memory_space<vmem>> -> memref<80xi32, #tpu.memory_space<vmem>>
      %dma_wait3A_738 = arith.constant 0 : i32
      %dma_wait3A_739 = arith.constant 0 : i32
      %dma_wait3A_740 = tpu.memref_slice %arg29[%dma_wait3A_738, %dma_wait3A_739] : memref<5120x128xf32, #tpu.memory_space<vmem_shared>> -> memref<5120x128xf32, #tpu.memory_space<vmem_shared>>
      tpu.wait_indirect_dma semaphore(%run_scoped3A : memref<!tpu.dma_semaphore, #tpu.memory_space<semaphore_mem>>) src(%arg23 : memref<80x128xf32, #tpu.memory_space<vmem>>) dst(%dma_wait3A_740 : memref<5120x128xf32, #tpu.memory_space<vmem_shared>>)
      tpu.yield
    }) : () -> ()
    %dma_wait3A_139 = arith.constant 400 : i32
    %dma_wait3A_140 = tpu.memref_slice %arg19[%dma_wait3A_139] : memref<640xi32, #tpu.memory_space<vmem>> -> memref<80xi32, #tpu.memory_space<vmem>>
    %dma_wait3A_141 = arith.constant 0 : i32
    %dma_wait3A_142 = arith.constant 0 : i32
    %dma_wait3A_143 = tpu.memref_slice %arg24[%dma_wait3A_141, %dma_wait3A_142] : memref<5120x128xf32, #tpu.memory_space<vmem_shared>> -> memref<5120x128xf32, #tpu.memory_space<vmem_shared>>
    tpu.wait_indirect_dma semaphore(%arg28 : memref<!tpu.dma_semaphore, #tpu.memory_space<semaphore_mem>>) src(%arg21 : memref<80x128xf32, #tpu.memory_space<vmem>>) dst(%dma_wait3A_143 : memref<5120x128xf32, #tpu.memory_space<vmem_shared>>)
    %dma_start3A_144 = arith.constant 560 : i32
    %dma_start3A_145 = tpu.memref_slice %arg18[%dma_start3A_144] : memref<640xi32, #tpu.memory_space<vmem>> -> memref<80xi32, #tpu.memory_space<vmem>>
    %dma_start3A_146 = arith.constant 0 : i32
    %dma_start3A_147 = arith.constant 0 : i32
    %dma_start3A_148 = tpu.memref_slice %arg8[%dma_start3A_146, %dma_start3A_147] : memref<5200x128xf32, #tpu.memory_space<hbm>> -> memref<5200x128xf32, #tpu.memory_space<hbm>>
    tpu.enqueue_indirect_dma source(%dma_start3A_148 : memref<5200x128xf32, #tpu.memory_space<hbm>>) target(%arg21 : memref<80x128xf32, #tpu.memory_space<vmem>>) offsets(%dma_start3A_145 : memref<80xi32, #tpu.memory_space<vmem>>) semaphore(%arg26 : memref<!tpu.dma_semaphore, #tpu.memory_space<semaphore_mem>>)
    %dma_wait3A_149 = arith.constant 480 : i32
    %dma_wait3A_150 = tpu.memref_slice %arg18[%dma_wait3A_149] : memref<640xi32, #tpu.memory_space<vmem>> -> memref<80xi32, #tpu.memory_space<vmem>>
    %dma_wait3A_151 = arith.constant 0 : i32
    %dma_wait3A_152 = arith.constant 0 : i32
    %dma_wait3A_153 = tpu.memref_slice %arg8[%dma_wait3A_151, %dma_wait3A_152] : memref<5200x128xf32, #tpu.memory_space<hbm>> -> memref<5200x128xf32, #tpu.memory_space<hbm>>
    tpu.wait_indirect_dma semaphore(%arg25 : memref<!tpu.dma_semaphore, #tpu.memory_space<semaphore_mem>>) src(%dma_wait3A_153 : memref<5200x128xf32, #tpu.memory_space<hbm>>) dst(%arg20 : memref<80x128xf32, #tpu.memory_space<vmem>>)
    %dma_start3A_154 = arith.constant 480 : i32
    %dma_start3A_155 = tpu.memref_slice %arg19[%dma_start3A_154] : memref<640xi32, #tpu.memory_space<vmem>> -> memref<80xi32, #tpu.memory_space<vmem>>
    %dma_start3A_156 = arith.constant 0 : i32
    %dma_start3A_157 = arith.constant 0 : i32
    %dma_start3A_158 = tpu.memref_slice %arg24[%dma_start3A_156, %dma_start3A_157] : memref<5120x128xf32, #tpu.memory_space<vmem_shared>> -> memref<5120x128xf32, #tpu.memory_space<vmem_shared>>
    tpu.enqueue_indirect_dma source(%arg20 : memref<80x128xf32, #tpu.memory_space<vmem>>) target(%dma_start3A_158 : memref<5120x128xf32, #tpu.memory_space<vmem_shared>>) offsets(%dma_start3A_155 : memref<80xi32, #tpu.memory_space<vmem>>) semaphore(%arg27 : memref<!tpu.dma_semaphore, #tpu.memory_space<semaphore_mem>>) {add = true}
    "tpu.region"() ({
      %run_scoped3A = tpu.sem_alloc : memref<!tpu.dma_semaphore, #tpu.memory_space<semaphore_mem>>
      %dma_start3A_731 = arith.constant 480 : i32
      %dma_start3A_732 = tpu.memref_slice %arg19[%dma_start3A_731] : memref<640xi32, #tpu.memory_space<vmem>> -> memref<80xi32, #tpu.memory_space<vmem>>
      %dma_start3A_733 = arith.constant 0 : i32
      %dma_start3A_734 = arith.constant 0 : i32
      %dma_start3A_735 = tpu.memref_slice %arg29[%dma_start3A_733, %dma_start3A_734] : memref<5120x128xf32, #tpu.memory_space<vmem_shared>> -> memref<5120x128xf32, #tpu.memory_space<vmem_shared>>
      tpu.enqueue_indirect_dma source(%arg23 : memref<80x128xf32, #tpu.memory_space<vmem>>) target(%dma_start3A_735 : memref<5120x128xf32, #tpu.memory_space<vmem_shared>>) offsets(%dma_start3A_732 : memref<80xi32, #tpu.memory_space<vmem>>) semaphore(%run_scoped3A : memref<!tpu.dma_semaphore, #tpu.memory_space<semaphore_mem>>) {add = true}
      %dma_wait3A_736 = arith.constant 480 : i32
      %dma_wait3A_737 = tpu.memref_slice %arg19[%dma_wait3A_736] : memref<640xi32, #tpu.memory_space<vmem>> -> memref<80xi32, #tpu.memory_space<vmem>>
      %dma_wait3A_738 = arith.constant 0 : i32
      %dma_wait3A_739 = arith.constant 0 : i32
      %dma_wait3A_740 = tpu.memref_slice %arg29[%dma_wait3A_738, %dma_wait3A_739] : memref<5120x128xf32, #tpu.memory_space<vmem_shared>> -> memref<5120x128xf32, #tpu.memory_space<vmem_shared>>
      tpu.wait_indirect_dma semaphore(%run_scoped3A : memref<!tpu.dma_semaphore, #tpu.memory_space<semaphore_mem>>) src(%arg23 : memref<80x128xf32, #tpu.memory_space<vmem>>) dst(%dma_wait3A_740 : memref<5120x128xf32, #tpu.memory_space<vmem_shared>>)
      tpu.yield
    }) : () -> ()
    %dma_wait3A_159 = arith.constant 560 : i32
    %dma_wait3A_160 = tpu.memref_slice %arg18[%dma_wait3A_159] : memref<640xi32, #tpu.memory_space<vmem>> -> memref<80xi32, #tpu.memory_space<vmem>>
    %dma_wait3A_161 = arith.constant 0 : i32
    %dma_wait3A_162 = arith.constant 0 : i32
    %dma_wait3A_163 = tpu.memref_slice %arg8[%dma_wait3A_161, %dma_wait3A_162] : memref<5200x128xf32, #tpu.memory_space<hbm>> -> memref<5200x128xf32, #tpu.memory_space<hbm>>
    tpu.wait_indirect_dma semaphore(%arg26 : memref<!tpu.dma_semaphore, #tpu.memory_space<semaphore_mem>>) src(%dma_wait3A_163 : memref<5200x128xf32, #tpu.memory_space<hbm>>) dst(%arg21 : memref<80x128xf32, #tpu.memory_space<vmem>>)
    %dma_start3A_164 = arith.constant 560 : i32
    %dma_start3A_165 = tpu.memref_slice %arg19[%dma_start3A_164] : memref<640xi32, #tpu.memory_space<vmem>> -> memref<80xi32, #tpu.memory_space<vmem>>
    %dma_start3A_166 = arith.constant 0 : i32
    %dma_start3A_167 = arith.constant 0 : i32
    %dma_start3A_168 = tpu.memref_slice %arg24[%dma_start3A_166, %dma_start3A_167] : memref<5120x128xf32, #tpu.memory_space<vmem_shared>> -> memref<5120x128xf32, #tpu.memory_space<vmem_shared>>
    tpu.enqueue_indirect_dma source(%arg21 : memref<80x128xf32, #tpu.memory_space<vmem>>) target(%dma_start3A_168 : memref<5120x128xf32, #tpu.memory_space<vmem_shared>>) offsets(%dma_start3A_165 : memref<80xi32, #tpu.memory_space<vmem>>) semaphore(%arg28 : memref<!tpu.dma_semaphore, #tpu.memory_space<semaphore_mem>>) {add = true}
    "tpu.region"() ({
      %run_scoped3A = tpu.sem_alloc : memref<!tpu.dma_semaphore, #tpu.memory_space<semaphore_mem>>
      %dma_start3A_731 = arith.constant 560 : i32
      %dma_start3A_732 = tpu.memref_slice %arg19[%dma_start3A_731] : memref<640xi32, #tpu.memory_space<vmem>> -> memref<80xi32, #tpu.memory_space<vmem>>
      %dma_start3A_733 = arith.constant 0 : i32
      %dma_start3A_734 = arith.constant 0 : i32
      %dma_start3A_735 = tpu.memref_slice %arg29[%dma_start3A_733, %dma_start3A_734] : memref<5120x128xf32, #tpu.memory_space<vmem_shared>> -> memref<5120x128xf32, #tpu.memory_space<vmem_shared>>
      tpu.enqueue_indirect_dma source(%arg23 : memref<80x128xf32, #tpu.memory_space<vmem>>) target(%dma_start3A_735 : memref<5120x128xf32, #tpu.memory_space<vmem_shared>>) offsets(%dma_start3A_732 : memref<80xi32, #tpu.memory_space<vmem>>) semaphore(%run_scoped3A : memref<!tpu.dma_semaphore, #tpu.memory_space<semaphore_mem>>) {add = true}
      %dma_wait3A_736 = arith.constant 560 : i32
      %dma_wait3A_737 = tpu.memref_slice %arg19[%dma_wait3A_736] : memref<640xi32, #tpu.memory_space<vmem>> -> memref<80xi32, #tpu.memory_space<vmem>>
      %dma_wait3A_738 = arith.constant 0 : i32
      %dma_wait3A_739 = arith.constant 0 : i32
      %dma_wait3A_740 = tpu.memref_slice %arg29[%dma_wait3A_738, %dma_wait3A_739] : memref<5120x128xf32, #tpu.memory_space<vmem_shared>> -> memref<5120x128xf32, #tpu.memory_space<vmem_shared>>
      tpu.wait_indirect_dma semaphore(%run_scoped3A : memref<!tpu.dma_semaphore, #tpu.memory_space<semaphore_mem>>) src(%arg23 : memref<80x128xf32, #tpu.memory_space<vmem>>) dst(%dma_wait3A_740 : memref<5120x128xf32, #tpu.memory_space<vmem_shared>>)
      tpu.yield
    }) : () -> ()
    %dma_wait3A_169 = arith.constant 560 : i32
    %dma_wait3A_170 = tpu.memref_slice %arg19[%dma_wait3A_169] : memref<640xi32, #tpu.memory_space<vmem>> -> memref<80xi32, #tpu.memory_space<vmem>>
    %dma_wait3A_171 = arith.constant 0 : i32
    %dma_wait3A_172 = arith.constant 0 : i32
    %dma_wait3A_173 = tpu.memref_slice %arg24[%dma_wait3A_171, %dma_wait3A_172] : memref<5120x128xf32, #tpu.memory_space<vmem_shared>> -> memref<5120x128xf32, #tpu.memory_space<vmem_shared>>
    tpu.wait_indirect_dma semaphore(%arg28 : memref<!tpu.dma_semaphore, #tpu.memory_space<semaphore_mem>>) src(%arg21 : memref<80x128xf32, #tpu.memory_space<vmem>>) dst(%dma_wait3A_173 : memref<5120x128xf32, #tpu.memory_space<vmem_shared>>)
    %dma_wait3A_174 = arith.constant 480 : i32
    %dma_wait3A_175 = tpu.memref_slice %arg19[%dma_wait3A_174] : memref<640xi32, #tpu.memory_space<vmem>> -> memref<80xi32, #tpu.memory_space<vmem>>
    %dma_wait3A_176 = arith.constant 0 : i32
    %dma_wait3A_177 = arith.constant 0 : i32
    %dma_wait3A_178 = tpu.memref_slice %arg24[%dma_wait3A_176, %dma_wait3A_177] : memref<5120x128xf32, #tpu.memory_space<vmem_shared>> -> memref<5120x128xf32, #tpu.memory_space<vmem_shared>>
    tpu.wait_indirect_dma semaphore(%arg27 : memref<!tpu.dma_semaphore, #tpu.memory_space<semaphore_mem>>) src(%arg20 : memref<80x128xf32, #tpu.memory_space<vmem>>) dst(%dma_wait3A_178 : memref<5120x128xf32, #tpu.memory_space<vmem_shared>>)
    %barrier3A_179 = arith.constant 0 : index
    tpu.barrier barrier_id(%barrier3A_179)
    %mul3A_180 = arith.constant 320 : i32
    %mul3A_181 = arith.muli %arg0, %mul3A_180 : i32
    %mul3A_182 = arith.constant 16 : i32
    %mul3A_183 = arith.muli %mul3A_181, %mul3A_182 : i32
    %add3A_184 = arith.addi %mul3A_183, %mul3A_0 : i32
    "tpu.region"() ({
      %run_scoped3A = tpu.sem_alloc : memref<!tpu.dma_semaphore, #tpu.memory_space<semaphore_mem>>
      %dma_start3A_731 = arith.constant 0 : i32
      %dma_start3A_732 = tpu.memref_slice %arg12[%add3A_184, %dma_start3A_731] : memref<10240x128xf32, #tpu.memory_space<hbm>> -> memref<320x128xf32, #tpu.memory_space<hbm>>
      %dma_start3A_733 = arith.constant 0 : i32
      %dma_start3A_734 = tpu.memref_slice %arg24[%mul3A_0, %dma_start3A_733] : memref<5120x128xf32, #tpu.memory_space<vmem_shared>> -> memref<320x128xf32, #tpu.memory_space<vmem_shared>>
      tpu.enqueue_dma source(%dma_start3A_734 : memref<320x128xf32, #tpu.memory_space<vmem_shared>>) target(%dma_start3A_732 : memref<320x128xf32, #tpu.memory_space<hbm>>) target_semaphore(%run_scoped3A : memref<!tpu.dma_semaphore, #tpu.memory_space<semaphore_mem>>)
      %dma_wait3A_735 = arith.constant 0 : i32
      %dma_wait3A_736 = tpu.memref_slice %arg12[%add3A_184, %dma_wait3A_735] : memref<10240x128xf32, #tpu.memory_space<hbm>> -> memref<320x128xf32, #tpu.memory_space<hbm>>
      %dma_wait3A_737 = arith.constant 0 : i32
      %dma_wait3A_738 = tpu.memref_slice %arg24[%mul3A_0, %dma_wait3A_737] : memref<5120x128xf32, #tpu.memory_space<vmem_shared>> -> memref<320x128xf32, #tpu.memory_space<vmem_shared>>
      tpu.wait_dma2 semaphore(%run_scoped3A : memref<!tpu.dma_semaphore, #tpu.memory_space<semaphore_mem>>) src(%dma_wait3A_738 : memref<320x128xf32, #tpu.memory_space<vmem_shared>>) dst(%dma_wait3A_736 : memref<320x128xf32, #tpu.memory_space<hbm>>)
      tpu.yield
    }) : () -> ()
    "tpu.region"() ({
      %run_scoped3A = tpu.sem_alloc : memref<!tpu.dma_semaphore, #tpu.memory_space<semaphore_mem>>
      %dma_start3A_731 = arith.constant 0 : i32
      %dma_start3A_732 = tpu.memref_slice %arg16[%add3A_184, %dma_start3A_731] : memref<10240x128xf32, #tpu.memory_space<hbm>> -> memref<320x128xf32, #tpu.memory_space<hbm>>
      %dma_start3A_733 = arith.constant 0 : i32
      %dma_start3A_734 = tpu.memref_slice %arg29[%mul3A_0, %dma_start3A_733] : memref<5120x128xf32, #tpu.memory_space<vmem_shared>> -> memref<320x128xf32, #tpu.memory_space<vmem_shared>>
      tpu.enqueue_dma source(%dma_start3A_734 : memref<320x128xf32, #tpu.memory_space<vmem_shared>>) target(%dma_start3A_732 : memref<320x128xf32, #tpu.memory_space<hbm>>) target_semaphore(%run_scoped3A : memref<!tpu.dma_semaphore, #tpu.memory_space<semaphore_mem>>)
      %dma_wait3A_735 = arith.constant 0 : i32
      %dma_wait3A_736 = tpu.memref_slice %arg16[%add3A_184, %dma_wait3A_735] : memref<10240x128xf32, #tpu.memory_space<hbm>> -> memref<320x128xf32, #tpu.memory_space<hbm>>
      %dma_wait3A_737 = arith.constant 0 : i32
      %dma_wait3A_738 = tpu.memref_slice %arg29[%mul3A_0, %dma_wait3A_737] : memref<5120x128xf32, #tpu.memory_space<vmem_shared>> -> memref<320x128xf32, #tpu.memory_space<vmem_shared>>
      tpu.wait_dma2 semaphore(%run_scoped3A : memref<!tpu.dma_semaphore, #tpu.memory_space<semaphore_mem>>) src(%dma_wait3A_738 : memref<320x128xf32, #tpu.memory_space<vmem_shared>>) dst(%dma_wait3A_736 : memref<320x128xf32, #tpu.memory_space<hbm>>)
      tpu.yield
    }) : () -> ()
    %barrier3A_185 = arith.constant 0 : index
    tpu.barrier barrier_id(%barrier3A_185)
    %mul3A_186 = arith.constant 320 : i32
    %mul3A_187 = arith.muli %arg1, %mul3A_186 : i32
    %add3A_188 = arith.constant 0 : i32
    %add3A_189 = arith.addi %mul3A_187, %add3A_188 : i32
    "tpu.region"() ({
      %run_scoped3A = tpu.sem_alloc : memref<!tpu.dma_semaphore, #tpu.memory_space<semaphore_mem>>
      %dma_start3A_731 = arith.constant 0 : i32
      %dma_start3A_732 = tpu.memref_slice %arg24[%add3A_189, %dma_start3A_731] : memref<5120x128xf32, #tpu.memory_space<vmem_shared>> -> memref<80x128xf32, #tpu.memory_space<vmem_shared>>
      %dma_start3A_733 = arith.constant 0 : i32
      %dma_start3A_734 = tpu.memref_slice %arg24[%add3A_189, %dma_start3A_733] : memref<5120x128xf32, #tpu.memory_space<vmem_shared>> -> memref<80x128xf32, #tpu.memory_space<vmem_shared>>
      tpu.enqueue_dma source(%arg22 : memref<80x128xf32, #tpu.memory_space<vmem>>) target(%dma_start3A_734 : memref<80x128xf32, #tpu.memory_space<vmem_shared>>) target_semaphore(%run_scoped3A : memref<!tpu.dma_semaphore, #tpu.memory_space<semaphore_mem>>)
      %dma_wait3A_735 = arith.constant 0 : i32
      %dma_wait3A_736 = tpu.memref_slice %arg24[%add3A_189, %dma_wait3A_735] : memref<5120x128xf32, #tpu.memory_space<vmem_shared>> -> memref<80x128xf32, #tpu.memory_space<vmem_shared>>
      %dma_wait3A_737 = arith.constant 0 : i32
      %dma_wait3A_738 = tpu.memref_slice %arg24[%add3A_189, %dma_wait3A_737] : memref<5120x128xf32, #tpu.memory_space<vmem_shared>> -> memref<80x128xf32, #tpu.memory_space<vmem_shared>>
      tpu.wait_dma2 semaphore(%run_scoped3A : memref<!tpu.dma_semaphore, #tpu.memory_space<semaphore_mem>>) src(%arg22 : memref<80x128xf32, #tpu.memory_space<vmem>>) dst(%dma_wait3A_738 : memref<80x128xf32, #tpu.memory_space<vmem_shared>>)
      tpu.yield
    }) : () -> ()
    %add3A_190 = arith.constant 80 : i32
    %add3A_191 = arith.addi %mul3A_187, %add3A_190 : i32
    "tpu.region"() ({
      %run_scoped3A = tpu.sem_alloc : memref<!tpu.dma_semaphore, #tpu.memory_space<semaphore_mem>>
      %dma_start3A_731 = arith.constant 0 : i32
      %dma_start3A_732 = tpu.memref_slice %arg24[%add3A_191, %dma_start3A_731] : memref<5120x128xf32, #tpu.memory_space<vmem_shared>> -> memref<80x128xf32, #tpu.memory_space<vmem_shared>>
      %dma_start3A_733 = arith.constant 0 : i32
      %dma_start3A_734 = tpu.memref_slice %arg24[%add3A_191, %dma_start3A_733] : memref<5120x128xf32, #tpu.memory_space<vmem_shared>> -> memref<80x128xf32, #tpu.memory_space<vmem_shared>>
      tpu.enqueue_dma source(%arg22 : memref<80x128xf32, #tpu.memory_space<vmem>>) target(%dma_start3A_734 : memref<80x128xf32, #tpu.memory_space<vmem_shared>>) target_semaphore(%run_scoped3A : memref<!tpu.dma_semaphore, #tpu.memory_space<semaphore_mem>>)
      %dma_wait3A_735 = arith.constant 0 : i32
      %dma_wait3A_736 = tpu.memref_slice %arg24[%add3A_191, %dma_wait3A_735] : memref<5120x128xf32, #tpu.memory_space<vmem_shared>> -> memref<80x128xf32, #tpu.memory_space<vmem_shared>>
      %dma_wait3A_737 = arith.constant 0 : i32
      %dma_wait3A_738 = tpu.memref_slice %arg24[%add3A_191, %dma_wait3A_737] : memref<5120x128xf32, #tpu.memory_space<vmem_shared>> -> memref<80x128xf32, #tpu.memory_space<vmem_shared>>
      tpu.wait_dma2 semaphore(%run_scoped3A : memref<!tpu.dma_semaphore, #tpu.memory_space<semaphore_mem>>) src(%arg22 : memref<80x128xf32, #tpu.memory_space<vmem>>) dst(%dma_wait3A_738 : memref<80x128xf32, #tpu.memory_space<vmem_shared>>)
      tpu.yield
    }) : () -> ()
    %add3A_192 = arith.constant 160 : i32
    %add3A_193 = arith.addi %mul3A_187, %add3A_192 : i32
    "tpu.region"() ({
      %run_scoped3A = tpu.sem_alloc : memref<!tpu.dma_semaphore, #tpu.memory_space<semaphore_mem>>
      %dma_start3A_731 = arith.constant 0 : i32
      %dma_start3A_732 = tpu.memref_slice %arg24[%add3A_193, %dma_start3A_731] : memref<5120x128xf32, #tpu.memory_space<vmem_shared>> -> memref<80x128xf32, #tpu.memory_space<vmem_shared>>
      %dma_start3A_733 = arith.constant 0 : i32
      %dma_start3A_734 = tpu.memref_slice %arg24[%add3A_193, %dma_start3A_733] : memref<5120x128xf32, #tpu.memory_space<vmem_shared>> -> memref<80x128xf32, #tpu.memory_space<vmem_shared>>
      tpu.enqueue_dma source(%arg22 : memref<80x128xf32, #tpu.memory_space<vmem>>) target(%dma_start3A_734 : memref<80x128xf32, #tpu.memory_space<vmem_shared>>) target_semaphore(%run_scoped3A : memref<!tpu.dma_semaphore, #tpu.memory_space<semaphore_mem>>)
      %dma_wait3A_735 = arith.constant 0 : i32
      %dma_wait3A_736 = tpu.memref_slice %arg24[%add3A_193, %dma_wait3A_735] : memref<5120x128xf32, #tpu.memory_space<vmem_shared>> -> memref<80x128xf32, #tpu.memory_space<vmem_shared>>
      %dma_wait3A_737 = arith.constant 0 : i32
      %dma_wait3A_738 = tpu.memref_slice %arg24[%add3A_193, %dma_wait3A_737] : memref<5120x128xf32, #tpu.memory_space<vmem_shared>> -> memref<80x128xf32, #tpu.memory_space<vmem_shared>>
      tpu.wait_dma2 semaphore(%run_scoped3A : memref<!tpu.dma_semaphore, #tpu.memory_space<semaphore_mem>>) src(%arg22 : memref<80x128xf32, #tpu.memory_space<vmem>>) dst(%dma_wait3A_738 : memref<80x128xf32, #tpu.memory_space<vmem_shared>>)
      tpu.yield
    }) : () -> ()
    %add3A_194 = arith.constant 240 : i32
    %add3A_195 = arith.addi %mul3A_187, %add3A_194 : i32
    "tpu.region"() ({
      %run_scoped3A = tpu.sem_alloc : memref<!tpu.dma_semaphore, #tpu.memory_space<semaphore_mem>>
      %dma_start3A_731 = arith.constant 0 : i32
      %dma_start3A_732 = tpu.memref_slice %arg24[%add3A_195, %dma_start3A_731] : memref<5120x128xf32, #tpu.memory_space<vmem_shared>> -> memref<80x128xf32, #tpu.memory_space<vmem_shared>>
      %dma_start3A_733 = arith.constant 0 : i32
      %dma_start3A_734 = tpu.memref_slice %arg24[%add3A_195, %dma_start3A_733] : memref<5120x128xf32, #tpu.memory_space<vmem_shared>> -> memref<80x128xf32, #tpu.memory_space<vmem_shared>>
      tpu.enqueue_dma source(%arg22 : memref<80x128xf32, #tpu.memory_space<vmem>>) target(%dma_start3A_734 : memref<80x128xf32, #tpu.memory_space<vmem_shared>>) target_semaphore(%run_scoped3A : memref<!tpu.dma_semaphore, #tpu.memory_space<semaphore_mem>>)
      %dma_wait3A_735 = arith.constant 0 : i32
      %dma_wait3A_736 = tpu.memref_slice %arg24[%add3A_195, %dma_wait3A_735] : memref<5120x128xf32, #tpu.memory_space<vmem_shared>> -> memref<80x128xf32, #tpu.memory_space<vmem_shared>>
      %dma_wait3A_737 = arith.constant 0 : i32
      %dma_wait3A_738 = tpu.memref_slice %arg24[%add3A_195, %dma_wait3A_737] : memref<5120x128xf32, #tpu.memory_space<vmem_shared>> -> memref<80x128xf32, #tpu.memory_space<vmem_shared>>
      tpu.wait_dma2 semaphore(%run_scoped3A : memref<!tpu.dma_semaphore, #tpu.memory_space<semaphore_mem>>) src(%arg22 : memref<80x128xf32, #tpu.memory_space<vmem>>) dst(%dma_wait3A_738 : memref<80x128xf32, #tpu.memory_space<vmem_shared>>)
      tpu.yield
    }) : () -> ()
    %barrier3A_196 = arith.constant 0 : index
    tpu.barrier barrier_id(%barrier3A_196)
    %mul3A_197 = arith.constant 10240 : i32
    %mul3A_198 = arith.muli %arg0, %mul3A_197 : i32
    %mul3A_199 = arith.constant 640 : i32
    %mul3A_200 = arith.muli %arg1, %mul3A_199 : i32
    %add3A_201 = arith.addi %mul3A_198, %mul3A_200 : i32
    "tpu.region"() ({
      %run_scoped3A = tpu.sem_alloc : memref<!tpu.dma_semaphore, #tpu.memory_space<semaphore_mem>>
      %dma_start3A_731 = tpu.memref_slice %arg3[%add3A_201] : memref<20480xi32, #tpu.memory_space<hbm>> -> memref<640xi32, #tpu.memory_space<hbm>>
      %dma_start3A_732 = tpu.memref_slice %arg3[%add3A_201] : memref<20480xi32, #tpu.memory_space<hbm>> -> memref<640xi32, #tpu.memory_space<hbm>>
      tpu.enqueue_dma source(%dma_start3A_732 : memref<640xi32, #tpu.memory_space<hbm>>) target(%arg18 : memref<640xi32, #tpu.memory_space<vmem>>) target_semaphore(%run_scoped3A : memref<!tpu.dma_semaphore, #tpu.memory_space<semaphore_mem>>)
      %dma_wait3A_733 = tpu.memref_slice %arg3[%add3A_201] : memref<20480xi32, #tpu.memory_space<hbm>> -> memref<640xi32, #tpu.memory_space<hbm>>
      %dma_wait3A_734 = tpu.memref_slice %arg3[%add3A_201] : memref<20480xi32, #tpu.memory_space<hbm>> -> memref<640xi32, #tpu.memory_space<hbm>>
      tpu.wait_dma2 semaphore(%run_scoped3A : memref<!tpu.dma_semaphore, #tpu.memory_space<semaphore_mem>>) src(%dma_wait3A_734 : memref<640xi32, #tpu.memory_space<hbm>>) dst(%arg18 : memref<640xi32, #tpu.memory_space<vmem>>)
      tpu.yield
    }) : () -> ()
    "tpu.region"() ({
      %run_scoped3A = tpu.sem_alloc : memref<!tpu.dma_semaphore, #tpu.memory_space<semaphore_mem>>
      %dma_start3A_731 = tpu.memref_slice %arg4[%add3A_201] : memref<20480xi32, #tpu.memory_space<hbm>> -> memref<640xi32, #tpu.memory_space<hbm>>
      %dma_start3A_732 = tpu.memref_slice %arg4[%add3A_201] : memref<20480xi32, #tpu.memory_space<hbm>> -> memref<640xi32, #tpu.memory_space<hbm>>
      tpu.enqueue_dma source(%dma_start3A_732 : memref<640xi32, #tpu.memory_space<hbm>>) target(%arg19 : memref<640xi32, #tpu.memory_space<vmem>>) target_semaphore(%run_scoped3A : memref<!tpu.dma_semaphore, #tpu.memory_space<semaphore_mem>>)
      %dma_wait3A_733 = tpu.memref_slice %arg4[%add3A_201] : memref<20480xi32, #tpu.memory_space<hbm>> -> memref<640xi32, #tpu.memory_space<hbm>>
      %dma_wait3A_734 = tpu.memref_slice %arg4[%add3A_201] : memref<20480xi32, #tpu.memory_space<hbm>> -> memref<640xi32, #tpu.memory_space<hbm>>
      tpu.wait_dma2 semaphore(%run_scoped3A : memref<!tpu.dma_semaphore, #tpu.memory_space<semaphore_mem>>) src(%dma_wait3A_734 : memref<640xi32, #tpu.memory_space<hbm>>) dst(%arg19 : memref<640xi32, #tpu.memory_space<vmem>>)
      tpu.yield
    }) : () -> ()
    %dma_start3A_202 = arith.constant 0 : i32
    %dma_start3A_203 = tpu.memref_slice %arg18[%dma_start3A_202] : memref<640xi32, #tpu.memory_space<vmem>> -> memref<80xi32, #tpu.memory_space<vmem>>
    %dma_start3A_204 = arith.constant 0 : i32
    %dma_start3A_205 = arith.constant 0 : i32
    %dma_start3A_206 = tpu.memref_slice %arg8[%dma_start3A_204, %dma_start3A_205] : memref<5200x128xf32, #tpu.memory_space<hbm>> -> memref<5200x128xf32, #tpu.memory_space<hbm>>
    tpu.enqueue_indirect_dma source(%dma_start3A_206 : memref<5200x128xf32, #tpu.memory_space<hbm>>) target(%arg20 : memref<80x128xf32, #tpu.memory_space<vmem>>) offsets(%dma_start3A_203 : memref<80xi32, #tpu.memory_space<vmem>>) semaphore(%arg25 : memref<!tpu.dma_semaphore, #tpu.memory_space<semaphore_mem>>)
    %dma_start3A_207 = arith.constant 80 : i32
    %dma_start3A_208 = tpu.memref_slice %arg18[%dma_start3A_207] : memref<640xi32, #tpu.memory_space<vmem>> -> memref<80xi32, #tpu.memory_space<vmem>>
    %dma_start3A_209 = arith.constant 0 : i32
    %dma_start3A_210 = arith.constant 0 : i32
    %dma_start3A_211 = tpu.memref_slice %arg8[%dma_start3A_209, %dma_start3A_210] : memref<5200x128xf32, #tpu.memory_space<hbm>> -> memref<5200x128xf32, #tpu.memory_space<hbm>>
    tpu.enqueue_indirect_dma source(%dma_start3A_211 : memref<5200x128xf32, #tpu.memory_space<hbm>>) target(%arg21 : memref<80x128xf32, #tpu.memory_space<vmem>>) offsets(%dma_start3A_208 : memref<80xi32, #tpu.memory_space<vmem>>) semaphore(%arg26 : memref<!tpu.dma_semaphore, #tpu.memory_space<semaphore_mem>>)
    %dma_wait3A_212 = arith.constant 0 : i32
    %dma_wait3A_213 = tpu.memref_slice %arg18[%dma_wait3A_212] : memref<640xi32, #tpu.memory_space<vmem>> -> memref<80xi32, #tpu.memory_space<vmem>>
    %dma_wait3A_214 = arith.constant 0 : i32
    %dma_wait3A_215 = arith.constant 0 : i32
    %dma_wait3A_216 = tpu.memref_slice %arg8[%dma_wait3A_214, %dma_wait3A_215] : memref<5200x128xf32, #tpu.memory_space<hbm>> -> memref<5200x128xf32, #tpu.memory_space<hbm>>
    tpu.wait_indirect_dma semaphore(%arg25 : memref<!tpu.dma_semaphore, #tpu.memory_space<semaphore_mem>>) src(%dma_wait3A_216 : memref<5200x128xf32, #tpu.memory_space<hbm>>) dst(%arg20 : memref<80x128xf32, #tpu.memory_space<vmem>>)
    %dma_start3A_217 = arith.constant 0 : i32
    %dma_start3A_218 = tpu.memref_slice %arg19[%dma_start3A_217] : memref<640xi32, #tpu.memory_space<vmem>> -> memref<80xi32, #tpu.memory_space<vmem>>
    %dma_start3A_219 = arith.constant 0 : i32
    %dma_start3A_220 = arith.constant 0 : i32
    %dma_start3A_221 = tpu.memref_slice %arg24[%dma_start3A_219, %dma_start3A_220] : memref<5120x128xf32, #tpu.memory_space<vmem_shared>> -> memref<5120x128xf32, #tpu.memory_space<vmem_shared>>
    tpu.enqueue_indirect_dma source(%arg20 : memref<80x128xf32, #tpu.memory_space<vmem>>) target(%dma_start3A_221 : memref<5120x128xf32, #tpu.memory_space<vmem_shared>>) offsets(%dma_start3A_218 : memref<80xi32, #tpu.memory_space<vmem>>) semaphore(%arg27 : memref<!tpu.dma_semaphore, #tpu.memory_space<semaphore_mem>>) {add = true}
    %dma_wait3A_222 = arith.constant 0 : i32
    %dma_wait3A_223 = tpu.memref_slice %arg19[%dma_wait3A_222] : memref<640xi32, #tpu.memory_space<vmem>> -> memref<80xi32, #tpu.memory_space<vmem>>
    %dma_wait3A_224 = arith.constant 0 : i32
    %dma_wait3A_225 = arith.constant 0 : i32
    %dma_wait3A_226 = tpu.memref_slice %arg24[%dma_wait3A_224, %dma_wait3A_225] : memref<5120x128xf32, #tpu.memory_space<vmem_shared>> -> memref<5120x128xf32, #tpu.memory_space<vmem_shared>>
    tpu.wait_indirect_dma semaphore(%arg27 : memref<!tpu.dma_semaphore, #tpu.memory_space<semaphore_mem>>) src(%arg20 : memref<80x128xf32, #tpu.memory_space<vmem>>) dst(%dma_wait3A_226 : memref<5120x128xf32, #tpu.memory_space<vmem_shared>>)
    %dma_start3A_227 = arith.constant 160 : i32
    %dma_start3A_228 = tpu.memref_slice %arg18[%dma_start3A_227] : memref<640xi32, #tpu.memory_space<vmem>> -> memref<80xi32, #tpu.memory_space<vmem>>
    %dma_start3A_229 = arith.constant 0 : i32
    %dma_start3A_230 = arith.constant 0 : i32
    %dma_start3A_231 = tpu.memref_slice %arg8[%dma_start3A_229, %dma_start3A_230] : memref<5200x128xf32, #tpu.memory_space<hbm>> -> memref<5200x128xf32, #tpu.memory_space<hbm>>
    tpu.enqueue_indirect_dma source(%dma_start3A_231 : memref<5200x128xf32, #tpu.memory_space<hbm>>) target(%arg20 : memref<80x128xf32, #tpu.memory_space<vmem>>) offsets(%dma_start3A_228 : memref<80xi32, #tpu.memory_space<vmem>>) semaphore(%arg25 : memref<!tpu.dma_semaphore, #tpu.memory_space<semaphore_mem>>)
    %dma_wait3A_232 = arith.constant 80 : i32
    %dma_wait3A_233 = tpu.memref_slice %arg18[%dma_wait3A_232] : memref<640xi32, #tpu.memory_space<vmem>> -> memref<80xi32, #tpu.memory_space<vmem>>
    %dma_wait3A_234 = arith.constant 0 : i32
    %dma_wait3A_235 = arith.constant 0 : i32
    %dma_wait3A_236 = tpu.memref_slice %arg8[%dma_wait3A_234, %dma_wait3A_235] : memref<5200x128xf32, #tpu.memory_space<hbm>> -> memref<5200x128xf32, #tpu.memory_space<hbm>>
    tpu.wait_indirect_dma semaphore(%arg26 : memref<!tpu.dma_semaphore, #tpu.memory_space<semaphore_mem>>) src(%dma_wait3A_236 : memref<5200x128xf32, #tpu.memory_space<hbm>>) dst(%arg21 : memref<80x128xf32, #tpu.memory_space<vmem>>)
    %dma_start3A_237 = arith.constant 80 : i32
    %dma_start3A_238 = tpu.memref_slice %arg19[%dma_start3A_237] : memref<640xi32, #tpu.memory_space<vmem>> -> memref<80xi32, #tpu.memory_space<vmem>>
    %dma_start3A_239 = arith.constant 0 : i32
    %dma_start3A_240 = arith.constant 0 : i32
    %dma_start3A_241 = tpu.memref_slice %arg24[%dma_start3A_239, %dma_start3A_240] : memref<5120x128xf32, #tpu.memory_space<vmem_shared>> -> memref<5120x128xf32, #tpu.memory_space<vmem_shared>>
    tpu.enqueue_indirect_dma source(%arg21 : memref<80x128xf32, #tpu.memory_space<vmem>>) target(%dma_start3A_241 : memref<5120x128xf32, #tpu.memory_space<vmem_shared>>) offsets(%dma_start3A_238 : memref<80xi32, #tpu.memory_space<vmem>>) semaphore(%arg28 : memref<!tpu.dma_semaphore, #tpu.memory_space<semaphore_mem>>) {add = true}
    %dma_wait3A_242 = arith.constant 80 : i32
    %dma_wait3A_243 = tpu.memref_slice %arg19[%dma_wait3A_242] : memref<640xi32, #tpu.memory_space<vmem>> -> memref<80xi32, #tpu.memory_space<vmem>>
    %dma_wait3A_244 = arith.constant 0 : i32
    %dma_wait3A_245 = arith.constant 0 : i32
    %dma_wait3A_246 = tpu.memref_slice %arg24[%dma_wait3A_244, %dma_wait3A_245] : memref<5120x128xf32, #tpu.memory_space<vmem_shared>> -> memref<5120x128xf32, #tpu.memory_space<vmem_shared>>
    tpu.wait_indirect_dma semaphore(%arg28 : memref<!tpu.dma_semaphore, #tpu.memory_space<semaphore_mem>>) src(%arg21 : memref<80x128xf32, #tpu.memory_space<vmem>>) dst(%dma_wait3A_246 : memref<5120x128xf32, #tpu.memory_space<vmem_shared>>)
    %dma_start3A_247 = arith.constant 240 : i32
    %dma_start3A_248 = tpu.memref_slice %arg18[%dma_start3A_247] : memref<640xi32, #tpu.memory_space<vmem>> -> memref<80xi32, #tpu.memory_space<vmem>>
    %dma_start3A_249 = arith.constant 0 : i32
    %dma_start3A_250 = arith.constant 0 : i32
    %dma_start3A_251 = tpu.memref_slice %arg8[%dma_start3A_249, %dma_start3A_250] : memref<5200x128xf32, #tpu.memory_space<hbm>> -> memref<5200x128xf32, #tpu.memory_space<hbm>>
    tpu.enqueue_indirect_dma source(%dma_start3A_251 : memref<5200x128xf32, #tpu.memory_space<hbm>>) target(%arg21 : memref<80x128xf32, #tpu.memory_space<vmem>>) offsets(%dma_start3A_248 : memref<80xi32, #tpu.memory_space<vmem>>) semaphore(%arg26 : memref<!tpu.dma_semaphore, #tpu.memory_space<semaphore_mem>>)
    %dma_wait3A_252 = arith.constant 160 : i32
    %dma_wait3A_253 = tpu.memref_slice %arg18[%dma_wait3A_252] : memref<640xi32, #tpu.memory_space<vmem>> -> memref<80xi32, #tpu.memory_space<vmem>>
    %dma_wait3A_254 = arith.constant 0 : i32
    %dma_wait3A_255 = arith.constant 0 : i32
    %dma_wait3A_256 = tpu.memref_slice %arg8[%dma_wait3A_254, %dma_wait3A_255] : memref<5200x128xf32, #tpu.memory_space<hbm>> -> memref<5200x128xf32, #tpu.memory_space<hbm>>
    tpu.wait_indirect_dma semaphore(%arg25 : memref<!tpu.dma_semaphore, #tpu.memory_space<semaphore_mem>>) src(%dma_wait3A_256 : memref<5200x128xf32, #tpu.memory_space<hbm>>) dst(%arg20 : memref<80x128xf32, #tpu.memory_space<vmem>>)
    %dma_start3A_257 = arith.constant 160 : i32
    %dma_start3A_258 = tpu.memref_slice %arg19[%dma_start3A_257] : memref<640xi32, #tpu.memory_space<vmem>> -> memref<80xi32, #tpu.memory_space<vmem>>
    %dma_start3A_259 = arith.constant 0 : i32
    %dma_start3A_260 = arith.constant 0 : i32
    %dma_start3A_261 = tpu.memref_slice %arg24[%dma_start3A_259, %dma_start3A_260] : memref<5120x128xf32, #tpu.memory_space<vmem_shared>> -> memref<5120x128xf32, #tpu.memory_space<vmem_shared>>
    tpu.enqueue_indirect_dma source(%arg20 : memref<80x128xf32, #tpu.memory_space<vmem>>) target(%dma_start3A_261 : memref<5120x128xf32, #tpu.memory_space<vmem_shared>>) offsets(%dma_start3A_258 : memref<80xi32, #tpu.memory_space<vmem>>) semaphore(%arg27 : memref<!tpu.dma_semaphore, #tpu.memory_space<semaphore_mem>>) {add = true}
    %dma_wait3A_262 = arith.constant 160 : i32
    %dma_wait3A_263 = tpu.memref_slice %arg19[%dma_wait3A_262] : memref<640xi32, #tpu.memory_space<vmem>> -> memref<80xi32, #tpu.memory_space<vmem>>
    %dma_wait3A_264 = arith.constant 0 : i32
    %dma_wait3A_265 = arith.constant 0 : i32
    %dma_wait3A_266 = tpu.memref_slice %arg24[%dma_wait3A_264, %dma_wait3A_265] : memref<5120x128xf32, #tpu.memory_space<vmem_shared>> -> memref<5120x128xf32, #tpu.memory_space<vmem_shared>>
    tpu.wait_indirect_dma semaphore(%arg27 : memref<!tpu.dma_semaphore, #tpu.memory_space<semaphore_mem>>) src(%arg20 : memref<80x128xf32, #tpu.memory_space<vmem>>) dst(%dma_wait3A_266 : memref<5120x128xf32, #tpu.memory_space<vmem_shared>>)
    %dma_start3A_267 = arith.constant 320 : i32
    %dma_start3A_268 = tpu.memref_slice %arg18[%dma_start3A_267] : memref<640xi32, #tpu.memory_space<vmem>> -> memref<80xi32, #tpu.memory_space<vmem>>
    %dma_start3A_269 = arith.constant 0 : i32
    %dma_start3A_270 = arith.constant 0 : i32
    %dma_start3A_271 = tpu.memref_slice %arg8[%dma_start3A_269, %dma_start3A_270] : memref<5200x128xf32, #tpu.memory_space<hbm>> -> memref<5200x128xf32, #tpu.memory_space<hbm>>
    tpu.enqueue_indirect_dma source(%dma_start3A_271 : memref<5200x128xf32, #tpu.memory_space<hbm>>) target(%arg20 : memref<80x128xf32, #tpu.memory_space<vmem>>) offsets(%dma_start3A_268 : memref<80xi32, #tpu.memory_space<vmem>>) semaphore(%arg25 : memref<!tpu.dma_semaphore, #tpu.memory_space<semaphore_mem>>)
    %dma_wait3A_272 = arith.constant 240 : i32
    %dma_wait3A_273 = tpu.memref_slice %arg18[%dma_wait3A_272] : memref<640xi32, #tpu.memory_space<vmem>> -> memref<80xi32, #tpu.memory_space<vmem>>
    %dma_wait3A_274 = arith.constant 0 : i32
    %dma_wait3A_275 = arith.constant 0 : i32
    %dma_wait3A_276 = tpu.memref_slice %arg8[%dma_wait3A_274, %dma_wait3A_275] : memref<5200x128xf32, #tpu.memory_space<hbm>> -> memref<5200x128xf32, #tpu.memory_space<hbm>>
    tpu.wait_indirect_dma semaphore(%arg26 : memref<!tpu.dma_semaphore, #tpu.memory_space<semaphore_mem>>) src(%dma_wait3A_276 : memref<5200x128xf32, #tpu.memory_space<hbm>>) dst(%arg21 : memref<80x128xf32, #tpu.memory_space<vmem>>)
    %dma_start3A_277 = arith.constant 240 : i32
    %dma_start3A_278 = tpu.memref_slice %arg19[%dma_start3A_277] : memref<640xi32, #tpu.memory_space<vmem>> -> memref<80xi32, #tpu.memory_space<vmem>>
    %dma_start3A_279 = arith.constant 0 : i32
    %dma_start3A_280 = arith.constant 0 : i32
    %dma_start3A_281 = tpu.memref_slice %arg24[%dma_start3A_279, %dma_start3A_280] : memref<5120x128xf32, #tpu.memory_space<vmem_shared>> -> memref<5120x128xf32, #tpu.memory_space<vmem_shared>>
    tpu.enqueue_indirect_dma source(%arg21 : memref<80x128xf32, #tpu.memory_space<vmem>>) target(%dma_start3A_281 : memref<5120x128xf32, #tpu.memory_space<vmem_shared>>) offsets(%dma_start3A_278 : memref<80xi32, #tpu.memory_space<vmem>>) semaphore(%arg28 : memref<!tpu.dma_semaphore, #tpu.memory_space<semaphore_mem>>) {add = true}
    %dma_wait3A_282 = arith.constant 240 : i32
    %dma_wait3A_283 = tpu.memref_slice %arg19[%dma_wait3A_282] : memref<640xi32, #tpu.memory_space<vmem>> -> memref<80xi32, #tpu.memory_space<vmem>>
    %dma_wait3A_284 = arith.constant 0 : i32
    %dma_wait3A_285 = arith.constant 0 : i32
    %dma_wait3A_286 = tpu.memref_slice %arg24[%dma_wait3A_284, %dma_wait3A_285] : memref<5120x128xf32, #tpu.memory_space<vmem_shared>> -> memref<5120x128xf32, #tpu.memory_space<vmem_shared>>
    tpu.wait_indirect_dma semaphore(%arg28 : memref<!tpu.dma_semaphore, #tpu.memory_space<semaphore_mem>>) src(%arg21 : memref<80x128xf32, #tpu.memory_space<vmem>>) dst(%dma_wait3A_286 : memref<5120x128xf32, #tpu.memory_space<vmem_shared>>)
    %dma_start3A_287 = arith.constant 400 : i32
    %dma_start3A_288 = tpu.memref_slice %arg18[%dma_start3A_287] : memref<640xi32, #tpu.memory_space<vmem>> -> memref<80xi32, #tpu.memory_space<vmem>>
    %dma_start3A_289 = arith.constant 0 : i32
    %dma_start3A_290 = arith.constant 0 : i32
    %dma_start3A_291 = tpu.memref_slice %arg8[%dma_start3A_289, %dma_start3A_290] : memref<5200x128xf32, #tpu.memory_space<hbm>> -> memref<5200x128xf32, #tpu.memory_space<hbm>>
    tpu.enqueue_indirect_dma source(%dma_start3A_291 : memref<5200x128xf32, #tpu.memory_space<hbm>>) target(%arg21 : memref<80x128xf32, #tpu.memory_space<vmem>>) offsets(%dma_start3A_288 : memref<80xi32, #tpu.memory_space<vmem>>) semaphore(%arg26 : memref<!tpu.dma_semaphore, #tpu.memory_space<semaphore_mem>>)
    %dma_wait3A_292 = arith.constant 320 : i32
    %dma_wait3A_293 = tpu.memref_slice %arg18[%dma_wait3A_292] : memref<640xi32, #tpu.memory_space<vmem>> -> memref<80xi32, #tpu.memory_space<vmem>>
    %dma_wait3A_294 = arith.constant 0 : i32
    %dma_wait3A_295 = arith.constant 0 : i32
    %dma_wait3A_296 = tpu.memref_slice %arg8[%dma_wait3A_294, %dma_wait3A_295] : memref<5200x128xf32, #tpu.memory_space<hbm>> -> memref<5200x128xf32, #tpu.memory_space<hbm>>
    tpu.wait_indirect_dma semaphore(%arg25 : memref<!tpu.dma_semaphore, #tpu.memory_space<semaphore_mem>>) src(%dma_wait3A_296 : memref<5200x128xf32, #tpu.memory_space<hbm>>) dst(%arg20 : memref<80x128xf32, #tpu.memory_space<vmem>>)
    %dma_start3A_297 = arith.constant 320 : i32
    %dma_start3A_298 = tpu.memref_slice %arg19[%dma_start3A_297] : memref<640xi32, #tpu.memory_space<vmem>> -> memref<80xi32, #tpu.memory_space<vmem>>
    %dma_start3A_299 = arith.constant 0 : i32
    %dma_start3A_300 = arith.constant 0 : i32
    %dma_start3A_301 = tpu.memref_slice %arg24[%dma_start3A_299, %dma_start3A_300] : memref<5120x128xf32, #tpu.memory_space<vmem_shared>> -> memref<5120x128xf32, #tpu.memory_space<vmem_shared>>
    tpu.enqueue_indirect_dma source(%arg20 : memref<80x128xf32, #tpu.memory_space<vmem>>) target(%dma_start3A_301 : memref<5120x128xf32, #tpu.memory_space<vmem_shared>>) offsets(%dma_start3A_298 : memref<80xi32, #tpu.memory_space<vmem>>) semaphore(%arg27 : memref<!tpu.dma_semaphore, #tpu.memory_space<semaphore_mem>>) {add = true}
    %dma_wait3A_302 = arith.constant 320 : i32
    %dma_wait3A_303 = tpu.memref_slice %arg19[%dma_wait3A_302] : memref<640xi32, #tpu.memory_space<vmem>> -> memref<80xi32, #tpu.memory_space<vmem>>
    %dma_wait3A_304 = arith.constant 0 : i32
    %dma_wait3A_305 = arith.constant 0 : i32
    %dma_wait3A_306 = tpu.memref_slice %arg24[%dma_wait3A_304, %dma_wait3A_305] : memref<5120x128xf32, #tpu.memory_space<vmem_shared>> -> memref<5120x128xf32, #tpu.memory_space<vmem_shared>>
    tpu.wait_indirect_dma semaphore(%arg27 : memref<!tpu.dma_semaphore, #tpu.memory_space<semaphore_mem>>) src(%arg20 : memref<80x128xf32, #tpu.memory_space<vmem>>) dst(%dma_wait3A_306 : memref<5120x128xf32, #tpu.memory_space<vmem_shared>>)
    %dma_start3A_307 = arith.constant 480 : i32
    %dma_start3A_308 = tpu.memref_slice %arg18[%dma_start3A_307] : memref<640xi32, #tpu.memory_space<vmem>> -> memref<80xi32, #tpu.memory_space<vmem>>
    %dma_start3A_309 = arith.constant 0 : i32
    %dma_start3A_310 = arith.constant 0 : i32
    %dma_start3A_311 = tpu.memref_slice %arg8[%dma_start3A_309, %dma_start3A_310] : memref<5200x128xf32, #tpu.memory_space<hbm>> -> memref<5200x128xf32, #tpu.memory_space<hbm>>
    tpu.enqueue_indirect_dma source(%dma_start3A_311 : memref<5200x128xf32, #tpu.memory_space<hbm>>) target(%arg20 : memref<80x128xf32, #tpu.memory_space<vmem>>) offsets(%dma_start3A_308 : memref<80xi32, #tpu.memory_space<vmem>>) semaphore(%arg25 : memref<!tpu.dma_semaphore, #tpu.memory_space<semaphore_mem>>)
    %dma_wait3A_312 = arith.constant 400 : i32
    %dma_wait3A_313 = tpu.memref_slice %arg18[%dma_wait3A_312] : memref<640xi32, #tpu.memory_space<vmem>> -> memref<80xi32, #tpu.memory_space<vmem>>
    %dma_wait3A_314 = arith.constant 0 : i32
    %dma_wait3A_315 = arith.constant 0 : i32
    %dma_wait3A_316 = tpu.memref_slice %arg8[%dma_wait3A_314, %dma_wait3A_315] : memref<5200x128xf32, #tpu.memory_space<hbm>> -> memref<5200x128xf32, #tpu.memory_space<hbm>>
    tpu.wait_indirect_dma semaphore(%arg26 : memref<!tpu.dma_semaphore, #tpu.memory_space<semaphore_mem>>) src(%dma_wait3A_316 : memref<5200x128xf32, #tpu.memory_space<hbm>>) dst(%arg21 : memref<80x128xf32, #tpu.memory_space<vmem>>)
    %dma_start3A_317 = arith.constant 400 : i32
    %dma_start3A_318 = tpu.memref_slice %arg19[%dma_start3A_317] : memref<640xi32, #tpu.memory_space<vmem>> -> memref<80xi32, #tpu.memory_space<vmem>>
    %dma_start3A_319 = arith.constant 0 : i32
    %dma_start3A_320 = arith.constant 0 : i32
    %dma_start3A_321 = tpu.memref_slice %arg24[%dma_start3A_319, %dma_start3A_320] : memref<5120x128xf32, #tpu.memory_space<vmem_shared>> -> memref<5120x128xf32, #tpu.memory_space<vmem_shared>>
    tpu.enqueue_indirect_dma source(%arg21 : memref<80x128xf32, #tpu.memory_space<vmem>>) target(%dma_start3A_321 : memref<5120x128xf32, #tpu.memory_space<vmem_shared>>) offsets(%dma_start3A_318 : memref<80xi32, #tpu.memory_space<vmem>>) semaphore(%arg28 : memref<!tpu.dma_semaphore, #tpu.memory_space<semaphore_mem>>) {add = true}
    %dma_wait3A_322 = arith.constant 400 : i32
    %dma_wait3A_323 = tpu.memref_slice %arg19[%dma_wait3A_322] : memref<640xi32, #tpu.memory_space<vmem>> -> memref<80xi32, #tpu.memory_space<vmem>>
    %dma_wait3A_324 = arith.constant 0 : i32
    %dma_wait3A_325 = arith.constant 0 : i32
    %dma_wait3A_326 = tpu.memref_slice %arg24[%dma_wait3A_324, %dma_wait3A_325] : memref<5120x128xf32, #tpu.memory_space<vmem_shared>> -> memref<5120x128xf32, #tpu.memory_space<vmem_shared>>
    tpu.wait_indirect_dma semaphore(%arg28 : memref<!tpu.dma_semaphore, #tpu.memory_space<semaphore_mem>>) src(%arg21 : memref<80x128xf32, #tpu.memory_space<vmem>>) dst(%dma_wait3A_326 : memref<5120x128xf32, #tpu.memory_space<vmem_shared>>)
    %dma_start3A_327 = arith.constant 560 : i32
    %dma_start3A_328 = tpu.memref_slice %arg18[%dma_start3A_327] : memref<640xi32, #tpu.memory_space<vmem>> -> memref<80xi32, #tpu.memory_space<vmem>>
    %dma_start3A_329 = arith.constant 0 : i32
    %dma_start3A_330 = arith.constant 0 : i32
    %dma_start3A_331 = tpu.memref_slice %arg8[%dma_start3A_329, %dma_start3A_330] : memref<5200x128xf32, #tpu.memory_space<hbm>> -> memref<5200x128xf32, #tpu.memory_space<hbm>>
    tpu.enqueue_indirect_dma source(%dma_start3A_331 : memref<5200x128xf32, #tpu.memory_space<hbm>>) target(%arg21 : memref<80x128xf32, #tpu.memory_space<vmem>>) offsets(%dma_start3A_328 : memref<80xi32, #tpu.memory_space<vmem>>) semaphore(%arg26 : memref<!tpu.dma_semaphore, #tpu.memory_space<semaphore_mem>>)
    %dma_wait3A_332 = arith.constant 480 : i32
    %dma_wait3A_333 = tpu.memref_slice %arg18[%dma_wait3A_332] : memref<640xi32, #tpu.memory_space<vmem>> -> memref<80xi32, #tpu.memory_space<vmem>>
    %dma_wait3A_334 = arith.constant 0 : i32
    %dma_wait3A_335 = arith.constant 0 : i32
    %dma_wait3A_336 = tpu.memref_slice %arg8[%dma_wait3A_334, %dma_wait3A_335] : memref<5200x128xf32, #tpu.memory_space<hbm>> -> memref<5200x128xf32, #tpu.memory_space<hbm>>
    tpu.wait_indirect_dma semaphore(%arg25 : memref<!tpu.dma_semaphore, #tpu.memory_space<semaphore_mem>>) src(%dma_wait3A_336 : memref<5200x128xf32, #tpu.memory_space<hbm>>) dst(%arg20 : memref<80x128xf32, #tpu.memory_space<vmem>>)
    %dma_start3A_337 = arith.constant 480 : i32
    %dma_start3A_338 = tpu.memref_slice %arg19[%dma_start3A_337] : memref<640xi32, #tpu.memory_space<vmem>> -> memref<80xi32, #tpu.memory_space<vmem>>
    %dma_start3A_339 = arith.constant 0 : i32
    %dma_start3A_340 = arith.constant 0 : i32
    %dma_start3A_341 = tpu.memref_slice %arg24[%dma_start3A_339, %dma_start3A_340] : memref<5120x128xf32, #tpu.memory_space<vmem_shared>> -> memref<5120x128xf32, #tpu.memory_space<vmem_shared>>
    tpu.enqueue_indirect_dma source(%arg20 : memref<80x128xf32, #tpu.memory_space<vmem>>) target(%dma_start3A_341 : memref<5120x128xf32, #tpu.memory_space<vmem_shared>>) offsets(%dma_start3A_338 : memref<80xi32, #tpu.memory_space<vmem>>) semaphore(%arg27 : memref<!tpu.dma_semaphore, #tpu.memory_space<semaphore_mem>>) {add = true}
    %dma_wait3A_342 = arith.constant 560 : i32
    %dma_wait3A_343 = tpu.memref_slice %arg18[%dma_wait3A_342] : memref<640xi32, #tpu.memory_space<vmem>> -> memref<80xi32, #tpu.memory_space<vmem>>
    %dma_wait3A_344 = arith.constant 0 : i32
    %dma_wait3A_345 = arith.constant 0 : i32
    %dma_wait3A_346 = tpu.memref_slice %arg8[%dma_wait3A_344, %dma_wait3A_345] : memref<5200x128xf32, #tpu.memory_space<hbm>> -> memref<5200x128xf32, #tpu.memory_space<hbm>>
    tpu.wait_indirect_dma semaphore(%arg26 : memref<!tpu.dma_semaphore, #tpu.memory_space<semaphore_mem>>) src(%dma_wait3A_346 : memref<5200x128xf32, #tpu.memory_space<hbm>>) dst(%arg21 : memref<80x128xf32, #tpu.memory_space<vmem>>)
    %dma_start3A_347 = arith.constant 560 : i32
    %dma_start3A_348 = tpu.memref_slice %arg19[%dma_start3A_347] : memref<640xi32, #tpu.memory_space<vmem>> -> memref<80xi32, #tpu.memory_space<vmem>>
    %dma_start3A_349 = arith.constant 0 : i32
    %dma_start3A_350 = arith.constant 0 : i32
    %dma_start3A_351 = tpu.memref_slice %arg24[%dma_start3A_349, %dma_start3A_350] : memref<5120x128xf32, #tpu.memory_space<vmem_shared>> -> memref<5120x128xf32, #tpu.memory_space<vmem_shared>>
    tpu.enqueue_indirect_dma source(%arg21 : memref<80x128xf32, #tpu.memory_space<vmem>>) target(%dma_start3A_351 : memref<5120x128xf32, #tpu.memory_space<vmem_shared>>) offsets(%dma_start3A_348 : memref<80xi32, #tpu.memory_space<vmem>>) semaphore(%arg28 : memref<!tpu.dma_semaphore, #tpu.memory_space<semaphore_mem>>) {add = true}
    %dma_wait3A_352 = arith.constant 560 : i32
    %dma_wait3A_353 = tpu.memref_slice %arg19[%dma_wait3A_352] : memref<640xi32, #tpu.memory_space<vmem>> -> memref<80xi32, #tpu.memory_space<vmem>>
    %dma_wait3A_354 = arith.constant 0 : i32
    %dma_wait3A_355 = arith.constant 0 : i32
    %dma_wait3A_356 = tpu.memref_slice %arg24[%dma_wait3A_354, %dma_wait3A_355] : memref<5120x128xf32, #tpu.memory_space<vmem_shared>> -> memref<5120x128xf32, #tpu.memory_space<vmem_shared>>
    tpu.wait_indirect_dma semaphore(%arg28 : memref<!tpu.dma_semaphore, #tpu.memory_space<semaphore_mem>>) src(%arg21 : memref<80x128xf32, #tpu.memory_space<vmem>>) dst(%dma_wait3A_356 : memref<5120x128xf32, #tpu.memory_space<vmem_shared>>)
    %dma_wait3A_357 = arith.constant 480 : i32
    %dma_wait3A_358 = tpu.memref_slice %arg19[%dma_wait3A_357] : memref<640xi32, #tpu.memory_space<vmem>> -> memref<80xi32, #tpu.memory_space<vmem>>
    %dma_wait3A_359 = arith.constant 0 : i32
    %dma_wait3A_360 = arith.constant 0 : i32
    %dma_wait3A_361 = tpu.memref_slice %arg24[%dma_wait3A_359, %dma_wait3A_360] : memref<5120x128xf32, #tpu.memory_space<vmem_shared>> -> memref<5120x128xf32, #tpu.memory_space<vmem_shared>>
    tpu.wait_indirect_dma semaphore(%arg27 : memref<!tpu.dma_semaphore, #tpu.memory_space<semaphore_mem>>) src(%arg20 : memref<80x128xf32, #tpu.memory_space<vmem>>) dst(%dma_wait3A_361 : memref<5120x128xf32, #tpu.memory_space<vmem_shared>>)
    %barrier3A_362 = arith.constant 0 : index
    tpu.barrier barrier_id(%barrier3A_362)
    %mul3A_363 = arith.constant 320 : i32
    %mul3A_364 = arith.muli %arg0, %mul3A_363 : i32
    %mul3A_365 = arith.constant 16 : i32
    %mul3A_366 = arith.muli %mul3A_364, %mul3A_365 : i32
    %add3A_367 = arith.addi %mul3A_366, %mul3A_187 : i32
    "tpu.region"() ({
      %run_scoped3A = tpu.sem_alloc : memref<!tpu.dma_semaphore, #tpu.memory_space<semaphore_mem>>
      %dma_start3A_731 = arith.constant 0 : i32
      %dma_start3A_732 = tpu.memref_slice %arg13[%add3A_367, %dma_start3A_731] : memref<10240x128xf32, #tpu.memory_space<hbm>> -> memref<320x128xf32, #tpu.memory_space<hbm>>
      %dma_start3A_733 = arith.constant 0 : i32
      %dma_start3A_734 = tpu.memref_slice %arg24[%mul3A_187, %dma_start3A_733] : memref<5120x128xf32, #tpu.memory_space<vmem_shared>> -> memref<320x128xf32, #tpu.memory_space<vmem_shared>>
      tpu.enqueue_dma source(%dma_start3A_734 : memref<320x128xf32, #tpu.memory_space<vmem_shared>>) target(%dma_start3A_732 : memref<320x128xf32, #tpu.memory_space<hbm>>) target_semaphore(%run_scoped3A : memref<!tpu.dma_semaphore, #tpu.memory_space<semaphore_mem>>)
      %dma_wait3A_735 = arith.constant 0 : i32
      %dma_wait3A_736 = tpu.memref_slice %arg13[%add3A_367, %dma_wait3A_735] : memref<10240x128xf32, #tpu.memory_space<hbm>> -> memref<320x128xf32, #tpu.memory_space<hbm>>
      %dma_wait3A_737 = arith.constant 0 : i32
      %dma_wait3A_738 = tpu.memref_slice %arg24[%mul3A_187, %dma_wait3A_737] : memref<5120x128xf32, #tpu.memory_space<vmem_shared>> -> memref<320x128xf32, #tpu.memory_space<vmem_shared>>
      tpu.wait_dma2 semaphore(%run_scoped3A : memref<!tpu.dma_semaphore, #tpu.memory_space<semaphore_mem>>) src(%dma_wait3A_738 : memref<320x128xf32, #tpu.memory_space<vmem_shared>>) dst(%dma_wait3A_736 : memref<320x128xf32, #tpu.memory_space<hbm>>)
      tpu.yield
    }) : () -> ()
    %barrier3A_368 = arith.constant 0 : index
    tpu.barrier barrier_id(%barrier3A_368)
    %mul3A_369 = arith.constant 160 : i32
    %mul3A_370 = arith.muli %arg1, %mul3A_369 : i32
    %add3A_371 = arith.constant 0 : i32
    %add3A_372 = arith.addi %mul3A_370, %add3A_371 : i32
    "tpu.region"() ({
      %run_scoped3A = tpu.sem_alloc : memref<!tpu.dma_semaphore, #tpu.memory_space<semaphore_mem>>
      %dma_start3A_731 = arith.constant 0 : i32
      %dma_start3A_732 = tpu.memref_slice %arg24[%add3A_372, %dma_start3A_731] : memref<5120x128xf32, #tpu.memory_space<vmem_shared>> -> memref<80x128xf32, #tpu.memory_space<vmem_shared>>
      %dma_start3A_733 = arith.constant 0 : i32
      %dma_start3A_734 = tpu.memref_slice %arg24[%add3A_372, %dma_start3A_733] : memref<5120x128xf32, #tpu.memory_space<vmem_shared>> -> memref<80x128xf32, #tpu.memory_space<vmem_shared>>
      tpu.enqueue_dma source(%arg22 : memref<80x128xf32, #tpu.memory_space<vmem>>) target(%dma_start3A_734 : memref<80x128xf32, #tpu.memory_space<vmem_shared>>) target_semaphore(%run_scoped3A : memref<!tpu.dma_semaphore, #tpu.memory_space<semaphore_mem>>)
      %dma_wait3A_735 = arith.constant 0 : i32
      %dma_wait3A_736 = tpu.memref_slice %arg24[%add3A_372, %dma_wait3A_735] : memref<5120x128xf32, #tpu.memory_space<vmem_shared>> -> memref<80x128xf32, #tpu.memory_space<vmem_shared>>
      %dma_wait3A_737 = arith.constant 0 : i32
      %dma_wait3A_738 = tpu.memref_slice %arg24[%add3A_372, %dma_wait3A_737] : memref<5120x128xf32, #tpu.memory_space<vmem_shared>> -> memref<80x128xf32, #tpu.memory_space<vmem_shared>>
      tpu.wait_dma2 semaphore(%run_scoped3A : memref<!tpu.dma_semaphore, #tpu.memory_space<semaphore_mem>>) src(%arg22 : memref<80x128xf32, #tpu.memory_space<vmem>>) dst(%dma_wait3A_738 : memref<80x128xf32, #tpu.memory_space<vmem_shared>>)
      tpu.yield
    }) : () -> ()
    %add3A_373 = arith.constant 0 : i32
    %add3A_374 = arith.addi %mul3A_370, %add3A_373 : i32
    "tpu.region"() ({
      %run_scoped3A = tpu.sem_alloc : memref<!tpu.dma_semaphore, #tpu.memory_space<semaphore_mem>>
      %dma_start3A_731 = arith.constant 0 : i32
      %dma_start3A_732 = tpu.memref_slice %arg29[%add3A_374, %dma_start3A_731] : memref<5120x128xf32, #tpu.memory_space<vmem_shared>> -> memref<80x128xf32, #tpu.memory_space<vmem_shared>>
      %dma_start3A_733 = arith.constant 0 : i32
      %dma_start3A_734 = tpu.memref_slice %arg29[%add3A_374, %dma_start3A_733] : memref<5120x128xf32, #tpu.memory_space<vmem_shared>> -> memref<80x128xf32, #tpu.memory_space<vmem_shared>>
      tpu.enqueue_dma source(%arg22 : memref<80x128xf32, #tpu.memory_space<vmem>>) target(%dma_start3A_734 : memref<80x128xf32, #tpu.memory_space<vmem_shared>>) target_semaphore(%run_scoped3A : memref<!tpu.dma_semaphore, #tpu.memory_space<semaphore_mem>>)
      %dma_wait3A_735 = arith.constant 0 : i32
      %dma_wait3A_736 = tpu.memref_slice %arg29[%add3A_374, %dma_wait3A_735] : memref<5120x128xf32, #tpu.memory_space<vmem_shared>> -> memref<80x128xf32, #tpu.memory_space<vmem_shared>>
      %dma_wait3A_737 = arith.constant 0 : i32
      %dma_wait3A_738 = tpu.memref_slice %arg29[%add3A_374, %dma_wait3A_737] : memref<5120x128xf32, #tpu.memory_space<vmem_shared>> -> memref<80x128xf32, #tpu.memory_space<vmem_shared>>
      tpu.wait_dma2 semaphore(%run_scoped3A : memref<!tpu.dma_semaphore, #tpu.memory_space<semaphore_mem>>) src(%arg22 : memref<80x128xf32, #tpu.memory_space<vmem>>) dst(%dma_wait3A_738 : memref<80x128xf32, #tpu.memory_space<vmem_shared>>)
      tpu.yield
    }) : () -> ()
    %add3A_375 = arith.constant 80 : i32
    %add3A_376 = arith.addi %mul3A_370, %add3A_375 : i32
    "tpu.region"() ({
      %run_scoped3A = tpu.sem_alloc : memref<!tpu.dma_semaphore, #tpu.memory_space<semaphore_mem>>
      %dma_start3A_731 = arith.constant 0 : i32
      %dma_start3A_732 = tpu.memref_slice %arg24[%add3A_376, %dma_start3A_731] : memref<5120x128xf32, #tpu.memory_space<vmem_shared>> -> memref<80x128xf32, #tpu.memory_space<vmem_shared>>
      %dma_start3A_733 = arith.constant 0 : i32
      %dma_start3A_734 = tpu.memref_slice %arg24[%add3A_376, %dma_start3A_733] : memref<5120x128xf32, #tpu.memory_space<vmem_shared>> -> memref<80x128xf32, #tpu.memory_space<vmem_shared>>
      tpu.enqueue_dma source(%arg22 : memref<80x128xf32, #tpu.memory_space<vmem>>) target(%dma_start3A_734 : memref<80x128xf32, #tpu.memory_space<vmem_shared>>) target_semaphore(%run_scoped3A : memref<!tpu.dma_semaphore, #tpu.memory_space<semaphore_mem>>)
      %dma_wait3A_735 = arith.constant 0 : i32
      %dma_wait3A_736 = tpu.memref_slice %arg24[%add3A_376, %dma_wait3A_735] : memref<5120x128xf32, #tpu.memory_space<vmem_shared>> -> memref<80x128xf32, #tpu.memory_space<vmem_shared>>
      %dma_wait3A_737 = arith.constant 0 : i32
      %dma_wait3A_738 = tpu.memref_slice %arg24[%add3A_376, %dma_wait3A_737] : memref<5120x128xf32, #tpu.memory_space<vmem_shared>> -> memref<80x128xf32, #tpu.memory_space<vmem_shared>>
      tpu.wait_dma2 semaphore(%run_scoped3A : memref<!tpu.dma_semaphore, #tpu.memory_space<semaphore_mem>>) src(%arg22 : memref<80x128xf32, #tpu.memory_space<vmem>>) dst(%dma_wait3A_738 : memref<80x128xf32, #tpu.memory_space<vmem_shared>>)
      tpu.yield
    }) : () -> ()
    %add3A_377 = arith.constant 80 : i32
    %add3A_378 = arith.addi %mul3A_370, %add3A_377 : i32
    "tpu.region"() ({
      %run_scoped3A = tpu.sem_alloc : memref<!tpu.dma_semaphore, #tpu.memory_space<semaphore_mem>>
      %dma_start3A_731 = arith.constant 0 : i32
      %dma_start3A_732 = tpu.memref_slice %arg29[%add3A_378, %dma_start3A_731] : memref<5120x128xf32, #tpu.memory_space<vmem_shared>> -> memref<80x128xf32, #tpu.memory_space<vmem_shared>>
      %dma_start3A_733 = arith.constant 0 : i32
      %dma_start3A_734 = tpu.memref_slice %arg29[%add3A_378, %dma_start3A_733] : memref<5120x128xf32, #tpu.memory_space<vmem_shared>> -> memref<80x128xf32, #tpu.memory_space<vmem_shared>>
      tpu.enqueue_dma source(%arg22 : memref<80x128xf32, #tpu.memory_space<vmem>>) target(%dma_start3A_734 : memref<80x128xf32, #tpu.memory_space<vmem_shared>>) target_semaphore(%run_scoped3A : memref<!tpu.dma_semaphore, #tpu.memory_space<semaphore_mem>>)
      %dma_wait3A_735 = arith.constant 0 : i32
      %dma_wait3A_736 = tpu.memref_slice %arg29[%add3A_378, %dma_wait3A_735] : memref<5120x128xf32, #tpu.memory_space<vmem_shared>> -> memref<80x128xf32, #tpu.memory_space<vmem_shared>>
      %dma_wait3A_737 = arith.constant 0 : i32
      %dma_wait3A_738 = tpu.memref_slice %arg29[%add3A_378, %dma_wait3A_737] : memref<5120x128xf32, #tpu.memory_space<vmem_shared>> -> memref<80x128xf32, #tpu.memory_space<vmem_shared>>
      tpu.wait_dma2 semaphore(%run_scoped3A : memref<!tpu.dma_semaphore, #tpu.memory_space<semaphore_mem>>) src(%arg22 : memref<80x128xf32, #tpu.memory_space<vmem>>) dst(%dma_wait3A_738 : memref<80x128xf32, #tpu.memory_space<vmem_shared>>)
      tpu.yield
    }) : () -> ()
    %barrier3A_379 = arith.constant 0 : index
    tpu.barrier barrier_id(%barrier3A_379)
    %mul3A_380 = arith.constant 10240 : i32
    %mul3A_381 = arith.muli %arg0, %mul3A_380 : i32
    %mul3A_382 = arith.constant 640 : i32
    %mul3A_383 = arith.muli %arg1, %mul3A_382 : i32
    %add3A_384 = arith.addi %mul3A_381, %mul3A_383 : i32
    "tpu.region"() ({
      %run_scoped3A = tpu.sem_alloc : memref<!tpu.dma_semaphore, #tpu.memory_space<semaphore_mem>>
      %dma_start3A_731 = tpu.memref_slice %arg5[%add3A_384] : memref<20480xi32, #tpu.memory_space<hbm>> -> memref<640xi32, #tpu.memory_space<hbm>>
      %dma_start3A_732 = tpu.memref_slice %arg5[%add3A_384] : memref<20480xi32, #tpu.memory_space<hbm>> -> memref<640xi32, #tpu.memory_space<hbm>>
      tpu.enqueue_dma source(%dma_start3A_732 : memref<640xi32, #tpu.memory_space<hbm>>) target(%arg18 : memref<640xi32, #tpu.memory_space<vmem>>) target_semaphore(%run_scoped3A : memref<!tpu.dma_semaphore, #tpu.memory_space<semaphore_mem>>)
      %dma_wait3A_733 = tpu.memref_slice %arg5[%add3A_384] : memref<20480xi32, #tpu.memory_space<hbm>> -> memref<640xi32, #tpu.memory_space<hbm>>
      %dma_wait3A_734 = tpu.memref_slice %arg5[%add3A_384] : memref<20480xi32, #tpu.memory_space<hbm>> -> memref<640xi32, #tpu.memory_space<hbm>>
      tpu.wait_dma2 semaphore(%run_scoped3A : memref<!tpu.dma_semaphore, #tpu.memory_space<semaphore_mem>>) src(%dma_wait3A_734 : memref<640xi32, #tpu.memory_space<hbm>>) dst(%arg18 : memref<640xi32, #tpu.memory_space<vmem>>)
      tpu.yield
    }) : () -> ()
    "tpu.region"() ({
      %run_scoped3A = tpu.sem_alloc : memref<!tpu.dma_semaphore, #tpu.memory_space<semaphore_mem>>
      %dma_start3A_731 = tpu.memref_slice %arg7[%add3A_384] : memref<20480xi32, #tpu.memory_space<hbm>> -> memref<640xi32, #tpu.memory_space<hbm>>
      %dma_start3A_732 = tpu.memref_slice %arg7[%add3A_384] : memref<20480xi32, #tpu.memory_space<hbm>> -> memref<640xi32, #tpu.memory_space<hbm>>
      tpu.enqueue_dma source(%dma_start3A_732 : memref<640xi32, #tpu.memory_space<hbm>>) target(%arg19 : memref<640xi32, #tpu.memory_space<vmem>>) target_semaphore(%run_scoped3A : memref<!tpu.dma_semaphore, #tpu.memory_space<semaphore_mem>>)
      %dma_wait3A_733 = tpu.memref_slice %arg7[%add3A_384] : memref<20480xi32, #tpu.memory_space<hbm>> -> memref<640xi32, #tpu.memory_space<hbm>>
      %dma_wait3A_734 = tpu.memref_slice %arg7[%add3A_384] : memref<20480xi32, #tpu.memory_space<hbm>> -> memref<640xi32, #tpu.memory_space<hbm>>
      tpu.wait_dma2 semaphore(%run_scoped3A : memref<!tpu.dma_semaphore, #tpu.memory_space<semaphore_mem>>) src(%dma_wait3A_734 : memref<640xi32, #tpu.memory_space<hbm>>) dst(%arg19 : memref<640xi32, #tpu.memory_space<vmem>>)
      tpu.yield
    }) : () -> ()
    %dma_start3A_385 = arith.constant 0 : i32
    %dma_start3A_386 = tpu.memref_slice %arg18[%dma_start3A_385] : memref<640xi32, #tpu.memory_space<vmem>> -> memref<80xi32, #tpu.memory_space<vmem>>
    %dma_start3A_387 = arith.constant 0 : i32
    %dma_start3A_388 = arith.constant 0 : i32
    %dma_start3A_389 = tpu.memref_slice %arg9[%dma_start3A_387, %dma_start3A_388] : memref<20000x128xf32, #tpu.memory_space<hbm>> -> memref<20000x128xf32, #tpu.memory_space<hbm>>
    tpu.enqueue_indirect_dma source(%dma_start3A_389 : memref<20000x128xf32, #tpu.memory_space<hbm>>) target(%arg20 : memref<80x128xf32, #tpu.memory_space<vmem>>) offsets(%dma_start3A_386 : memref<80xi32, #tpu.memory_space<vmem>>) semaphore(%arg25 : memref<!tpu.dma_semaphore, #tpu.memory_space<semaphore_mem>>)
    %dma_start3A_390 = arith.constant 80 : i32
    %dma_start3A_391 = tpu.memref_slice %arg18[%dma_start3A_390] : memref<640xi32, #tpu.memory_space<vmem>> -> memref<80xi32, #tpu.memory_space<vmem>>
    %dma_start3A_392 = arith.constant 0 : i32
    %dma_start3A_393 = arith.constant 0 : i32
    %dma_start3A_394 = tpu.memref_slice %arg9[%dma_start3A_392, %dma_start3A_393] : memref<20000x128xf32, #tpu.memory_space<hbm>> -> memref<20000x128xf32, #tpu.memory_space<hbm>>
    tpu.enqueue_indirect_dma source(%dma_start3A_394 : memref<20000x128xf32, #tpu.memory_space<hbm>>) target(%arg21 : memref<80x128xf32, #tpu.memory_space<vmem>>) offsets(%dma_start3A_391 : memref<80xi32, #tpu.memory_space<vmem>>) semaphore(%arg26 : memref<!tpu.dma_semaphore, #tpu.memory_space<semaphore_mem>>)
    %dma_wait3A_395 = arith.constant 0 : i32
    %dma_wait3A_396 = tpu.memref_slice %arg18[%dma_wait3A_395] : memref<640xi32, #tpu.memory_space<vmem>> -> memref<80xi32, #tpu.memory_space<vmem>>
    %dma_wait3A_397 = arith.constant 0 : i32
    %dma_wait3A_398 = arith.constant 0 : i32
    %dma_wait3A_399 = tpu.memref_slice %arg9[%dma_wait3A_397, %dma_wait3A_398] : memref<20000x128xf32, #tpu.memory_space<hbm>> -> memref<20000x128xf32, #tpu.memory_space<hbm>>
    tpu.wait_indirect_dma semaphore(%arg25 : memref<!tpu.dma_semaphore, #tpu.memory_space<semaphore_mem>>) src(%dma_wait3A_399 : memref<20000x128xf32, #tpu.memory_space<hbm>>) dst(%arg20 : memref<80x128xf32, #tpu.memory_space<vmem>>)
    %dma_start3A_400 = arith.constant 0 : i32
    %dma_start3A_401 = tpu.memref_slice %arg19[%dma_start3A_400] : memref<640xi32, #tpu.memory_space<vmem>> -> memref<80xi32, #tpu.memory_space<vmem>>
    %dma_start3A_402 = arith.constant 0 : i32
    %dma_start3A_403 = arith.constant 0 : i32
    %dma_start3A_404 = tpu.memref_slice %arg24[%dma_start3A_402, %dma_start3A_403] : memref<5120x128xf32, #tpu.memory_space<vmem_shared>> -> memref<5120x128xf32, #tpu.memory_space<vmem_shared>>
    tpu.enqueue_indirect_dma source(%arg20 : memref<80x128xf32, #tpu.memory_space<vmem>>) target(%dma_start3A_404 : memref<5120x128xf32, #tpu.memory_space<vmem_shared>>) offsets(%dma_start3A_401 : memref<80xi32, #tpu.memory_space<vmem>>) semaphore(%arg27 : memref<!tpu.dma_semaphore, #tpu.memory_space<semaphore_mem>>) {add = true}
    "tpu.region"() ({
      %run_scoped3A = tpu.sem_alloc : memref<!tpu.dma_semaphore, #tpu.memory_space<semaphore_mem>>
      %dma_start3A_731 = arith.constant 0 : i32
      %dma_start3A_732 = tpu.memref_slice %arg19[%dma_start3A_731] : memref<640xi32, #tpu.memory_space<vmem>> -> memref<80xi32, #tpu.memory_space<vmem>>
      %dma_start3A_733 = arith.constant 0 : i32
      %dma_start3A_734 = arith.constant 0 : i32
      %dma_start3A_735 = tpu.memref_slice %arg29[%dma_start3A_733, %dma_start3A_734] : memref<5120x128xf32, #tpu.memory_space<vmem_shared>> -> memref<5120x128xf32, #tpu.memory_space<vmem_shared>>
      tpu.enqueue_indirect_dma source(%arg23 : memref<80x128xf32, #tpu.memory_space<vmem>>) target(%dma_start3A_735 : memref<5120x128xf32, #tpu.memory_space<vmem_shared>>) offsets(%dma_start3A_732 : memref<80xi32, #tpu.memory_space<vmem>>) semaphore(%run_scoped3A : memref<!tpu.dma_semaphore, #tpu.memory_space<semaphore_mem>>) {add = true}
      %dma_wait3A_736 = arith.constant 0 : i32
      %dma_wait3A_737 = tpu.memref_slice %arg19[%dma_wait3A_736] : memref<640xi32, #tpu.memory_space<vmem>> -> memref<80xi32, #tpu.memory_space<vmem>>
      %dma_wait3A_738 = arith.constant 0 : i32
      %dma_wait3A_739 = arith.constant 0 : i32
      %dma_wait3A_740 = tpu.memref_slice %arg29[%dma_wait3A_738, %dma_wait3A_739] : memref<5120x128xf32, #tpu.memory_space<vmem_shared>> -> memref<5120x128xf32, #tpu.memory_space<vmem_shared>>
      tpu.wait_indirect_dma semaphore(%run_scoped3A : memref<!tpu.dma_semaphore, #tpu.memory_space<semaphore_mem>>) src(%arg23 : memref<80x128xf32, #tpu.memory_space<vmem>>) dst(%dma_wait3A_740 : memref<5120x128xf32, #tpu.memory_space<vmem_shared>>)
      tpu.yield
    }) : () -> ()
    %dma_wait3A_405 = arith.constant 0 : i32
    %dma_wait3A_406 = tpu.memref_slice %arg19[%dma_wait3A_405] : memref<640xi32, #tpu.memory_space<vmem>> -> memref<80xi32, #tpu.memory_space<vmem>>
    %dma_wait3A_407 = arith.constant 0 : i32
    %dma_wait3A_408 = arith.constant 0 : i32
    %dma_wait3A_409 = tpu.memref_slice %arg24[%dma_wait3A_407, %dma_wait3A_408] : memref<5120x128xf32, #tpu.memory_space<vmem_shared>> -> memref<5120x128xf32, #tpu.memory_space<vmem_shared>>
    tpu.wait_indirect_dma semaphore(%arg27 : memref<!tpu.dma_semaphore, #tpu.memory_space<semaphore_mem>>) src(%arg20 : memref<80x128xf32, #tpu.memory_space<vmem>>) dst(%dma_wait3A_409 : memref<5120x128xf32, #tpu.memory_space<vmem_shared>>)
    %dma_start3A_410 = arith.constant 160 : i32
    %dma_start3A_411 = tpu.memref_slice %arg18[%dma_start3A_410] : memref<640xi32, #tpu.memory_space<vmem>> -> memref<80xi32, #tpu.memory_space<vmem>>
    %dma_start3A_412 = arith.constant 0 : i32
    %dma_start3A_413 = arith.constant 0 : i32
    %dma_start3A_414 = tpu.memref_slice %arg9[%dma_start3A_412, %dma_start3A_413] : memref<20000x128xf32, #tpu.memory_space<hbm>> -> memref<20000x128xf32, #tpu.memory_space<hbm>>
    tpu.enqueue_indirect_dma source(%dma_start3A_414 : memref<20000x128xf32, #tpu.memory_space<hbm>>) target(%arg20 : memref<80x128xf32, #tpu.memory_space<vmem>>) offsets(%dma_start3A_411 : memref<80xi32, #tpu.memory_space<vmem>>) semaphore(%arg25 : memref<!tpu.dma_semaphore, #tpu.memory_space<semaphore_mem>>)
    %dma_wait3A_415 = arith.constant 80 : i32
    %dma_wait3A_416 = tpu.memref_slice %arg18[%dma_wait3A_415] : memref<640xi32, #tpu.memory_space<vmem>> -> memref<80xi32, #tpu.memory_space<vmem>>
    %dma_wait3A_417 = arith.constant 0 : i32
    %dma_wait3A_418 = arith.constant 0 : i32
    %dma_wait3A_419 = tpu.memref_slice %arg9[%dma_wait3A_417, %dma_wait3A_418] : memref<20000x128xf32, #tpu.memory_space<hbm>> -> memref<20000x128xf32, #tpu.memory_space<hbm>>
    tpu.wait_indirect_dma semaphore(%arg26 : memref<!tpu.dma_semaphore, #tpu.memory_space<semaphore_mem>>) src(%dma_wait3A_419 : memref<20000x128xf32, #tpu.memory_space<hbm>>) dst(%arg21 : memref<80x128xf32, #tpu.memory_space<vmem>>)
    %dma_start3A_420 = arith.constant 80 : i32
    %dma_start3A_421 = tpu.memref_slice %arg19[%dma_start3A_420] : memref<640xi32, #tpu.memory_space<vmem>> -> memref<80xi32, #tpu.memory_space<vmem>>
    %dma_start3A_422 = arith.constant 0 : i32
    %dma_start3A_423 = arith.constant 0 : i32
    %dma_start3A_424 = tpu.memref_slice %arg24[%dma_start3A_422, %dma_start3A_423] : memref<5120x128xf32, #tpu.memory_space<vmem_shared>> -> memref<5120x128xf32, #tpu.memory_space<vmem_shared>>
    tpu.enqueue_indirect_dma source(%arg21 : memref<80x128xf32, #tpu.memory_space<vmem>>) target(%dma_start3A_424 : memref<5120x128xf32, #tpu.memory_space<vmem_shared>>) offsets(%dma_start3A_421 : memref<80xi32, #tpu.memory_space<vmem>>) semaphore(%arg28 : memref<!tpu.dma_semaphore, #tpu.memory_space<semaphore_mem>>) {add = true}
    "tpu.region"() ({
      %run_scoped3A = tpu.sem_alloc : memref<!tpu.dma_semaphore, #tpu.memory_space<semaphore_mem>>
      %dma_start3A_731 = arith.constant 80 : i32
      %dma_start3A_732 = tpu.memref_slice %arg19[%dma_start3A_731] : memref<640xi32, #tpu.memory_space<vmem>> -> memref<80xi32, #tpu.memory_space<vmem>>
      %dma_start3A_733 = arith.constant 0 : i32
      %dma_start3A_734 = arith.constant 0 : i32
      %dma_start3A_735 = tpu.memref_slice %arg29[%dma_start3A_733, %dma_start3A_734] : memref<5120x128xf32, #tpu.memory_space<vmem_shared>> -> memref<5120x128xf32, #tpu.memory_space<vmem_shared>>
      tpu.enqueue_indirect_dma source(%arg23 : memref<80x128xf32, #tpu.memory_space<vmem>>) target(%dma_start3A_735 : memref<5120x128xf32, #tpu.memory_space<vmem_shared>>) offsets(%dma_start3A_732 : memref<80xi32, #tpu.memory_space<vmem>>) semaphore(%run_scoped3A : memref<!tpu.dma_semaphore, #tpu.memory_space<semaphore_mem>>) {add = true}
      %dma_wait3A_736 = arith.constant 80 : i32
      %dma_wait3A_737 = tpu.memref_slice %arg19[%dma_wait3A_736] : memref<640xi32, #tpu.memory_space<vmem>> -> memref<80xi32, #tpu.memory_space<vmem>>
      %dma_wait3A_738 = arith.constant 0 : i32
      %dma_wait3A_739 = arith.constant 0 : i32
      %dma_wait3A_740 = tpu.memref_slice %arg29[%dma_wait3A_738, %dma_wait3A_739] : memref<5120x128xf32, #tpu.memory_space<vmem_shared>> -> memref<5120x128xf32, #tpu.memory_space<vmem_shared>>
      tpu.wait_indirect_dma semaphore(%run_scoped3A : memref<!tpu.dma_semaphore, #tpu.memory_space<semaphore_mem>>) src(%arg23 : memref<80x128xf32, #tpu.memory_space<vmem>>) dst(%dma_wait3A_740 : memref<5120x128xf32, #tpu.memory_space<vmem_shared>>)
      tpu.yield
    }) : () -> ()
    %dma_wait3A_425 = arith.constant 80 : i32
    %dma_wait3A_426 = tpu.memref_slice %arg19[%dma_wait3A_425] : memref<640xi32, #tpu.memory_space<vmem>> -> memref<80xi32, #tpu.memory_space<vmem>>
    %dma_wait3A_427 = arith.constant 0 : i32
    %dma_wait3A_428 = arith.constant 0 : i32
    %dma_wait3A_429 = tpu.memref_slice %arg24[%dma_wait3A_427, %dma_wait3A_428] : memref<5120x128xf32, #tpu.memory_space<vmem_shared>> -> memref<5120x128xf32, #tpu.memory_space<vmem_shared>>
    tpu.wait_indirect_dma semaphore(%arg28 : memref<!tpu.dma_semaphore, #tpu.memory_space<semaphore_mem>>) src(%arg21 : memref<80x128xf32, #tpu.memory_space<vmem>>) dst(%dma_wait3A_429 : memref<5120x128xf32, #tpu.memory_space<vmem_shared>>)
    %dma_start3A_430 = arith.constant 240 : i32
    %dma_start3A_431 = tpu.memref_slice %arg18[%dma_start3A_430] : memref<640xi32, #tpu.memory_space<vmem>> -> memref<80xi32, #tpu.memory_space<vmem>>
    %dma_start3A_432 = arith.constant 0 : i32
    %dma_start3A_433 = arith.constant 0 : i32
    %dma_start3A_434 = tpu.memref_slice %arg9[%dma_start3A_432, %dma_start3A_433] : memref<20000x128xf32, #tpu.memory_space<hbm>> -> memref<20000x128xf32, #tpu.memory_space<hbm>>
    tpu.enqueue_indirect_dma source(%dma_start3A_434 : memref<20000x128xf32, #tpu.memory_space<hbm>>) target(%arg21 : memref<80x128xf32, #tpu.memory_space<vmem>>) offsets(%dma_start3A_431 : memref<80xi32, #tpu.memory_space<vmem>>) semaphore(%arg26 : memref<!tpu.dma_semaphore, #tpu.memory_space<semaphore_mem>>)
    %dma_wait3A_435 = arith.constant 160 : i32
    %dma_wait3A_436 = tpu.memref_slice %arg18[%dma_wait3A_435] : memref<640xi32, #tpu.memory_space<vmem>> -> memref<80xi32, #tpu.memory_space<vmem>>
    %dma_wait3A_437 = arith.constant 0 : i32
    %dma_wait3A_438 = arith.constant 0 : i32
    %dma_wait3A_439 = tpu.memref_slice %arg9[%dma_wait3A_437, %dma_wait3A_438] : memref<20000x128xf32, #tpu.memory_space<hbm>> -> memref<20000x128xf32, #tpu.memory_space<hbm>>
    tpu.wait_indirect_dma semaphore(%arg25 : memref<!tpu.dma_semaphore, #tpu.memory_space<semaphore_mem>>) src(%dma_wait3A_439 : memref<20000x128xf32, #tpu.memory_space<hbm>>) dst(%arg20 : memref<80x128xf32, #tpu.memory_space<vmem>>)
    %dma_start3A_440 = arith.constant 160 : i32
    %dma_start3A_441 = tpu.memref_slice %arg19[%dma_start3A_440] : memref<640xi32, #tpu.memory_space<vmem>> -> memref<80xi32, #tpu.memory_space<vmem>>
    %dma_start3A_442 = arith.constant 0 : i32
    %dma_start3A_443 = arith.constant 0 : i32
    %dma_start3A_444 = tpu.memref_slice %arg24[%dma_start3A_442, %dma_start3A_443] : memref<5120x128xf32, #tpu.memory_space<vmem_shared>> -> memref<5120x128xf32, #tpu.memory_space<vmem_shared>>
    tpu.enqueue_indirect_dma source(%arg20 : memref<80x128xf32, #tpu.memory_space<vmem>>) target(%dma_start3A_444 : memref<5120x128xf32, #tpu.memory_space<vmem_shared>>) offsets(%dma_start3A_441 : memref<80xi32, #tpu.memory_space<vmem>>) semaphore(%arg27 : memref<!tpu.dma_semaphore, #tpu.memory_space<semaphore_mem>>) {add = true}
    "tpu.region"() ({
      %run_scoped3A = tpu.sem_alloc : memref<!tpu.dma_semaphore, #tpu.memory_space<semaphore_mem>>
      %dma_start3A_731 = arith.constant 160 : i32
      %dma_start3A_732 = tpu.memref_slice %arg19[%dma_start3A_731] : memref<640xi32, #tpu.memory_space<vmem>> -> memref<80xi32, #tpu.memory_space<vmem>>
      %dma_start3A_733 = arith.constant 0 : i32
      %dma_start3A_734 = arith.constant 0 : i32
      %dma_start3A_735 = tpu.memref_slice %arg29[%dma_start3A_733, %dma_start3A_734] : memref<5120x128xf32, #tpu.memory_space<vmem_shared>> -> memref<5120x128xf32, #tpu.memory_space<vmem_shared>>
      tpu.enqueue_indirect_dma source(%arg23 : memref<80x128xf32, #tpu.memory_space<vmem>>) target(%dma_start3A_735 : memref<5120x128xf32, #tpu.memory_space<vmem_shared>>) offsets(%dma_start3A_732 : memref<80xi32, #tpu.memory_space<vmem>>) semaphore(%run_scoped3A : memref<!tpu.dma_semaphore, #tpu.memory_space<semaphore_mem>>) {add = true}
      %dma_wait3A_736 = arith.constant 160 : i32
      %dma_wait3A_737 = tpu.memref_slice %arg19[%dma_wait3A_736] : memref<640xi32, #tpu.memory_space<vmem>> -> memref<80xi32, #tpu.memory_space<vmem>>
      %dma_wait3A_738 = arith.constant 0 : i32
      %dma_wait3A_739 = arith.constant 0 : i32
      %dma_wait3A_740 = tpu.memref_slice %arg29[%dma_wait3A_738, %dma_wait3A_739] : memref<5120x128xf32, #tpu.memory_space<vmem_shared>> -> memref<5120x128xf32, #tpu.memory_space<vmem_shared>>
      tpu.wait_indirect_dma semaphore(%run_scoped3A : memref<!tpu.dma_semaphore, #tpu.memory_space<semaphore_mem>>) src(%arg23 : memref<80x128xf32, #tpu.memory_space<vmem>>) dst(%dma_wait3A_740 : memref<5120x128xf32, #tpu.memory_space<vmem_shared>>)
      tpu.yield
    }) : () -> ()
    %dma_wait3A_445 = arith.constant 160 : i32
    %dma_wait3A_446 = tpu.memref_slice %arg19[%dma_wait3A_445] : memref<640xi32, #tpu.memory_space<vmem>> -> memref<80xi32, #tpu.memory_space<vmem>>
    %dma_wait3A_447 = arith.constant 0 : i32
    %dma_wait3A_448 = arith.constant 0 : i32
    %dma_wait3A_449 = tpu.memref_slice %arg24[%dma_wait3A_447, %dma_wait3A_448] : memref<5120x128xf32, #tpu.memory_space<vmem_shared>> -> memref<5120x128xf32, #tpu.memory_space<vmem_shared>>
    tpu.wait_indirect_dma semaphore(%arg27 : memref<!tpu.dma_semaphore, #tpu.memory_space<semaphore_mem>>) src(%arg20 : memref<80x128xf32, #tpu.memory_space<vmem>>) dst(%dma_wait3A_449 : memref<5120x128xf32, #tpu.memory_space<vmem_shared>>)
    %dma_start3A_450 = arith.constant 320 : i32
    %dma_start3A_451 = tpu.memref_slice %arg18[%dma_start3A_450] : memref<640xi32, #tpu.memory_space<vmem>> -> memref<80xi32, #tpu.memory_space<vmem>>
    %dma_start3A_452 = arith.constant 0 : i32
    %dma_start3A_453 = arith.constant 0 : i32
    %dma_start3A_454 = tpu.memref_slice %arg9[%dma_start3A_452, %dma_start3A_453] : memref<20000x128xf32, #tpu.memory_space<hbm>> -> memref<20000x128xf32, #tpu.memory_space<hbm>>
    tpu.enqueue_indirect_dma source(%dma_start3A_454 : memref<20000x128xf32, #tpu.memory_space<hbm>>) target(%arg20 : memref<80x128xf32, #tpu.memory_space<vmem>>) offsets(%dma_start3A_451 : memref<80xi32, #tpu.memory_space<vmem>>) semaphore(%arg25 : memref<!tpu.dma_semaphore, #tpu.memory_space<semaphore_mem>>)
    %dma_wait3A_455 = arith.constant 240 : i32
    %dma_wait3A_456 = tpu.memref_slice %arg18[%dma_wait3A_455] : memref<640xi32, #tpu.memory_space<vmem>> -> memref<80xi32, #tpu.memory_space<vmem>>
    %dma_wait3A_457 = arith.constant 0 : i32
    %dma_wait3A_458 = arith.constant 0 : i32
    %dma_wait3A_459 = tpu.memref_slice %arg9[%dma_wait3A_457, %dma_wait3A_458] : memref<20000x128xf32, #tpu.memory_space<hbm>> -> memref<20000x128xf32, #tpu.memory_space<hbm>>
    tpu.wait_indirect_dma semaphore(%arg26 : memref<!tpu.dma_semaphore, #tpu.memory_space<semaphore_mem>>) src(%dma_wait3A_459 : memref<20000x128xf32, #tpu.memory_space<hbm>>) dst(%arg21 : memref<80x128xf32, #tpu.memory_space<vmem>>)
    %dma_start3A_460 = arith.constant 240 : i32
    %dma_start3A_461 = tpu.memref_slice %arg19[%dma_start3A_460] : memref<640xi32, #tpu.memory_space<vmem>> -> memref<80xi32, #tpu.memory_space<vmem>>
    %dma_start3A_462 = arith.constant 0 : i32
    %dma_start3A_463 = arith.constant 0 : i32
    %dma_start3A_464 = tpu.memref_slice %arg24[%dma_start3A_462, %dma_start3A_463] : memref<5120x128xf32, #tpu.memory_space<vmem_shared>> -> memref<5120x128xf32, #tpu.memory_space<vmem_shared>>
    tpu.enqueue_indirect_dma source(%arg21 : memref<80x128xf32, #tpu.memory_space<vmem>>) target(%dma_start3A_464 : memref<5120x128xf32, #tpu.memory_space<vmem_shared>>) offsets(%dma_start3A_461 : memref<80xi32, #tpu.memory_space<vmem>>) semaphore(%arg28 : memref<!tpu.dma_semaphore, #tpu.memory_space<semaphore_mem>>) {add = true}
    "tpu.region"() ({
      %run_scoped3A = tpu.sem_alloc : memref<!tpu.dma_semaphore, #tpu.memory_space<semaphore_mem>>
      %dma_start3A_731 = arith.constant 240 : i32
      %dma_start3A_732 = tpu.memref_slice %arg19[%dma_start3A_731] : memref<640xi32, #tpu.memory_space<vmem>> -> memref<80xi32, #tpu.memory_space<vmem>>
      %dma_start3A_733 = arith.constant 0 : i32
      %dma_start3A_734 = arith.constant 0 : i32
      %dma_start3A_735 = tpu.memref_slice %arg29[%dma_start3A_733, %dma_start3A_734] : memref<5120x128xf32, #tpu.memory_space<vmem_shared>> -> memref<5120x128xf32, #tpu.memory_space<vmem_shared>>
      tpu.enqueue_indirect_dma source(%arg23 : memref<80x128xf32, #tpu.memory_space<vmem>>) target(%dma_start3A_735 : memref<5120x128xf32, #tpu.memory_space<vmem_shared>>) offsets(%dma_start3A_732 : memref<80xi32, #tpu.memory_space<vmem>>) semaphore(%run_scoped3A : memref<!tpu.dma_semaphore, #tpu.memory_space<semaphore_mem>>) {add = true}
      %dma_wait3A_736 = arith.constant 240 : i32
      %dma_wait3A_737 = tpu.memref_slice %arg19[%dma_wait3A_736] : memref<640xi32, #tpu.memory_space<vmem>> -> memref<80xi32, #tpu.memory_space<vmem>>
      %dma_wait3A_738 = arith.constant 0 : i32
      %dma_wait3A_739 = arith.constant 0 : i32
      %dma_wait3A_740 = tpu.memref_slice %arg29[%dma_wait3A_738, %dma_wait3A_739] : memref<5120x128xf32, #tpu.memory_space<vmem_shared>> -> memref<5120x128xf32, #tpu.memory_space<vmem_shared>>
      tpu.wait_indirect_dma semaphore(%run_scoped3A : memref<!tpu.dma_semaphore, #tpu.memory_space<semaphore_mem>>) src(%arg23 : memref<80x128xf32, #tpu.memory_space<vmem>>) dst(%dma_wait3A_740 : memref<5120x128xf32, #tpu.memory_space<vmem_shared>>)
      tpu.yield
    }) : () -> ()
    %dma_wait3A_465 = arith.constant 240 : i32
    %dma_wait3A_466 = tpu.memref_slice %arg19[%dma_wait3A_465] : memref<640xi32, #tpu.memory_space<vmem>> -> memref<80xi32, #tpu.memory_space<vmem>>
    %dma_wait3A_467 = arith.constant 0 : i32
    %dma_wait3A_468 = arith.constant 0 : i32
    %dma_wait3A_469 = tpu.memref_slice %arg24[%dma_wait3A_467, %dma_wait3A_468] : memref<5120x128xf32, #tpu.memory_space<vmem_shared>> -> memref<5120x128xf32, #tpu.memory_space<vmem_shared>>
    tpu.wait_indirect_dma semaphore(%arg28 : memref<!tpu.dma_semaphore, #tpu.memory_space<semaphore_mem>>) src(%arg21 : memref<80x128xf32, #tpu.memory_space<vmem>>) dst(%dma_wait3A_469 : memref<5120x128xf32, #tpu.memory_space<vmem_shared>>)
    %dma_start3A_470 = arith.constant 400 : i32
    %dma_start3A_471 = tpu.memref_slice %arg18[%dma_start3A_470] : memref<640xi32, #tpu.memory_space<vmem>> -> memref<80xi32, #tpu.memory_space<vmem>>
    %dma_start3A_472 = arith.constant 0 : i32
    %dma_start3A_473 = arith.constant 0 : i32
    %dma_start3A_474 = tpu.memref_slice %arg9[%dma_start3A_472, %dma_start3A_473] : memref<20000x128xf32, #tpu.memory_space<hbm>> -> memref<20000x128xf32, #tpu.memory_space<hbm>>
    tpu.enqueue_indirect_dma source(%dma_start3A_474 : memref<20000x128xf32, #tpu.memory_space<hbm>>) target(%arg21 : memref<80x128xf32, #tpu.memory_space<vmem>>) offsets(%dma_start3A_471 : memref<80xi32, #tpu.memory_space<vmem>>) semaphore(%arg26 : memref<!tpu.dma_semaphore, #tpu.memory_space<semaphore_mem>>)
    %dma_wait3A_475 = arith.constant 320 : i32
    %dma_wait3A_476 = tpu.memref_slice %arg18[%dma_wait3A_475] : memref<640xi32, #tpu.memory_space<vmem>> -> memref<80xi32, #tpu.memory_space<vmem>>
    %dma_wait3A_477 = arith.constant 0 : i32
    %dma_wait3A_478 = arith.constant 0 : i32
    %dma_wait3A_479 = tpu.memref_slice %arg9[%dma_wait3A_477, %dma_wait3A_478] : memref<20000x128xf32, #tpu.memory_space<hbm>> -> memref<20000x128xf32, #tpu.memory_space<hbm>>
    tpu.wait_indirect_dma semaphore(%arg25 : memref<!tpu.dma_semaphore, #tpu.memory_space<semaphore_mem>>) src(%dma_wait3A_479 : memref<20000x128xf32, #tpu.memory_space<hbm>>) dst(%arg20 : memref<80x128xf32, #tpu.memory_space<vmem>>)
    %dma_start3A_480 = arith.constant 320 : i32
    %dma_start3A_481 = tpu.memref_slice %arg19[%dma_start3A_480] : memref<640xi32, #tpu.memory_space<vmem>> -> memref<80xi32, #tpu.memory_space<vmem>>
    %dma_start3A_482 = arith.constant 0 : i32
    %dma_start3A_483 = arith.constant 0 : i32
    %dma_start3A_484 = tpu.memref_slice %arg24[%dma_start3A_482, %dma_start3A_483] : memref<5120x128xf32, #tpu.memory_space<vmem_shared>> -> memref<5120x128xf32, #tpu.memory_space<vmem_shared>>
    tpu.enqueue_indirect_dma source(%arg20 : memref<80x128xf32, #tpu.memory_space<vmem>>) target(%dma_start3A_484 : memref<5120x128xf32, #tpu.memory_space<vmem_shared>>) offsets(%dma_start3A_481 : memref<80xi32, #tpu.memory_space<vmem>>) semaphore(%arg27 : memref<!tpu.dma_semaphore, #tpu.memory_space<semaphore_mem>>) {add = true}
    "tpu.region"() ({
      %run_scoped3A = tpu.sem_alloc : memref<!tpu.dma_semaphore, #tpu.memory_space<semaphore_mem>>
      %dma_start3A_731 = arith.constant 320 : i32
      %dma_start3A_732 = tpu.memref_slice %arg19[%dma_start3A_731] : memref<640xi32, #tpu.memory_space<vmem>> -> memref<80xi32, #tpu.memory_space<vmem>>
      %dma_start3A_733 = arith.constant 0 : i32
      %dma_start3A_734 = arith.constant 0 : i32
      %dma_start3A_735 = tpu.memref_slice %arg29[%dma_start3A_733, %dma_start3A_734] : memref<5120x128xf32, #tpu.memory_space<vmem_shared>> -> memref<5120x128xf32, #tpu.memory_space<vmem_shared>>
      tpu.enqueue_indirect_dma source(%arg23 : memref<80x128xf32, #tpu.memory_space<vmem>>) target(%dma_start3A_735 : memref<5120x128xf32, #tpu.memory_space<vmem_shared>>) offsets(%dma_start3A_732 : memref<80xi32, #tpu.memory_space<vmem>>) semaphore(%run_scoped3A : memref<!tpu.dma_semaphore, #tpu.memory_space<semaphore_mem>>) {add = true}
      %dma_wait3A_736 = arith.constant 320 : i32
      %dma_wait3A_737 = tpu.memref_slice %arg19[%dma_wait3A_736] : memref<640xi32, #tpu.memory_space<vmem>> -> memref<80xi32, #tpu.memory_space<vmem>>
      %dma_wait3A_738 = arith.constant 0 : i32
      %dma_wait3A_739 = arith.constant 0 : i32
      %dma_wait3A_740 = tpu.memref_slice %arg29[%dma_wait3A_738, %dma_wait3A_739] : memref<5120x128xf32, #tpu.memory_space<vmem_shared>> -> memref<5120x128xf32, #tpu.memory_space<vmem_shared>>
      tpu.wait_indirect_dma semaphore(%run_scoped3A : memref<!tpu.dma_semaphore, #tpu.memory_space<semaphore_mem>>) src(%arg23 : memref<80x128xf32, #tpu.memory_space<vmem>>) dst(%dma_wait3A_740 : memref<5120x128xf32, #tpu.memory_space<vmem_shared>>)
      tpu.yield
    }) : () -> ()
    %dma_wait3A_485 = arith.constant 320 : i32
    %dma_wait3A_486 = tpu.memref_slice %arg19[%dma_wait3A_485] : memref<640xi32, #tpu.memory_space<vmem>> -> memref<80xi32, #tpu.memory_space<vmem>>
    %dma_wait3A_487 = arith.constant 0 : i32
    %dma_wait3A_488 = arith.constant 0 : i32
    %dma_wait3A_489 = tpu.memref_slice %arg24[%dma_wait3A_487, %dma_wait3A_488] : memref<5120x128xf32, #tpu.memory_space<vmem_shared>> -> memref<5120x128xf32, #tpu.memory_space<vmem_shared>>
    tpu.wait_indirect_dma semaphore(%arg27 : memref<!tpu.dma_semaphore, #tpu.memory_space<semaphore_mem>>) src(%arg20 : memref<80x128xf32, #tpu.memory_space<vmem>>) dst(%dma_wait3A_489 : memref<5120x128xf32, #tpu.memory_space<vmem_shared>>)
    %dma_start3A_490 = arith.constant 480 : i32
    %dma_start3A_491 = tpu.memref_slice %arg18[%dma_start3A_490] : memref<640xi32, #tpu.memory_space<vmem>> -> memref<80xi32, #tpu.memory_space<vmem>>
    %dma_start3A_492 = arith.constant 0 : i32
    %dma_start3A_493 = arith.constant 0 : i32
    %dma_start3A_494 = tpu.memref_slice %arg9[%dma_start3A_492, %dma_start3A_493] : memref<20000x128xf32, #tpu.memory_space<hbm>> -> memref<20000x128xf32, #tpu.memory_space<hbm>>
    tpu.enqueue_indirect_dma source(%dma_start3A_494 : memref<20000x128xf32, #tpu.memory_space<hbm>>) target(%arg20 : memref<80x128xf32, #tpu.memory_space<vmem>>) offsets(%dma_start3A_491 : memref<80xi32, #tpu.memory_space<vmem>>) semaphore(%arg25 : memref<!tpu.dma_semaphore, #tpu.memory_space<semaphore_mem>>)
    %dma_wait3A_495 = arith.constant 400 : i32
    %dma_wait3A_496 = tpu.memref_slice %arg18[%dma_wait3A_495] : memref<640xi32, #tpu.memory_space<vmem>> -> memref<80xi32, #tpu.memory_space<vmem>>
    %dma_wait3A_497 = arith.constant 0 : i32
    %dma_wait3A_498 = arith.constant 0 : i32
    %dma_wait3A_499 = tpu.memref_slice %arg9[%dma_wait3A_497, %dma_wait3A_498] : memref<20000x128xf32, #tpu.memory_space<hbm>> -> memref<20000x128xf32, #tpu.memory_space<hbm>>
    tpu.wait_indirect_dma semaphore(%arg26 : memref<!tpu.dma_semaphore, #tpu.memory_space<semaphore_mem>>) src(%dma_wait3A_499 : memref<20000x128xf32, #tpu.memory_space<hbm>>) dst(%arg21 : memref<80x128xf32, #tpu.memory_space<vmem>>)
    %dma_start3A_500 = arith.constant 400 : i32
    %dma_start3A_501 = tpu.memref_slice %arg19[%dma_start3A_500] : memref<640xi32, #tpu.memory_space<vmem>> -> memref<80xi32, #tpu.memory_space<vmem>>
    %dma_start3A_502 = arith.constant 0 : i32
    %dma_start3A_503 = arith.constant 0 : i32
    %dma_start3A_504 = tpu.memref_slice %arg24[%dma_start3A_502, %dma_start3A_503] : memref<5120x128xf32, #tpu.memory_space<vmem_shared>> -> memref<5120x128xf32, #tpu.memory_space<vmem_shared>>
    tpu.enqueue_indirect_dma source(%arg21 : memref<80x128xf32, #tpu.memory_space<vmem>>) target(%dma_start3A_504 : memref<5120x128xf32, #tpu.memory_space<vmem_shared>>) offsets(%dma_start3A_501 : memref<80xi32, #tpu.memory_space<vmem>>) semaphore(%arg28 : memref<!tpu.dma_semaphore, #tpu.memory_space<semaphore_mem>>) {add = true}
    "tpu.region"() ({
      %run_scoped3A = tpu.sem_alloc : memref<!tpu.dma_semaphore, #tpu.memory_space<semaphore_mem>>
      %dma_start3A_731 = arith.constant 400 : i32
      %dma_start3A_732 = tpu.memref_slice %arg19[%dma_start3A_731] : memref<640xi32, #tpu.memory_space<vmem>> -> memref<80xi32, #tpu.memory_space<vmem>>
      %dma_start3A_733 = arith.constant 0 : i32
      %dma_start3A_734 = arith.constant 0 : i32
      %dma_start3A_735 = tpu.memref_slice %arg29[%dma_start3A_733, %dma_start3A_734] : memref<5120x128xf32, #tpu.memory_space<vmem_shared>> -> memref<5120x128xf32, #tpu.memory_space<vmem_shared>>
      tpu.enqueue_indirect_dma source(%arg23 : memref<80x128xf32, #tpu.memory_space<vmem>>) target(%dma_start3A_735 : memref<5120x128xf32, #tpu.memory_space<vmem_shared>>) offsets(%dma_start3A_732 : memref<80xi32, #tpu.memory_space<vmem>>) semaphore(%run_scoped3A : memref<!tpu.dma_semaphore, #tpu.memory_space<semaphore_mem>>) {add = true}
      %dma_wait3A_736 = arith.constant 400 : i32
      %dma_wait3A_737 = tpu.memref_slice %arg19[%dma_wait3A_736] : memref<640xi32, #tpu.memory_space<vmem>> -> memref<80xi32, #tpu.memory_space<vmem>>
      %dma_wait3A_738 = arith.constant 0 : i32
      %dma_wait3A_739 = arith.constant 0 : i32
      %dma_wait3A_740 = tpu.memref_slice %arg29[%dma_wait3A_738, %dma_wait3A_739] : memref<5120x128xf32, #tpu.memory_space<vmem_shared>> -> memref<5120x128xf32, #tpu.memory_space<vmem_shared>>
      tpu.wait_indirect_dma semaphore(%run_scoped3A : memref<!tpu.dma_semaphore, #tpu.memory_space<semaphore_mem>>) src(%arg23 : memref<80x128xf32, #tpu.memory_space<vmem>>) dst(%dma_wait3A_740 : memref<5120x128xf32, #tpu.memory_space<vmem_shared>>)
      tpu.yield
    }) : () -> ()
    %dma_wait3A_505 = arith.constant 400 : i32
    %dma_wait3A_506 = tpu.memref_slice %arg19[%dma_wait3A_505] : memref<640xi32, #tpu.memory_space<vmem>> -> memref<80xi32, #tpu.memory_space<vmem>>
    %dma_wait3A_507 = arith.constant 0 : i32
    %dma_wait3A_508 = arith.constant 0 : i32
    %dma_wait3A_509 = tpu.memref_slice %arg24[%dma_wait3A_507, %dma_wait3A_508] : memref<5120x128xf32, #tpu.memory_space<vmem_shared>> -> memref<5120x128xf32, #tpu.memory_space<vmem_shared>>
    tpu.wait_indirect_dma semaphore(%arg28 : memref<!tpu.dma_semaphore, #tpu.memory_space<semaphore_mem>>) src(%arg21 : memref<80x128xf32, #tpu.memory_space<vmem>>) dst(%dma_wait3A_509 : memref<5120x128xf32, #tpu.memory_space<vmem_shared>>)
    %dma_start3A_510 = arith.constant 560 : i32
    %dma_start3A_511 = tpu.memref_slice %arg18[%dma_start3A_510] : memref<640xi32, #tpu.memory_space<vmem>> -> memref<80xi32, #tpu.memory_space<vmem>>
    %dma_start3A_512 = arith.constant 0 : i32
    %dma_start3A_513 = arith.constant 0 : i32
    %dma_start3A_514 = tpu.memref_slice %arg9[%dma_start3A_512, %dma_start3A_513] : memref<20000x128xf32, #tpu.memory_space<hbm>> -> memref<20000x128xf32, #tpu.memory_space<hbm>>
    tpu.enqueue_indirect_dma source(%dma_start3A_514 : memref<20000x128xf32, #tpu.memory_space<hbm>>) target(%arg21 : memref<80x128xf32, #tpu.memory_space<vmem>>) offsets(%dma_start3A_511 : memref<80xi32, #tpu.memory_space<vmem>>) semaphore(%arg26 : memref<!tpu.dma_semaphore, #tpu.memory_space<semaphore_mem>>)
    %dma_wait3A_515 = arith.constant 480 : i32
    %dma_wait3A_516 = tpu.memref_slice %arg18[%dma_wait3A_515] : memref<640xi32, #tpu.memory_space<vmem>> -> memref<80xi32, #tpu.memory_space<vmem>>
    %dma_wait3A_517 = arith.constant 0 : i32
    %dma_wait3A_518 = arith.constant 0 : i32
    %dma_wait3A_519 = tpu.memref_slice %arg9[%dma_wait3A_517, %dma_wait3A_518] : memref<20000x128xf32, #tpu.memory_space<hbm>> -> memref<20000x128xf32, #tpu.memory_space<hbm>>
    tpu.wait_indirect_dma semaphore(%arg25 : memref<!tpu.dma_semaphore, #tpu.memory_space<semaphore_mem>>) src(%dma_wait3A_519 : memref<20000x128xf32, #tpu.memory_space<hbm>>) dst(%arg20 : memref<80x128xf32, #tpu.memory_space<vmem>>)
    %dma_start3A_520 = arith.constant 480 : i32
    %dma_start3A_521 = tpu.memref_slice %arg19[%dma_start3A_520] : memref<640xi32, #tpu.memory_space<vmem>> -> memref<80xi32, #tpu.memory_space<vmem>>
    %dma_start3A_522 = arith.constant 0 : i32
    %dma_start3A_523 = arith.constant 0 : i32
    %dma_start3A_524 = tpu.memref_slice %arg24[%dma_start3A_522, %dma_start3A_523] : memref<5120x128xf32, #tpu.memory_space<vmem_shared>> -> memref<5120x128xf32, #tpu.memory_space<vmem_shared>>
    tpu.enqueue_indirect_dma source(%arg20 : memref<80x128xf32, #tpu.memory_space<vmem>>) target(%dma_start3A_524 : memref<5120x128xf32, #tpu.memory_space<vmem_shared>>) offsets(%dma_start3A_521 : memref<80xi32, #tpu.memory_space<vmem>>) semaphore(%arg27 : memref<!tpu.dma_semaphore, #tpu.memory_space<semaphore_mem>>) {add = true}
    "tpu.region"() ({
      %run_scoped3A = tpu.sem_alloc : memref<!tpu.dma_semaphore, #tpu.memory_space<semaphore_mem>>
      %dma_start3A_731 = arith.constant 480 : i32
      %dma_start3A_732 = tpu.memref_slice %arg19[%dma_start3A_731] : memref<640xi32, #tpu.memory_space<vmem>> -> memref<80xi32, #tpu.memory_space<vmem>>
      %dma_start3A_733 = arith.constant 0 : i32
      %dma_start3A_734 = arith.constant 0 : i32
      %dma_start3A_735 = tpu.memref_slice %arg29[%dma_start3A_733, %dma_start3A_734] : memref<5120x128xf32, #tpu.memory_space<vmem_shared>> -> memref<5120x128xf32, #tpu.memory_space<vmem_shared>>
      tpu.enqueue_indirect_dma source(%arg23 : memref<80x128xf32, #tpu.memory_space<vmem>>) target(%dma_start3A_735 : memref<5120x128xf32, #tpu.memory_space<vmem_shared>>) offsets(%dma_start3A_732 : memref<80xi32, #tpu.memory_space<vmem>>) semaphore(%run_scoped3A : memref<!tpu.dma_semaphore, #tpu.memory_space<semaphore_mem>>) {add = true}
      %dma_wait3A_736 = arith.constant 480 : i32
      %dma_wait3A_737 = tpu.memref_slice %arg19[%dma_wait3A_736] : memref<640xi32, #tpu.memory_space<vmem>> -> memref<80xi32, #tpu.memory_space<vmem>>
      %dma_wait3A_738 = arith.constant 0 : i32
      %dma_wait3A_739 = arith.constant 0 : i32
      %dma_wait3A_740 = tpu.memref_slice %arg29[%dma_wait3A_738, %dma_wait3A_739] : memref<5120x128xf32, #tpu.memory_space<vmem_shared>> -> memref<5120x128xf32, #tpu.memory_space<vmem_shared>>
      tpu.wait_indirect_dma semaphore(%run_scoped3A : memref<!tpu.dma_semaphore, #tpu.memory_space<semaphore_mem>>) src(%arg23 : memref<80x128xf32, #tpu.memory_space<vmem>>) dst(%dma_wait3A_740 : memref<5120x128xf32, #tpu.memory_space<vmem_shared>>)
      tpu.yield
    }) : () -> ()
    %dma_wait3A_525 = arith.constant 560 : i32
    %dma_wait3A_526 = tpu.memref_slice %arg18[%dma_wait3A_525] : memref<640xi32, #tpu.memory_space<vmem>> -> memref<80xi32, #tpu.memory_space<vmem>>
    %dma_wait3A_527 = arith.constant 0 : i32
    %dma_wait3A_528 = arith.constant 0 : i32
    %dma_wait3A_529 = tpu.memref_slice %arg9[%dma_wait3A_527, %dma_wait3A_528] : memref<20000x128xf32, #tpu.memory_space<hbm>> -> memref<20000x128xf32, #tpu.memory_space<hbm>>
    tpu.wait_indirect_dma semaphore(%arg26 : memref<!tpu.dma_semaphore, #tpu.memory_space<semaphore_mem>>) src(%dma_wait3A_529 : memref<20000x128xf32, #tpu.memory_space<hbm>>) dst(%arg21 : memref<80x128xf32, #tpu.memory_space<vmem>>)
    %dma_start3A_530 = arith.constant 560 : i32
    %dma_start3A_531 = tpu.memref_slice %arg19[%dma_start3A_530] : memref<640xi32, #tpu.memory_space<vmem>> -> memref<80xi32, #tpu.memory_space<vmem>>
    %dma_start3A_532 = arith.constant 0 : i32
    %dma_start3A_533 = arith.constant 0 : i32
    %dma_start3A_534 = tpu.memref_slice %arg24[%dma_start3A_532, %dma_start3A_533] : memref<5120x128xf32, #tpu.memory_space<vmem_shared>> -> memref<5120x128xf32, #tpu.memory_space<vmem_shared>>
    tpu.enqueue_indirect_dma source(%arg21 : memref<80x128xf32, #tpu.memory_space<vmem>>) target(%dma_start3A_534 : memref<5120x128xf32, #tpu.memory_space<vmem_shared>>) offsets(%dma_start3A_531 : memref<80xi32, #tpu.memory_space<vmem>>) semaphore(%arg28 : memref<!tpu.dma_semaphore, #tpu.memory_space<semaphore_mem>>) {add = true}
    "tpu.region"() ({
      %run_scoped3A = tpu.sem_alloc : memref<!tpu.dma_semaphore, #tpu.memory_space<semaphore_mem>>
      %dma_start3A_731 = arith.constant 560 : i32
      %dma_start3A_732 = tpu.memref_slice %arg19[%dma_start3A_731] : memref<640xi32, #tpu.memory_space<vmem>> -> memref<80xi32, #tpu.memory_space<vmem>>
      %dma_start3A_733 = arith.constant 0 : i32
      %dma_start3A_734 = arith.constant 0 : i32
      %dma_start3A_735 = tpu.memref_slice %arg29[%dma_start3A_733, %dma_start3A_734] : memref<5120x128xf32, #tpu.memory_space<vmem_shared>> -> memref<5120x128xf32, #tpu.memory_space<vmem_shared>>
      tpu.enqueue_indirect_dma source(%arg23 : memref<80x128xf32, #tpu.memory_space<vmem>>) target(%dma_start3A_735 : memref<5120x128xf32, #tpu.memory_space<vmem_shared>>) offsets(%dma_start3A_732 : memref<80xi32, #tpu.memory_space<vmem>>) semaphore(%run_scoped3A : memref<!tpu.dma_semaphore, #tpu.memory_space<semaphore_mem>>) {add = true}
      %dma_wait3A_736 = arith.constant 560 : i32
      %dma_wait3A_737 = tpu.memref_slice %arg19[%dma_wait3A_736] : memref<640xi32, #tpu.memory_space<vmem>> -> memref<80xi32, #tpu.memory_space<vmem>>
      %dma_wait3A_738 = arith.constant 0 : i32
      %dma_wait3A_739 = arith.constant 0 : i32
      %dma_wait3A_740 = tpu.memref_slice %arg29[%dma_wait3A_738, %dma_wait3A_739] : memref<5120x128xf32, #tpu.memory_space<vmem_shared>> -> memref<5120x128xf32, #tpu.memory_space<vmem_shared>>
      tpu.wait_indirect_dma semaphore(%run_scoped3A : memref<!tpu.dma_semaphore, #tpu.memory_space<semaphore_mem>>) src(%arg23 : memref<80x128xf32, #tpu.memory_space<vmem>>) dst(%dma_wait3A_740 : memref<5120x128xf32, #tpu.memory_space<vmem_shared>>)
      tpu.yield
    }) : () -> ()
    %dma_wait3A_535 = arith.constant 560 : i32
    %dma_wait3A_536 = tpu.memref_slice %arg19[%dma_wait3A_535] : memref<640xi32, #tpu.memory_space<vmem>> -> memref<80xi32, #tpu.memory_space<vmem>>
    %dma_wait3A_537 = arith.constant 0 : i32
    %dma_wait3A_538 = arith.constant 0 : i32
    %dma_wait3A_539 = tpu.memref_slice %arg24[%dma_wait3A_537, %dma_wait3A_538] : memref<5120x128xf32, #tpu.memory_space<vmem_shared>> -> memref<5120x128xf32, #tpu.memory_space<vmem_shared>>
    tpu.wait_indirect_dma semaphore(%arg28 : memref<!tpu.dma_semaphore, #tpu.memory_space<semaphore_mem>>) src(%arg21 : memref<80x128xf32, #tpu.memory_space<vmem>>) dst(%dma_wait3A_539 : memref<5120x128xf32, #tpu.memory_space<vmem_shared>>)
    %dma_wait3A_540 = arith.constant 480 : i32
    %dma_wait3A_541 = tpu.memref_slice %arg19[%dma_wait3A_540] : memref<640xi32, #tpu.memory_space<vmem>> -> memref<80xi32, #tpu.memory_space<vmem>>
    %dma_wait3A_542 = arith.constant 0 : i32
    %dma_wait3A_543 = arith.constant 0 : i32
    %dma_wait3A_544 = tpu.memref_slice %arg24[%dma_wait3A_542, %dma_wait3A_543] : memref<5120x128xf32, #tpu.memory_space<vmem_shared>> -> memref<5120x128xf32, #tpu.memory_space<vmem_shared>>
    tpu.wait_indirect_dma semaphore(%arg27 : memref<!tpu.dma_semaphore, #tpu.memory_space<semaphore_mem>>) src(%arg20 : memref<80x128xf32, #tpu.memory_space<vmem>>) dst(%dma_wait3A_544 : memref<5120x128xf32, #tpu.memory_space<vmem_shared>>)
    %barrier3A_545 = arith.constant 0 : index
    tpu.barrier barrier_id(%barrier3A_545)
    %mul3A_546 = arith.constant 160 : i32
    %mul3A_547 = arith.muli %arg0, %mul3A_546 : i32
    %mul3A_548 = arith.constant 16 : i32
    %mul3A_549 = arith.muli %mul3A_547, %mul3A_548 : i32
    %add3A_550 = arith.addi %mul3A_549, %mul3A_370 : i32
    "tpu.region"() ({
      %run_scoped3A = tpu.sem_alloc : memref<!tpu.dma_semaphore, #tpu.memory_space<semaphore_mem>>
      %dma_start3A_731 = arith.constant 0 : i32
      %dma_start3A_732 = tpu.memref_slice %arg14[%add3A_550, %dma_start3A_731] : memref<5120x128xf32, #tpu.memory_space<hbm>> -> memref<160x128xf32, #tpu.memory_space<hbm>>
      %dma_start3A_733 = arith.constant 0 : i32
      %dma_start3A_734 = tpu.memref_slice %arg24[%mul3A_370, %dma_start3A_733] : memref<5120x128xf32, #tpu.memory_space<vmem_shared>> -> memref<160x128xf32, #tpu.memory_space<vmem_shared>>
      tpu.enqueue_dma source(%dma_start3A_734 : memref<160x128xf32, #tpu.memory_space<vmem_shared>>) target(%dma_start3A_732 : memref<160x128xf32, #tpu.memory_space<hbm>>) target_semaphore(%run_scoped3A : memref<!tpu.dma_semaphore, #tpu.memory_space<semaphore_mem>>)
      %dma_wait3A_735 = arith.constant 0 : i32
      %dma_wait3A_736 = tpu.memref_slice %arg14[%add3A_550, %dma_wait3A_735] : memref<5120x128xf32, #tpu.memory_space<hbm>> -> memref<160x128xf32, #tpu.memory_space<hbm>>
      %dma_wait3A_737 = arith.constant 0 : i32
      %dma_wait3A_738 = tpu.memref_slice %arg24[%mul3A_370, %dma_wait3A_737] : memref<5120x128xf32, #tpu.memory_space<vmem_shared>> -> memref<160x128xf32, #tpu.memory_space<vmem_shared>>
      tpu.wait_dma2 semaphore(%run_scoped3A : memref<!tpu.dma_semaphore, #tpu.memory_space<semaphore_mem>>) src(%dma_wait3A_738 : memref<160x128xf32, #tpu.memory_space<vmem_shared>>) dst(%dma_wait3A_736 : memref<160x128xf32, #tpu.memory_space<hbm>>)
      tpu.yield
    }) : () -> ()
    "tpu.region"() ({
      %run_scoped3A = tpu.sem_alloc : memref<!tpu.dma_semaphore, #tpu.memory_space<semaphore_mem>>
      %dma_start3A_731 = arith.constant 0 : i32
      %dma_start3A_732 = tpu.memref_slice %arg17[%add3A_550, %dma_start3A_731] : memref<5120x128xf32, #tpu.memory_space<hbm>> -> memref<160x128xf32, #tpu.memory_space<hbm>>
      %dma_start3A_733 = arith.constant 0 : i32
      %dma_start3A_734 = tpu.memref_slice %arg29[%mul3A_370, %dma_start3A_733] : memref<5120x128xf32, #tpu.memory_space<vmem_shared>> -> memref<160x128xf32, #tpu.memory_space<vmem_shared>>
      tpu.enqueue_dma source(%dma_start3A_734 : memref<160x128xf32, #tpu.memory_space<vmem_shared>>) target(%dma_start3A_732 : memref<160x128xf32, #tpu.memory_space<hbm>>) target_semaphore(%run_scoped3A : memref<!tpu.dma_semaphore, #tpu.memory_space<semaphore_mem>>)
      %dma_wait3A_735 = arith.constant 0 : i32
      %dma_wait3A_736 = tpu.memref_slice %arg17[%add3A_550, %dma_wait3A_735] : memref<5120x128xf32, #tpu.memory_space<hbm>> -> memref<160x128xf32, #tpu.memory_space<hbm>>
      %dma_wait3A_737 = arith.constant 0 : i32
      %dma_wait3A_738 = tpu.memref_slice %arg29[%mul3A_370, %dma_wait3A_737] : memref<5120x128xf32, #tpu.memory_space<vmem_shared>> -> memref<160x128xf32, #tpu.memory_space<vmem_shared>>
      tpu.wait_dma2 semaphore(%run_scoped3A : memref<!tpu.dma_semaphore, #tpu.memory_space<semaphore_mem>>) src(%dma_wait3A_738 : memref<160x128xf32, #tpu.memory_space<vmem_shared>>) dst(%dma_wait3A_736 : memref<160x128xf32, #tpu.memory_space<hbm>>)
      tpu.yield
    }) : () -> ()
    %barrier3A_551 = arith.constant 0 : index
    tpu.barrier barrier_id(%barrier3A_551)
    %mul3A_552 = arith.constant 160 : i32
    %mul3A_553 = arith.muli %arg1, %mul3A_552 : i32
    %add3A_554 = arith.constant 0 : i32
    %add3A_555 = arith.addi %mul3A_553, %add3A_554 : i32
    "tpu.region"() ({
      %run_scoped3A = tpu.sem_alloc : memref<!tpu.dma_semaphore, #tpu.memory_space<semaphore_mem>>
      %dma_start3A_731 = arith.constant 0 : i32
      %dma_start3A_732 = tpu.memref_slice %arg24[%add3A_555, %dma_start3A_731] : memref<5120x128xf32, #tpu.memory_space<vmem_shared>> -> memref<80x128xf32, #tpu.memory_space<vmem_shared>>
      %dma_start3A_733 = arith.constant 0 : i32
      %dma_start3A_734 = tpu.memref_slice %arg24[%add3A_555, %dma_start3A_733] : memref<5120x128xf32, #tpu.memory_space<vmem_shared>> -> memref<80x128xf32, #tpu.memory_space<vmem_shared>>
      tpu.enqueue_dma source(%arg22 : memref<80x128xf32, #tpu.memory_space<vmem>>) target(%dma_start3A_734 : memref<80x128xf32, #tpu.memory_space<vmem_shared>>) target_semaphore(%run_scoped3A : memref<!tpu.dma_semaphore, #tpu.memory_space<semaphore_mem>>)
      %dma_wait3A_735 = arith.constant 0 : i32
      %dma_wait3A_736 = tpu.memref_slice %arg24[%add3A_555, %dma_wait3A_735] : memref<5120x128xf32, #tpu.memory_space<vmem_shared>> -> memref<80x128xf32, #tpu.memory_space<vmem_shared>>
      %dma_wait3A_737 = arith.constant 0 : i32
      %dma_wait3A_738 = tpu.memref_slice %arg24[%add3A_555, %dma_wait3A_737] : memref<5120x128xf32, #tpu.memory_space<vmem_shared>> -> memref<80x128xf32, #tpu.memory_space<vmem_shared>>
      tpu.wait_dma2 semaphore(%run_scoped3A : memref<!tpu.dma_semaphore, #tpu.memory_space<semaphore_mem>>) src(%arg22 : memref<80x128xf32, #tpu.memory_space<vmem>>) dst(%dma_wait3A_738 : memref<80x128xf32, #tpu.memory_space<vmem_shared>>)
      tpu.yield
    }) : () -> ()
    %add3A_556 = arith.constant 80 : i32
    %add3A_557 = arith.addi %mul3A_553, %add3A_556 : i32
    "tpu.region"() ({
      %run_scoped3A = tpu.sem_alloc : memref<!tpu.dma_semaphore, #tpu.memory_space<semaphore_mem>>
      %dma_start3A_731 = arith.constant 0 : i32
      %dma_start3A_732 = tpu.memref_slice %arg24[%add3A_557, %dma_start3A_731] : memref<5120x128xf32, #tpu.memory_space<vmem_shared>> -> memref<80x128xf32, #tpu.memory_space<vmem_shared>>
      %dma_start3A_733 = arith.constant 0 : i32
      %dma_start3A_734 = tpu.memref_slice %arg24[%add3A_557, %dma_start3A_733] : memref<5120x128xf32, #tpu.memory_space<vmem_shared>> -> memref<80x128xf32, #tpu.memory_space<vmem_shared>>
      tpu.enqueue_dma source(%arg22 : memref<80x128xf32, #tpu.memory_space<vmem>>) target(%dma_start3A_734 : memref<80x128xf32, #tpu.memory_space<vmem_shared>>) target_semaphore(%run_scoped3A : memref<!tpu.dma_semaphore, #tpu.memory_space<semaphore_mem>>)
      %dma_wait3A_735 = arith.constant 0 : i32
      %dma_wait3A_736 = tpu.memref_slice %arg24[%add3A_557, %dma_wait3A_735] : memref<5120x128xf32, #tpu.memory_space<vmem_shared>> -> memref<80x128xf32, #tpu.memory_space<vmem_shared>>
      %dma_wait3A_737 = arith.constant 0 : i32
      %dma_wait3A_738 = tpu.memref_slice %arg24[%add3A_557, %dma_wait3A_737] : memref<5120x128xf32, #tpu.memory_space<vmem_shared>> -> memref<80x128xf32, #tpu.memory_space<vmem_shared>>
      tpu.wait_dma2 semaphore(%run_scoped3A : memref<!tpu.dma_semaphore, #tpu.memory_space<semaphore_mem>>) src(%arg22 : memref<80x128xf32, #tpu.memory_space<vmem>>) dst(%dma_wait3A_738 : memref<80x128xf32, #tpu.memory_space<vmem_shared>>)
      tpu.yield
    }) : () -> ()
    %barrier3A_558 = arith.constant 0 : index
    tpu.barrier barrier_id(%barrier3A_558)
    %mul3A_559 = arith.constant 10240 : i32
    %mul3A_560 = arith.muli %arg0, %mul3A_559 : i32
    %mul3A_561 = arith.constant 640 : i32
    %mul3A_562 = arith.muli %arg1, %mul3A_561 : i32
    %add3A_563 = arith.addi %mul3A_560, %mul3A_562 : i32
    "tpu.region"() ({
      %run_scoped3A = tpu.sem_alloc : memref<!tpu.dma_semaphore, #tpu.memory_space<semaphore_mem>>
      %dma_start3A_731 = tpu.memref_slice %arg6[%add3A_563] : memref<20480xi32, #tpu.memory_space<hbm>> -> memref<640xi32, #tpu.memory_space<hbm>>
      %dma_start3A_732 = tpu.memref_slice %arg6[%add3A_563] : memref<20480xi32, #tpu.memory_space<hbm>> -> memref<640xi32, #tpu.memory_space<hbm>>
      tpu.enqueue_dma source(%dma_start3A_732 : memref<640xi32, #tpu.memory_space<hbm>>) target(%arg18 : memref<640xi32, #tpu.memory_space<vmem>>) target_semaphore(%run_scoped3A : memref<!tpu.dma_semaphore, #tpu.memory_space<semaphore_mem>>)
      %dma_wait3A_733 = tpu.memref_slice %arg6[%add3A_563] : memref<20480xi32, #tpu.memory_space<hbm>> -> memref<640xi32, #tpu.memory_space<hbm>>
      %dma_wait3A_734 = tpu.memref_slice %arg6[%add3A_563] : memref<20480xi32, #tpu.memory_space<hbm>> -> memref<640xi32, #tpu.memory_space<hbm>>
      tpu.wait_dma2 semaphore(%run_scoped3A : memref<!tpu.dma_semaphore, #tpu.memory_space<semaphore_mem>>) src(%dma_wait3A_734 : memref<640xi32, #tpu.memory_space<hbm>>) dst(%arg18 : memref<640xi32, #tpu.memory_space<vmem>>)
      tpu.yield
    }) : () -> ()
    "tpu.region"() ({
      %run_scoped3A = tpu.sem_alloc : memref<!tpu.dma_semaphore, #tpu.memory_space<semaphore_mem>>
      %dma_start3A_731 = tpu.memref_slice %arg7[%add3A_563] : memref<20480xi32, #tpu.memory_space<hbm>> -> memref<640xi32, #tpu.memory_space<hbm>>
      %dma_start3A_732 = tpu.memref_slice %arg7[%add3A_563] : memref<20480xi32, #tpu.memory_space<hbm>> -> memref<640xi32, #tpu.memory_space<hbm>>
      tpu.enqueue_dma source(%dma_start3A_732 : memref<640xi32, #tpu.memory_space<hbm>>) target(%arg19 : memref<640xi32, #tpu.memory_space<vmem>>) target_semaphore(%run_scoped3A : memref<!tpu.dma_semaphore, #tpu.memory_space<semaphore_mem>>)
      %dma_wait3A_733 = tpu.memref_slice %arg7[%add3A_563] : memref<20480xi32, #tpu.memory_space<hbm>> -> memref<640xi32, #tpu.memory_space<hbm>>
      %dma_wait3A_734 = tpu.memref_slice %arg7[%add3A_563] : memref<20480xi32, #tpu.memory_space<hbm>> -> memref<640xi32, #tpu.memory_space<hbm>>
      tpu.wait_dma2 semaphore(%run_scoped3A : memref<!tpu.dma_semaphore, #tpu.memory_space<semaphore_mem>>) src(%dma_wait3A_734 : memref<640xi32, #tpu.memory_space<hbm>>) dst(%arg19 : memref<640xi32, #tpu.memory_space<vmem>>)
      tpu.yield
    }) : () -> ()
    %dma_start3A_564 = arith.constant 0 : i32
    %dma_start3A_565 = tpu.memref_slice %arg18[%dma_start3A_564] : memref<640xi32, #tpu.memory_space<vmem>> -> memref<80xi32, #tpu.memory_space<vmem>>
    %dma_start3A_566 = arith.constant 0 : i32
    %dma_start3A_567 = arith.constant 0 : i32
    %dma_start3A_568 = tpu.memref_slice %arg9[%dma_start3A_566, %dma_start3A_567] : memref<20000x128xf32, #tpu.memory_space<hbm>> -> memref<20000x128xf32, #tpu.memory_space<hbm>>
    tpu.enqueue_indirect_dma source(%dma_start3A_568 : memref<20000x128xf32, #tpu.memory_space<hbm>>) target(%arg20 : memref<80x128xf32, #tpu.memory_space<vmem>>) offsets(%dma_start3A_565 : memref<80xi32, #tpu.memory_space<vmem>>) semaphore(%arg25 : memref<!tpu.dma_semaphore, #tpu.memory_space<semaphore_mem>>)
    %dma_start3A_569 = arith.constant 80 : i32
    %dma_start3A_570 = tpu.memref_slice %arg18[%dma_start3A_569] : memref<640xi32, #tpu.memory_space<vmem>> -> memref<80xi32, #tpu.memory_space<vmem>>
    %dma_start3A_571 = arith.constant 0 : i32
    %dma_start3A_572 = arith.constant 0 : i32
    %dma_start3A_573 = tpu.memref_slice %arg9[%dma_start3A_571, %dma_start3A_572] : memref<20000x128xf32, #tpu.memory_space<hbm>> -> memref<20000x128xf32, #tpu.memory_space<hbm>>
    tpu.enqueue_indirect_dma source(%dma_start3A_573 : memref<20000x128xf32, #tpu.memory_space<hbm>>) target(%arg21 : memref<80x128xf32, #tpu.memory_space<vmem>>) offsets(%dma_start3A_570 : memref<80xi32, #tpu.memory_space<vmem>>) semaphore(%arg26 : memref<!tpu.dma_semaphore, #tpu.memory_space<semaphore_mem>>)
    %dma_wait3A_574 = arith.constant 0 : i32
    %dma_wait3A_575 = tpu.memref_slice %arg18[%dma_wait3A_574] : memref<640xi32, #tpu.memory_space<vmem>> -> memref<80xi32, #tpu.memory_space<vmem>>
    %dma_wait3A_576 = arith.constant 0 : i32
    %dma_wait3A_577 = arith.constant 0 : i32
    %dma_wait3A_578 = tpu.memref_slice %arg9[%dma_wait3A_576, %dma_wait3A_577] : memref<20000x128xf32, #tpu.memory_space<hbm>> -> memref<20000x128xf32, #tpu.memory_space<hbm>>
    tpu.wait_indirect_dma semaphore(%arg25 : memref<!tpu.dma_semaphore, #tpu.memory_space<semaphore_mem>>) src(%dma_wait3A_578 : memref<20000x128xf32, #tpu.memory_space<hbm>>) dst(%arg20 : memref<80x128xf32, #tpu.memory_space<vmem>>)
    %dma_start3A_579 = arith.constant 0 : i32
    %dma_start3A_580 = tpu.memref_slice %arg19[%dma_start3A_579] : memref<640xi32, #tpu.memory_space<vmem>> -> memref<80xi32, #tpu.memory_space<vmem>>
    %dma_start3A_581 = arith.constant 0 : i32
    %dma_start3A_582 = arith.constant 0 : i32
    %dma_start3A_583 = tpu.memref_slice %arg24[%dma_start3A_581, %dma_start3A_582] : memref<5120x128xf32, #tpu.memory_space<vmem_shared>> -> memref<5120x128xf32, #tpu.memory_space<vmem_shared>>
    tpu.enqueue_indirect_dma source(%arg20 : memref<80x128xf32, #tpu.memory_space<vmem>>) target(%dma_start3A_583 : memref<5120x128xf32, #tpu.memory_space<vmem_shared>>) offsets(%dma_start3A_580 : memref<80xi32, #tpu.memory_space<vmem>>) semaphore(%arg27 : memref<!tpu.dma_semaphore, #tpu.memory_space<semaphore_mem>>) {add = true}
    %dma_wait3A_584 = arith.constant 0 : i32
    %dma_wait3A_585 = tpu.memref_slice %arg19[%dma_wait3A_584] : memref<640xi32, #tpu.memory_space<vmem>> -> memref<80xi32, #tpu.memory_space<vmem>>
    %dma_wait3A_586 = arith.constant 0 : i32
    %dma_wait3A_587 = arith.constant 0 : i32
    %dma_wait3A_588 = tpu.memref_slice %arg24[%dma_wait3A_586, %dma_wait3A_587] : memref<5120x128xf32, #tpu.memory_space<vmem_shared>> -> memref<5120x128xf32, #tpu.memory_space<vmem_shared>>
    tpu.wait_indirect_dma semaphore(%arg27 : memref<!tpu.dma_semaphore, #tpu.memory_space<semaphore_mem>>) src(%arg20 : memref<80x128xf32, #tpu.memory_space<vmem>>) dst(%dma_wait3A_588 : memref<5120x128xf32, #tpu.memory_space<vmem_shared>>)
    %dma_start3A_589 = arith.constant 160 : i32
    %dma_start3A_590 = tpu.memref_slice %arg18[%dma_start3A_589] : memref<640xi32, #tpu.memory_space<vmem>> -> memref<80xi32, #tpu.memory_space<vmem>>
    %dma_start3A_591 = arith.constant 0 : i32
    %dma_start3A_592 = arith.constant 0 : i32
    %dma_start3A_593 = tpu.memref_slice %arg9[%dma_start3A_591, %dma_start3A_592] : memref<20000x128xf32, #tpu.memory_space<hbm>> -> memref<20000x128xf32, #tpu.memory_space<hbm>>
    tpu.enqueue_indirect_dma source(%dma_start3A_593 : memref<20000x128xf32, #tpu.memory_space<hbm>>) target(%arg20 : memref<80x128xf32, #tpu.memory_space<vmem>>) offsets(%dma_start3A_590 : memref<80xi32, #tpu.memory_space<vmem>>) semaphore(%arg25 : memref<!tpu.dma_semaphore, #tpu.memory_space<semaphore_mem>>)
    %dma_wait3A_594 = arith.constant 80 : i32
    %dma_wait3A_595 = tpu.memref_slice %arg18[%dma_wait3A_594] : memref<640xi32, #tpu.memory_space<vmem>> -> memref<80xi32, #tpu.memory_space<vmem>>
    %dma_wait3A_596 = arith.constant 0 : i32
    %dma_wait3A_597 = arith.constant 0 : i32
    %dma_wait3A_598 = tpu.memref_slice %arg9[%dma_wait3A_596, %dma_wait3A_597] : memref<20000x128xf32, #tpu.memory_space<hbm>> -> memref<20000x128xf32, #tpu.memory_space<hbm>>
    tpu.wait_indirect_dma semaphore(%arg26 : memref<!tpu.dma_semaphore, #tpu.memory_space<semaphore_mem>>) src(%dma_wait3A_598 : memref<20000x128xf32, #tpu.memory_space<hbm>>) dst(%arg21 : memref<80x128xf32, #tpu.memory_space<vmem>>)
    %dma_start3A_599 = arith.constant 80 : i32
    %dma_start3A_600 = tpu.memref_slice %arg19[%dma_start3A_599] : memref<640xi32, #tpu.memory_space<vmem>> -> memref<80xi32, #tpu.memory_space<vmem>>
    %dma_start3A_601 = arith.constant 0 : i32
    %dma_start3A_602 = arith.constant 0 : i32
    %dma_start3A_603 = tpu.memref_slice %arg24[%dma_start3A_601, %dma_start3A_602] : memref<5120x128xf32, #tpu.memory_space<vmem_shared>> -> memref<5120x128xf32, #tpu.memory_space<vmem_shared>>
    tpu.enqueue_indirect_dma source(%arg21 : memref<80x128xf32, #tpu.memory_space<vmem>>) target(%dma_start3A_603 : memref<5120x128xf32, #tpu.memory_space<vmem_shared>>) offsets(%dma_start3A_600 : memref<80xi32, #tpu.memory_space<vmem>>) semaphore(%arg28 : memref<!tpu.dma_semaphore, #tpu.memory_space<semaphore_mem>>) {add = true}
    %dma_wait3A_604 = arith.constant 80 : i32
    %dma_wait3A_605 = tpu.memref_slice %arg19[%dma_wait3A_604] : memref<640xi32, #tpu.memory_space<vmem>> -> memref<80xi32, #tpu.memory_space<vmem>>
    %dma_wait3A_606 = arith.constant 0 : i32
    %dma_wait3A_607 = arith.constant 0 : i32
    %dma_wait3A_608 = tpu.memref_slice %arg24[%dma_wait3A_606, %dma_wait3A_607] : memref<5120x128xf32, #tpu.memory_space<vmem_shared>> -> memref<5120x128xf32, #tpu.memory_space<vmem_shared>>
    tpu.wait_indirect_dma semaphore(%arg28 : memref<!tpu.dma_semaphore, #tpu.memory_space<semaphore_mem>>) src(%arg21 : memref<80x128xf32, #tpu.memory_space<vmem>>) dst(%dma_wait3A_608 : memref<5120x128xf32, #tpu.memory_space<vmem_shared>>)
    %dma_start3A_609 = arith.constant 240 : i32
    %dma_start3A_610 = tpu.memref_slice %arg18[%dma_start3A_609] : memref<640xi32, #tpu.memory_space<vmem>> -> memref<80xi32, #tpu.memory_space<vmem>>
    %dma_start3A_611 = arith.constant 0 : i32
    %dma_start3A_612 = arith.constant 0 : i32
    %dma_start3A_613 = tpu.memref_slice %arg9[%dma_start3A_611, %dma_start3A_612] : memref<20000x128xf32, #tpu.memory_space<hbm>> -> memref<20000x128xf32, #tpu.memory_space<hbm>>
    tpu.enqueue_indirect_dma source(%dma_start3A_613 : memref<20000x128xf32, #tpu.memory_space<hbm>>) target(%arg21 : memref<80x128xf32, #tpu.memory_space<vmem>>) offsets(%dma_start3A_610 : memref<80xi32, #tpu.memory_space<vmem>>) semaphore(%arg26 : memref<!tpu.dma_semaphore, #tpu.memory_space<semaphore_mem>>)
    %dma_wait3A_614 = arith.constant 160 : i32
    %dma_wait3A_615 = tpu.memref_slice %arg18[%dma_wait3A_614] : memref<640xi32, #tpu.memory_space<vmem>> -> memref<80xi32, #tpu.memory_space<vmem>>
    %dma_wait3A_616 = arith.constant 0 : i32
    %dma_wait3A_617 = arith.constant 0 : i32
    %dma_wait3A_618 = tpu.memref_slice %arg9[%dma_wait3A_616, %dma_wait3A_617] : memref<20000x128xf32, #tpu.memory_space<hbm>> -> memref<20000x128xf32, #tpu.memory_space<hbm>>
    tpu.wait_indirect_dma semaphore(%arg25 : memref<!tpu.dma_semaphore, #tpu.memory_space<semaphore_mem>>) src(%dma_wait3A_618 : memref<20000x128xf32, #tpu.memory_space<hbm>>) dst(%arg20 : memref<80x128xf32, #tpu.memory_space<vmem>>)
    %dma_start3A_619 = arith.constant 160 : i32
    %dma_start3A_620 = tpu.memref_slice %arg19[%dma_start3A_619] : memref<640xi32, #tpu.memory_space<vmem>> -> memref<80xi32, #tpu.memory_space<vmem>>
    %dma_start3A_621 = arith.constant 0 : i32
    %dma_start3A_622 = arith.constant 0 : i32
    %dma_start3A_623 = tpu.memref_slice %arg24[%dma_start3A_621, %dma_start3A_622] : memref<5120x128xf32, #tpu.memory_space<vmem_shared>> -> memref<5120x128xf32, #tpu.memory_space<vmem_shared>>
    tpu.enqueue_indirect_dma source(%arg20 : memref<80x128xf32, #tpu.memory_space<vmem>>) target(%dma_start3A_623 : memref<5120x128xf32, #tpu.memory_space<vmem_shared>>) offsets(%dma_start3A_620 : memref<80xi32, #tpu.memory_space<vmem>>) semaphore(%arg27 : memref<!tpu.dma_semaphore, #tpu.memory_space<semaphore_mem>>) {add = true}
    %dma_wait3A_624 = arith.constant 160 : i32
    %dma_wait3A_625 = tpu.memref_slice %arg19[%dma_wait3A_624] : memref<640xi32, #tpu.memory_space<vmem>> -> memref<80xi32, #tpu.memory_space<vmem>>
    %dma_wait3A_626 = arith.constant 0 : i32
    %dma_wait3A_627 = arith.constant 0 : i32
    %dma_wait3A_628 = tpu.memref_slice %arg24[%dma_wait3A_626, %dma_wait3A_627] : memref<5120x128xf32, #tpu.memory_space<vmem_shared>> -> memref<5120x128xf32, #tpu.memory_space<vmem_shared>>
    tpu.wait_indirect_dma semaphore(%arg27 : memref<!tpu.dma_semaphore, #tpu.memory_space<semaphore_mem>>) src(%arg20 : memref<80x128xf32, #tpu.memory_space<vmem>>) dst(%dma_wait3A_628 : memref<5120x128xf32, #tpu.memory_space<vmem_shared>>)
    %dma_start3A_629 = arith.constant 320 : i32
    %dma_start3A_630 = tpu.memref_slice %arg18[%dma_start3A_629] : memref<640xi32, #tpu.memory_space<vmem>> -> memref<80xi32, #tpu.memory_space<vmem>>
    %dma_start3A_631 = arith.constant 0 : i32
    %dma_start3A_632 = arith.constant 0 : i32
    %dma_start3A_633 = tpu.memref_slice %arg9[%dma_start3A_631, %dma_start3A_632] : memref<20000x128xf32, #tpu.memory_space<hbm>> -> memref<20000x128xf32, #tpu.memory_space<hbm>>
    tpu.enqueue_indirect_dma source(%dma_start3A_633 : memref<20000x128xf32, #tpu.memory_space<hbm>>) target(%arg20 : memref<80x128xf32, #tpu.memory_space<vmem>>) offsets(%dma_start3A_630 : memref<80xi32, #tpu.memory_space<vmem>>) semaphore(%arg25 : memref<!tpu.dma_semaphore, #tpu.memory_space<semaphore_mem>>)
    %dma_wait3A_634 = arith.constant 240 : i32
    %dma_wait3A_635 = tpu.memref_slice %arg18[%dma_wait3A_634] : memref<640xi32, #tpu.memory_space<vmem>> -> memref<80xi32, #tpu.memory_space<vmem>>
    %dma_wait3A_636 = arith.constant 0 : i32
    %dma_wait3A_637 = arith.constant 0 : i32
    %dma_wait3A_638 = tpu.memref_slice %arg9[%dma_wait3A_636, %dma_wait3A_637] : memref<20000x128xf32, #tpu.memory_space<hbm>> -> memref<20000x128xf32, #tpu.memory_space<hbm>>
    tpu.wait_indirect_dma semaphore(%arg26 : memref<!tpu.dma_semaphore, #tpu.memory_space<semaphore_mem>>) src(%dma_wait3A_638 : memref<20000x128xf32, #tpu.memory_space<hbm>>) dst(%arg21 : memref<80x128xf32, #tpu.memory_space<vmem>>)
    %dma_start3A_639 = arith.constant 240 : i32
    %dma_start3A_640 = tpu.memref_slice %arg19[%dma_start3A_639] : memref<640xi32, #tpu.memory_space<vmem>> -> memref<80xi32, #tpu.memory_space<vmem>>
    %dma_start3A_641 = arith.constant 0 : i32
    %dma_start3A_642 = arith.constant 0 : i32
    %dma_start3A_643 = tpu.memref_slice %arg24[%dma_start3A_641, %dma_start3A_642] : memref<5120x128xf32, #tpu.memory_space<vmem_shared>> -> memref<5120x128xf32, #tpu.memory_space<vmem_shared>>
    tpu.enqueue_indirect_dma source(%arg21 : memref<80x128xf32, #tpu.memory_space<vmem>>) target(%dma_start3A_643 : memref<5120x128xf32, #tpu.memory_space<vmem_shared>>) offsets(%dma_start3A_640 : memref<80xi32, #tpu.memory_space<vmem>>) semaphore(%arg28 : memref<!tpu.dma_semaphore, #tpu.memory_space<semaphore_mem>>) {add = true}
    %dma_wait3A_644 = arith.constant 240 : i32
    %dma_wait3A_645 = tpu.memref_slice %arg19[%dma_wait3A_644] : memref<640xi32, #tpu.memory_space<vmem>> -> memref<80xi32, #tpu.memory_space<vmem>>
    %dma_wait3A_646 = arith.constant 0 : i32
    %dma_wait3A_647 = arith.constant 0 : i32
    %dma_wait3A_648 = tpu.memref_slice %arg24[%dma_wait3A_646, %dma_wait3A_647] : memref<5120x128xf32, #tpu.memory_space<vmem_shared>> -> memref<5120x128xf32, #tpu.memory_space<vmem_shared>>
    tpu.wait_indirect_dma semaphore(%arg28 : memref<!tpu.dma_semaphore, #tpu.memory_space<semaphore_mem>>) src(%arg21 : memref<80x128xf32, #tpu.memory_space<vmem>>) dst(%dma_wait3A_648 : memref<5120x128xf32, #tpu.memory_space<vmem_shared>>)
    %dma_start3A_649 = arith.constant 400 : i32
    %dma_start3A_650 = tpu.memref_slice %arg18[%dma_start3A_649] : memref<640xi32, #tpu.memory_space<vmem>> -> memref<80xi32, #tpu.memory_space<vmem>>
    %dma_start3A_651 = arith.constant 0 : i32
    %dma_start3A_652 = arith.constant 0 : i32
    %dma_start3A_653 = tpu.memref_slice %arg9[%dma_start3A_651, %dma_start3A_652] : memref<20000x128xf32, #tpu.memory_space<hbm>> -> memref<20000x128xf32, #tpu.memory_space<hbm>>
    tpu.enqueue_indirect_dma source(%dma_start3A_653 : memref<20000x128xf32, #tpu.memory_space<hbm>>) target(%arg21 : memref<80x128xf32, #tpu.memory_space<vmem>>) offsets(%dma_start3A_650 : memref<80xi32, #tpu.memory_space<vmem>>) semaphore(%arg26 : memref<!tpu.dma_semaphore, #tpu.memory_space<semaphore_mem>>)
    %dma_wait3A_654 = arith.constant 320 : i32
    %dma_wait3A_655 = tpu.memref_slice %arg18[%dma_wait3A_654] : memref<640xi32, #tpu.memory_space<vmem>> -> memref<80xi32, #tpu.memory_space<vmem>>
    %dma_wait3A_656 = arith.constant 0 : i32
    %dma_wait3A_657 = arith.constant 0 : i32
    %dma_wait3A_658 = tpu.memref_slice %arg9[%dma_wait3A_656, %dma_wait3A_657] : memref<20000x128xf32, #tpu.memory_space<hbm>> -> memref<20000x128xf32, #tpu.memory_space<hbm>>
    tpu.wait_indirect_dma semaphore(%arg25 : memref<!tpu.dma_semaphore, #tpu.memory_space<semaphore_mem>>) src(%dma_wait3A_658 : memref<20000x128xf32, #tpu.memory_space<hbm>>) dst(%arg20 : memref<80x128xf32, #tpu.memory_space<vmem>>)
    %dma_start3A_659 = arith.constant 320 : i32
    %dma_start3A_660 = tpu.memref_slice %arg19[%dma_start3A_659] : memref<640xi32, #tpu.memory_space<vmem>> -> memref<80xi32, #tpu.memory_space<vmem>>
    %dma_start3A_661 = arith.constant 0 : i32
    %dma_start3A_662 = arith.constant 0 : i32
    %dma_start3A_663 = tpu.memref_slice %arg24[%dma_start3A_661, %dma_start3A_662] : memref<5120x128xf32, #tpu.memory_space<vmem_shared>> -> memref<5120x128xf32, #tpu.memory_space<vmem_shared>>
    tpu.enqueue_indirect_dma source(%arg20 : memref<80x128xf32, #tpu.memory_space<vmem>>) target(%dma_start3A_663 : memref<5120x128xf32, #tpu.memory_space<vmem_shared>>) offsets(%dma_start3A_660 : memref<80xi32, #tpu.memory_space<vmem>>) semaphore(%arg27 : memref<!tpu.dma_semaphore, #tpu.memory_space<semaphore_mem>>) {add = true}
    %dma_wait3A_664 = arith.constant 320 : i32
    %dma_wait3A_665 = tpu.memref_slice %arg19[%dma_wait3A_664] : memref<640xi32, #tpu.memory_space<vmem>> -> memref<80xi32, #tpu.memory_space<vmem>>
    %dma_wait3A_666 = arith.constant 0 : i32
    %dma_wait3A_667 = arith.constant 0 : i32
    %dma_wait3A_668 = tpu.memref_slice %arg24[%dma_wait3A_666, %dma_wait3A_667] : memref<5120x128xf32, #tpu.memory_space<vmem_shared>> -> memref<5120x128xf32, #tpu.memory_space<vmem_shared>>
    tpu.wait_indirect_dma semaphore(%arg27 : memref<!tpu.dma_semaphore, #tpu.memory_space<semaphore_mem>>) src(%arg20 : memref<80x128xf32, #tpu.memory_space<vmem>>) dst(%dma_wait3A_668 : memref<5120x128xf32, #tpu.memory_space<vmem_shared>>)
    %dma_start3A_669 = arith.constant 480 : i32
    %dma_start3A_670 = tpu.memref_slice %arg18[%dma_start3A_669] : memref<640xi32, #tpu.memory_space<vmem>> -> memref<80xi32, #tpu.memory_space<vmem>>
    %dma_start3A_671 = arith.constant 0 : i32
    %dma_start3A_672 = arith.constant 0 : i32
    %dma_start3A_673 = tpu.memref_slice %arg9[%dma_start3A_671, %dma_start3A_672] : memref<20000x128xf32, #tpu.memory_space<hbm>> -> memref<20000x128xf32, #tpu.memory_space<hbm>>
    tpu.enqueue_indirect_dma source(%dma_start3A_673 : memref<20000x128xf32, #tpu.memory_space<hbm>>) target(%arg20 : memref<80x128xf32, #tpu.memory_space<vmem>>) offsets(%dma_start3A_670 : memref<80xi32, #tpu.memory_space<vmem>>) semaphore(%arg25 : memref<!tpu.dma_semaphore, #tpu.memory_space<semaphore_mem>>)
    %dma_wait3A_674 = arith.constant 400 : i32
    %dma_wait3A_675 = tpu.memref_slice %arg18[%dma_wait3A_674] : memref<640xi32, #tpu.memory_space<vmem>> -> memref<80xi32, #tpu.memory_space<vmem>>
    %dma_wait3A_676 = arith.constant 0 : i32
    %dma_wait3A_677 = arith.constant 0 : i32
    %dma_wait3A_678 = tpu.memref_slice %arg9[%dma_wait3A_676, %dma_wait3A_677] : memref<20000x128xf32, #tpu.memory_space<hbm>> -> memref<20000x128xf32, #tpu.memory_space<hbm>>
    tpu.wait_indirect_dma semaphore(%arg26 : memref<!tpu.dma_semaphore, #tpu.memory_space<semaphore_mem>>) src(%dma_wait3A_678 : memref<20000x128xf32, #tpu.memory_space<hbm>>) dst(%arg21 : memref<80x128xf32, #tpu.memory_space<vmem>>)
    %dma_start3A_679 = arith.constant 400 : i32
    %dma_start3A_680 = tpu.memref_slice %arg19[%dma_start3A_679] : memref<640xi32, #tpu.memory_space<vmem>> -> memref<80xi32, #tpu.memory_space<vmem>>
    %dma_start3A_681 = arith.constant 0 : i32
    %dma_start3A_682 = arith.constant 0 : i32
    %dma_start3A_683 = tpu.memref_slice %arg24[%dma_start3A_681, %dma_start3A_682] : memref<5120x128xf32, #tpu.memory_space<vmem_shared>> -> memref<5120x128xf32, #tpu.memory_space<vmem_shared>>
    tpu.enqueue_indirect_dma source(%arg21 : memref<80x128xf32, #tpu.memory_space<vmem>>) target(%dma_start3A_683 : memref<5120x128xf32, #tpu.memory_space<vmem_shared>>) offsets(%dma_start3A_680 : memref<80xi32, #tpu.memory_space<vmem>>) semaphore(%arg28 : memref<!tpu.dma_semaphore, #tpu.memory_space<semaphore_mem>>) {add = true}
    %dma_wait3A_684 = arith.constant 400 : i32
    %dma_wait3A_685 = tpu.memref_slice %arg19[%dma_wait3A_684] : memref<640xi32, #tpu.memory_space<vmem>> -> memref<80xi32, #tpu.memory_space<vmem>>
    %dma_wait3A_686 = arith.constant 0 : i32
    %dma_wait3A_687 = arith.constant 0 : i32
    %dma_wait3A_688 = tpu.memref_slice %arg24[%dma_wait3A_686, %dma_wait3A_687] : memref<5120x128xf32, #tpu.memory_space<vmem_shared>> -> memref<5120x128xf32, #tpu.memory_space<vmem_shared>>
    tpu.wait_indirect_dma semaphore(%arg28 : memref<!tpu.dma_semaphore, #tpu.memory_space<semaphore_mem>>) src(%arg21 : memref<80x128xf32, #tpu.memory_space<vmem>>) dst(%dma_wait3A_688 : memref<5120x128xf32, #tpu.memory_space<vmem_shared>>)
    %dma_start3A_689 = arith.constant 560 : i32
    %dma_start3A_690 = tpu.memref_slice %arg18[%dma_start3A_689] : memref<640xi32, #tpu.memory_space<vmem>> -> memref<80xi32, #tpu.memory_space<vmem>>
    %dma_start3A_691 = arith.constant 0 : i32
    %dma_start3A_692 = arith.constant 0 : i32
    %dma_start3A_693 = tpu.memref_slice %arg9[%dma_start3A_691, %dma_start3A_692] : memref<20000x128xf32, #tpu.memory_space<hbm>> -> memref<20000x128xf32, #tpu.memory_space<hbm>>
    tpu.enqueue_indirect_dma source(%dma_start3A_693 : memref<20000x128xf32, #tpu.memory_space<hbm>>) target(%arg21 : memref<80x128xf32, #tpu.memory_space<vmem>>) offsets(%dma_start3A_690 : memref<80xi32, #tpu.memory_space<vmem>>) semaphore(%arg26 : memref<!tpu.dma_semaphore, #tpu.memory_space<semaphore_mem>>)
    %dma_wait3A_694 = arith.constant 480 : i32
    %dma_wait3A_695 = tpu.memref_slice %arg18[%dma_wait3A_694] : memref<640xi32, #tpu.memory_space<vmem>> -> memref<80xi32, #tpu.memory_space<vmem>>
    %dma_wait3A_696 = arith.constant 0 : i32
    %dma_wait3A_697 = arith.constant 0 : i32
    %dma_wait3A_698 = tpu.memref_slice %arg9[%dma_wait3A_696, %dma_wait3A_697] : memref<20000x128xf32, #tpu.memory_space<hbm>> -> memref<20000x128xf32, #tpu.memory_space<hbm>>
    tpu.wait_indirect_dma semaphore(%arg25 : memref<!tpu.dma_semaphore, #tpu.memory_space<semaphore_mem>>) src(%dma_wait3A_698 : memref<20000x128xf32, #tpu.memory_space<hbm>>) dst(%arg20 : memref<80x128xf32, #tpu.memory_space<vmem>>)
    %dma_start3A_699 = arith.constant 480 : i32
    %dma_start3A_700 = tpu.memref_slice %arg19[%dma_start3A_699] : memref<640xi32, #tpu.memory_space<vmem>> -> memref<80xi32, #tpu.memory_space<vmem>>
    %dma_start3A_701 = arith.constant 0 : i32
    %dma_start3A_702 = arith.constant 0 : i32
    %dma_start3A_703 = tpu.memref_slice %arg24[%dma_start3A_701, %dma_start3A_702] : memref<5120x128xf32, #tpu.memory_space<vmem_shared>> -> memref<5120x128xf32, #tpu.memory_space<vmem_shared>>
    tpu.enqueue_indirect_dma source(%arg20 : memref<80x128xf32, #tpu.memory_space<vmem>>) target(%dma_start3A_703 : memref<5120x128xf32, #tpu.memory_space<vmem_shared>>) offsets(%dma_start3A_700 : memref<80xi32, #tpu.memory_space<vmem>>) semaphore(%arg27 : memref<!tpu.dma_semaphore, #tpu.memory_space<semaphore_mem>>) {add = true}
    %dma_wait3A_704 = arith.constant 560 : i32
    %dma_wait3A_705 = tpu.memref_slice %arg18[%dma_wait3A_704] : memref<640xi32, #tpu.memory_space<vmem>> -> memref<80xi32, #tpu.memory_space<vmem>>
    %dma_wait3A_706 = arith.constant 0 : i32
    %dma_wait3A_707 = arith.constant 0 : i32
    %dma_wait3A_708 = tpu.memref_slice %arg9[%dma_wait3A_706, %dma_wait3A_707] : memref<20000x128xf32, #tpu.memory_space<hbm>> -> memref<20000x128xf32, #tpu.memory_space<hbm>>
    tpu.wait_indirect_dma semaphore(%arg26 : memref<!tpu.dma_semaphore, #tpu.memory_space<semaphore_mem>>) src(%dma_wait3A_708 : memref<20000x128xf32, #tpu.memory_space<hbm>>) dst(%arg21 : memref<80x128xf32, #tpu.memory_space<vmem>>)
    %dma_start3A_709 = arith.constant 560 : i32
    %dma_start3A_710 = tpu.memref_slice %arg19[%dma_start3A_709] : memref<640xi32, #tpu.memory_space<vmem>> -> memref<80xi32, #tpu.memory_space<vmem>>
    %dma_start3A_711 = arith.constant 0 : i32
    %dma_start3A_712 = arith.constant 0 : i32
    %dma_start3A_713 = tpu.memref_slice %arg24[%dma_start3A_711, %dma_start3A_712] : memref<5120x128xf32, #tpu.memory_space<vmem_shared>> -> memref<5120x128xf32, #tpu.memory_space<vmem_shared>>
    tpu.enqueue_indirect_dma source(%arg21 : memref<80x128xf32, #tpu.memory_space<vmem>>) target(%dma_start3A_713 : memref<5120x128xf32, #tpu.memory_space<vmem_shared>>) offsets(%dma_start3A_710 : memref<80xi32, #tpu.memory_space<vmem>>) semaphore(%arg28 : memref<!tpu.dma_semaphore, #tpu.memory_space<semaphore_mem>>) {add = true}
    %dma_wait3A_714 = arith.constant 560 : i32
    %dma_wait3A_715 = tpu.memref_slice %arg19[%dma_wait3A_714] : memref<640xi32, #tpu.memory_space<vmem>> -> memref<80xi32, #tpu.memory_space<vmem>>
    %dma_wait3A_716 = arith.constant 0 : i32
    %dma_wait3A_717 = arith.constant 0 : i32
    %dma_wait3A_718 = tpu.memref_slice %arg24[%dma_wait3A_716, %dma_wait3A_717] : memref<5120x128xf32, #tpu.memory_space<vmem_shared>> -> memref<5120x128xf32, #tpu.memory_space<vmem_shared>>
    tpu.wait_indirect_dma semaphore(%arg28 : memref<!tpu.dma_semaphore, #tpu.memory_space<semaphore_mem>>) src(%arg21 : memref<80x128xf32, #tpu.memory_space<vmem>>) dst(%dma_wait3A_718 : memref<5120x128xf32, #tpu.memory_space<vmem_shared>>)
    %dma_wait3A_719 = arith.constant 480 : i32
    %dma_wait3A_720 = tpu.memref_slice %arg19[%dma_wait3A_719] : memref<640xi32, #tpu.memory_space<vmem>> -> memref<80xi32, #tpu.memory_space<vmem>>
    %dma_wait3A_721 = arith.constant 0 : i32
    %dma_wait3A_722 = arith.constant 0 : i32
    %dma_wait3A_723 = tpu.memref_slice %arg24[%dma_wait3A_721, %dma_wait3A_722] : memref<5120x128xf32, #tpu.memory_space<vmem_shared>> -> memref<5120x128xf32, #tpu.memory_space<vmem_shared>>
    tpu.wait_indirect_dma semaphore(%arg27 : memref<!tpu.dma_semaphore, #tpu.memory_space<semaphore_mem>>) src(%arg20 : memref<80x128xf32, #tpu.memory_space<vmem>>) dst(%dma_wait3A_723 : memref<5120x128xf32, #tpu.memory_space<vmem_shared>>)
    %barrier3A_724 = arith.constant 0 : index
    tpu.barrier barrier_id(%barrier3A_724)
    %mul3A_725 = arith.constant 160 : i32
    %mul3A_726 = arith.muli %arg0, %mul3A_725 : i32
    %mul3A_727 = arith.constant 16 : i32
    %mul3A_728 = arith.muli %mul3A_726, %mul3A_727 : i32
    %add3A_729 = arith.addi %mul3A_728, %mul3A_553 : i32
    "tpu.region"() ({
      %run_scoped3A = tpu.sem_alloc : memref<!tpu.dma_semaphore, #tpu.memory_space<semaphore_mem>>
      %dma_start3A_731 = arith.constant 0 : i32
      %dma_start3A_732 = tpu.memref_slice %arg15[%add3A_729, %dma_start3A_731] : memref<5120x128xf32, #tpu.memory_space<hbm>> -> memref<160x128xf32, #tpu.memory_space<hbm>>
      %dma_start3A_733 = arith.constant 0 : i32
      %dma_start3A_734 = tpu.memref_slice %arg24[%mul3A_553, %dma_start3A_733] : memref<5120x128xf32, #tpu.memory_space<vmem_shared>> -> memref<160x128xf32, #tpu.memory_space<vmem_shared>>
      tpu.enqueue_dma source(%dma_start3A_734 : memref<160x128xf32, #tpu.memory_space<vmem_shared>>) target(%dma_start3A_732 : memref<160x128xf32, #tpu.memory_space<hbm>>) target_semaphore(%run_scoped3A : memref<!tpu.dma_semaphore, #tpu.memory_space<semaphore_mem>>)
      %dma_wait3A_735 = arith.constant 0 : i32
      %dma_wait3A_736 = tpu.memref_slice %arg15[%add3A_729, %dma_wait3A_735] : memref<5120x128xf32, #tpu.memory_space<hbm>> -> memref<160x128xf32, #tpu.memory_space<hbm>>
      %dma_wait3A_737 = arith.constant 0 : i32
      %dma_wait3A_738 = tpu.memref_slice %arg24[%mul3A_553, %dma_wait3A_737] : memref<5120x128xf32, #tpu.memory_space<vmem_shared>> -> memref<160x128xf32, #tpu.memory_space<vmem_shared>>
      tpu.wait_dma2 semaphore(%run_scoped3A : memref<!tpu.dma_semaphore, #tpu.memory_space<semaphore_mem>>) src(%dma_wait3A_738 : memref<160x128xf32, #tpu.memory_space<vmem_shared>>) dst(%dma_wait3A_736 : memref<160x128xf32, #tpu.memory_space<hbm>>)
      tpu.yield
    }) : () -> ()
    %barrier3A_730 = arith.constant 0 : index
    tpu.barrier barrier_id(%barrier3A_730)
    return
  }
}

module attributes {stable_mosaic.version = 14 : i64} {
  func.func @body(%arg0: i32, %arg1: memref<256x128xf32, #tpu.memory_space<vmem>>, %arg2: memref<256x128xf32, #tpu.memory_space<vmem>>, %arg3: memref<256x128xf32, #tpu.memory_space<vmem>>, %arg4: memref<256x256xf32, #tpu.memory_space<vmem>>, %arg5: memref<1x256xf32, #tpu.memory_space<vmem>>, %arg6: memref<256x128xf32, #tpu.memory_space<vmem>>, %arg7: memref<256x128xf32, #tpu.memory_space<vmem>>, %arg8: memref<256x128xf32, #tpu.memory_space<vmem>>, %arg9: memref<256x128xf32, #tpu.memory_space<vmem>>) attributes {dimension_semantics = [#tpu.dimension_semantics<arbitrary>], iteration_bounds = array<i64: 10>, scalar_prefetch = 0 : i64, scratch_operands = 0 : i64, tpu.core_type = #tpu.core_type<tc>, window_params = [{transform_indices = @transform_0, window_bounds = array<i64: 256, 128>}, {transform_indices = @transform_1, window_bounds = array<i64: 256, 128>}, {transform_indices = @transform_2, window_bounds = array<i64: 256, 128>}, {transform_indices = @transform_3, window_bounds = array<i64: 256, 256>}, {pipeline_mode = #tpu.pipeline_mode<synchronous>, transform_indices = @transform_4, window_bounds = array<i64: 1, 256>}, {pipeline_mode = #tpu.pipeline_mode<synchronous>, transform_indices = @transform_5, window_bounds = array<i64: 256, 128>}, {pipeline_mode = #tpu.pipeline_mode<synchronous>, transform_indices = @transform_6, window_bounds = array<i64: 256, 128>}, {transform_indices = @transform_7, window_bounds = array<i64: 256, 128>}, {transform_indices = @transform_8, window_bounds = array<i64: 256, 128>}]} {
    %get3A = arith.constant 0 : index
    %get3A_0 = arith.constant 0 : index
    %get3A_1 = vector.load %arg3[%get3A, %get3A_0] : memref<256x128xf32, #tpu.memory_space<vmem>>, vector<256x1xf32>
    %max3A = arith.constant 1.000000e+00 : f32
    %max3A_2 = vector.broadcast %max3A : f32 to vector<256x1xf32>
    %max3A_3 = arith.maximumf %get3A_1, %max3A_2 : vector<256x1xf32>
    %get3A_4 = arith.constant 0 : index
    %get3A_5 = arith.constant 0 : index
    %get3A_6 = vector.load %arg1[%get3A_4, %get3A_5] : memref<256x128xf32, #tpu.memory_space<vmem>>, vector<256x128xf32>
    %get3A_7 = arith.constant 0 : index
    %get3A_8 = arith.constant 0 : index
    %get3A_9 = vector.load %arg2[%get3A_7, %get3A_8] : memref<256x128xf32, #tpu.memory_space<vmem>>, vector<256x128xf32>
    %concatenate3A = tpu.concatenate %get3A_6, %get3A_9 in 1 : vector<256x128xf32>, vector<256x128xf32> -> vector<256x256xf32>
    %div3A = vector.broadcast %max3A_3 : vector<256x1xf32> to vector<256x256xf32>
    %div3A_10 = arith.divf %concatenate3A, %div3A : vector<256x256xf32>
    %get3A_11 = arith.constant 0 : index
    %get3A_12 = arith.constant 0 : index
    %get3A_13 = vector.load %arg5[%get3A_11, %get3A_12] : memref<1x256xf32, #tpu.memory_space<vmem>>, vector<1x256xf32>
    %add3A = vector.broadcast %get3A_13 : vector<1x256xf32> to vector<256x256xf32>
    %add3A_14 = arith.addf %div3A_10, %add3A : vector<256x256xf32>
    %get3A_15 = arith.constant 0 : index
    %get3A_16 = arith.constant 0 : index
    %get3A_17 = vector.load %arg4[%get3A_15, %get3A_16] : memref<256x256xf32, #tpu.memory_space<vmem>>, vector<256x256xf32>
    %add3A_18 = arith.addf %add3A_14, %get3A_17 : vector<256x256xf32>
    %max3A_19 = arith.constant 0.000000e+00 : f32
    %max3A_20 = vector.broadcast %max3A_19 : f32 to vector<256x256xf32>
    %max3A_21 = arith.maximumf %add3A_18, %max3A_20 : vector<256x256xf32>
    %get3A_22 = arith.constant 0 : index
    %get3A_23 = arith.constant 0 : index
    %get3A_24 = vector.load %arg6[%get3A_22, %get3A_23] : memref<256x128xf32, #tpu.memory_space<vmem>>, vector<256x128xf32>
    %dot_general3A = arith.constant dense<0.000000e+00> : vector<256x128xf32>
    %dot_general3A_25 = tpu.matmul %max3A_21, %get3A_24, %dot_general3A {dimension_numbers = #tpu.dot_dimension_numbers<[1], [0], [0], [1], [0, 0, 1, 1], [], []>, transpose_lhs_hint = false} : vector<256x256xf32>, vector<256x128xf32>, vector<256x128xf32> -> vector<256x128xf32>
    %swap3A = arith.constant 0 : index
    %swap3A_26 = arith.constant 0 : index
    %swap3A_27 = vector.load %arg8[%swap3A, %swap3A_26] : memref<256x128xf32, #tpu.memory_space<vmem>>, vector<256x128xf32>
    tpu.vector_store %arg8[%swap3A, %swap3A_26], %dot_general3A_25 {strides = array<i32>} : memref<256x128xf32, #tpu.memory_space<vmem>>, vector<256x128xf32>,
    %get3A_28 = arith.constant 0 : index
    %get3A_29 = arith.constant 0 : index
    %get3A_30 = vector.load %arg7[%get3A_28, %get3A_29] : memref<256x128xf32, #tpu.memory_space<vmem>>, vector<256x128xf32>
    %dot_general3A_31 = arith.constant dense<0.000000e+00> : vector<256x128xf32>
    %dot_general3A_32 = tpu.matmul %max3A_21, %get3A_30, %dot_general3A_31 {dimension_numbers = #tpu.dot_dimension_numbers<[1], [0], [0], [1], [0, 0, 1, 1], [], []>, transpose_lhs_hint = false} : vector<256x256xf32>, vector<256x128xf32>, vector<256x128xf32> -> vector<256x128xf32>
    %swap3A_33 = arith.constant 0 : index
    %swap3A_34 = arith.constant 0 : index
    %swap3A_35 = vector.load %arg9[%swap3A_33, %swap3A_34] : memref<256x128xf32, #tpu.memory_space<vmem>>, vector<256x128xf32>
    tpu.vector_store %arg9[%swap3A_33, %swap3A_34], %dot_general3A_32 {strides = array<i32>} : memref<256x128xf32, #tpu.memory_space<vmem>>, vector<256x128xf32>,
    return
  }
  func.func @transform_0(%arg0: i32) -> (i32, i32) {
    %c0_i32 = arith.constant 0 : i32
    %c0_i32_0 = arith.constant 0 : i32
    return %arg0, %c0_i32 : i32, i32
  }
  func.func @transform_1(%arg0: i32) -> (i32, i32) {
    %c0_i32 = arith.constant 0 : i32
    %c0_i32_0 = arith.constant 0 : i32
    return %arg0, %c0_i32 : i32, i32
  }
  func.func @transform_2(%arg0: i32) -> (i32, i32) {
    %c0_i32 = arith.constant 0 : i32
    %c0_i32_0 = arith.constant 0 : i32
    return %arg0, %c0_i32 : i32, i32
  }
  func.func @transform_3(%arg0: i32) -> (i32, i32) {
    %c0_i32 = arith.constant 0 : i32
    %c0_i32_0 = arith.constant 0 : i32
    return %arg0, %c0_i32 : i32, i32
  }
  func.func @transform_4(%arg0: i32) -> (i32, i32) {
    %c0_i32 = arith.constant 0 : i32
    %c0_i32_0 = arith.constant 0 : i32
    %c0_i32_1 = arith.constant 0 : i32
    return %c0_i32, %c0_i32_0 : i32, i32
  }
  func.func @transform_5(%arg0: i32) -> (i32, i32) {
    %c0_i32 = arith.constant 0 : i32
    %c0_i32_0 = arith.constant 0 : i32
    %c0_i32_1 = arith.constant 0 : i32
    return %c0_i32, %c0_i32_0 : i32, i32
  }
  func.func @transform_6(%arg0: i32) -> (i32, i32) {
    %c0_i32 = arith.constant 0 : i32
    %c0_i32_0 = arith.constant 0 : i32
    %c0_i32_1 = arith.constant 0 : i32
    return %c0_i32, %c0_i32_0 : i32, i32
  }
  func.func @transform_7(%arg0: i32) -> (i32, i32) {
    %c0_i32 = arith.constant 0 : i32
    %c0_i32_0 = arith.constant 0 : i32
    return %arg0, %c0_i32 : i32, i32
  }
  func.func @transform_8(%arg0: i32) -> (i32, i32) {
    %c0_i32 = arith.constant 0 : i32
    %c0_i32_0 = arith.constant 0 : i32
    return %arg0, %c0_i32 : i32, i32
  }
}

module attributes {stable_mosaic.version = 14 : i64} {
  func.func @body(%arg0: i32, %arg1: memref<128x128xf32, #tpu.memory_space<vmem>>, %arg2: memref<128x128xf32, #tpu.memory_space<vmem>>, %arg3: memref<128x128xf32, #tpu.memory_space<vmem>>, %arg4: memref<128x256xf32, #tpu.memory_space<vmem>>, %arg5: memref<1x256xf32, #tpu.memory_space<vmem>>, %arg6: memref<256x128xf32, #tpu.memory_space<vmem>>, %arg7: memref<256x128xf32, #tpu.memory_space<vmem>>, %arg8: memref<128x128xf32, #tpu.memory_space<vmem>>, %arg9: memref<128x128xf32, #tpu.memory_space<vmem>>) attributes {dimension_semantics = [#tpu.dimension_semantics<arbitrary>], iteration_bounds = array<i64: 1>, scalar_prefetch = 0 : i64, scratch_operands = 0 : i64, tpu.core_type = #tpu.core_type<tc>, window_params = [{transform_indices = @transform_0, window_bounds = array<i64: 128, 128>}, {transform_indices = @transform_1, window_bounds = array<i64: 128, 128>}, {transform_indices = @transform_2, window_bounds = array<i64: 128, 128>}, {transform_indices = @transform_3, window_bounds = array<i64: 128, 256>}, {pipeline_mode = #tpu.pipeline_mode<synchronous>, transform_indices = @transform_4, window_bounds = array<i64: 1, 256>}, {pipeline_mode = #tpu.pipeline_mode<synchronous>, transform_indices = @transform_5, window_bounds = array<i64: 256, 128>}, {pipeline_mode = #tpu.pipeline_mode<synchronous>, transform_indices = @transform_6, window_bounds = array<i64: 256, 128>}, {transform_indices = @transform_7, window_bounds = array<i64: 128, 128>}, {transform_indices = @transform_8, window_bounds = array<i64: 128, 128>}]} {
    %get3A = arith.constant 0 : index
    %get3A_0 = arith.constant 0 : index
    %get3A_1 = vector.load %arg3[%get3A, %get3A_0] : memref<128x128xf32, #tpu.memory_space<vmem>>, vector<128x1xf32>
    %max3A = arith.constant 1.000000e+00 : f32
    %max3A_2 = vector.broadcast %max3A : f32 to vector<128x1xf32>
    %max3A_3 = arith.maximumf %get3A_1, %max3A_2 : vector<128x1xf32>
    %get3A_4 = arith.constant 0 : index
    %get3A_5 = arith.constant 0 : index
    %get3A_6 = vector.load %arg1[%get3A_4, %get3A_5] : memref<128x128xf32, #tpu.memory_space<vmem>>, vector<128x128xf32>
    %get3A_7 = arith.constant 0 : index
    %get3A_8 = arith.constant 0 : index
    %get3A_9 = vector.load %arg2[%get3A_7, %get3A_8] : memref<128x128xf32, #tpu.memory_space<vmem>>, vector<128x128xf32>
    %concatenate3A = tpu.concatenate %get3A_6, %get3A_9 in 1 : vector<128x128xf32>, vector<128x128xf32> -> vector<128x256xf32>
    %div3A = vector.broadcast %max3A_3 : vector<128x1xf32> to vector<128x256xf32>
    %div3A_10 = arith.divf %concatenate3A, %div3A : vector<128x256xf32>
    %get3A_11 = arith.constant 0 : index
    %get3A_12 = arith.constant 0 : index
    %get3A_13 = vector.load %arg5[%get3A_11, %get3A_12] : memref<1x256xf32, #tpu.memory_space<vmem>>, vector<1x256xf32>
    %add3A = vector.broadcast %get3A_13 : vector<1x256xf32> to vector<128x256xf32>
    %add3A_14 = arith.addf %div3A_10, %add3A : vector<128x256xf32>
    %get3A_15 = arith.constant 0 : index
    %get3A_16 = arith.constant 0 : index
    %get3A_17 = vector.load %arg4[%get3A_15, %get3A_16] : memref<128x256xf32, #tpu.memory_space<vmem>>, vector<128x256xf32>
    %add3A_18 = arith.addf %add3A_14, %get3A_17 : vector<128x256xf32>
    %max3A_19 = arith.constant 0.000000e+00 : f32
    %max3A_20 = vector.broadcast %max3A_19 : f32 to vector<128x256xf32>
    %max3A_21 = arith.maximumf %add3A_18, %max3A_20 : vector<128x256xf32>
    %get3A_22 = arith.constant 0 : index
    %get3A_23 = arith.constant 0 : index
    %get3A_24 = vector.load %arg6[%get3A_22, %get3A_23] : memref<256x128xf32, #tpu.memory_space<vmem>>, vector<256x128xf32>
    %dot_general3A = arith.constant dense<0.000000e+00> : vector<128x128xf32>
    %dot_general3A_25 = tpu.matmul %max3A_21, %get3A_24, %dot_general3A {dimension_numbers = #tpu.dot_dimension_numbers<[1], [0], [0], [1], [0, 0, 1, 1], [], []>, transpose_lhs_hint = false} : vector<128x256xf32>, vector<256x128xf32>, vector<128x128xf32> -> vector<128x128xf32>
    %swap3A = arith.constant 0 : index
    %swap3A_26 = arith.constant 0 : index
    %swap3A_27 = vector.load %arg8[%swap3A, %swap3A_26] : memref<128x128xf32, #tpu.memory_space<vmem>>, vector<128x128xf32>
    tpu.vector_store %arg8[%swap3A, %swap3A_26], %dot_general3A_25 {strides = array<i32>} : memref<128x128xf32, #tpu.memory_space<vmem>>, vector<128x128xf32>,
    %get3A_28 = arith.constant 0 : index
    %get3A_29 = arith.constant 0 : index
    %get3A_30 = vector.load %arg7[%get3A_28, %get3A_29] : memref<256x128xf32, #tpu.memory_space<vmem>>, vector<256x128xf32>
    %dot_general3A_31 = arith.constant dense<0.000000e+00> : vector<128x128xf32>
    %dot_general3A_32 = tpu.matmul %max3A_21, %get3A_30, %dot_general3A_31 {dimension_numbers = #tpu.dot_dimension_numbers<[1], [0], [0], [1], [0, 0, 1, 1], [], []>, transpose_lhs_hint = false} : vector<128x256xf32>, vector<256x128xf32>, vector<128x128xf32> -> vector<128x128xf32>
    %swap3A_33 = arith.constant 0 : index
    %swap3A_34 = arith.constant 0 : index
    %swap3A_35 = vector.load %arg9[%swap3A_33, %swap3A_34] : memref<128x128xf32, #tpu.memory_space<vmem>>, vector<128x128xf32>
    tpu.vector_store %arg9[%swap3A_33, %swap3A_34], %dot_general3A_32 {strides = array<i32>} : memref<128x128xf32, #tpu.memory_space<vmem>>, vector<128x128xf32>,
    return
  }
  func.func @transform_0(%arg0: i32) -> (i32, i32) {
    %c0_i32 = arith.constant 0 : i32
    %c0_i32_0 = arith.constant 0 : i32
    return %arg0, %c0_i32 : i32, i32
  }
  func.func @transform_1(%arg0: i32) -> (i32, i32) {
    %c0_i32 = arith.constant 0 : i32
    %c0_i32_0 = arith.constant 0 : i32
    return %arg0, %c0_i32 : i32, i32
  }
  func.func @transform_2(%arg0: i32) -> (i32, i32) {
    %c0_i32 = arith.constant 0 : i32
    %c0_i32_0 = arith.constant 0 : i32
    return %arg0, %c0_i32 : i32, i32
  }
  func.func @transform_3(%arg0: i32) -> (i32, i32) {
    %c0_i32 = arith.constant 0 : i32
    %c0_i32_0 = arith.constant 0 : i32
    return %arg0, %c0_i32 : i32, i32
  }
  func.func @transform_4(%arg0: i32) -> (i32, i32) {
    %c0_i32 = arith.constant 0 : i32
    %c0_i32_0 = arith.constant 0 : i32
    %c0_i32_1 = arith.constant 0 : i32
    return %c0_i32, %c0_i32_0 : i32, i32
  }
  func.func @transform_5(%arg0: i32) -> (i32, i32) {
    %c0_i32 = arith.constant 0 : i32
    %c0_i32_0 = arith.constant 0 : i32
    %c0_i32_1 = arith.constant 0 : i32
    return %c0_i32, %c0_i32_0 : i32, i32
  }
  func.func @transform_6(%arg0: i32) -> (i32, i32) {
    %c0_i32 = arith.constant 0 : i32
    %c0_i32_0 = arith.constant 0 : i32
    %c0_i32_1 = arith.constant 0 : i32
    return %c0_i32, %c0_i32_0 : i32, i32
  }
  func.func @transform_7(%arg0: i32) -> (i32, i32) {
    %c0_i32 = arith.constant 0 : i32
    %c0_i32_0 = arith.constant 0 : i32
    return %arg0, %c0_i32 : i32, i32
  }
  func.func @transform_8(%arg0: i32) -> (i32, i32) {
    %c0_i32 = arith.constant 0 : i32
    %c0_i32_0 = arith.constant 0 : i32
    return %arg0, %c0_i32 : i32, i32
  }
}

module attributes {stable_mosaic.version = 14 : i64} {
  func.func @body(%arg0: i32, %arg1: memref<256x128xf32, #tpu.memory_space<vmem>>, %arg2: memref<256x128xf32, #tpu.memory_space<vmem>>, %arg3: memref<256x128xf32, #tpu.memory_space<vmem>>, %arg4: memref<256x128xf32, #tpu.memory_space<vmem>>, %arg5: memref<256x128xf32, #tpu.memory_space<vmem>>, %arg6: memref<256x128xf32, #tpu.memory_space<vmem>>, %arg7: memref<256x256xf32, #tpu.memory_space<vmem>>, %arg8: memref<256x256xf32, #tpu.memory_space<vmem>>, %arg9: memref<1x256xf32, #tpu.memory_space<vmem>>, %arg10: memref<1x256xf32, #tpu.memory_space<vmem>>, %arg11: memref<256x128xf32, #tpu.memory_space<vmem>>, %arg12: memref<256x128xf32, #tpu.memory_space<vmem>>, %arg13: memref<256x128xf32, #tpu.memory_space<vmem>>, %arg14: memref<256x128xf32, #tpu.memory_space<vmem>>, %arg15: memref<2x256x128xf32, #tpu.memory_space<vmem>>, %arg16: memref<256x128xf32, #tpu.memory_space<vmem>>) attributes {dimension_semantics = [#tpu.dimension_semantics<arbitrary>], iteration_bounds = array<i64: 20>, scalar_prefetch = 0 : i64, scratch_operands = 0 : i64, tpu.core_type = #tpu.core_type<tc>, window_params = [{transform_indices = @transform_0, window_bounds = array<i64: 256, 128>}, {transform_indices = @transform_1, window_bounds = array<i64: 256, 128>}, {transform_indices = @transform_2, window_bounds = array<i64: 256, 128>}, {transform_indices = @transform_3, window_bounds = array<i64: 256, 128>}, {transform_indices = @transform_4, window_bounds = array<i64: 256, 128>}, {transform_indices = @transform_5, window_bounds = array<i64: 256, 128>}, {transform_indices = @transform_6, window_bounds = array<i64: 256, 256>}, {transform_indices = @transform_7, window_bounds = array<i64: 256, 256>}, {pipeline_mode = #tpu.pipeline_mode<synchronous>, transform_indices = @transform_8, window_bounds = array<i64: 1, 256>}, {pipeline_mode = #tpu.pipeline_mode<synchronous>, transform_indices = @transform_9, window_bounds = array<i64: 1, 256>}, {pipeline_mode = #tpu.pipeline_mode<synchronous>, transform_indices = @transform_10, window_bounds = array<i64: 256, 128>}, {pipeline_mode = #tpu.pipeline_mode<synchronous>, transform_indices = @transform_11, window_bounds = array<i64: 256, 128>}, {pipeline_mode = #tpu.pipeline_mode<synchronous>, transform_indices = @transform_12, window_bounds = array<i64: 256, 128>}, {pipeline_mode = #tpu.pipeline_mode<synchronous>, transform_indices = @transform_13, window_bounds = array<i64: 256, 128>}, {transform_indices = @transform_14, window_bounds = array<i64: 2, 256, 128>}, {transform_indices = @transform_15, window_bounds = array<i64: 256, 128>}]} {
    %get3A = arith.constant 0 : index
    %get3A_0 = arith.constant 0 : index
    %get3A_1 = vector.load %arg3[%get3A, %get3A_0] : memref<256x128xf32, #tpu.memory_space<vmem>>, vector<256x1xf32>
    %max3A = arith.constant 1.000000e+00 : f32
    %max3A_2 = vector.broadcast %max3A : f32 to vector<256x1xf32>
    %max3A_3 = arith.maximumf %get3A_1, %max3A_2 : vector<256x1xf32>
    %get3A_4 = arith.constant 0 : index
    %get3A_5 = arith.constant 0 : index
    %get3A_6 = vector.load %arg6[%get3A_4, %get3A_5] : memref<256x128xf32, #tpu.memory_space<vmem>>, vector<256x1xf32>
    %max3A_7 = arith.constant 1.000000e+00 : f32
    %max3A_8 = vector.broadcast %max3A_7 : f32 to vector<256x1xf32>
    %max3A_9 = arith.maximumf %get3A_6, %max3A_8 : vector<256x1xf32>
    %get3A_10 = arith.constant 0 : index
    %get3A_11 = arith.constant 0 : index
    %get3A_12 = vector.load %arg1[%get3A_10, %get3A_11] : memref<256x128xf32, #tpu.memory_space<vmem>>, vector<256x128xf32>
    %get3A_13 = arith.constant 0 : index
    %get3A_14 = arith.constant 0 : index
    %get3A_15 = vector.load %arg2[%get3A_13, %get3A_14] : memref<256x128xf32, #tpu.memory_space<vmem>>, vector<256x128xf32>
    %concatenate3A = tpu.concatenate %get3A_12, %get3A_15 in 1 : vector<256x128xf32>, vector<256x128xf32> -> vector<256x256xf32>
    %get3A_16 = arith.constant 0 : index
    %get3A_17 = arith.constant 0 : index
    %get3A_18 = vector.load %arg4[%get3A_16, %get3A_17] : memref<256x128xf32, #tpu.memory_space<vmem>>, vector<256x128xf32>
    %get3A_19 = arith.constant 0 : index
    %get3A_20 = arith.constant 0 : index
    %get3A_21 = vector.load %arg5[%get3A_19, %get3A_20] : memref<256x128xf32, #tpu.memory_space<vmem>>, vector<256x128xf32>
    %concatenate3A_22 = tpu.concatenate %get3A_18, %get3A_21 in 1 : vector<256x128xf32>, vector<256x128xf32> -> vector<256x256xf32>
    %div3A = vector.broadcast %max3A_3 : vector<256x1xf32> to vector<256x256xf32>
    %div3A_23 = arith.divf %concatenate3A, %div3A : vector<256x256xf32>
    %get3A_24 = arith.constant 0 : index
    %get3A_25 = arith.constant 0 : index
    %get3A_26 = vector.load %arg9[%get3A_24, %get3A_25] : memref<1x256xf32, #tpu.memory_space<vmem>>, vector<1x256xf32>
    %add3A = vector.broadcast %get3A_26 : vector<1x256xf32> to vector<256x256xf32>
    %add3A_27 = arith.addf %div3A_23, %add3A : vector<256x256xf32>
    %get3A_28 = arith.constant 0 : index
    %get3A_29 = arith.constant 0 : index
    %get3A_30 = vector.load %arg7[%get3A_28, %get3A_29] : memref<256x256xf32, #tpu.memory_space<vmem>>, vector<256x256xf32>
    %add3A_31 = arith.addf %add3A_27, %get3A_30 : vector<256x256xf32>
    %div3A_32 = vector.broadcast %max3A_9 : vector<256x1xf32> to vector<256x256xf32>
    %div3A_33 = arith.divf %concatenate3A_22, %div3A_32 : vector<256x256xf32>
    %add3A_34 = arith.addf %add3A_31, %div3A_33 : vector<256x256xf32>
    %get3A_35 = arith.constant 0 : index
    %get3A_36 = arith.constant 0 : index
    %get3A_37 = vector.load %arg10[%get3A_35, %get3A_36] : memref<1x256xf32, #tpu.memory_space<vmem>>, vector<1x256xf32>
    %add3A_38 = vector.broadcast %get3A_37 : vector<1x256xf32> to vector<256x256xf32>
    %add3A_39 = arith.addf %add3A_34, %add3A_38 : vector<256x256xf32>
    %get3A_40 = arith.constant 0 : index
    %get3A_41 = arith.constant 0 : index
    %get3A_42 = vector.load %arg8[%get3A_40, %get3A_41] : memref<256x256xf32, #tpu.memory_space<vmem>>, vector<256x256xf32>
    %add3A_43 = arith.addf %add3A_39, %get3A_42 : vector<256x256xf32>
    %mul3A = arith.constant 5.000000e-01 : f32
    %mul3A_44 = vector.broadcast %mul3A : f32 to vector<256x256xf32>
    %mul3A_45 = arith.mulf %add3A_43, %mul3A_44 : vector<256x256xf32>
    %max3A_46 = arith.constant 0.000000e+00 : f32
    %max3A_47 = vector.broadcast %max3A_46 : f32 to vector<256x256xf32>
    %max3A_48 = arith.maximumf %mul3A_45, %max3A_47 : vector<256x256xf32>
    %get3A_49 = arith.constant 0 : index
    %get3A_50 = arith.constant 0 : index
    %get3A_51 = vector.load %arg11[%get3A_49, %get3A_50] : memref<256x128xf32, #tpu.memory_space<vmem>>, vector<256x128xf32>
    %dot_general3A = arith.constant dense<0.000000e+00> : vector<256x128xf32>
    %dot_general3A_52 = tpu.matmul %max3A_48, %get3A_51, %dot_general3A {dimension_numbers = #tpu.dot_dimension_numbers<[1], [0], [0], [1], [0, 0, 1, 1], [], []>, transpose_lhs_hint = false} : vector<256x256xf32>, vector<256x128xf32>, vector<256x128xf32> -> vector<256x128xf32>
    %swap3A = arith.constant 0 : index
    %swap3A_53 = arith.constant 0 : index
    %swap3A_54 = arith.constant 0 : index
    %swap3A_55 = vector.load %arg15[%swap3A, %swap3A_53, %swap3A_54] : memref<2x256x128xf32, #tpu.memory_space<vmem>>, vector<1x256x128xf32>
    %swap3A_56 = vector.shape_cast %swap3A_55 : vector<1x256x128xf32> to vector<256x128xf32>
    %swap3A_57 = vector.shape_cast %dot_general3A_52 : vector<256x128xf32> to vector<1x256x128xf32>
    tpu.vector_store %arg15[%swap3A, %swap3A_53, %swap3A_54], %swap3A_57 {strides = array<i32>} : memref<2x256x128xf32, #tpu.memory_space<vmem>>, vector<1x256x128xf32>,
    %get3A_58 = arith.constant 0 : index
    %get3A_59 = arith.constant 0 : index
    %get3A_60 = vector.load %arg12[%get3A_58, %get3A_59] : memref<256x128xf32, #tpu.memory_space<vmem>>, vector<256x128xf32>
    %dot_general3A_61 = arith.constant dense<0.000000e+00> : vector<256x128xf32>
    %dot_general3A_62 = tpu.matmul %max3A_48, %get3A_60, %dot_general3A_61 {dimension_numbers = #tpu.dot_dimension_numbers<[1], [0], [0], [1], [0, 0, 1, 1], [], []>, transpose_lhs_hint = false} : vector<256x256xf32>, vector<256x128xf32>, vector<256x128xf32> -> vector<256x128xf32>
    %swap3A_63 = arith.constant 1 : index
    %swap3A_64 = arith.constant 0 : index
    %swap3A_65 = arith.constant 0 : index
    %swap3A_66 = vector.load %arg15[%swap3A_63, %swap3A_64, %swap3A_65] : memref<2x256x128xf32, #tpu.memory_space<vmem>>, vector<1x256x128xf32>
    %swap3A_67 = vector.shape_cast %swap3A_66 : vector<1x256x128xf32> to vector<256x128xf32>
    %swap3A_68 = vector.shape_cast %dot_general3A_62 : vector<256x128xf32> to vector<1x256x128xf32>
    tpu.vector_store %arg15[%swap3A_63, %swap3A_64, %swap3A_65], %swap3A_68 {strides = array<i32>} : memref<2x256x128xf32, #tpu.memory_space<vmem>>, vector<1x256x128xf32>,
    %get3A_69 = arith.constant 0 : index
    %get3A_70 = arith.constant 0 : index
    %get3A_71 = vector.load %arg13[%get3A_69, %get3A_70] : memref<256x128xf32, #tpu.memory_space<vmem>>, vector<256x128xf32>
    %get3A_72 = arith.constant 0 : index
    %get3A_73 = arith.constant 0 : index
    %get3A_74 = vector.load %arg14[%get3A_72, %get3A_73] : memref<256x128xf32, #tpu.memory_space<vmem>>, vector<256x128xf32>
    %add3A_75 = arith.addf %get3A_71, %get3A_74 : vector<256x128xf32>
    %dot_general3A_76 = arith.constant dense<0.000000e+00> : vector<256x128xf32>
    %dot_general3A_77 = tpu.matmul %max3A_48, %add3A_75, %dot_general3A_76 {dimension_numbers = #tpu.dot_dimension_numbers<[1], [0], [0], [1], [0, 0, 1, 1], [], []>, transpose_lhs_hint = false} : vector<256x256xf32>, vector<256x128xf32>, vector<256x128xf32> -> vector<256x128xf32>
    %swap3A_78 = arith.constant 0 : index
    %swap3A_79 = arith.constant 0 : index
    %swap3A_80 = vector.load %arg16[%swap3A_78, %swap3A_79] : memref<256x128xf32, #tpu.memory_space<vmem>>, vector<256x128xf32>
    tpu.vector_store %arg16[%swap3A_78, %swap3A_79], %dot_general3A_77 {strides = array<i32>} : memref<256x128xf32, #tpu.memory_space<vmem>>, vector<256x128xf32>,
    return
  }
  func.func @transform_0(%arg0: i32) -> (i32, i32) {
    %c0_i32 = arith.constant 0 : i32
    %c0_i32_0 = arith.constant 0 : i32
    return %arg0, %c0_i32 : i32, i32
  }
  func.func @transform_1(%arg0: i32) -> (i32, i32) {
    %c0_i32 = arith.constant 0 : i32
    %c0_i32_0 = arith.constant 0 : i32
    return %arg0, %c0_i32 : i32, i32
  }
  func.func @transform_2(%arg0: i32) -> (i32, i32) {
    %c0_i32 = arith.constant 0 : i32
    %c0_i32_0 = arith.constant 0 : i32
    return %arg0, %c0_i32 : i32, i32
  }
  func.func @transform_3(%arg0: i32) -> (i32, i32) {
    %c0_i32 = arith.constant 0 : i32
    %c0_i32_0 = arith.constant 0 : i32
    return %arg0, %c0_i32 : i32, i32
  }
  func.func @transform_4(%arg0: i32) -> (i32, i32) {
    %c0_i32 = arith.constant 0 : i32
    %c0_i32_0 = arith.constant 0 : i32
    return %arg0, %c0_i32 : i32, i32
  }
  func.func @transform_5(%arg0: i32) -> (i32, i32) {
    %c0_i32 = arith.constant 0 : i32
    %c0_i32_0 = arith.constant 0 : i32
    return %arg0, %c0_i32 : i32, i32
  }
  func.func @transform_6(%arg0: i32) -> (i32, i32) {
    %c0_i32 = arith.constant 0 : i32
    %c0_i32_0 = arith.constant 0 : i32
    return %arg0, %c0_i32 : i32, i32
  }
  func.func @transform_7(%arg0: i32) -> (i32, i32) {
    %c0_i32 = arith.constant 0 : i32
    %c0_i32_0 = arith.constant 0 : i32
    return %arg0, %c0_i32 : i32, i32
  }
  func.func @transform_8(%arg0: i32) -> (i32, i32) {
    %c0_i32 = arith.constant 0 : i32
    %c0_i32_0 = arith.constant 0 : i32
    %c0_i32_1 = arith.constant 0 : i32
    return %c0_i32, %c0_i32_0 : i32, i32
  }
  func.func @transform_9(%arg0: i32) -> (i32, i32) {
    %c0_i32 = arith.constant 0 : i32
    %c0_i32_0 = arith.constant 0 : i32
    %c0_i32_1 = arith.constant 0 : i32
    return %c0_i32, %c0_i32_0 : i32, i32
  }
  func.func @transform_10(%arg0: i32) -> (i32, i32) {
    %c0_i32 = arith.constant 0 : i32
    %c0_i32_0 = arith.constant 0 : i32
    %c0_i32_1 = arith.constant 0 : i32
    return %c0_i32, %c0_i32_0 : i32, i32
  }
  func.func @transform_11(%arg0: i32) -> (i32, i32) {
    %c0_i32 = arith.constant 0 : i32
    %c0_i32_0 = arith.constant 0 : i32
    %c0_i32_1 = arith.constant 0 : i32
    return %c0_i32, %c0_i32_0 : i32, i32
  }
  func.func @transform_12(%arg0: i32) -> (i32, i32) {
    %c0_i32 = arith.constant 0 : i32
    %c0_i32_0 = arith.constant 0 : i32
    %c0_i32_1 = arith.constant 0 : i32
    return %c0_i32, %c0_i32_0 : i32, i32
  }
  func.func @transform_13(%arg0: i32) -> (i32, i32) {
    %c0_i32 = arith.constant 0 : i32
    %c0_i32_0 = arith.constant 0 : i32
    %c0_i32_1 = arith.constant 0 : i32
    return %c0_i32, %c0_i32_0 : i32, i32
  }
  func.func @transform_14(%arg0: i32) -> (i32, i32, i32) {
    %c0_i32 = arith.constant 0 : i32
    %c0_i32_0 = arith.constant 0 : i32
    %c0_i32_1 = arith.constant 0 : i32
    return %c0_i32, %arg0, %c0_i32_0 : i32, i32, i32
  }
  func.func @transform_15(%arg0: i32) -> (i32, i32) {
    %c0_i32 = arith.constant 0 : i32
    %c0_i32_0 = arith.constant 0 : i32
    return %arg0, %c0_i32 : i32, i32
  }
}

module attributes {stable_mosaic.version = 14 : i64} {
  func.func @body(%arg0: i32, %arg1: memref<128x128xf32, #tpu.memory_space<vmem>>, %arg2: memref<128x128xf32, #tpu.memory_space<vmem>>, %arg3: memref<128x128xf32, #tpu.memory_space<vmem>>, %arg4: memref<1x128xf32, #tpu.memory_space<vmem>>, %arg5: memref<128x128xf32, #tpu.memory_space<vmem>>) attributes {dimension_semantics = [#tpu.dimension_semantics<arbitrary>], iteration_bounds = array<i64: 1>, scalar_prefetch = 0 : i64, scratch_operands = 0 : i64, tpu.core_type = #tpu.core_type<tc>, window_params = [{transform_indices = @transform_0, window_bounds = array<i64: 128, 128>}, {transform_indices = @transform_1, window_bounds = array<i64: 128, 128>}, {transform_indices = @transform_2, window_bounds = array<i64: 128, 128>}, {pipeline_mode = #tpu.pipeline_mode<synchronous>, transform_indices = @transform_3, window_bounds = array<i64: 1, 128>}, {transform_indices = @transform_4, window_bounds = array<i64: 128, 128>}]} {
    %get3A = arith.constant 0 : index
    %get3A_0 = arith.constant 0 : index
    %get3A_1 = vector.load %arg2[%get3A, %get3A_0] : memref<128x128xf32, #tpu.memory_space<vmem>>, vector<128x1xf32>
    %max3A = arith.constant 1.000000e+00 : f32
    %max3A_2 = vector.broadcast %max3A : f32 to vector<128x1xf32>
    %max3A_3 = arith.maximumf %get3A_1, %max3A_2 : vector<128x1xf32>
    %get3A_4 = arith.constant 0 : index
    %get3A_5 = arith.constant 0 : index
    %get3A_6 = vector.load %arg1[%get3A_4, %get3A_5] : memref<128x128xf32, #tpu.memory_space<vmem>>, vector<128x128xf32>
    %div3A = vector.broadcast %max3A_3 : vector<128x1xf32> to vector<128x128xf32>
    %div3A_7 = arith.divf %get3A_6, %div3A : vector<128x128xf32>
    %get3A_8 = arith.constant 0 : index
    %get3A_9 = arith.constant 0 : index
    %get3A_10 = vector.load %arg4[%get3A_8, %get3A_9] : memref<1x128xf32, #tpu.memory_space<vmem>>, vector<1x128xf32>
    %add3A = vector.broadcast %get3A_10 : vector<1x128xf32> to vector<128x128xf32>
    %add3A_11 = arith.addf %div3A_7, %add3A : vector<128x128xf32>
    %get3A_12 = arith.constant 0 : index
    %get3A_13 = arith.constant 0 : index
    %get3A_14 = vector.load %arg3[%get3A_12, %get3A_13] : memref<128x128xf32, #tpu.memory_space<vmem>>, vector<128x128xf32>
    %add3A_15 = arith.addf %add3A_11, %get3A_14 : vector<128x128xf32>
    %mul3A = arith.mulf %add3A_15, %add3A_15 : vector<128x128xf32>
    %reduce_sum3A = arith.constant dense<0.000000e+00> : vector<128xf32>
    %reduce_sum3A_16 = vector.multi_reduction <add>, %mul3A, %reduce_sum3A [1] : vector<128x128xf32> to vector<128xf32>
    %broadcast_in_dim3A = vector.shape_cast %reduce_sum3A_16 : vector<128xf32> to vector<128x1xf32>
    %sqrt3A = math.sqrt %broadcast_in_dim3A : vector<128x1xf32>
    %max3A_17 = arith.constant 9.99999996E-13 : f32
    %max3A_18 = vector.broadcast %max3A_17 : f32 to vector<128x1xf32>
    %max3A_19 = arith.maximumf %sqrt3A, %max3A_18 : vector<128x1xf32>
    %div3A_20 = vector.broadcast %max3A_19 : vector<128x1xf32> to vector<128x128xf32>
    %div3A_21 = arith.divf %add3A_15, %div3A_20 : vector<128x128xf32>
    %swap3A = arith.constant 0 : index
    %swap3A_22 = arith.constant 0 : index
    %swap3A_23 = vector.load %arg5[%swap3A, %swap3A_22] : memref<128x128xf32, #tpu.memory_space<vmem>>, vector<128x128xf32>
    tpu.vector_store %arg5[%swap3A, %swap3A_22], %div3A_21 {strides = array<i32>} : memref<128x128xf32, #tpu.memory_space<vmem>>, vector<128x128xf32>,
    return
  }
  func.func @transform_0(%arg0: i32) -> (i32, i32) {
    %c0_i32 = arith.constant 0 : i32
    %c0_i32_0 = arith.constant 0 : i32
    return %arg0, %c0_i32 : i32, i32
  }
  func.func @transform_1(%arg0: i32) -> (i32, i32) {
    %c0_i32 = arith.constant 0 : i32
    %c0_i32_0 = arith.constant 0 : i32
    return %arg0, %c0_i32 : i32, i32
  }
  func.func @transform_2(%arg0: i32) -> (i32, i32) {
    %c0_i32 = arith.constant 0 : i32
    %c0_i32_0 = arith.constant 0 : i32
    return %arg0, %c0_i32 : i32, i32
  }
  func.func @transform_3(%arg0: i32) -> (i32, i32) {
    %c0_i32 = arith.constant 0 : i32
    %c0_i32_0 = arith.constant 0 : i32
    %c0_i32_1 = arith.constant 0 : i32
    return %c0_i32, %c0_i32_0 : i32, i32
  }
  func.func @transform_4(%arg0: i32) -> (i32, i32) {
    %c0_i32 = arith.constant 0 : i32
    %c0_i32_0 = arith.constant 0 : i32
    return %arg0, %c0_i32 : i32, i32
  }
}

module attributes {stable_mosaic.version = 14 : i64} {
  func.func @body(%arg0: i32, %arg1: memref<256x128xf32, #tpu.memory_space<vmem>>, %arg2: memref<256x128xf32, #tpu.memory_space<vmem>>, %arg3: memref<256x128xf32, #tpu.memory_space<vmem>>, %arg4: memref<1x128xf32, #tpu.memory_space<vmem>>, %arg5: memref<256x128xf32, #tpu.memory_space<vmem>>) attributes {dimension_semantics = [#tpu.dimension_semantics<arbitrary>], iteration_bounds = array<i64: 10>, scalar_prefetch = 0 : i64, scratch_operands = 0 : i64, tpu.core_type = #tpu.core_type<tc>, window_params = [{transform_indices = @transform_0, window_bounds = array<i64: 256, 128>}, {transform_indices = @transform_1, window_bounds = array<i64: 256, 128>}, {transform_indices = @transform_2, window_bounds = array<i64: 256, 128>}, {pipeline_mode = #tpu.pipeline_mode<synchronous>, transform_indices = @transform_3, window_bounds = array<i64: 1, 128>}, {transform_indices = @transform_4, window_bounds = array<i64: 256, 128>}]} {
    %get3A = arith.constant 0 : index
    %get3A_0 = arith.constant 0 : index
    %get3A_1 = vector.load %arg2[%get3A, %get3A_0] : memref<256x128xf32, #tpu.memory_space<vmem>>, vector<256x1xf32>
    %max3A = arith.constant 1.000000e+00 : f32
    %max3A_2 = vector.broadcast %max3A : f32 to vector<256x1xf32>
    %max3A_3 = arith.maximumf %get3A_1, %max3A_2 : vector<256x1xf32>
    %get3A_4 = arith.constant 0 : index
    %get3A_5 = arith.constant 0 : index
    %get3A_6 = vector.load %arg1[%get3A_4, %get3A_5] : memref<256x128xf32, #tpu.memory_space<vmem>>, vector<256x128xf32>
    %div3A = vector.broadcast %max3A_3 : vector<256x1xf32> to vector<256x128xf32>
    %div3A_7 = arith.divf %get3A_6, %div3A : vector<256x128xf32>
    %get3A_8 = arith.constant 0 : index
    %get3A_9 = arith.constant 0 : index
    %get3A_10 = vector.load %arg4[%get3A_8, %get3A_9] : memref<1x128xf32, #tpu.memory_space<vmem>>, vector<1x128xf32>
    %add3A = vector.broadcast %get3A_10 : vector<1x128xf32> to vector<256x128xf32>
    %add3A_11 = arith.addf %div3A_7, %add3A : vector<256x128xf32>
    %get3A_12 = arith.constant 0 : index
    %get3A_13 = arith.constant 0 : index
    %get3A_14 = vector.load %arg3[%get3A_12, %get3A_13] : memref<256x128xf32, #tpu.memory_space<vmem>>, vector<256x128xf32>
    %add3A_15 = arith.addf %add3A_11, %get3A_14 : vector<256x128xf32>
    %mul3A = arith.mulf %add3A_15, %add3A_15 : vector<256x128xf32>
    %reduce_sum3A = arith.constant dense<0.000000e+00> : vector<256xf32>
    %reduce_sum3A_16 = vector.multi_reduction <add>, %mul3A, %reduce_sum3A [1] : vector<256x128xf32> to vector<256xf32>
    %broadcast_in_dim3A = vector.shape_cast %reduce_sum3A_16 : vector<256xf32> to vector<256x1xf32>
    %sqrt3A = math.sqrt %broadcast_in_dim3A : vector<256x1xf32>
    %max3A_17 = arith.constant 9.99999996E-13 : f32
    %max3A_18 = vector.broadcast %max3A_17 : f32 to vector<256x1xf32>
    %max3A_19 = arith.maximumf %sqrt3A, %max3A_18 : vector<256x1xf32>
    %div3A_20 = vector.broadcast %max3A_19 : vector<256x1xf32> to vector<256x128xf32>
    %div3A_21 = arith.divf %add3A_15, %div3A_20 : vector<256x128xf32>
    %swap3A = arith.constant 0 : index
    %swap3A_22 = arith.constant 0 : index
    %swap3A_23 = vector.load %arg5[%swap3A, %swap3A_22] : memref<256x128xf32, #tpu.memory_space<vmem>>, vector<256x128xf32>
    tpu.vector_store %arg5[%swap3A, %swap3A_22], %div3A_21 {strides = array<i32>} : memref<256x128xf32, #tpu.memory_space<vmem>>, vector<256x128xf32>,
    return
  }
  func.func @transform_0(%arg0: i32) -> (i32, i32) {
    %c0_i32 = arith.constant 0 : i32
    %c0_i32_0 = arith.constant 0 : i32
    return %arg0, %c0_i32 : i32, i32
  }
  func.func @transform_1(%arg0: i32) -> (i32, i32) {
    %c0_i32 = arith.constant 0 : i32
    %c0_i32_0 = arith.constant 0 : i32
    return %arg0, %c0_i32 : i32, i32
  }
  func.func @transform_2(%arg0: i32) -> (i32, i32) {
    %c0_i32 = arith.constant 0 : i32
    %c0_i32_0 = arith.constant 0 : i32
    return %arg0, %c0_i32 : i32, i32
  }
  func.func @transform_3(%arg0: i32) -> (i32, i32) {
    %c0_i32 = arith.constant 0 : i32
    %c0_i32_0 = arith.constant 0 : i32
    %c0_i32_1 = arith.constant 0 : i32
    return %c0_i32, %c0_i32_0 : i32, i32
  }
  func.func @transform_4(%arg0: i32) -> (i32, i32) {
    %c0_i32 = arith.constant 0 : i32
    %c0_i32_0 = arith.constant 0 : i32
    return %arg0, %c0_i32 : i32, i32
  }
}

module attributes {stable_mosaic.version = 14 : i64} {
  func.func @body(%arg0: i32, %arg1: memref<256x128xf32, #tpu.memory_space<vmem>>, %arg2: memref<256x128xf32, #tpu.memory_space<vmem>>, %arg3: memref<256x128xf32, #tpu.memory_space<vmem>>, %arg4: memref<256x128xf32, #tpu.memory_space<vmem>>, %arg5: memref<256x128xf32, #tpu.memory_space<vmem>>, %arg6: memref<1x128xf32, #tpu.memory_space<vmem>>, %arg7: memref<1x128xf32, #tpu.memory_space<vmem>>, %arg8: memref<256x128xf32, #tpu.memory_space<vmem>>) attributes {dimension_semantics = [#tpu.dimension_semantics<arbitrary>], iteration_bounds = array<i64: 20>, scalar_prefetch = 0 : i64, scratch_operands = 0 : i64, tpu.core_type = #tpu.core_type<tc>, window_params = [{transform_indices = @transform_0, window_bounds = array<i64: 256, 128>}, {transform_indices = @transform_1, window_bounds = array<i64: 256, 128>}, {transform_indices = @transform_2, window_bounds = array<i64: 256, 128>}, {transform_indices = @transform_3, window_bounds = array<i64: 256, 128>}, {transform_indices = @transform_4, window_bounds = array<i64: 256, 128>}, {pipeline_mode = #tpu.pipeline_mode<synchronous>, transform_indices = @transform_5, window_bounds = array<i64: 1, 128>}, {pipeline_mode = #tpu.pipeline_mode<synchronous>, transform_indices = @transform_6, window_bounds = array<i64: 1, 128>}, {transform_indices = @transform_7, window_bounds = array<i64: 256, 128>}]} {
    %get3A = arith.constant 0 : index
    %get3A_0 = arith.constant 0 : index
    %get3A_1 = vector.load %arg2[%get3A, %get3A_0] : memref<256x128xf32, #tpu.memory_space<vmem>>, vector<256x1xf32>
    %max3A = arith.constant 1.000000e+00 : f32
    %max3A_2 = vector.broadcast %max3A : f32 to vector<256x1xf32>
    %max3A_3 = arith.maximumf %get3A_1, %max3A_2 : vector<256x1xf32>
    %get3A_4 = arith.constant 0 : index
    %get3A_5 = arith.constant 0 : index
    %get3A_6 = vector.load %arg4[%get3A_4, %get3A_5] : memref<256x128xf32, #tpu.memory_space<vmem>>, vector<256x1xf32>
    %max3A_7 = arith.constant 1.000000e+00 : f32
    %max3A_8 = vector.broadcast %max3A_7 : f32 to vector<256x1xf32>
    %max3A_9 = arith.maximumf %get3A_6, %max3A_8 : vector<256x1xf32>
    %get3A_10 = arith.constant 0 : index
    %get3A_11 = arith.constant 0 : index
    %get3A_12 = vector.load %arg1[%get3A_10, %get3A_11] : memref<256x128xf32, #tpu.memory_space<vmem>>, vector<256x128xf32>
    %div3A = vector.broadcast %max3A_3 : vector<256x1xf32> to vector<256x128xf32>
    %div3A_13 = arith.divf %get3A_12, %div3A : vector<256x128xf32>
    %get3A_14 = arith.constant 0 : index
    %get3A_15 = arith.constant 0 : index
    %get3A_16 = vector.load %arg3[%get3A_14, %get3A_15] : memref<256x128xf32, #tpu.memory_space<vmem>>, vector<256x128xf32>
    %div3A_17 = vector.broadcast %max3A_9 : vector<256x1xf32> to vector<256x128xf32>
    %div3A_18 = arith.divf %get3A_16, %div3A_17 : vector<256x128xf32>
    %add3A = arith.addf %div3A_13, %div3A_18 : vector<256x128xf32>
    %get3A_19 = arith.constant 0 : index
    %get3A_20 = arith.constant 0 : index
    %get3A_21 = vector.load %arg6[%get3A_19, %get3A_20] : memref<1x128xf32, #tpu.memory_space<vmem>>, vector<1x128xf32>
    %add3A_22 = vector.broadcast %get3A_21 : vector<1x128xf32> to vector<256x128xf32>
    %add3A_23 = arith.addf %add3A, %add3A_22 : vector<256x128xf32>
    %get3A_24 = arith.constant 0 : index
    %get3A_25 = arith.constant 0 : index
    %get3A_26 = vector.load %arg7[%get3A_24, %get3A_25] : memref<1x128xf32, #tpu.memory_space<vmem>>, vector<1x128xf32>
    %add3A_27 = vector.broadcast %get3A_26 : vector<1x128xf32> to vector<256x128xf32>
    %add3A_28 = arith.addf %add3A_23, %add3A_27 : vector<256x128xf32>
    %get3A_29 = arith.constant 0 : index
    %get3A_30 = arith.constant 0 : index
    %get3A_31 = vector.load %arg5[%get3A_29, %get3A_30] : memref<256x128xf32, #tpu.memory_space<vmem>>, vector<256x128xf32>
    %add3A_32 = arith.addf %add3A_28, %get3A_31 : vector<256x128xf32>
    %mul3A = arith.constant 5.000000e-01 : f32
    %mul3A_33 = vector.broadcast %mul3A : f32 to vector<256x128xf32>
    %mul3A_34 = arith.mulf %add3A_32, %mul3A_33 : vector<256x128xf32>
    %mul3A_35 = arith.mulf %mul3A_34, %mul3A_34 : vector<256x128xf32>
    %reduce_sum3A = arith.constant dense<0.000000e+00> : vector<256xf32>
    %reduce_sum3A_36 = vector.multi_reduction <add>, %mul3A_35, %reduce_sum3A [1] : vector<256x128xf32> to vector<256xf32>
    %broadcast_in_dim3A = vector.shape_cast %reduce_sum3A_36 : vector<256xf32> to vector<256x1xf32>
    %sqrt3A = math.sqrt %broadcast_in_dim3A : vector<256x1xf32>
    %max3A_37 = arith.constant 9.99999996E-13 : f32
    %max3A_38 = vector.broadcast %max3A_37 : f32 to vector<256x1xf32>
    %max3A_39 = arith.maximumf %sqrt3A, %max3A_38 : vector<256x1xf32>
    %div3A_40 = vector.broadcast %max3A_39 : vector<256x1xf32> to vector<256x128xf32>
    %div3A_41 = arith.divf %mul3A_34, %div3A_40 : vector<256x128xf32>
    %swap3A = arith.constant 0 : index
    %swap3A_42 = arith.constant 0 : index
    %swap3A_43 = vector.load %arg8[%swap3A, %swap3A_42] : memref<256x128xf32, #tpu.memory_space<vmem>>, vector<256x128xf32>
    tpu.vector_store %arg8[%swap3A, %swap3A_42], %div3A_41 {strides = array<i32>} : memref<256x128xf32, #tpu.memory_space<vmem>>, vector<256x128xf32>,
    return
  }
  func.func @transform_0(%arg0: i32) -> (i32, i32) {
    %c0_i32 = arith.constant 0 : i32
    %c0_i32_0 = arith.constant 0 : i32
    return %arg0, %c0_i32 : i32, i32
  }
  func.func @transform_1(%arg0: i32) -> (i32, i32) {
    %c0_i32 = arith.constant 0 : i32
    %c0_i32_0 = arith.constant 0 : i32
    return %arg0, %c0_i32 : i32, i32
  }
  func.func @transform_2(%arg0: i32) -> (i32, i32) {
    %c0_i32 = arith.constant 0 : i32
    %c0_i32_0 = arith.constant 0 : i32
    return %arg0, %c0_i32 : i32, i32
  }
  func.func @transform_3(%arg0: i32) -> (i32, i32) {
    %c0_i32 = arith.constant 0 : i32
    %c0_i32_0 = arith.constant 0 : i32
    return %arg0, %c0_i32 : i32, i32
  }
  func.func @transform_4(%arg0: i32) -> (i32, i32) {
    %c0_i32 = arith.constant 0 : i32
    %c0_i32_0 = arith.constant 0 : i32
    return %arg0, %c0_i32 : i32, i32
  }
  func.func @transform_5(%arg0: i32) -> (i32, i32) {
    %c0_i32 = arith.constant 0 : i32
    %c0_i32_0 = arith.constant 0 : i32
    %c0_i32_1 = arith.constant 0 : i32
    return %c0_i32, %c0_i32_0 : i32, i32
  }
  func.func @transform_6(%arg0: i32) -> (i32, i32) {
    %c0_i32 = arith.constant 0 : i32
    %c0_i32_0 = arith.constant 0 : i32
    %c0_i32_1 = arith.constant 0 : i32
    return %c0_i32, %c0_i32_0 : i32, i32
  }
  func.func @transform_7(%arg0: i32) -> (i32, i32) {
    %c0_i32 = arith.constant 0 : i32
    %c0_i32_0 = arith.constant 0 : i32
    return %arg0, %c0_i32 : i32, i32
  }
}

</mosaic_0001>

<sc_bundles>
// kernel: kernel.10.cloned.1.call-start
scs
__scs_entry_jumppad:
0x0: {  	(pc) =	sbr.rel $0x88, $3  }
0x1: {  	(tag) =	ssettag $0x0;
	lr =	simm.s32 $0x1  }
0x2: {  	[smem:$0x3F81] =	sst lr;
	_ =	strace $0xD0000000  }
0x3: {  	_ = 	snop  }
0x4: {  	_ = 	snop  }
0x5: {  	_ = 	snop  }
0x6: {  	_ = 	snop  }
0x7: {  	_ = 	snop  }
__scs_overlays_trampoline_lowered:
0x8: {  	[smem:$0x3F90] =	sst s0  }
0x9: {  	[smem:$0x3F91] =	sst s1  }
0xa: {  	[smem:$0x3F92] =	sst s2  }
0xb: {  	[smem:$0x3F93] =	sst s3  }
0xc: {  	[smem:$0x3F94] =	sst s4  }
0xd: {  	[smem:$0x3F95] =	sst s5  }
0xe: {  	[smem:$0x3F96] =	sst s6  }
0xf: {  	[smem:$0x3F97] =	sst s7  }
0x10: {  	[smem:$0x3F98] =	sst s8  }
0x11: {  	[smem:$0x3F99] =	sst s9;
	s0 =	simm.s32 @!p0 $0x0  }
0x12: {  	s1 =	sld [smem:$0x3F7F];
	s0 =	simm.s32 @p0 $0x1  }
0x13: {  	[smem:$0x3F9A] =	sst s0;
	s0 =	simm.s32 @!p1 $0x0  }
0x14: {  	s2 =	sld [smem:$0x3F7E];
	s0 =	simm.s32 @p1 $0x1  }
0x15: {  	[smem:$0x3F9B] =	sst s0;
	s0 =	simm.s32 @!p2 $0x0  }
0x16: {  	s3 =	sld [smem:$0x3FDB];
	s0 =	simm.s32 @p2 $0x1  }
0x17: {  	s4 =	simm.s32 $0x1BF5;
	[smem:$0x3F9D] =	sst s0  }
0x18: {  	s0 =	sld [smem:$0x3F80];
	_ =	swait.ge [sflag:s4], $0x0  }
0x19: {  	s7 =	sld [smem:$0x3F81]  }
0x1a: {  	s8 =	sadd.s32 $0xFFFFE003, lr  }
0x1b: {  	s9 =	sadd.s32 $0xFFFFFEF7, lr;
	s5 =	simm.s32 $0xFFFFFFFF;
	p2 =	slt.u32 s8, $0xFFFFF086  }
0x1c: {  	p1 =	slt.u32 s9, $0xF7A;
	s5 =	simm.s32 @!p2 $0x0  }
0x1d: {  	s5 =	simm.s32 @p1 $0x1;
	p0 =	seq.s32 s7, s2  }
0x1e: {  	s7 =	smul.u32 @!p0 $0xF7A, s2;
	p2 =	seq.s32 @!p0 s5, $0x0  }
0x1f: {  	s9 =	smul.u32 $0xF7A, s1;
	s8 =	simm.s32 @!p0 $0x1BF5;
	p2 =	por !p2, p0  }
0x20: {  	[sflag:s8] =	ssyncset.s32 @!p0 $0xFFFFF086;
	s6 =	sadd.s32 @!p0 s3, s7;
	s7 =	simm.s32 @!p0 $0x108  }
0x21: {  	s3 =	sadd.s32 s3, s9;
	s6 =	sadd.s32 @!p0 $0x88, s6;
	s7 =	simm.s32 @p2 $0x1082  }
0x22: {  	[simem:s7], [sflag:s8] =	dma.local @!p0 [hbm:s6], $0xF7A  }
0x23: {  	s9 =	sor.u32 $0xD0000000, s2;
	s6 =	simm.s32 $0x108;
	_ =	swait.ge @!p0 [sflag:s8], $0x0  }
0x24: {  	s3 =	sadd.s32 $0x88, s3;
	s6 =	simm.s32 @!p1 $0x1082;
	[sflag:s4] =	ssyncset.s32 $0xFFFFF086  }
0x25: {  	[simem:s6], [sflag:s4] =	dma.local [hbm:s3], $0xF7A  }
0x26: {  	[smem:$0x3F81] =	sst s1;
	(tag) =	ssettag s2;
	_ =	strace s9  }
0x27: {  	s1 =	sld [smem:$0x3F91]  }
0x28: {  	s2 =	sld [smem:$0x3F92]  }
0x29: {  	s4 =	sld [smem:$0x3F94]  }
0x2a: {  	p0 =	seq.s32 s5, $0x0;
	s5 =	sld [smem:$0x3F95]  }
0x2b: {  	s6 =	sld [smem:$0x3F96]  }
0x2c: {  	s7 =	sld [smem:$0x3F97]  }
0x2d: {  	s3 =	simm.s32 $0x108;
	s8 =	sld [smem:$0x3F98]  }
0x2e: {  	s3 =	simm.s32 @!p0 $0x1082;
	s9 =	sld [smem:$0x3F99]  }
0x2f: {  	lr =	sadd.s32 s0, s3;
	s0 =	sld [smem:$0x3F90]  }
0x30: {  	s3 =	sld [smem:$0x3F93]  }
0x31: {  	[smem:$0x3F9C] =	sst s10  }
0x32: {  	s10 =	sld [smem:$0x3F9A];
	_ =	sdelay $0x3  }
0x33: {  	p0 =	seq.s32 s10, $0x1;
	s10 =	sld [smem:$0x3F9C];
	_ =	sdelay $0x3  }
0x34: {  	[smem:$0x3F9C] =	sst s10  }
0x35: {  	s10 =	sld [smem:$0x3F9B];
	_ =	sdelay $0x3  }
0x36: {  	p1 =	seq.s32 s10, $0x1;
	s10 =	sld [smem:$0x3F9C];
	_ =	sdelay $0x3  }
0x37: {  	[smem:$0x3F9C] =	sst s10  }
0x38: {  	s10 =	sld [smem:$0x3F9D]  }
0x39: {  	_ = 	snop;
	(pc) =	sbr.ind lr, $3  }
0x3a: {  	_ = 	snop  }
0x3b: {  	_ = 	snop  }
0x3c: {  	p2 =	seq.s32 s10, $0x1;
	s10 =	sld [smem:$0x3F9C]  }
0x3d: {  	_ =	shalt  }
0x3e: {  	_ =	shalt  }
0x3f: {  	_ =	shalt  }
0x40: {  	_ =	shalt  }
0x41: {  	_ =	shalt  }
0x42: {  	_ =	shalt  }
0x43: {  	_ =	shalt  }
0x44: {  	_ =	shalt  }
0x45: {  	_ =	shalt  }
0x46: {  	_ =	shalt  }
0x47: {  	_ =	shalt  }
0x48: {  	_ =	shalt  }
0x49: {  	_ =	shalt  }
0x4a: {  	_ =	shalt  }
0x4b: {  	_ =	shalt  }
0x4c: {  	_ =	shalt  }
0x4d: {  	_ =	shalt  }
0x4e: {  	_ =	shalt  }
0x4f: {  	_ =	shalt  }
0x50: {  	_ =	shalt  }
0x51: {  	_ =	shalt  }
0x52: {  	_ =	shalt  }
0x53: {  	_ =	shalt  }
0x54: {  	_ =	shalt  }
0x55: {  	_ =	shalt  }
0x56: {  	_ =	shalt  }
0x57: {  	_ =	shalt  }
0x58: {  	_ =	shalt  }
0x59: {  	_ =	shalt  }
0x5a: {  	_ =	shalt  }
0x5b: {  	_ =	shalt  }
0x5c: {  	_ =	shalt  }
0x5d: {  	_ =	shalt  }
0x5e: {  	_ =	shalt  }
0x5f: {  	_ =	shalt  }
0x60: {  	_ =	shalt  }
0x61: {  	_ =	shalt  }
0x62: {  	_ =	shalt  }
0x63: {  	_ =	shalt  }
0x64: {  	_ =	shalt  }
0x65: {  	_ =	shalt  }
0x66: {  	_ =	shalt  }
0x67: {  	_ =	shalt  }
0x68: {  	_ =	shalt  }
0x69: {  	_ =	shalt  }
0x6a: {  	_ =	shalt  }
0x6b: {  	_ =	shalt  }
0x6c: {  	_ =	shalt  }
0x6d: {  	_ =	shalt  }
0x6e: {  	_ =	shalt  }
0x6f: {  	_ =	shalt  }
0x70: {  	_ =	shalt  }
0x71: {  	_ =	shalt  }
0x72: {  	_ =	shalt  }
0x73: {  	_ =	shalt  }
0x74: {  	_ =	shalt  }
0x75: {  	_ =	shalt  }
0x76: {  	_ =	shalt  }
0x77: {  	_ =	shalt  }
0x78: {  	_ =	shalt  }
0x79: {  	_ =	shalt  }
0x7a: {  	_ =	shalt  }
0x7b: {  	_ =	shalt  }
0x7c: {  	_ =	shalt  }
0x7d: {  	_ =	shalt  }
0x7e: {  	_ =	shalt  }
0x7f: {  	_ =	shalt  }
0x80: {  	_ =	shalt  }
0x81: {  	_ =	shalt  }
0x82: {  	_ =	shalt  }
0x83: {  	_ =	shalt  }
0x84: {  	_ =	shalt  }
0x85: {  	_ =	shalt  }
0x86: {  	_ =	shalt  }
0x87: {  	_ =	shalt  }
.Lfunc_end0:
.L_simem_size_0:
called_computation_lowered:
.L_overlay_start_0:
0x88: {  	s2 =	sld [smem:$0x3FD9]  }
0x89: {  	s3 =	sld [smem:$0x3FFE];
	_ =	sdelay $0x1  }
0x8a: {  	s1 =	srdreg.scid  }
0x8b: {  	s0 =	sand.u32 $0x1, s1  }
0x8c: {  	s14 =	sshll.u32 s0, $0xA;
	s2 =	sadd.s32 s3, s2  }
0x8d: {  	s2 =	sadd.s32 s2, s14  }
0x8e: {  	[smem:$0x3FA8] =	sst s2  }
0x8f: {  	_ = 	snop  }
0x90: {  	s2 =	sld [smem:$0x3FD0];
	_ =	sdelay $0x2  }
0x91: {  	s15 =	simm.s32 $0xA;
	s4 =	simm.s32 $0x10  }
0x92: {  	[smem:s4], [sflag:s15] =	dma.local [hbm:s2], $0x1  }
0x93: {  	_ =	swait.eq [sflag:s15], $0x1  }
0x94: {  	[sflag:s15] =	ssyncset.done $0x0  }
0x95: {  	s16 =	sld [smem:$0x10];
	[sflag:s15] =	ssyncadd.s32 $0xFFFFFFFF  }
0x96: {  	s17 =	sld [smem:$0x12];
	(tm) =	ssettm $0x1  }
0x97: {  	s18 =	sld [smem:$0x3FFB];
	_ =	sdelay $0x3  }
0x98: {  	_ =	strace s18  }
0x99: {  	s4 =	sld [smem:$0x3FFC];
	_ =	sdelay $0x3  }
0x9a: {  	_ =	strace s4  }
0x9b: {  	s4 =	sld [smem:$0x3FFD];
	_ =	sdelay $0x3  }
0x9c: {  	_ =	strace s4  }
0x9d: {  	_ =	strace $0x8FFFFFFF  }
0x9e: {  	s19 =	sld [smem:$0x3FDB];
	_ =	sdelay $0x1  }
0x9f: {  	s5 =	simm.s32 $_scs_section_size  }
0xa0: {  	s6 =	simm.s32 $_size__tile_overlayer_lowered;
	s7 =	simm.s32 $_tile_overlayer_lowered  }
0xa1: {  	s22 =	simm.s32 $0x1BFF;
	s21 =	sshll.u32 s7, $0x1;
	s4 =	sadd.s32 s5, s19  }
0xa2: {  	s8 =	simm.s32 $0x0;
	s20 =	sshll.u32 s6, $0x1;
	s6 =	sadd.s32 s21, s4  }
0xa3: {  	[timem:s8], [sflag:s22] =	dma.local [hbm:s6], s20  }
0xa4: {  	_ =	swait.ge [sflag:s22], s20  }
0xa5: {  	s5 =	ssub.s32 $0x0, s20;
	[sflag:s22] =	ssyncset.done $0x0  }
0xa6: {  	[sflag:s22] =	ssyncadd.s32 s5;
	_ =	sdelay $0x1  }
0xa7: {  	s23 =	simm.s32 $0x1B8B  }
0xa8: {  	_ =	swait.ge [sflag:s23], $0x1  }
0xa9: {  	[sflag:s23] =	ssyncset.done $0x0  }
0xaa: {  	s25 =	simm.s32 $0x1B8E;
	s24 =	sld [smem:$0x3FFE];
	[sflag:s23] =	ssyncadd.s32 $0xFFFFFFFF  }
0xab: {  	s26 =	simm.s32 $execute0_lowered;
	[smem:$0x3FD2] =	sst s25  }
0xac: {  	s6 =	sshll.u32 s26, $0x1;
	_ =	strace $0x80000046;
	[dreg:$0x1] =	wrdreg $0xFFFFFFFF  }
0xad: {  	s28 =	simm.s32 $_size_execute0_lowered;
	s4 =	sadd.s32 s4, s6;
	[dreg:$0x0] =	wrdreg $0x0  }
0xae: {  	s6 =	sshll.u32 s28, $0x1;
	[dreg:$0x2] =	wrdreg s4  }
0xaf: {  	[dreg:$0x3] =	wrdreg s6  }
0xb0: {  	[dreg:$0x4] =	wrdreg $0xC0  }
0xb1: {  	_ =	task [dreg:s8], $0x5FFFF  }
0xb2: {  	[dreg:$0x1] =	wrdreg $0xFFFFFFFF  }
0xb3: {  	[dreg:$0x0] =	wrdreg $0x60  }
0xb4: {  	[dreg:$0x2] =	wrdreg s24  }
0xb5: {  	[dreg:$0x3] =	wrdreg s16  }
0xb6: {  	[dreg:$0x4] =	wrdreg s17  }
0xb7: {  	[dreg:$0x5] =	wrdreg $0xA5000  }
0xb8: {  	[dreg:$0x6] =	wrdreg $0x145000  }
0xb9: {  	[dreg:$0x7] =	wrdreg $0x9  }
0xba: {  	_ =	task.clear_ibuf [dreg:s8], $0x8FFFF;
	_ =	strace $0x90000046  }
0xbb: {  	s29 =	simm.s32 $0x9;
	_ =	strace $0x80000048  }
0xbc: {  	_ =	swait.ge [sflag:s29], $0x1  }
0xbd: {  	[sflag:s29] =	ssyncadd.s32 $0xFFFFFFFF  }
0xbe: {  	_ =	strace $0x90000048  }
0xbf: {  	_ =	sfence  }
0xc0: {  	s30 =	sld [smem:$0x0];
	_ =	sdelay $0x2  }
0xc1: {  	s31 =	sshll.u32 s1, $0xD;
	s1 =	sshrl.u32 s1, $0x2  }
0xc2: {  	s3 =	sand.u32 $0x4000, s31;
	s1 =	sadd.s32 s1, s30  }
0xc3: {  	s0 =	sor.u32 s3, s0;
	s1 =	sshll.u32 s1, $0x11  }
0xc4: {  	s0 =	sor.u32 s1, s0  }
0xc5: {  	s0 =	sadd.s32 $0x8F2B, s0  }
0xc6: {  	[sflag:s0] =	ssyncadd.remote.s32 $0x1  }
0xc7: {  	_ =	sfence.sel $0xFFFF  }
0xc8: {  	[dreg:$0x0] =	wrdreg $0xFFFFFFFF;
	(pc) =	sbr.abs _section_cstart, $3  }
0xc9: {  	[dreg:$0x1] =	wrdreg $0xFFFFFFFF  }
0xca: {  	_ =	task.clear_ibuf [dreg:s8], $0x2FFFF;
	_ =	strace $0x9FFFFFFF  }
0xcb: {  	(tm) =	ssettm $0x7FFFFFFF  }
tec
execute0_lowered:
.L_overlay_start_1:
0x0: {  	(tag) =	ssettag $0x1  }
0x1: {  	s10 =	rddreg [dreg:$0x0]  }
0x2: {  	s5 =	rddreg [dreg:$0x1]  }
0x3: {  	s0 =	rddreg [dreg:$0x2]  }
0x4: {  	s16 =	srdreg.scid;
	s30 =	stileid.u32  }
0x5: {  	s2 =	rddreg [dreg:$0x3];
	s6 =	smul.u32 $0x280, s30  }
0x6: {  	s14 =	rddreg [dreg:$0x4];
	s7 =	smul.u32 $0x140, s30  }
0x7: {  	s4 =	simm.s32 $0x0;
	[dreg:$0x6] =	wrdreg s0;
	s9 =	smul.u32 $0xA000, s30  }
0x8: {  	s3 =	sand.u32 $0x1, s16;
	[smem:$0x7FF] =	sst s4;
	s26 =	smul.u32 $0x5000, s30  }
0x9: {  	s18 =	sadd.s32 $0x6C800, s10;
	s0 =	smul.u32 $0x2800, s3;
	[smem:$0x7FC] =	sst s3  }
0xa: {  	s17 =	smul.u32 $0x1400, s3;
	_ =	strace $0x80000047;
	[dreg:$0x7] =	wrdreg s18  }
0xb: {  	s11 =	sadd.s32 $0x2800, s9;
	[smem:$0x7F5] =	sst s26;
	s31 =	sadd.s32 $0x2800, s26  }
0xc: {  	s8 =	sadd.s32 $0x5000, s9;
	s0 =	sadd.s32 s6, s0;
	[smem:$0x7F6] =	sst s31  }
0xd: {  	s19 =	sadd.s32 s7, s17;
	s20 =	sadd.s32 s11, s14;
	s18 =	rddreg [dreg:$0x6]  }
0xe: {  	s21 =	sadd.s32 s8, s14;
	s7 =	sadd.s32 s31, s14;
	[dreg:$0x8] =	wrdreg s20  }
0xf: {  	s1 =	sshrl.u32 s0, $0x3;
	s0 =	sadd.s32 $0x7800, s9;
	[dreg:$0x9] =	wrdreg s21  }
0x10: {  	[dreg:$0x10] =	wrdreg s7;
	s22 =	sadd.s32 s0, s14  }
0x11: {  	s12 =	smul.u32 $0xA0, s30;
	s5 =	sadd.s32 s5, s1;
	[dreg:$0xa] =	wrdreg s22  }
0x12: {  	s6 =	sshll.u32 s19, $0x4;
	s15 =	sadd.s32 s1, s10;
	[dreg:$0xe] =	wrdreg s5  }
0x13: {  	s6 =	sadd.s32 s6, s10;
	s23 =	sadd.s32 $0x6E00, s15;
	[smem:$0x7F7] =	sst s15  }
0x14: {  	s13 =	smul.u32 $0xA00, s3;
	s24 =	sadd.s32 $0xA8E00, s6;
	[dreg:$0xb] =	wrdreg s23  }
0x15: {  	s25 =	sadd.s32 $0xF8E00, s6;
	[dreg:$0xc] =	wrdreg s24  }
0x16: {  	s12 =	sadd.s32 s12, s13;
	s29 =	sadd.s32 $0xD0E00, s6;
	[dreg:$0xd] =	wrdreg s25  }
0x17: {  	s3 =	sshll.u32 s12, $0x4;
	s12 =	sadd.s32 $0x8200, s15;
	[dreg:$0xf] =	wrdreg s29  }
0x18: {  	s6 =	sadd.s32 s3, s10;
	s17 =	sadd.s32 $0x7800, s15;
	[dreg:$0x11] =	wrdreg s12  }
0x19: {  	s5 =	simm.s32 $0x5500;
	s13 =	sadd.s32 $0x80E00, s6;
	[dreg:$0x14] =	wrdreg s17  }
0x1a: {  	[tilespmem:s5], [sflag:$0x5] =	stream.linear.gather [hbm4b:s18+s4], $0x2800, $0x38;
	[tilespmem:$0x1E500] =	vst v63  }
0x1b: {  	s16 =	sadd.s32 $0x6CE00, s6;
	[dreg:$0x12] =	wrdreg s13  }
0x1c: {  	s19 =	sadd.s32 $0x94E00, s6;
	[dreg:$0x13] =	wrdreg s16  }
0x1d: {  	s6 =	simm.s32 $0x5;
	[dreg:$0x15] =	wrdreg s19  }
0x1e: {  	_ =	swait.ge [sflag:s6], $0x2800  }
0x1f: {  	[sflag:s6] =	ssyncset.done $0x0  }
0x20: {  	s7 =	simm.s32 $0x7D00;
	s20 =	rddreg [dreg:$0x7];
	[sflag:s6] =	ssyncadd.s32 $0xFFFFD800  }
0x21: {  	[tilespmem:s7], [sflag:$0x5] =	stream.linear.gather [hbm4b:s20+s4], $0x2800, $0x38;
	[tilespmem:$0x1E500] =	vst v63  }
0x22: {  	_ =	swait.ge [sflag:s6], $0x2800  }
0x23: {  	[sflag:s6] =	ssyncset.done $0x0  }
0x24: {  	s12 =	sadd.s32 s9, s2;
	[sflag:s6] =	ssyncadd.s32 $0xFFFFD800  }
0x25: {  	[spmem:s12] =	stream.linear.scatter [tilespmem:s5], [sflag:$0x5], $0x2800, $0x38;
	[tilespmem:$0x1E500] =	vst v63  }
0x26: {  	_ =	swait.ge [sflag:s6], $0x2800  }
0x27: {  	[sflag:s6] =	ssyncset.done $0x0  }
0x28: {  	s25 =	sadd.s32 s9, s14;
	[sflag:s6] =	ssyncadd.s32 $0xFFFFD800  }
0x29: {  	[spmem:s25] =	stream.linear.scatter [tilespmem:s5], [sflag:$0x5], $0x2800, $0x38;
	[tilespmem:$0x1E500] =	vst v63  }
0x2a: {  	_ =	swait.ge [sflag:s6], $0x2800  }
0x2b: {  	[sflag:s6] =	ssyncset.done $0x0  }
0x2c: {  	s28 =	sadd.s32 s11, s2;
	[sflag:s6] =	ssyncadd.s32 $0xFFFFD800  }
0x2d: {  	[spmem:s28] =	stream.linear.scatter [tilespmem:s5], [sflag:$0x5], $0x2800, $0x38;
	[tilespmem:$0x1E500] =	vst v63  }
0x2e: {  	_ =	swait.ge [sflag:s6], $0x2800  }
0x2f: {  	[sflag:s6] =	ssyncset.done $0x0  }
0x30: {  	s21 =	rddreg [dreg:$0x8];
	[sflag:s6] =	ssyncadd.s32 $0xFFFFD800  }
0x31: {  	[spmem:s21] =	stream.linear.scatter [tilespmem:s5], [sflag:$0x5], $0x2800, $0x38;
	[tilespmem:$0x1E500] =	vst v63  }
0x32: {  	_ =	swait.ge [sflag:s6], $0x2800  }
0x33: {  	[sflag:s6] =	ssyncset.done $0x0  }
0x34: {  	s21 =	sadd.s32 s8, s2;
	[sflag:s6] =	ssyncadd.s32 $0xFFFFD800  }
0x35: {  	[spmem:s21] =	stream.linear.scatter [tilespmem:s5], [sflag:$0x5], $0x2800, $0x38;
	[tilespmem:$0x1E500] =	vst v63  }
0x36: {  	_ =	swait.ge [sflag:s6], $0x2800  }
0x37: {  	[sflag:s6] =	ssyncset.done $0x0  }
0x38: {  	s22 =	rddreg [dreg:$0x9];
	[sflag:s6] =	ssyncadd.s32 $0xFFFFD800  }
0x39: {  	[spmem:s22] =	stream.linear.scatter [tilespmem:s5], [sflag:$0x5], $0x2800, $0x38;
	[tilespmem:$0x1E500] =	vst v63  }
0x3a: {  	_ =	swait.ge [sflag:s6], $0x2800  }
0x3b: {  	[sflag:s6] =	ssyncset.done $0x0  }
0x3c: {  	s9 =	sadd.s32 s0, s2;
	[sflag:s6] =	ssyncadd.s32 $0xFFFFD800  }
0x3d: {  	[spmem:s9] =	stream.linear.scatter [tilespmem:s5], [sflag:$0x5], $0x2800, $0x38;
	[tilespmem:$0x1E500] =	vst v63  }
0x3e: {  	_ =	swait.ge [sflag:s6], $0x2800  }
0x3f: {  	[sflag:s6] =	ssyncset.done $0x0  }
0x40: {  	s23 =	rddreg [dreg:$0xa];
	[sflag:s6] =	ssyncadd.s32 $0xFFFFD800  }
0x41: {  	[spmem:s23] =	stream.linear.scatter [tilespmem:s5], [sflag:$0x5], $0x2800, $0x38;
	[tilespmem:$0x1E500] =	vst v63  }
0x42: {  	_ =	swait.ge [sflag:s6], $0x2800  }
0x43: {  	[sflag:s6] =	ssyncset.done $0x0  }
0x44: {  	[sflag:s6] =	ssyncadd.s32 $0xFFFFD800  }
0x45: {  	[bflag:$0x0] =	sbarrier.arrive $0xFFFF  }
0x46: {  	s24 =	rddreg [dreg:$0xb]  }
0x47: {  	[tilespmem:s4], [sflag:$0x5] =	stream.linear.gather [hbm4b:s24+s4], $0x280, $0x38;
	[tilespmem:$0x1E500] =	vst v63  }
0x48: {  	_ =	swait.ge [sflag:s6], $0x280  }
0x49: {  	[sflag:s6] =	ssyncset.done $0x0  }
0x4a: {  	s1 =	sadd.s32 $0x6B400, s15;
	s0 =	simm.s32 $0x280;
	[sflag:s6] =	ssyncadd.s32 $0xFFFFFD80  }
0x4b: {  	[tilespmem:s0], [sflag:$0x5] =	stream.linear.gather [hbm4b:s1+s4], $0x280, $0x38;
	[tilespmem:$0x1E500] =	vst v63  }
0x4c: {  	_ =	swait.ge [sflag:s6], $0x280  }
0x4d: {  	s15 =	sadd.s32 $0x56E00, s10;
	[sflag:s6] =	ssyncset.done $0x0  }
0x4e: {  	s17 =	simm.s32 $0x500;
	s16 =	simm.s32 $0x50;
	[sflag:s6] =	ssyncadd.s32 $0xFFFFFD80  }
0x4f: {  	[tilespmem:s17], [sflag:$0x1] =	stream.indirect.gather [hbm4b:s15+s16], $0x80, s4, s16, $0xb8;
	[tilespmem:$0x1E500] =	vst v63  }
0x50: {  	s18 =	simm.s32 $0x2D00;
	s19 =	simm.s32 $0x1  }
0x51: {  	[tilespmem:s18], [sflag:$0x2] =	stream.indirect.gather [hbm4b:s15+s16], $0x80, s16, s16, $0xb8;
	[tilespmem:$0x1E500] =	vst v63  }
0x52: {  	_ =	swait.ge [sflag:s19], $0x2800  }
0x53: {  	[sflag:s19] =	ssyncset.done $0x0  }
0x54: {  	[sflag:s19] =	ssyncadd.s32 $0xFFFFD800  }
0x55: {  	[spmem:s2] =	stream.indirect.scatter.add.f32 [tilespmem:s17], [sflag:$0x3], $0x80, s0, s16, $0xb8;
	[tilespmem:$0x1E500] =	vst v63  }
0x56: {  	_ = 	snop  }
0x57: {  	[spmem:s14] =	stream.indirect.scatter.add.f32 [tilespmem:s7], [sflag:$0x5], $0x80, s0, s16, $0xb8;
	[tilespmem:$0x1E500] =	vst v63  }
0x58: {  	_ =	swait.ge [sflag:s6], $0x2800  }
0x59: {  	[sflag:s6] =	ssyncset.done $0x0  }
0x5a: {  	s20 =	simm.s32 $0x3;
	[sflag:s6] =	ssyncadd.s32 $0xFFFFD800  }
0x5b: {  	_ =	swait.ge [sflag:s20], $0x2800  }
0x5c: {  	[sflag:s20] =	ssyncset.done $0x0  }
0x5d: {  	s26 =	simm.s32 $0xA0;
	s22 =	simm.s32 $0x2;
	[sflag:s20] =	ssyncadd.s32 $0xFFFFD800  }
0x5e: {  	[tilespmem:s17], [sflag:$0x1] =	stream.indirect.gather [hbm4b:s15+s16], $0x80, s26, s16, $0xb8;
	[tilespmem:$0x1E500] =	vst v63  }
0x5f: {  	_ =	swait.ge [sflag:s22], $0x2800  }
0x60: {  	[sflag:s22] =	ssyncset.done $0x0  }
0x61: {  	s29 =	simm.s32 $0x2D0;
	[sflag:s22] =	ssyncadd.s32 $0xFFFFD800  }
0x62: {  	[spmem:s2] =	stream.indirect.scatter.add.f32 [tilespmem:s18], [sflag:$0x4], $0x80, s29, s16, $0xb8;
	[tilespmem:$0x1E500] =	vst v63  }
0x63: {  	_ = 	snop  }
0x64: {  	[spmem:s14] =	stream.indirect.scatter.add.f32 [tilespmem:s7], [sflag:$0x5], $0x80, s29, s16, $0xb8;
	[tilespmem:$0x1E500] =	vst v63  }
0x65: {  	_ =	swait.ge [sflag:s6], $0x2800  }
0x66: {  	[sflag:s6] =	ssyncset.done $0x0  }
0x67: {  	s24 =	simm.s32 $0x4;
	[sflag:s6] =	ssyncadd.s32 $0xFFFFD800  }
0x68: {  	_ =	swait.ge [sflag:s24], $0x2800  }
0x69: {  	[sflag:s24] =	ssyncset.done $0x0  }
0x6a: {  	s31 =	simm.s32 $0xF0;
	[sflag:s24] =	ssyncadd.s32 $0xFFFFD800  }
0x6b: {  	[tilespmem:s18], [sflag:$0x2] =	stream.indirect.gather [hbm4b:s15+s16], $0x80, s31, s16, $0xb8;
	[tilespmem:$0x1E500] =	vst v63  }
0x6c: {  	_ =	swait.ge [sflag:s19], $0x2800  }
0x6d: {  	[sflag:s19] =	ssyncset.done $0x0  }
0x6e: {  	s8 =	simm.s32 $0x320;
	[sflag:s19] =	ssyncadd.s32 $0xFFFFD800  }
0x6f: {  	[spmem:s2] =	stream.indirect.scatter.add.f32 [tilespmem:s17], [sflag:$0x3], $0x80, s8, s16, $0xb8;
	[tilespmem:$0x1E500] =	vst v63  }
0x70: {  	_ = 	snop  }
0x71: {  	[spmem:s14] =	stream.indirect.scatter.add.f32 [tilespmem:s7], [sflag:$0x5], $0x80, s8, s16, $0xb8;
	[tilespmem:$0x1E500] =	vst v63  }
0x72: {  	_ =	swait.ge [sflag:s6], $0x2800  }
0x73: {  	[sflag:s6] =	ssyncset.done $0x0  }
0x74: {  	[sflag:s6] =	ssyncadd.s32 $0xFFFFD800  }
0x75: {  	_ =	swait.ge [sflag:s20], $0x2800  }
0x76: {  	[sflag:s20] =	ssyncset.done $0x0  }
0x77: {  	s10 =	simm.s32 $0x140;
	[sflag:s20] =	ssyncadd.s32 $0xFFFFD800  }
0x78: {  	[tilespmem:s17], [sflag:$0x1] =	stream.indirect.gather [hbm4b:s15+s16], $0x80, s10, s16, $0xb8;
	[tilespmem:$0x1E500] =	vst v63  }
0x79: {  	_ =	swait.ge [sflag:s22], $0x2800  }
0x7a: {  	[sflag:s22] =	ssyncset.done $0x0  }
0x7b: {  	s11 =	simm.s32 $0x370;
	[sflag:s22] =	ssyncadd.s32 $0xFFFFD800  }
0x7c: {  	[spmem:s2] =	stream.indirect.scatter.add.f32 [tilespmem:s18], [sflag:$0x4], $0x80, s11, s16, $0xb8;
	[tilespmem:$0x1E500] =	vst v63  }
0x7d: {  	_ = 	snop  }
0x7e: {  	[spmem:s14] =	stream.indirect.scatter.add.f32 [tilespmem:s7], [sflag:$0x5], $0x80, s11, s16, $0xb8;
	[tilespmem:$0x1E500] =	vst v63  }
0x7f: {  	_ =	swait.ge [sflag:s6], $0x2800  }
0x80: {  	[sflag:s6] =	ssyncset.done $0x0  }
0x81: {  	[sflag:s6] =	ssyncadd.s32 $0xFFFFD800  }
0x82: {  	_ =	swait.ge [sflag:s24], $0x2800  }
0x83: {  	[sflag:s24] =	ssyncset.done $0x0  }
0x84: {  	s13 =	simm.s32 $0x190;
	[sflag:s24] =	ssyncadd.s32 $0xFFFFD800  }
0x85: {  	[tilespmem:s18], [sflag:$0x2] =	stream.indirect.gather [hbm4b:s15+s16], $0x80, s13, s16, $0xb8;
	[tilespmem:$0x1E500] =	vst v63  }
0x86: {  	_ =	swait.ge [sflag:s19], $0x2800  }
0x87: {  	[sflag:s19] =	ssyncset.done $0x0  }
0x88: {  	s31 =	simm.s32 $0x3C0;
	[sflag:s19] =	ssyncadd.s32 $0xFFFFD800  }
0x89: {  	[spmem:s2] =	stream.indirect.scatter.add.f32 [tilespmem:s17], [sflag:$0x3], $0x80, s31, s16, $0xb8;
	[tilespmem:$0x1E500] =	vst v63  }
0x8a: {  	_ = 	snop  }
0x8b: {  	[spmem:s14] =	stream.indirect.scatter.add.f32 [tilespmem:s7], [sflag:$0x5], $0x80, s31, s16, $0xb8;
	[tilespmem:$0x1E500] =	vst v63  }
0x8c: {  	_ =	swait.ge [sflag:s6], $0x2800  }
0x8d: {  	[sflag:s6] =	ssyncset.done $0x0  }
0x8e: {  	[sflag:s6] =	ssyncadd.s32 $0xFFFFD800  }
0x8f: {  	_ =	swait.ge [sflag:s20], $0x2800  }
0x90: {  	[sflag:s20] =	ssyncset.done $0x0  }
0x91: {  	s23 =	simm.s32 $0x1E0;
	[sflag:s20] =	ssyncadd.s32 $0xFFFFD800  }
0x92: {  	[tilespmem:s17], [sflag:$0x1] =	stream.indirect.gather [hbm4b:s15+s16], $0x80, s23, s16, $0xb8;
	[tilespmem:$0x1E500] =	vst v63  }
0x93: {  	_ =	swait.ge [sflag:s22], $0x2800  }
0x94: {  	[sflag:s22] =	ssyncset.done $0x0  }
0x95: {  	s29 =	simm.s32 $0x410;
	[sflag:s22] =	ssyncadd.s32 $0xFFFFD800  }
0x96: {  	[spmem:s2] =	stream.indirect.scatter.add.f32 [tilespmem:s18], [sflag:$0x4], $0x80, s29, s16, $0xb8;
	[tilespmem:$0x1E500] =	vst v63  }
0x97: {  	_ = 	snop  }
0x98: {  	[spmem:s14] =	stream.indirect.scatter.add.f32 [tilespmem:s7], [sflag:$0x5], $0x80, s29, s16, $0xb8;
	[tilespmem:$0x1E500] =	vst v63  }
0x99: {  	_ =	swait.ge [sflag:s6], $0x2800  }
0x9a: {  	[sflag:s6] =	ssyncset.done $0x0  }
0x9b: {  	[sflag:s6] =	ssyncadd.s32 $0xFFFFD800  }
0x9c: {  	_ =	swait.ge [sflag:s24], $0x2800  }
0x9d: {  	[sflag:s24] =	ssyncset.done $0x0  }
0x9e: {  	s26 =	simm.s32 $0x230;
	[sflag:s24] =	ssyncadd.s32 $0xFFFFD800  }
0x9f: {  	[tilespmem:s18], [sflag:$0x2] =	stream.indirect.gather [hbm4b:s15+s16], $0x80, s26, s16, $0xb8;
	[tilespmem:$0x1E500] =	vst v63  }
0xa0: {  	_ =	swait.ge [sflag:s19], $0x2800  }
0xa1: {  	[sflag:s19] =	ssyncset.done $0x0  }
0xa2: {  	s26 =	simm.s32 $0x460;
	[sflag:s19] =	ssyncadd.s32 $0xFFFFD800  }
0xa3: {  	[spmem:s2] =	stream.indirect.scatter.add.f32 [tilespmem:s17], [sflag:$0x3], $0x80, s26, s16, $0xb8;
	[tilespmem:$0x1E500] =	vst v63  }
0xa4: {  	_ = 	snop  }
0xa5: {  	[spmem:s14] =	stream.indirect.scatter.add.f32 [tilespmem:s7], [sflag:$0x5], $0x80, s26, s16, $0xb8;
	[tilespmem:$0x1E500] =	vst v63  }
0xa6: {  	_ =	swait.ge [sflag:s6], $0x2800  }
0xa7: {  	[sflag:s6] =	ssyncset.done $0x0  }
0xa8: {  	[sflag:s6] =	ssyncadd.s32 $0xFFFFD800  }
0xa9: {  	_ =	swait.ge [sflag:s22], $0x2800  }
0xaa: {  	[sflag:s22] =	ssyncset.done $0x0  }
0xab: {  	s23 =	simm.s32 $0x4B0;
	[sflag:s22] =	ssyncadd.s32 $0xFFFFD800  }
0xac: {  	[spmem:s2] =	stream.indirect.scatter.add.f32 [tilespmem:s18], [sflag:$0x4], $0x80, s23, s16, $0xb8;
	[tilespmem:$0x1E500] =	vst v63  }
0xad: {  	_ = 	snop  }
0xae: {  	[spmem:s14] =	stream.indirect.scatter.add.f32 [tilespmem:s7], [sflag:$0x5], $0x80, s23, s16, $0xb8;
	[tilespmem:$0x1E500] =	vst v63  }
0xaf: {  	_ =	swait.ge [sflag:s6], $0x2800  }
0xb0: {  	[sflag:s6] =	ssyncset.done $0x0  }
0xb1: {  	[sflag:s6] =	ssyncadd.s32 $0xFFFFD800  }
0xb2: {  	_ =	swait.ge [sflag:s24], $0x2800  }
0xb3: {  	[sflag:s24] =	ssyncset.done $0x0  }
0xb4: {  	[sflag:s24] =	ssyncadd.s32 $0xFFFFD800  }
0xb5: {  	_ =	swait.ge [sflag:s20], $0x2800  }
0xb6: {  	[sflag:s20] =	ssyncset.done $0x0  }
0xb7: {  	[sflag:s20] =	ssyncadd.s32 $0xFFFFD800  }
0xb8: {  	s30 =	sshll.u32 s30, $0x6;
	[bflag:$0x0] =	sbarrier.arrive $0xFFFF  }
0xb9: {  	s10 =	sshrl.u32 s12, $0x3;
	s11 =	sor.u32 $0x1C05, s30;
	s8 =	rddreg [dreg:$0xc]  }
0xba: {  	[hbm:s8], [sflag:s11] =	dma.local [spmem:s10], $0x1400  }
0xbb: {  	_ =	swait.ge [sflag:s6], $0x1400;
	[dreg:$0x17] =	wrdreg s25  }
0xbc: {  	s25 =	sshrl.u32 s25, $0x3;
	s3 =	rddreg [dreg:$0xd];
	[sflag:s6] =	ssyncset.done $0x0  }
0xbd: {  	[dreg:$0x1e] =	wrdreg s25;
	[sflag:s6] =	ssyncadd.s32 $0xFFFFEC00  }
0xbe: {  	[hbm:s3], [sflag:s11] =	dma.local [spmem:s25], $0x1400  }
0xbf: {  	_ =	swait.ge [sflag:s6], $0x1400  }
0xc0: {  	[sflag:s6] =	ssyncset.done $0x0  }
0xc1: {  	[sflag:s6] =	ssyncadd.s32 $0xFFFFEC00  }
0xc2: {  	[bflag:$0x0] =	sbarrier.arrive $0xFFFF  }
0xc3: {  	[dreg:$0x16] =	wrdreg s12  }
0xc4: {  	[spmem:s12] =	stream.linear.scatter [tilespmem:s5], [sflag:$0x5], $0x2800, $0x38;
	[tilespmem:$0x1E500] =	vst v63  }
0xc5: {  	_ =	swait.ge [sflag:s6], $0x2800  }
0xc6: {  	[sflag:s6] =	ssyncset.done $0x0  }
0xc7: {  	[dreg:$0x18] =	wrdreg s28;
	[sflag:s6] =	ssyncadd.s32 $0xFFFFD800  }
0xc8: {  	[spmem:s28] =	stream.linear.scatter [tilespmem:s5], [sflag:$0x5], $0x2800, $0x38;
	[tilespmem:$0x1E500] =	vst v63  }
0xc9: {  	_ =	swait.ge [sflag:s6], $0x2800  }
0xca: {  	[sflag:s6] =	ssyncset.done $0x0  }
0xcb: {  	[dreg:$0x19] =	wrdreg s21;
	[sflag:s6] =	ssyncadd.s32 $0xFFFFD800  }
0xcc: {  	[spmem:s21] =	stream.linear.scatter [tilespmem:s5], [sflag:$0x5], $0x2800, $0x38;
	[tilespmem:$0x1E500] =	vst v63  }
0xcd: {  	_ =	swait.ge [sflag:s6], $0x2800  }
0xce: {  	[sflag:s6] =	ssyncset.done $0x0  }
0xcf: {  	[dreg:$0x1a] =	wrdreg s9;
	[sflag:s6] =	ssyncadd.s32 $0xFFFFD800  }
0xd0: {  	[spmem:s9] =	stream.linear.scatter [tilespmem:s5], [sflag:$0x5], $0x2800, $0x38;
	[tilespmem:$0x1E500] =	vst v63  }
0xd1: {  	_ =	swait.ge [sflag:s6], $0x2800  }
0xd2: {  	[sflag:s6] =	ssyncset.done $0x0  }
0xd3: {  	[sflag:s6] =	ssyncadd.s32 $0xFFFFD800  }
0xd4: {  	[bflag:$0x0] =	sbarrier.arrive $0xFFFF  }
0xd5: {  	s8 =	rddreg [dreg:$0xe]  }
0xd6: {  	[tilespmem:s4], [sflag:$0x5] =	stream.linear.gather [hbm4b:s8+s4], $0x280, $0x38;
	[tilespmem:$0x1E500] =	vst v63  }
0xd7: {  	_ =	swait.ge [sflag:s6], $0x280  }
0xd8: {  	[sflag:s6] =	ssyncset.done $0x0  }
0xd9: {  	[dreg:$0x1b] =	wrdreg s1;
	[sflag:s6] =	ssyncadd.s32 $0xFFFFFD80  }
0xda: {  	[tilespmem:s0], [sflag:$0x5] =	stream.linear.gather [hbm4b:s1+s4], $0x280, $0x38;
	[tilespmem:$0x1E500] =	vst v63  }
0xdb: {  	_ =	swait.ge [sflag:s6], $0x280  }
0xdc: {  	[sflag:s6] =	ssyncset.done $0x0  }
0xdd: {  	[sflag:s6] =	ssyncadd.s32 $0xFFFFFD80  }
0xde: {  	[tilespmem:s17], [sflag:$0x1] =	stream.indirect.gather [hbm4b:s15+s16], $0x80, s4, s16, $0xb8;
	[tilespmem:$0x1E500] =	vst v63  }
0xdf: {  	_ = 	snop  }
0xe0: {  	[tilespmem:s18], [sflag:$0x2] =	stream.indirect.gather [hbm4b:s15+s16], $0x80, s16, s16, $0xb8;
	[tilespmem:$0x1E500] =	vst v63  }
0xe1: {  	_ =	swait.ge [sflag:s19], $0x2800  }
0xe2: {  	[sflag:s19] =	ssyncset.done $0x0  }
0xe3: {  	[sflag:s19] =	ssyncadd.s32 $0xFFFFD800  }
0xe4: {  	[spmem:s2] =	stream.indirect.scatter.add.f32 [tilespmem:s17], [sflag:$0x3], $0x80, s0, s16, $0xb8;
	[tilespmem:$0x1E500] =	vst v63  }
0xe5: {  	_ =	swait.ge [sflag:s20], $0x2800  }
0xe6: {  	[sflag:s20] =	ssyncset.done $0x0  }
0xe7: {  	s1 =	simm.s32 $0xA0;
	[sflag:s20] =	ssyncadd.s32 $0xFFFFD800  }
0xe8: {  	[tilespmem:s17], [sflag:$0x1] =	stream.indirect.gather [hbm4b:s15+s16], $0x80, s1, s16, $0xb8;
	[tilespmem:$0x1E500] =	vst v63  }
0xe9: {  	_ =	swait.ge [sflag:s22], $0x2800  }
0xea: {  	[sflag:s22] =	ssyncset.done $0x0  }
0xeb: {  	s9 =	simm.s32 $0x2D0;
	[sflag:s22] =	ssyncadd.s32 $0xFFFFD800  }
0xec: {  	[spmem:s2] =	stream.indirect.scatter.add.f32 [tilespmem:s18], [sflag:$0x4], $0x80, s9, s16, $0xb8;
	[tilespmem:$0x1E500] =	vst v63  }
0xed: {  	_ =	swait.ge [sflag:s24], $0x2800  }
0xee: {  	[sflag:s24] =	ssyncset.done $0x0  }
0xef: {  	s21 =	simm.s32 $0xF0;
	[sflag:s24] =	ssyncadd.s32 $0xFFFFD800  }
0xf0: {  	[tilespmem:s18], [sflag:$0x2] =	stream.indirect.gather [hbm4b:s15+s16], $0x80, s21, s16, $0xb8;
	[tilespmem:$0x1E500] =	vst v63  }
0xf1: {  	_ =	swait.ge [sflag:s19], $0x2800  }
0xf2: {  	[sflag:s19] =	ssyncset.done $0x0  }
0xf3: {  	s12 =	simm.s32 $0x320;
	[sflag:s19] =	ssyncadd.s32 $0xFFFFD800  }
0xf4: {  	[spmem:s2] =	stream.indirect.scatter.add.f32 [tilespmem:s17], [sflag:$0x3], $0x80, s12, s16, $0xb8;
	[tilespmem:$0x1E500] =	vst v63  }
0xf5: {  	_ =	swait.ge [sflag:s20], $0x2800  }
0xf6: {  	[sflag:s20] =	ssyncset.done $0x0  }
0xf7: {  	s25 =	simm.s32 $0x140;
	[sflag:s20] =	ssyncadd.s32 $0xFFFFD800  }
0xf8: {  	[tilespmem:s17], [sflag:$0x1] =	stream.indirect.gather [hbm4b:s15+s16], $0x80, s25, s16, $0xb8;
	[tilespmem:$0x1E500] =	vst v63  }
0xf9: {  	_ =	swait.ge [sflag:s22], $0x2800  }
0xfa: {  	[sflag:s22] =	ssyncset.done $0x0  }
0xfb: {  	s13 =	simm.s32 $0x370;
	[sflag:s22] =	ssyncadd.s32 $0xFFFFD800  }
0xfc: {  	[spmem:s2] =	stream.indirect.scatter.add.f32 [tilespmem:s18], [sflag:$0x4], $0x80, s13, s16, $0xb8;
	[tilespmem:$0x1E500] =	vst v63  }
0xfd: {  	_ =	swait.ge [sflag:s24], $0x2800  }
0xfe: {  	[sflag:s24] =	ssyncset.done $0x0  }
0xff: {  	s3 =	simm.s32 $0x190;
	[sflag:s24] =	ssyncadd.s32 $0xFFFFD800  }
0x100: {  	[tilespmem:s18], [sflag:$0x2] =	stream.indirect.gather [hbm4b:s15+s16], $0x80, s3, s16, $0xb8;
	[tilespmem:$0x1E500] =	vst v63  }
0x101: {  	_ =	swait.ge [sflag:s19], $0x2800  }
0x102: {  	[sflag:s19] =	ssyncset.done $0x0  }
0x103: {  	[sflag:s19] =	ssyncadd.s32 $0xFFFFD800  }
0x104: {  	[spmem:s2] =	stream.indirect.scatter.add.f32 [tilespmem:s17], [sflag:$0x3], $0x80, s31, s16, $0xb8;
	[tilespmem:$0x1E500] =	vst v63  }
0x105: {  	_ =	swait.ge [sflag:s20], $0x2800  }
0x106: {  	[sflag:s20] =	ssyncset.done $0x0  }
0x107: {  	s8 =	simm.s32 $0x1E0;
	[sflag:s20] =	ssyncadd.s32 $0xFFFFD800  }
0x108: {  	[tilespmem:s17], [sflag:$0x1] =	stream.indirect.gather [hbm4b:s15+s16], $0x80, s8, s16, $0xb8;
	[tilespmem:$0x1E500] =	vst v63  }
0x109: {  	_ =	swait.ge [sflag:s22], $0x2800  }
0x10a: {  	[sflag:s22] =	ssyncset.done $0x0  }
0x10b: {  	[sflag:s22] =	ssyncadd.s32 $0xFFFFD800  }
0x10c: {  	[spmem:s2] =	stream.indirect.scatter.add.f32 [tilespmem:s18], [sflag:$0x4], $0x80, s29, s16, $0xb8;
	[tilespmem:$0x1E500] =	vst v63  }
0x10d: {  	_ =	swait.ge [sflag:s24], $0x2800  }
0x10e: {  	[sflag:s24] =	ssyncset.done $0x0  }
0x10f: {  	s30 =	simm.s32 $0x230;
	[sflag:s24] =	ssyncadd.s32 $0xFFFFD800  }
0x110: {  	[tilespmem:s18], [sflag:$0x2] =	stream.indirect.gather [hbm4b:s15+s16], $0x80, s30, s16, $0xb8;
	[tilespmem:$0x1E500] =	vst v63  }
0x111: {  	_ =	swait.ge [sflag:s19], $0x2800  }
0x112: {  	[sflag:s19] =	ssyncset.done $0x0  }
0x113: {  	[sflag:s19] =	ssyncadd.s32 $0xFFFFD800  }
0x114: {  	[spmem:s2] =	stream.indirect.scatter.add.f32 [tilespmem:s17], [sflag:$0x3], $0x80, s26, s16, $0xb8;
	[tilespmem:$0x1E500] =	vst v63  }
0x115: {  	_ =	swait.ge [sflag:s22], $0x2800  }
0x116: {  	[sflag:s22] =	ssyncset.done $0x0  }
0x117: {  	[sflag:s22] =	ssyncadd.s32 $0xFFFFD800  }
0x118: {  	[spmem:s2] =	stream.indirect.scatter.add.f32 [tilespmem:s18], [sflag:$0x4], $0x80, s23, s16, $0xb8;
	[tilespmem:$0x1E500] =	vst v63  }
0x119: {  	_ =	swait.ge [sflag:s24], $0x2800  }
0x11a: {  	[sflag:s24] =	ssyncset.done $0x0  }
0x11b: {  	[sflag:s24] =	ssyncadd.s32 $0xFFFFD800  }
0x11c: {  	_ =	swait.ge [sflag:s20], $0x2800  }
0x11d: {  	[sflag:s20] =	ssyncset.done $0x0  }
0x11e: {  	[sflag:s20] =	ssyncadd.s32 $0xFFFFD800  }
0x11f: {  	[bflag:$0x0] =	sbarrier.arrive $0xFFFF  }
0x120: {  	s12 =	rddreg [dreg:$0xf]  }
0x121: {  	[dreg:$0x1c] =	wrdreg s10  }
0x122: {  	[hbm:s12], [sflag:s11] =	dma.local [spmem:s10], $0x1400  }
0x123: {  	_ =	swait.ge [sflag:s6], $0x1400  }
0x124: {  	[sflag:s6] =	ssyncset.done $0x0  }
0x125: {  	[sflag:s6] =	ssyncadd.s32 $0xFFFFEC00  }
0x126: {  	[bflag:$0x0] =	sbarrier.arrive $0xFFFF  }
0x127: {  	s13 =	sld [smem:$0x7F5];
	_ =	sdelay $0x2  }
0x128: {  	s9 =	sadd.s32 s13, s2  }
0x129: {  	[spmem:s9] =	stream.linear.scatter [tilespmem:s5], [sflag:$0x5], $0x2800, $0x38;
	[tilespmem:$0x1E500] =	vst v63  }
0x12a: {  	_ =	swait.ge [sflag:s6], $0x2800  }
0x12b: {  	[sflag:s6] =	ssyncset.done $0x0  }
0x12c: {  	s10 =	sadd.s32 s13, s14;
	[sflag:s6] =	ssyncadd.s32 $0xFFFFD800  }
0x12d: {  	[spmem:s10] =	stream.linear.scatter [tilespmem:s5], [sflag:$0x5], $0x2800, $0x38;
	[tilespmem:$0x1E500] =	vst v63  }
0x12e: {  	_ =	swait.ge [sflag:s6], $0x2800  }
0x12f: {  	s30 =	sld [smem:$0x7F6];
	_ =	sdelay $0x1  }
0x130: {  	[sflag:s6] =	ssyncset.done $0x0  }
0x131: {  	[sflag:s6] =	ssyncadd.s32 $0xFFFFD800;
	s12 =	sadd.s32 s30, s2  }
0x132: {  	[spmem:s12] =	stream.linear.scatter [tilespmem:s5], [sflag:$0x5], $0x2800, $0x38;
	[tilespmem:$0x1E500] =	vst v63  }
0x133: {  	_ =	swait.ge [sflag:s6], $0x2800  }
0x134: {  	[sflag:s6] =	ssyncset.done $0x0  }
0x135: {  	s13 =	rddreg [dreg:$0x10];
	[sflag:s6] =	ssyncadd.s32 $0xFFFFD800  }
0x136: {  	[spmem:s13] =	stream.linear.scatter [tilespmem:s5], [sflag:$0x5], $0x2800, $0x38;
	[tilespmem:$0x1E500] =	vst v63  }
0x137: {  	_ =	swait.ge [sflag:s6], $0x2800  }
0x138: {  	[sflag:s6] =	ssyncset.done $0x0  }
0x139: {  	[sflag:s6] =	ssyncadd.s32 $0xFFFFD800  }
0x13a: {  	[bflag:$0x0] =	sbarrier.arrive $0xFFFF  }
0x13b: {  	s13 =	rddreg [dreg:$0x11]  }
0x13c: {  	[tilespmem:s4], [sflag:$0x5] =	stream.linear.gather [hbm4b:s13+s4], $0x280, $0x38;
	[tilespmem:$0x1E500] =	vst v63  }
0x13d: {  	_ =	swait.ge [sflag:s6], $0x280  }
0x13e: {  	s30 =	sld [smem:$0x7F7];
	_ =	sdelay $0x1  }
0x13f: {  	[sflag:s6] =	ssyncset.done $0x0  }
0x140: {  	[sflag:s6] =	ssyncadd.s32 $0xFFFFFD80;
	s13 =	sadd.s32 $0x6BE00, s30  }
0x141: {  	[tilespmem:s0], [sflag:$0x5] =	stream.linear.gather [hbm4b:s13+s4], $0x280, $0x38;
	[tilespmem:$0x1E500] =	vst v63  }
0x142: {  	_ =	swait.ge [sflag:s6], $0x280  }
0x143: {  	[sflag:s6] =	ssyncset.done $0x0  }
0x144: {  	s28 =	rddreg [dreg:$0x0]  }
0x145: {  	[sflag:s6] =	ssyncadd.s32 $0xFFFFFD80;
	s28 =	sadd.s32 $0x8C00, s28  }
0x146: {  	[tilespmem:s17], [sflag:$0x1] =	stream.indirect.gather [hbm4b:s28+s16], $0x80, s4, s16, $0xb8;
	[tilespmem:$0x1E500] =	vst v63  }
0x147: {  	_ = 	snop  }
0x148: {  	[tilespmem:s18], [sflag:$0x2] =	stream.indirect.gather [hbm4b:s28+s16], $0x80, s16, s16, $0xb8;
	[tilespmem:$0x1E500] =	vst v63  }
0x149: {  	_ =	swait.ge [sflag:s19], $0x2800  }
0x14a: {  	[sflag:s19] =	ssyncset.done $0x0  }
0x14b: {  	[sflag:s19] =	ssyncadd.s32 $0xFFFFD800  }
0x14c: {  	[spmem:s2] =	stream.indirect.scatter.add.f32 [tilespmem:s17], [sflag:$0x3], $0x80, s0, s16, $0xb8;
	[tilespmem:$0x1E500] =	vst v63  }
0x14d: {  	_ = 	snop  }
0x14e: {  	[spmem:s14] =	stream.indirect.scatter.add.f32 [tilespmem:s7], [sflag:$0x5], $0x80, s0, s16, $0xb8;
	[tilespmem:$0x1E500] =	vst v63  }
0x14f: {  	_ =	swait.ge [sflag:s6], $0x2800  }
0x150: {  	[sflag:s6] =	ssyncset.done $0x0  }
0x151: {  	[sflag:s6] =	ssyncadd.s32 $0xFFFFD800  }
0x152: {  	_ =	swait.ge [sflag:s20], $0x2800  }
0x153: {  	[sflag:s20] =	ssyncset.done $0x0  }
0x154: {  	[sflag:s20] =	ssyncadd.s32 $0xFFFFD800  }
0x155: {  	[tilespmem:s17], [sflag:$0x1] =	stream.indirect.gather [hbm4b:s28+s16], $0x80, s1, s16, $0xb8;
	[tilespmem:$0x1E500] =	vst v63  }
0x156: {  	_ =	swait.ge [sflag:s22], $0x2800  }
0x157: {  	[sflag:s22] =	ssyncset.done $0x0  }
0x158: {  	s30 =	simm.s32 $0x2D0;
	[sflag:s22] =	ssyncadd.s32 $0xFFFFD800  }
0x159: {  	[spmem:s2] =	stream.indirect.scatter.add.f32 [tilespmem:s18], [sflag:$0x4], $0x80, s30, s16, $0xb8;
	[tilespmem:$0x1E500] =	vst v63  }
0x15a: {  	_ = 	snop  }
0x15b: {  	[spmem:s14] =	stream.indirect.scatter.add.f32 [tilespmem:s7], [sflag:$0x5], $0x80, s30, s16, $0xb8;
	[tilespmem:$0x1E500] =	vst v63  }
0x15c: {  	_ =	swait.ge [sflag:s6], $0x2800  }
0x15d: {  	[sflag:s6] =	ssyncset.done $0x0  }
0x15e: {  	[sflag:s6] =	ssyncadd.s32 $0xFFFFD800  }
0x15f: {  	_ =	swait.ge [sflag:s24], $0x2800  }
0x160: {  	[sflag:s24] =	ssyncset.done $0x0  }
0x161: {  	[sflag:s24] =	ssyncadd.s32 $0xFFFFD800  }
0x162: {  	[tilespmem:s18], [sflag:$0x2] =	stream.indirect.gather [hbm4b:s28+s16], $0x80, s21, s16, $0xb8;
	[tilespmem:$0x1E500] =	vst v63  }
0x163: {  	_ =	swait.ge [sflag:s19], $0x2800  }
0x164: {  	[sflag:s19] =	ssyncset.done $0x0  }
0x165: {  	s21 =	simm.s32 $0x320;
	[sflag:s19] =	ssyncadd.s32 $0xFFFFD800  }
0x166: {  	[spmem:s2] =	stream.indirect.scatter.add.f32 [tilespmem:s17], [sflag:$0x3], $0x80, s21, s16, $0xb8;
	[tilespmem:$0x1E500] =	vst v63  }
0x167: {  	_ = 	snop  }
0x168: {  	[spmem:s14] =	stream.indirect.scatter.add.f32 [tilespmem:s7], [sflag:$0x5], $0x80, s21, s16, $0xb8;
	[tilespmem:$0x1E500] =	vst v63  }
0x169: {  	_ =	swait.ge [sflag:s6], $0x2800  }
0x16a: {  	[sflag:s6] =	ssyncset.done $0x0  }
0x16b: {  	[sflag:s6] =	ssyncadd.s32 $0xFFFFD800  }
0x16c: {  	_ =	swait.ge [sflag:s20], $0x2800  }
0x16d: {  	[sflag:s20] =	ssyncset.done $0x0  }
0x16e: {  	[sflag:s20] =	ssyncadd.s32 $0xFFFFD800  }
0x16f: {  	[tilespmem:s17], [sflag:$0x1] =	stream.indirect.gather [hbm4b:s28+s16], $0x80, s25, s16, $0xb8;
	[tilespmem:$0x1E500] =	vst v63  }
0x170: {  	_ =	swait.ge [sflag:s22], $0x2800  }
0x171: {  	[sflag:s22] =	ssyncset.done $0x0  }
0x172: {  	s30 =	simm.s32 $0x370;
	[sflag:s22] =	ssyncadd.s32 $0xFFFFD800  }
0x173: {  	[spmem:s2] =	stream.indirect.scatter.add.f32 [tilespmem:s18], [sflag:$0x4], $0x80, s30, s16, $0xb8;
	[tilespmem:$0x1E500] =	vst v63  }
0x174: {  	_ = 	snop  }
0x175: {  	[spmem:s14] =	stream.indirect.scatter.add.f32 [tilespmem:s7], [sflag:$0x5], $0x80, s30, s16, $0xb8;
	[tilespmem:$0x1E500] =	vst v63  }
0x176: {  	_ =	swait.ge [sflag:s6], $0x2800  }
0x177: {  	[sflag:s6] =	ssyncset.done $0x0  }
0x178: {  	[sflag:s6] =	ssyncadd.s32 $0xFFFFD800  }
0x179: {  	_ =	swait.ge [sflag:s24], $0x2800  }
0x17a: {  	[sflag:s24] =	ssyncset.done $0x0  }
0x17b: {  	[sflag:s24] =	ssyncadd.s32 $0xFFFFD800  }
0x17c: {  	[tilespmem:s18], [sflag:$0x2] =	stream.indirect.gather [hbm4b:s28+s16], $0x80, s3, s16, $0xb8;
	[tilespmem:$0x1E500] =	vst v63  }
0x17d: {  	_ =	swait.ge [sflag:s19], $0x2800  }
0x17e: {  	[sflag:s19] =	ssyncset.done $0x0  }
0x17f: {  	[sflag:s19] =	ssyncadd.s32 $0xFFFFD800  }
0x180: {  	[spmem:s2] =	stream.indirect.scatter.add.f32 [tilespmem:s17], [sflag:$0x3], $0x80, s31, s16, $0xb8;
	[tilespmem:$0x1E500] =	vst v63  }
0x181: {  	_ = 	snop  }
0x182: {  	[spmem:s14] =	stream.indirect.scatter.add.f32 [tilespmem:s7], [sflag:$0x5], $0x80, s31, s16, $0xb8;
	[tilespmem:$0x1E500] =	vst v63  }
0x183: {  	_ =	swait.ge [sflag:s6], $0x2800  }
0x184: {  	[sflag:s6] =	ssyncset.done $0x0  }
0x185: {  	[sflag:s6] =	ssyncadd.s32 $0xFFFFD800  }
0x186: {  	_ =	swait.ge [sflag:s20], $0x2800  }
0x187: {  	[sflag:s20] =	ssyncset.done $0x0  }
0x188: {  	[sflag:s20] =	ssyncadd.s32 $0xFFFFD800  }
0x189: {  	[tilespmem:s17], [sflag:$0x1] =	stream.indirect.gather [hbm4b:s28+s16], $0x80, s8, s16, $0xb8;
	[tilespmem:$0x1E500] =	vst v63  }
0x18a: {  	_ =	swait.ge [sflag:s22], $0x2800  }
0x18b: {  	[sflag:s22] =	ssyncset.done $0x0  }
0x18c: {  	[sflag:s22] =	ssyncadd.s32 $0xFFFFD800  }
0x18d: {  	[spmem:s2] =	stream.indirect.scatter.add.f32 [tilespmem:s18], [sflag:$0x4], $0x80, s29, s16, $0xb8;
	[tilespmem:$0x1E500] =	vst v63  }
0x18e: {  	_ = 	snop  }
0x18f: {  	[spmem:s14] =	stream.indirect.scatter.add.f32 [tilespmem:s7], [sflag:$0x5], $0x80, s29, s16, $0xb8;
	[tilespmem:$0x1E500] =	vst v63  }
0x190: {  	_ =	swait.ge [sflag:s6], $0x2800  }
0x191: {  	[sflag:s6] =	ssyncset.done $0x0  }
0x192: {  	[sflag:s6] =	ssyncadd.s32 $0xFFFFD800  }
0x193: {  	_ =	swait.ge [sflag:s24], $0x2800  }
0x194: {  	[sflag:s24] =	ssyncset.done $0x0  }
0x195: {  	s3 =	simm.s32 $0x230;
	[sflag:s24] =	ssyncadd.s32 $0xFFFFD800  }
0x196: {  	[tilespmem:s18], [sflag:$0x2] =	stream.indirect.gather [hbm4b:s28+s16], $0x80, s3, s16, $0xb8;
	[tilespmem:$0x1E500] =	vst v63  }
0x197: {  	_ =	swait.ge [sflag:s19], $0x2800  }
0x198: {  	[sflag:s19] =	ssyncset.done $0x0  }
0x199: {  	[sflag:s19] =	ssyncadd.s32 $0xFFFFD800  }
0x19a: {  	[spmem:s2] =	stream.indirect.scatter.add.f32 [tilespmem:s17], [sflag:$0x3], $0x80, s26, s16, $0xb8;
	[tilespmem:$0x1E500] =	vst v63  }
0x19b: {  	_ = 	snop  }
0x19c: {  	[spmem:s14] =	stream.indirect.scatter.add.f32 [tilespmem:s7], [sflag:$0x5], $0x80, s26, s16, $0xb8;
	[tilespmem:$0x1E500] =	vst v63  }
0x19d: {  	_ =	swait.ge [sflag:s6], $0x2800  }
0x19e: {  	[sflag:s6] =	ssyncset.done $0x0  }
0x19f: {  	[sflag:s6] =	ssyncadd.s32 $0xFFFFD800  }
0x1a0: {  	_ =	swait.ge [sflag:s22], $0x2800  }
0x1a1: {  	[sflag:s22] =	ssyncset.done $0x0  }
0x1a2: {  	[sflag:s22] =	ssyncadd.s32 $0xFFFFD800  }
0x1a3: {  	[spmem:s2] =	stream.indirect.scatter.add.f32 [tilespmem:s18], [sflag:$0x4], $0x80, s23, s16, $0xb8;
	[tilespmem:$0x1E500] =	vst v63  }
0x1a4: {  	_ = 	snop  }
0x1a5: {  	[spmem:s14] =	stream.indirect.scatter.add.f32 [tilespmem:s7], [sflag:$0x5], $0x80, s23, s16, $0xb8;
	[tilespmem:$0x1E500] =	vst v63  }
0x1a6: {  	_ =	swait.ge [sflag:s6], $0x2800  }
0x1a7: {  	[sflag:s6] =	ssyncset.done $0x0  }
0x1a8: {  	[sflag:s6] =	ssyncadd.s32 $0xFFFFD800  }
0x1a9: {  	_ =	swait.ge [sflag:s24], $0x2800  }
0x1aa: {  	[sflag:s24] =	ssyncset.done $0x0  }
0x1ab: {  	[sflag:s24] =	ssyncadd.s32 $0xFFFFD800  }
0x1ac: {  	_ =	swait.ge [sflag:s20], $0x2800  }
0x1ad: {  	[sflag:s20] =	ssyncset.done $0x0  }
0x1ae: {  	[sflag:s20] =	ssyncadd.s32 $0xFFFFD800  }
0x1af: {  	[bflag:$0x0] =	sbarrier.arrive $0xFFFF  }
0x1b0: {  	s21 =	sshrl.u32 s9, $0x3;
	s1 =	rddreg [dreg:$0x12]  }
0x1b1: {  	[hbm:s1], [sflag:s11] =	dma.local [spmem:s21], $0xA00  }
0x1b2: {  	_ =	swait.ge [sflag:s6], $0xA00  }
0x1b3: {  	s1 =	rddreg [dreg:$0x13]  }
0x1b4: {  	[sflag:s6] =	ssyncset.done $0x0;
	[smem:$0x7F8] =	sst s10;
	s10 =	sshrl.u32 s10, $0x3  }
0x1b5: {  	[sflag:s6] =	ssyncadd.s32 $0xFFFFF600;
	[smem:$0x7F9] =	sst s10  }
0x1b6: {  	[hbm:s1], [sflag:s11] =	dma.local [spmem:s10], $0xA00  }
0x1b7: {  	_ =	swait.ge [sflag:s6], $0xA00  }
0x1b8: {  	[sflag:s6] =	ssyncset.done $0x0  }
0x1b9: {  	[sflag:s6] =	ssyncadd.s32 $0xFFFFF600  }
0x1ba: {  	[bflag:$0x0] =	sbarrier.arrive $0xFFFF  }
0x1bb: {  	[dreg:$0x1f] =	wrdreg s9  }
0x1bc: {  	[spmem:s9] =	stream.linear.scatter [tilespmem:s5], [sflag:$0x5], $0x2800, $0x38;
	[tilespmem:$0x1E500] =	vst v63  }
0x1bd: {  	_ =	swait.ge [sflag:s6], $0x2800  }
0x1be: {  	[sflag:s6] =	ssyncset.done $0x0  }
0x1bf: {  	[smem:$0x7FA] =	sst s12;
	[sflag:s6] =	ssyncadd.s32 $0xFFFFD800  }
0x1c0: {  	[spmem:s12] =	stream.linear.scatter [tilespmem:s5], [sflag:$0x5], $0x2800, $0x38;
	[tilespmem:$0x1E500] =	vst v63  }
0x1c1: {  	_ =	swait.ge [sflag:s6], $0x2800  }
0x1c2: {  	[sflag:s6] =	ssyncset.done $0x0  }
0x1c3: {  	[sflag:s6] =	ssyncadd.s32 $0xFFFFD800  }
0x1c4: {  	[bflag:$0x0] =	sbarrier.arrive $0xFFFF  }
0x1c5: {  	s12 =	rddreg [dreg:$0x14]  }
0x1c6: {  	[tilespmem:s4], [sflag:$0x5] =	stream.linear.gather [hbm4b:s12+s4], $0x280, $0x38;
	[tilespmem:$0x1E500] =	vst v63  }
0x1c7: {  	_ =	swait.ge [sflag:s6], $0x280  }
0x1c8: {  	[sflag:s6] =	ssyncset.done $0x0  }
0x1c9: {  	[smem:$0x7FB] =	sst s13;
	[sflag:s6] =	ssyncadd.s32 $0xFFFFFD80  }
0x1ca: {  	[tilespmem:s0], [sflag:$0x5] =	stream.linear.gather [hbm4b:s13+s4], $0x280, $0x38;
	[tilespmem:$0x1E500] =	vst v63  }
0x1cb: {  	_ =	swait.ge [sflag:s6], $0x280  }
0x1cc: {  	[sflag:s6] =	ssyncset.done $0x0  }
0x1cd: {  	[sflag:s6] =	ssyncadd.s32 $0xFFFFFD80  }
0x1ce: {  	[tilespmem:s17], [sflag:$0x1] =	stream.indirect.gather [hbm4b:s28+s16], $0x80, s4, s16, $0xb8;
	[tilespmem:$0x1E500] =	vst v63  }
0x1cf: {  	_ = 	snop  }
0x1d0: {  	[tilespmem:s18], [sflag:$0x2] =	stream.indirect.gather [hbm4b:s28+s16], $0x80, s16, s16, $0xb8;
	[tilespmem:$0x1E500] =	vst v63  }
0x1d1: {  	_ =	swait.ge [sflag:s19], $0x2800  }
0x1d2: {  	[sflag:s19] =	ssyncset.done $0x0  }
0x1d3: {  	[sflag:s19] =	ssyncadd.s32 $0xFFFFD800  }
0x1d4: {  	[spmem:s2] =	stream.indirect.scatter.add.f32 [tilespmem:s17], [sflag:$0x3], $0x80, s0, s16, $0xb8;
	[tilespmem:$0x1E500] =	vst v63  }
0x1d5: {  	_ =	swait.ge [sflag:s20], $0x2800  }
0x1d6: {  	[sflag:s20] =	ssyncset.done $0x0  }
0x1d7: {  	s4 =	simm.s32 $0xA0;
	[sflag:s20] =	ssyncadd.s32 $0xFFFFD800  }
0x1d8: {  	[tilespmem:s17], [sflag:$0x1] =	stream.indirect.gather [hbm4b:s28+s16], $0x80, s4, s16, $0xb8;
	[tilespmem:$0x1E500] =	vst v63  }
0x1d9: {  	_ =	swait.ge [sflag:s22], $0x2800  }
0x1da: {  	[sflag:s22] =	ssyncset.done $0x0  }
0x1db: {  	s9 =	simm.s32 $0x2D0;
	[sflag:s22] =	ssyncadd.s32 $0xFFFFD800  }
0x1dc: {  	[spmem:s2] =	stream.indirect.scatter.add.f32 [tilespmem:s18], [sflag:$0x4], $0x80, s9, s16, $0xb8;
	[tilespmem:$0x1E500] =	vst v63  }
0x1dd: {  	_ =	swait.ge [sflag:s24], $0x2800  }
0x1de: {  	[sflag:s24] =	ssyncset.done $0x0  }
0x1df: {  	s10 =	simm.s32 $0xF0;
	[sflag:s24] =	ssyncadd.s32 $0xFFFFD800  }
0x1e0: {  	[tilespmem:s18], [sflag:$0x2] =	stream.indirect.gather [hbm4b:s28+s16], $0x80, s10, s16, $0xb8;
	[tilespmem:$0x1E500] =	vst v63  }
0x1e1: {  	_ =	swait.ge [sflag:s19], $0x2800  }
0x1e2: {  	[sflag:s19] =	ssyncset.done $0x0  }
0x1e3: {  	s12 =	simm.s32 $0x320;
	[sflag:s19] =	ssyncadd.s32 $0xFFFFD800  }
0x1e4: {  	[spmem:s2] =	stream.indirect.scatter.add.f32 [tilespmem:s17], [sflag:$0x3], $0x80, s12, s16, $0xb8;
	[tilespmem:$0x1E500] =	vst v63  }
0x1e5: {  	_ =	swait.ge [sflag:s20], $0x2800  }
0x1e6: {  	[sflag:s20] =	ssyncset.done $0x0  }
0x1e7: {  	s13 =	simm.s32 $0x140;
	[sflag:s20] =	ssyncadd.s32 $0xFFFFD800  }
0x1e8: {  	[tilespmem:s17], [sflag:$0x1] =	stream.indirect.gather [hbm4b:s28+s16], $0x80, s13, s16, $0xb8;
	[tilespmem:$0x1E500] =	vst v63  }
0x1e9: {  	_ =	swait.ge [sflag:s22], $0x2800  }
0x1ea: {  	[sflag:s22] =	ssyncset.done $0x0  }
0x1eb: {  	s30 =	simm.s32 $0x370;
	[sflag:s22] =	ssyncadd.s32 $0xFFFFD800  }
0x1ec: {  	[spmem:s2] =	stream.indirect.scatter.add.f32 [tilespmem:s18], [sflag:$0x4], $0x80, s30, s16, $0xb8;
	[tilespmem:$0x1E500] =	vst v63  }
0x1ed: {  	_ =	swait.ge [sflag:s24], $0x2800  }
0x1ee: {  	[sflag:s24] =	ssyncset.done $0x0  }
0x1ef: {  	s25 =	simm.s32 $0x190;
	[sflag:s24] =	ssyncadd.s32 $0xFFFFD800  }
0x1f0: {  	[tilespmem:s18], [sflag:$0x2] =	stream.indirect.gather [hbm4b:s28+s16], $0x80, s25, s16, $0xb8;
	[tilespmem:$0x1E500] =	vst v63  }
0x1f1: {  	_ =	swait.ge [sflag:s19], $0x2800  }
0x1f2: {  	[sflag:s19] =	ssyncset.done $0x0  }
0x1f3: {  	[sflag:s19] =	ssyncadd.s32 $0xFFFFD800  }
0x1f4: {  	[spmem:s2] =	stream.indirect.scatter.add.f32 [tilespmem:s17], [sflag:$0x3], $0x80, s31, s16, $0xb8;
	[tilespmem:$0x1E500] =	vst v63  }
0x1f5: {  	_ =	swait.ge [sflag:s20], $0x2800  }
0x1f6: {  	[sflag:s20] =	ssyncset.done $0x0  }
0x1f7: {  	s8 =	simm.s32 $0x1E0;
	[sflag:s20] =	ssyncadd.s32 $0xFFFFD800  }
0x1f8: {  	[tilespmem:s17], [sflag:$0x1] =	stream.indirect.gather [hbm4b:s28+s16], $0x80, s8, s16, $0xb8;
	[tilespmem:$0x1E500] =	vst v63  }
0x1f9: {  	_ =	swait.ge [sflag:s22], $0x2800  }
0x1fa: {  	[sflag:s22] =	ssyncset.done $0x0  }
0x1fb: {  	[sflag:s22] =	ssyncadd.s32 $0xFFFFD800  }
0x1fc: {  	[spmem:s2] =	stream.indirect.scatter.add.f32 [tilespmem:s18], [sflag:$0x4], $0x80, s29, s16, $0xb8;
	[tilespmem:$0x1E500] =	vst v63  }
0x1fd: {  	_ =	swait.ge [sflag:s24], $0x2800  }
0x1fe: {  	[sflag:s24] =	ssyncset.done $0x0  }
0x1ff: {  	[sflag:s24] =	ssyncadd.s32 $0xFFFFD800  }
0x200: {  	[tilespmem:s18], [sflag:$0x2] =	stream.indirect.gather [hbm4b:s28+s16], $0x80, s3, s16, $0xb8;
	[tilespmem:$0x1E500] =	vst v63  }
0x201: {  	_ =	swait.ge [sflag:s19], $0x2800  }
0x202: {  	[sflag:s19] =	ssyncset.done $0x0  }
0x203: {  	[sflag:s19] =	ssyncadd.s32 $0xFFFFD800  }
0x204: {  	[spmem:s2] =	stream.indirect.scatter.add.f32 [tilespmem:s17], [sflag:$0x3], $0x80, s26, s16, $0xb8;
	[tilespmem:$0x1E500] =	vst v63  }
0x205: {  	_ =	swait.ge [sflag:s22], $0x2800  }
0x206: {  	[sflag:s22] =	ssyncset.done $0x0  }
0x207: {  	[sflag:s22] =	ssyncadd.s32 $0xFFFFD800  }
0x208: {  	[spmem:s2] =	stream.indirect.scatter.add.f32 [tilespmem:s18], [sflag:$0x4], $0x80, s23, s16, $0xb8;
	[tilespmem:$0x1E500] =	vst v63  }
0x209: {  	_ =	swait.ge [sflag:s24], $0x2800  }
0x20a: {  	[sflag:s24] =	ssyncset.done $0x0  }
0x20b: {  	[sflag:s24] =	ssyncadd.s32 $0xFFFFD800  }
0x20c: {  	_ =	swait.ge [sflag:s20], $0x2800  }
0x20d: {  	[sflag:s20] =	ssyncset.done $0x0  }
0x20e: {  	[sflag:s20] =	ssyncadd.s32 $0xFFFFD800  }
0x20f: {  	[bflag:$0x0] =	sbarrier.arrive $0xFFFF  }
0x210: {  	s29 =	sld [smem:$0x7FC];
	_ =	sdelay $0x2  }
0x211: {  	s0 =	ssub.s32 $0x2, s29  }
0x212: {  	s31 =	sshrl.u32 s0, $0x1  }
0x213: {  	s1 =	ssub.s32 s0, s31  }
0x214: {  	s30 =	rddreg [dreg:$0x15];
	s1 =	smax.u32 s1, $0x1  }
0x215: {  	[dreg:$0x1d] =	wrdreg s11;
	p0 =	sne.s32 s1, $0x1  }
.Ltmp0:
0x216: {  	[smem:$0x7FD] =	sst s21;
	(pc) =	sbr.rel @!p0 .LBB2_3-.Ltmp0, $4  }
0x217: {  	[hbm:s30], [sflag:s11] =	dma.local [spmem:s21], $0xA00  }
0x218: {  	_ =	swait.ge [sflag:s6], $0xA00  }
0x219: {  	[sflag:s6] =	ssyncset.done $0x0  }
0x21a: {  	[sflag:s6] =	ssyncadd.s32 $0xFFFFF600;
	s1 =	sadd.s32 $0xFFFFFFFF, s1  }
0x21b: {  	s11 =	simm.s32 $0x0;
	s29 =	simm.s32 $0x460;
	s23 =	simm.s32 $0x4B0  }
.LBB2_2:
0x21c: {  	[bflag:$0x0] =	sbarrier.arrive $0xFFFF  }
0x21d: {  	s9 =	rddreg [dreg:$0x6]  }
0x21e: {  	[tilespmem:s5], [sflag:$0x5] =	stream.linear.gather [hbm4b:s9+s11], $0x2800, $0x38;
	[tilespmem:$0x1E500] =	vst v63  }
0x21f: {  	_ =	swait.ge [sflag:s6], $0x2800  }
0x220: {  	[sflag:s6] =	ssyncset.done $0x0  }
0x221: {  	s12 =	rddreg [dreg:$0x7];
	[sflag:s6] =	ssyncadd.s32 $0xFFFFD800  }
0x222: {  	[tilespmem:s7], [sflag:$0x5] =	stream.linear.gather [hbm4b:s12+s11], $0x2800, $0x38;
	[tilespmem:$0x1E500] =	vst v63  }
0x223: {  	_ =	swait.ge [sflag:s6], $0x2800  }
0x224: {  	[sflag:s6] =	ssyncset.done $0x0  }
0x225: {  	s12 =	rddreg [dreg:$0x16];
	[sflag:s6] =	ssyncadd.s32 $0xFFFFD800  }
0x226: {  	[spmem:s12] =	stream.linear.scatter [tilespmem:s5], [sflag:$0x5], $0x2800, $0x38;
	[tilespmem:$0x1E500] =	vst v63  }
0x227: {  	_ =	swait.ge [sflag:s6], $0x2800  }
0x228: {  	[sflag:s6] =	ssyncset.done $0x0  }
0x229: {  	s13 =	rddreg [dreg:$0x17];
	[sflag:s6] =	ssyncadd.s32 $0xFFFFD800  }
0x22a: {  	[spmem:s13] =	stream.linear.scatter [tilespmem:s5], [sflag:$0x5], $0x2800, $0x38;
	[tilespmem:$0x1E500] =	vst v63  }
0x22b: {  	_ =	swait.ge [sflag:s6], $0x2800  }
0x22c: {  	[sflag:s6] =	ssyncset.done $0x0  }
0x22d: {  	s13 =	rddreg [dreg:$0x18];
	[sflag:s6] =	ssyncadd.s32 $0xFFFFD800  }
0x22e: {  	[spmem:s13] =	stream.linear.scatter [tilespmem:s5], [sflag:$0x5], $0x2800, $0x38;
	[tilespmem:$0x1E500] =	vst v63  }
0x22f: {  	_ =	swait.ge [sflag:s6], $0x2800  }
0x230: {  	[sflag:s6] =	ssyncset.done $0x0  }
0x231: {  	s21 =	rddreg [dreg:$0x8];
	[sflag:s6] =	ssyncadd.s32 $0xFFFFD800  }
0x232: {  	[spmem:s21] =	stream.linear.scatter [tilespmem:s5], [sflag:$0x5], $0x2800, $0x38;
	[tilespmem:$0x1E500] =	vst v63  }
0x233: {  	_ =	swait.ge [sflag:s6], $0x2800  }
0x234: {  	[sflag:s6] =	ssyncset.done $0x0  }
0x235: {  	s21 =	rddreg [dreg:$0x19];
	[sflag:s6] =	ssyncadd.s32 $0xFFFFD800  }
0x236: {  	[spmem:s21] =	stream.linear.scatter [tilespmem:s5], [sflag:$0x5], $0x2800, $0x38;
	[tilespmem:$0x1E500] =	vst v63  }
0x237: {  	_ =	swait.ge [sflag:s6], $0x2800  }
0x238: {  	[sflag:s6] =	ssyncset.done $0x0  }
0x239: {  	s25 =	rddreg [dreg:$0x9];
	[sflag:s6] =	ssyncadd.s32 $0xFFFFD800  }
0x23a: {  	[spmem:s25] =	stream.linear.scatter [tilespmem:s5], [sflag:$0x5], $0x2800, $0x38;
	[tilespmem:$0x1E500] =	vst v63  }
0x23b: {  	_ =	swait.ge [sflag:s6], $0x2800  }
0x23c: {  	[sflag:s6] =	ssyncset.done $0x0  }
0x23d: {  	s25 =	rddreg [dreg:$0x1a];
	[sflag:s6] =	ssyncadd.s32 $0xFFFFD800  }
0x23e: {  	[spmem:s25] =	stream.linear.scatter [tilespmem:s5], [sflag:$0x5], $0x2800, $0x38;
	[tilespmem:$0x1E500] =	vst v63  }
0x23f: {  	_ =	swait.ge [sflag:s6], $0x2800  }
0x240: {  	[sflag:s6] =	ssyncset.done $0x0  }
0x241: {  	s26 =	rddreg [dreg:$0xa];
	[sflag:s6] =	ssyncadd.s32 $0xFFFFD800  }
0x242: {  	[spmem:s26] =	stream.linear.scatter [tilespmem:s5], [sflag:$0x5], $0x2800, $0x38;
	[tilespmem:$0x1E500] =	vst v63  }
0x243: {  	_ =	swait.ge [sflag:s6], $0x2800  }
0x244: {  	[sflag:s6] =	ssyncset.done $0x0  }
0x245: {  	[sflag:s6] =	ssyncadd.s32 $0xFFFFD800  }
0x246: {  	[bflag:$0x0] =	sbarrier.arrive $0xFFFF  }
0x247: {  	s30 =	rddreg [dreg:$0xb]  }
0x248: {  	[tilespmem:s11], [sflag:$0x5] =	stream.linear.gather [hbm4b:s30+s11], $0x280, $0x38;
	[tilespmem:$0x1E500] =	vst v63  }
0x249: {  	_ =	swait.ge [sflag:s6], $0x280  }
0x24a: {  	[sflag:s6] =	ssyncset.done $0x0  }
0x24b: {  	s0 =	simm.s32 $0x280;
	s30 =	rddreg [dreg:$0x1b];
	[sflag:s6] =	ssyncadd.s32 $0xFFFFFD80  }
0x24c: {  	[tilespmem:s0], [sflag:$0x5] =	stream.linear.gather [hbm4b:s30+s11], $0x280, $0x38;
	[tilespmem:$0x1E500] =	vst v63  }
0x24d: {  	_ =	swait.ge [sflag:s6], $0x280  }
0x24e: {  	[sflag:s6] =	ssyncset.done $0x0  }
0x24f: {  	[sflag:s6] =	ssyncadd.s32 $0xFFFFFD80  }
0x250: {  	[tilespmem:s17], [sflag:$0x1] =	stream.indirect.gather [hbm4b:s15+s16], $0x80, s11, s16, $0xb8;
	[tilespmem:$0x1E500] =	vst v63  }
0x251: {  	_ = 	snop  }
0x252: {  	[tilespmem:s18], [sflag:$0x2] =	stream.indirect.gather [hbm4b:s15+s16], $0x80, s16, s16, $0xb8;
	[tilespmem:$0x1E500] =	vst v63  }
0x253: {  	_ =	swait.ge [sflag:s19], $0x2800  }
0x254: {  	[sflag:s19] =	ssyncset.done $0x0  }
0x255: {  	[sflag:s19] =	ssyncadd.s32 $0xFFFFD800  }
0x256: {  	[spmem:s2] =	stream.indirect.scatter.add.f32 [tilespmem:s17], [sflag:$0x3], $0x80, s0, s16, $0xb8;
	[tilespmem:$0x1E500] =	vst v63  }
0x257: {  	_ = 	snop  }
0x258: {  	[spmem:s14] =	stream.indirect.scatter.add.f32 [tilespmem:s7], [sflag:$0x5], $0x80, s0, s16, $0xb8;
	[tilespmem:$0x1E500] =	vst v63  }
0x259: {  	_ =	swait.ge [sflag:s6], $0x2800  }
0x25a: {  	[sflag:s6] =	ssyncset.done $0x0  }
0x25b: {  	[sflag:s6] =	ssyncadd.s32 $0xFFFFD800  }
0x25c: {  	_ =	swait.ge [sflag:s20], $0x2800  }
0x25d: {  	[sflag:s20] =	ssyncset.done $0x0  }
0x25e: {  	s3 =	simm.s32 $0xA0;
	[sflag:s20] =	ssyncadd.s32 $0xFFFFD800  }
0x25f: {  	[tilespmem:s17], [sflag:$0x1] =	stream.indirect.gather [hbm4b:s15+s16], $0x80, s3, s16, $0xb8;
	[tilespmem:$0x1E500] =	vst v63  }
0x260: {  	_ =	swait.ge [sflag:s22], $0x2800  }
0x261: {  	[sflag:s22] =	ssyncset.done $0x0  }
0x262: {  	s31 =	simm.s32 $0x2D0;
	[sflag:s22] =	ssyncadd.s32 $0xFFFFD800  }
0x263: {  	[spmem:s2] =	stream.indirect.scatter.add.f32 [tilespmem:s18], [sflag:$0x4], $0x80, s31, s16, $0xb8;
	[tilespmem:$0x1E500] =	vst v63  }
0x264: {  	_ = 	snop  }
0x265: {  	[spmem:s14] =	stream.indirect.scatter.add.f32 [tilespmem:s7], [sflag:$0x5], $0x80, s31, s16, $0xb8;
	[tilespmem:$0x1E500] =	vst v63  }
0x266: {  	_ =	swait.ge [sflag:s6], $0x2800  }
0x267: {  	[sflag:s6] =	ssyncset.done $0x0  }
0x268: {  	[sflag:s6] =	ssyncadd.s32 $0xFFFFD800  }
0x269: {  	_ =	swait.ge [sflag:s24], $0x2800  }
0x26a: {  	[sflag:s24] =	ssyncset.done $0x0  }
0x26b: {  	s4 =	simm.s32 $0xF0;
	[sflag:s24] =	ssyncadd.s32 $0xFFFFD800  }
0x26c: {  	[tilespmem:s18], [sflag:$0x2] =	stream.indirect.gather [hbm4b:s15+s16], $0x80, s4, s16, $0xb8;
	[tilespmem:$0x1E500] =	vst v63  }
0x26d: {  	_ =	swait.ge [sflag:s19], $0x2800  }
0x26e: {  	[sflag:s19] =	ssyncset.done $0x0  }
0x26f: {  	s8 =	simm.s32 $0x320;
	[sflag:s19] =	ssyncadd.s32 $0xFFFFD800  }
0x270: {  	[spmem:s2] =	stream.indirect.scatter.add.f32 [tilespmem:s17], [sflag:$0x3], $0x80, s8, s16, $0xb8;
	[tilespmem:$0x1E500] =	vst v63  }
0x271: {  	_ = 	snop  }
0x272: {  	[spmem:s14] =	stream.indirect.scatter.add.f32 [tilespmem:s7], [sflag:$0x5], $0x80, s8, s16, $0xb8;
	[tilespmem:$0x1E500] =	vst v63  }
0x273: {  	_ =	swait.ge [sflag:s6], $0x2800  }
0x274: {  	[sflag:s6] =	ssyncset.done $0x0  }
0x275: {  	[sflag:s6] =	ssyncadd.s32 $0xFFFFD800  }
0x276: {  	_ =	swait.ge [sflag:s20], $0x2800  }
0x277: {  	[sflag:s20] =	ssyncset.done $0x0  }
0x278: {  	s9 =	simm.s32 $0x140;
	[sflag:s20] =	ssyncadd.s32 $0xFFFFD800  }
0x279: {  	[tilespmem:s17], [sflag:$0x1] =	stream.indirect.gather [hbm4b:s15+s16], $0x80, s9, s16, $0xb8;
	[tilespmem:$0x1E500] =	vst v63  }
0x27a: {  	_ =	swait.ge [sflag:s22], $0x2800  }
0x27b: {  	[sflag:s22] =	ssyncset.done $0x0  }
0x27c: {  	s10 =	simm.s32 $0x370;
	[sflag:s22] =	ssyncadd.s32 $0xFFFFD800  }
0x27d: {  	[spmem:s2] =	stream.indirect.scatter.add.f32 [tilespmem:s18], [sflag:$0x4], $0x80, s10, s16, $0xb8;
	[tilespmem:$0x1E500] =	vst v63  }
0x27e: {  	_ = 	snop  }
0x27f: {  	[spmem:s14] =	stream.indirect.scatter.add.f32 [tilespmem:s7], [sflag:$0x5], $0x80, s10, s16, $0xb8;
	[tilespmem:$0x1E500] =	vst v63  }
0x280: {  	_ =	swait.ge [sflag:s6], $0x2800  }
0x281: {  	[sflag:s6] =	ssyncset.done $0x0  }
0x282: {  	[sflag:s6] =	ssyncadd.s32 $0xFFFFD800  }
0x283: {  	_ =	swait.ge [sflag:s24], $0x2800  }
0x284: {  	[sflag:s24] =	ssyncset.done $0x0  }
0x285: {  	s26 =	simm.s32 $0x190;
	[sflag:s24] =	ssyncadd.s32 $0xFFFFD800  }
0x286: {  	[tilespmem:s18], [sflag:$0x2] =	stream.indirect.gather [hbm4b:s15+s16], $0x80, s26, s16, $0xb8;
	[tilespmem:$0x1E500] =	vst v63  }
0x287: {  	_ =	swait.ge [sflag:s19], $0x2800  }
0x288: {  	[sflag:s19] =	ssyncset.done $0x0  }
0x289: {  	s31 =	simm.s32 $0x3C0;
	[sflag:s19] =	ssyncadd.s32 $0xFFFFD800  }
0x28a: {  	[spmem:s2] =	stream.indirect.scatter.add.f32 [tilespmem:s17], [sflag:$0x3], $0x80, s31, s16, $0xb8;
	[tilespmem:$0x1E500] =	vst v63  }
0x28b: {  	_ = 	snop  }
0x28c: {  	[spmem:s14] =	stream.indirect.scatter.add.f32 [tilespmem:s7], [sflag:$0x5], $0x80, s31, s16, $0xb8;
	[tilespmem:$0x1E500] =	vst v63  }
0x28d: {  	_ =	swait.ge [sflag:s6], $0x2800  }
0x28e: {  	[sflag:s6] =	ssyncset.done $0x0  }
0x28f: {  	[sflag:s6] =	ssyncadd.s32 $0xFFFFD800  }
0x290: {  	_ =	swait.ge [sflag:s20], $0x2800  }
0x291: {  	[sflag:s20] =	ssyncset.done $0x0  }
0x292: {  	s8 =	simm.s32 $0x1E0;
	[sflag:s20] =	ssyncadd.s32 $0xFFFFD800  }
0x293: {  	[tilespmem:s17], [sflag:$0x1] =	stream.indirect.gather [hbm4b:s15+s16], $0x80, s8, s16, $0xb8;
	[tilespmem:$0x1E500] =	vst v63  }
0x294: {  	_ =	swait.ge [sflag:s22], $0x2800  }
0x295: {  	[sflag:s22] =	ssyncset.done $0x0  }
0x296: {  	s9 =	simm.s32 $0x410;
	[sflag:s22] =	ssyncadd.s32 $0xFFFFD800  }
0x297: {  	[spmem:s2] =	stream.indirect.scatter.add.f32 [tilespmem:s18], [sflag:$0x4], $0x80, s9, s16, $0xb8;
	[tilespmem:$0x1E500] =	vst v63  }
0x298: {  	_ = 	snop  }
0x299: {  	[spmem:s14] =	stream.indirect.scatter.add.f32 [tilespmem:s7], [sflag:$0x5], $0x80, s9, s16, $0xb8;
	[tilespmem:$0x1E500] =	vst v63  }
0x29a: {  	_ =	swait.ge [sflag:s6], $0x2800  }
0x29b: {  	[sflag:s6] =	ssyncset.done $0x0  }
0x29c: {  	[sflag:s6] =	ssyncadd.s32 $0xFFFFD800  }
0x29d: {  	_ =	swait.ge [sflag:s24], $0x2800  }
0x29e: {  	[sflag:s24] =	ssyncset.done $0x0  }
0x29f: {  	s10 =	simm.s32 $0x230;
	[sflag:s24] =	ssyncadd.s32 $0xFFFFD800  }
0x2a0: {  	[tilespmem:s18], [sflag:$0x2] =	stream.indirect.gather [hbm4b:s15+s16], $0x80, s10, s16, $0xb8;
	[tilespmem:$0x1E500] =	vst v63  }
0x2a1: {  	_ =	swait.ge [sflag:s19], $0x2800  }
0x2a2: {  	[sflag:s19] =	ssyncset.done $0x0  }
0x2a3: {  	[sflag:s19] =	ssyncadd.s32 $0xFFFFD800  }
0x2a4: {  	[spmem:s2] =	stream.indirect.scatter.add.f32 [tilespmem:s17], [sflag:$0x3], $0x80, s29, s16, $0xb8;
	[tilespmem:$0x1E500] =	vst v63  }
0x2a5: {  	_ = 	snop  }
0x2a6: {  	[spmem:s14] =	stream.indirect.scatter.add.f32 [tilespmem:s7], [sflag:$0x5], $0x80, s29, s16, $0xb8;
	[tilespmem:$0x1E500] =	vst v63  }
0x2a7: {  	_ =	swait.ge [sflag:s6], $0x2800  }
0x2a8: {  	[sflag:s6] =	ssyncset.done $0x0  }
0x2a9: {  	[sflag:s6] =	ssyncadd.s32 $0xFFFFD800  }
0x2aa: {  	_ =	swait.ge [sflag:s22], $0x2800  }
0x2ab: {  	[sflag:s22] =	ssyncset.done $0x0  }
0x2ac: {  	[sflag:s22] =	ssyncadd.s32 $0xFFFFD800  }
0x2ad: {  	[spmem:s2] =	stream.indirect.scatter.add.f32 [tilespmem:s18], [sflag:$0x4], $0x80, s23, s16, $0xb8;
	[tilespmem:$0x1E500] =	vst v63  }
0x2ae: {  	_ = 	snop  }
0x2af: {  	[spmem:s14] =	stream.indirect.scatter.add.f32 [tilespmem:s7], [sflag:$0x5], $0x80, s23, s16, $0xb8;
	[tilespmem:$0x1E500] =	vst v63  }
0x2b0: {  	_ =	swait.ge [sflag:s6], $0x2800  }
0x2b1: {  	[sflag:s6] =	ssyncset.done $0x0  }
0x2b2: {  	[sflag:s6] =	ssyncadd.s32 $0xFFFFD800  }
0x2b3: {  	_ =	swait.ge [sflag:s24], $0x2800  }
0x2b4: {  	[sflag:s24] =	ssyncset.done $0x0  }
0x2b5: {  	[sflag:s24] =	ssyncadd.s32 $0xFFFFD800  }
0x2b6: {  	_ =	swait.ge [sflag:s20], $0x2800  }
0x2b7: {  	[sflag:s20] =	ssyncset.done $0x0  }
0x2b8: {  	[sflag:s20] =	ssyncadd.s32 $0xFFFFD800  }
0x2b9: {  	[bflag:$0x0] =	sbarrier.arrive $0xFFFF  }
0x2ba: {  	s31 =	rddreg [dreg:$0xc]  }
0x2bb: {  	s10 =	rddreg [dreg:$0x1c]  }
0x2bc: {  	s3 =	rddreg [dreg:$0x1d]  }
0x2bd: {  	[hbm:s31], [sflag:s3] =	dma.local [spmem:s10], $0x1400  }
0x2be: {  	_ =	swait.ge [sflag:s6], $0x1400  }
0x2bf: {  	[sflag:s6] =	ssyncset.done $0x0;
	s9 =	rddreg [dreg:$0xd]  }
0x2c0: {  	s31 =	rddreg [dreg:$0x1e];
	[sflag:s6] =	ssyncadd.s32 $0xFFFFEC00  }
0x2c1: {  	[hbm:s9], [sflag:s3] =	dma.local [spmem:s31], $0x1400  }
0x2c2: {  	_ =	swait.ge [sflag:s6], $0x1400  }
0x2c3: {  	[sflag:s6] =	ssyncset.done $0x0  }
0x2c4: {  	[sflag:s6] =	ssyncadd.s32 $0xFFFFEC00  }
0x2c5: {  	[bflag:$0x0] =	sbarrier.arrive $0xFFFF  }
0x2c6: {  	[spmem:s12] =	stream.linear.scatter [tilespmem:s5], [sflag:$0x5], $0x2800, $0x38;
	[tilespmem:$0x1E500] =	vst v63  }
0x2c7: {  	_ =	swait.ge [sflag:s6], $0x2800  }
0x2c8: {  	[sflag:s6] =	ssyncset.done $0x0  }
0x2c9: {  	[sflag:s6] =	ssyncadd.s32 $0xFFFFD800  }
0x2ca: {  	[spmem:s13] =	stream.linear.scatter [tilespmem:s5], [sflag:$0x5], $0x2800, $0x38;
	[tilespmem:$0x1E500] =	vst v63  }
0x2cb: {  	_ =	swait.ge [sflag:s6], $0x2800  }
0x2cc: {  	[sflag:s6] =	ssyncset.done $0x0  }
0x2cd: {  	[sflag:s6] =	ssyncadd.s32 $0xFFFFD800  }
0x2ce: {  	[spmem:s21] =	stream.linear.scatter [tilespmem:s5], [sflag:$0x5], $0x2800, $0x38;
	[tilespmem:$0x1E500] =	vst v63  }
0x2cf: {  	_ =	swait.ge [sflag:s6], $0x2800  }
0x2d0: {  	[sflag:s6] =	ssyncset.done $0x0  }
0x2d1: {  	[sflag:s6] =	ssyncadd.s32 $0xFFFFD800  }
0x2d2: {  	[spmem:s25] =	stream.linear.scatter [tilespmem:s5], [sflag:$0x5], $0x2800, $0x38;
	[tilespmem:$0x1E500] =	vst v63  }
0x2d3: {  	_ =	swait.ge [sflag:s6], $0x2800  }
0x2d4: {  	[sflag:s6] =	ssyncset.done $0x0  }
0x2d5: {  	[sflag:s6] =	ssyncadd.s32 $0xFFFFD800  }
0x2d6: {  	[bflag:$0x0] =	sbarrier.arrive $0xFFFF  }
0x2d7: {  	s25 =	rddreg [dreg:$0xe]  }
0x2d8: {  	[tilespmem:s11], [sflag:$0x5] =	stream.linear.gather [hbm4b:s25+s11], $0x280, $0x38;
	[tilespmem:$0x1E500] =	vst v63  }
0x2d9: {  	_ =	swait.ge [sflag:s6], $0x280  }
0x2da: {  	[sflag:s6] =	ssyncset.done $0x0  }
0x2db: {  	[sflag:s6] =	ssyncadd.s32 $0xFFFFFD80  }
0x2dc: {  	[tilespmem:s0], [sflag:$0x5] =	stream.linear.gather [hbm4b:s30+s11], $0x280, $0x38;
	[tilespmem:$0x1E500] =	vst v63  }
0x2dd: {  	_ =	swait.ge [sflag:s6], $0x280  }
0x2de: {  	[sflag:s6] =	ssyncset.done $0x0  }
0x2df: {  	[sflag:s6] =	ssyncadd.s32 $0xFFFFFD80  }
0x2e0: {  	[tilespmem:s17], [sflag:$0x1] =	stream.indirect.gather [hbm4b:s15+s16], $0x80, s11, s16, $0xb8;
	[tilespmem:$0x1E500] =	vst v63  }
0x2e1: {  	_ = 	snop  }
0x2e2: {  	[tilespmem:s18], [sflag:$0x2] =	stream.indirect.gather [hbm4b:s15+s16], $0x80, s16, s16, $0xb8;
	[tilespmem:$0x1E500] =	vst v63  }
0x2e3: {  	_ =	swait.ge [sflag:s19], $0x2800  }
0x2e4: {  	[sflag:s19] =	ssyncset.done $0x0  }
0x2e5: {  	[sflag:s19] =	ssyncadd.s32 $0xFFFFD800  }
0x2e6: {  	[spmem:s2] =	stream.indirect.scatter.add.f32 [tilespmem:s17], [sflag:$0x3], $0x80, s0, s16, $0xb8;
	[tilespmem:$0x1E500] =	vst v63  }
0x2e7: {  	_ =	swait.ge [sflag:s20], $0x2800  }
0x2e8: {  	[sflag:s20] =	ssyncset.done $0x0  }
0x2e9: {  	s21 =	simm.s32 $0xA0;
	[sflag:s20] =	ssyncadd.s32 $0xFFFFD800  }
0x2ea: {  	[tilespmem:s17], [sflag:$0x1] =	stream.indirect.gather [hbm4b:s15+s16], $0x80, s21, s16, $0xb8;
	[tilespmem:$0x1E500] =	vst v63  }
0x2eb: {  	_ =	swait.ge [sflag:s22], $0x2800  }
0x2ec: {  	[sflag:s22] =	ssyncset.done $0x0  }
0x2ed: {  	s30 =	simm.s32 $0x2D0;
	[sflag:s22] =	ssyncadd.s32 $0xFFFFD800  }
0x2ee: {  	[spmem:s2] =	stream.indirect.scatter.add.f32 [tilespmem:s18], [sflag:$0x4], $0x80, s30, s16, $0xb8;
	[tilespmem:$0x1E500] =	vst v63  }
0x2ef: {  	_ =	swait.ge [sflag:s24], $0x2800  }
0x2f0: {  	[sflag:s24] =	ssyncset.done $0x0  }
0x2f1: {  	s25 =	simm.s32 $0xF0;
	[sflag:s24] =	ssyncadd.s32 $0xFFFFD800  }
0x2f2: {  	[tilespmem:s18], [sflag:$0x2] =	stream.indirect.gather [hbm4b:s15+s16], $0x80, s25, s16, $0xb8;
	[tilespmem:$0x1E500] =	vst v63  }
0x2f3: {  	_ =	swait.ge [sflag:s19], $0x2800  }
0x2f4: {  	[sflag:s19] =	ssyncset.done $0x0  }
0x2f5: {  	s31 =	simm.s32 $0x320;
	[sflag:s19] =	ssyncadd.s32 $0xFFFFD800  }
0x2f6: {  	[spmem:s2] =	stream.indirect.scatter.add.f32 [tilespmem:s17], [sflag:$0x3], $0x80, s31, s16, $0xb8;
	[tilespmem:$0x1E500] =	vst v63  }
0x2f7: {  	_ =	swait.ge [sflag:s20], $0x2800  }
0x2f8: {  	[sflag:s20] =	ssyncset.done $0x0  }
0x2f9: {  	s30 =	simm.s32 $0x140;
	[sflag:s20] =	ssyncadd.s32 $0xFFFFD800  }
0x2fa: {  	[tilespmem:s17], [sflag:$0x1] =	stream.indirect.gather [hbm4b:s15+s16], $0x80, s30, s16, $0xb8;
	[tilespmem:$0x1E500] =	vst v63  }
0x2fb: {  	_ =	swait.ge [sflag:s22], $0x2800  }
0x2fc: {  	[sflag:s22] =	ssyncset.done $0x0  }
0x2fd: {  	s4 =	simm.s32 $0x370;
	[sflag:s22] =	ssyncadd.s32 $0xFFFFD800  }
0x2fe: {  	[spmem:s2] =	stream.indirect.scatter.add.f32 [tilespmem:s18], [sflag:$0x4], $0x80, s4, s16, $0xb8;
	[tilespmem:$0x1E500] =	vst v63  }
0x2ff: {  	_ =	swait.ge [sflag:s24], $0x2800  }
0x300: {  	[sflag:s24] =	ssyncset.done $0x0  }
0x301: {  	s4 =	simm.s32 $0x190;
	[sflag:s24] =	ssyncadd.s32 $0xFFFFD800  }
0x302: {  	[tilespmem:s18], [sflag:$0x2] =	stream.indirect.gather [hbm4b:s15+s16], $0x80, s4, s16, $0xb8;
	[tilespmem:$0x1E500] =	vst v63  }
0x303: {  	_ =	swait.ge [sflag:s19], $0x2800  }
0x304: {  	[sflag:s19] =	ssyncset.done $0x0  }
0x305: {  	s26 =	simm.s32 $0x3C0;
	[sflag:s19] =	ssyncadd.s32 $0xFFFFD800  }
0x306: {  	[spmem:s2] =	stream.indirect.scatter.add.f32 [tilespmem:s17], [sflag:$0x3], $0x80, s26, s16, $0xb8;
	[tilespmem:$0x1E500] =	vst v63  }
0x307: {  	_ =	swait.ge [sflag:s20], $0x2800  }
0x308: {  	[sflag:s20] =	ssyncset.done $0x0  }
0x309: {  	s26 =	simm.s32 $0x1E0;
	[sflag:s20] =	ssyncadd.s32 $0xFFFFD800  }
0x30a: {  	[tilespmem:s17], [sflag:$0x1] =	stream.indirect.gather [hbm4b:s15+s16], $0x80, s26, s16, $0xb8;
	[tilespmem:$0x1E500] =	vst v63  }
0x30b: {  	_ =	swait.ge [sflag:s22], $0x2800  }
0x30c: {  	[sflag:s22] =	ssyncset.done $0x0  }
0x30d: {  	s8 =	simm.s32 $0x410;
	[sflag:s22] =	ssyncadd.s32 $0xFFFFD800  }
0x30e: {  	[spmem:s2] =	stream.indirect.scatter.add.f32 [tilespmem:s18], [sflag:$0x4], $0x80, s8, s16, $0xb8;
	[tilespmem:$0x1E500] =	vst v63  }
0x30f: {  	_ =	swait.ge [sflag:s24], $0x2800  }
0x310: {  	[sflag:s24] =	ssyncset.done $0x0  }
0x311: {  	s8 =	simm.s32 $0x230;
	[sflag:s24] =	ssyncadd.s32 $0xFFFFD800  }
0x312: {  	[tilespmem:s18], [sflag:$0x2] =	stream.indirect.gather [hbm4b:s15+s16], $0x80, s8, s16, $0xb8;
	[tilespmem:$0x1E500] =	vst v63  }
0x313: {  	_ =	swait.ge [sflag:s19], $0x2800  }
0x314: {  	[sflag:s19] =	ssyncset.done $0x0  }
0x315: {  	[sflag:s19] =	ssyncadd.s32 $0xFFFFD800  }
0x316: {  	[spmem:s2] =	stream.indirect.scatter.add.f32 [tilespmem:s17], [sflag:$0x3], $0x80, s29, s16, $0xb8;
	[tilespmem:$0x1E500] =	vst v63  }
0x317: {  	_ =	swait.ge [sflag:s22], $0x2800  }
0x318: {  	[sflag:s22] =	ssyncset.done $0x0  }
0x319: {  	[sflag:s22] =	ssyncadd.s32 $0xFFFFD800  }
0x31a: {  	[spmem:s2] =	stream.indirect.scatter.add.f32 [tilespmem:s18], [sflag:$0x4], $0x80, s23, s16, $0xb8;
	[tilespmem:$0x1E500] =	vst v63  }
0x31b: {  	_ =	swait.ge [sflag:s24], $0x2800  }
0x31c: {  	[sflag:s24] =	ssyncset.done $0x0  }
0x31d: {  	[sflag:s24] =	ssyncadd.s32 $0xFFFFD800  }
0x31e: {  	_ =	swait.ge [sflag:s20], $0x2800  }
0x31f: {  	[sflag:s20] =	ssyncset.done $0x0  }
0x320: {  	[sflag:s20] =	ssyncadd.s32 $0xFFFFD800  }
0x321: {  	[bflag:$0x0] =	sbarrier.arrive $0xFFFF  }
0x322: {  	s12 =	rddreg [dreg:$0xf]  }
0x323: {  	[hbm:s12], [sflag:s3] =	dma.local [spmem:s10], $0x1400  }
0x324: {  	_ =	swait.ge [sflag:s6], $0x1400  }
0x325: {  	[sflag:s6] =	ssyncset.done $0x0  }
0x326: {  	[sflag:s6] =	ssyncadd.s32 $0xFFFFEC00  }
0x327: {  	[bflag:$0x0] =	sbarrier.arrive $0xFFFF  }
0x328: {  	s10 =	rddreg [dreg:$0x1f]  }
0x329: {  	[spmem:s10] =	stream.linear.scatter [tilespmem:s5], [sflag:$0x5], $0x2800, $0x38;
	[tilespmem:$0x1E500] =	vst v63  }
0x32a: {  	_ =	swait.ge [sflag:s6], $0x2800  }
0x32b: {  	s13 =	sld [smem:$0x7F8]  }
0x32c: {  	[sflag:s6] =	ssyncset.done $0x0  }
0x32d: {  	[sflag:s6] =	ssyncadd.s32 $0xFFFFD800  }
0x32e: {  	[spmem:s13] =	stream.linear.scatter [tilespmem:s5], [sflag:$0x5], $0x2800, $0x38;
	[tilespmem:$0x1E500] =	vst v63  }
0x32f: {  	_ =	swait.ge [sflag:s6], $0x2800  }
0x330: {  	s12 =	sld [smem:$0x7FA]  }
0x331: {  	[sflag:s6] =	ssyncset.done $0x0  }
0x332: {  	[sflag:s6] =	ssyncadd.s32 $0xFFFFD800  }
0x333: {  	[spmem:s12] =	stream.linear.scatter [tilespmem:s5], [sflag:$0x5], $0x2800, $0x38;
	[tilespmem:$0x1E500] =	vst v63  }
0x334: {  	_ =	swait.ge [sflag:s6], $0x2800  }
0x335: {  	[sflag:s6] =	ssyncset.done $0x0  }
0x336: {  	s31 =	rddreg [dreg:$0x10];
	[sflag:s6] =	ssyncadd.s32 $0xFFFFD800  }
0x337: {  	[spmem:s31] =	stream.linear.scatter [tilespmem:s5], [sflag:$0x5], $0x2800, $0x38;
	[tilespmem:$0x1E500] =	vst v63  }
0x338: {  	_ =	swait.ge [sflag:s6], $0x2800  }
0x339: {  	[sflag:s6] =	ssyncset.done $0x0  }
0x33a: {  	[sflag:s6] =	ssyncadd.s32 $0xFFFFD800  }
0x33b: {  	[bflag:$0x0] =	sbarrier.arrive $0xFFFF  }
0x33c: {  	s13 =	rddreg [dreg:$0x11]  }
0x33d: {  	[tilespmem:s11], [sflag:$0x5] =	stream.linear.gather [hbm4b:s13+s11], $0x280, $0x38;
	[tilespmem:$0x1E500] =	vst v63  }
0x33e: {  	_ =	swait.ge [sflag:s6], $0x280  }
0x33f: {  	s13 =	sld [smem:$0x7FB]  }
0x340: {  	[sflag:s6] =	ssyncset.done $0x0  }
0x341: {  	[sflag:s6] =	ssyncadd.s32 $0xFFFFFD80  }
0x342: {  	[tilespmem:s0], [sflag:$0x5] =	stream.linear.gather [hbm4b:s13+s11], $0x280, $0x38;
	[tilespmem:$0x1E500] =	vst v63  }
0x343: {  	_ =	swait.ge [sflag:s6], $0x280  }
0x344: {  	[sflag:s6] =	ssyncset.done $0x0  }
0x345: {  	[sflag:s6] =	ssyncadd.s32 $0xFFFFFD80  }
0x346: {  	[tilespmem:s17], [sflag:$0x1] =	stream.indirect.gather [hbm4b:s28+s16], $0x80, s11, s16, $0xb8;
	[tilespmem:$0x1E500] =	vst v63  }
0x347: {  	_ = 	snop  }
0x348: {  	[tilespmem:s18], [sflag:$0x2] =	stream.indirect.gather [hbm4b:s28+s16], $0x80, s16, s16, $0xb8;
	[tilespmem:$0x1E500] =	vst v63  }
0x349: {  	_ =	swait.ge [sflag:s19], $0x2800  }
0x34a: {  	[sflag:s19] =	ssyncset.done $0x0  }
0x34b: {  	[sflag:s19] =	ssyncadd.s32 $0xFFFFD800  }
0x34c: {  	[spmem:s2] =	stream.indirect.scatter.add.f32 [tilespmem:s17], [sflag:$0x3], $0x80, s0, s16, $0xb8;
	[tilespmem:$0x1E500] =	vst v63  }
0x34d: {  	_ = 	snop  }
0x34e: {  	[spmem:s14] =	stream.indirect.scatter.add.f32 [tilespmem:s7], [sflag:$0x5], $0x80, s0, s16, $0xb8;
	[tilespmem:$0x1E500] =	vst v63  }
0x34f: {  	_ =	swait.ge [sflag:s6], $0x2800  }
0x350: {  	[sflag:s6] =	ssyncset.done $0x0  }
0x351: {  	[sflag:s6] =	ssyncadd.s32 $0xFFFFD800  }
0x352: {  	_ =	swait.ge [sflag:s20], $0x2800  }
0x353: {  	[sflag:s20] =	ssyncset.done $0x0  }
0x354: {  	[sflag:s20] =	ssyncadd.s32 $0xFFFFD800  }
0x355: {  	[tilespmem:s17], [sflag:$0x1] =	stream.indirect.gather [hbm4b:s28+s16], $0x80, s21, s16, $0xb8;
	[tilespmem:$0x1E500] =	vst v63  }
0x356: {  	_ =	swait.ge [sflag:s22], $0x2800  }
0x357: {  	[sflag:s22] =	ssyncset.done $0x0  }
0x358: {  	s21 =	simm.s32 $0x2D0;
	[sflag:s22] =	ssyncadd.s32 $0xFFFFD800  }
0x359: {  	[spmem:s2] =	stream.indirect.scatter.add.f32 [tilespmem:s18], [sflag:$0x4], $0x80, s21, s16, $0xb8;
	[tilespmem:$0x1E500] =	vst v63  }
0x35a: {  	_ = 	snop  }
0x35b: {  	[spmem:s14] =	stream.indirect.scatter.add.f32 [tilespmem:s7], [sflag:$0x5], $0x80, s21, s16, $0xb8;
	[tilespmem:$0x1E500] =	vst v63  }
0x35c: {  	_ =	swait.ge [sflag:s6], $0x2800  }
0x35d: {  	[sflag:s6] =	ssyncset.done $0x0  }
0x35e: {  	[sflag:s6] =	ssyncadd.s32 $0xFFFFD800  }
0x35f: {  	_ =	swait.ge [sflag:s24], $0x2800  }
0x360: {  	[sflag:s24] =	ssyncset.done $0x0  }
0x361: {  	[sflag:s24] =	ssyncadd.s32 $0xFFFFD800  }
0x362: {  	[tilespmem:s18], [sflag:$0x2] =	stream.indirect.gather [hbm4b:s28+s16], $0x80, s25, s16, $0xb8;
	[tilespmem:$0x1E500] =	vst v63  }
0x363: {  	_ =	swait.ge [sflag:s19], $0x2800  }
0x364: {  	[sflag:s19] =	ssyncset.done $0x0  }
0x365: {  	s25 =	simm.s32 $0x320;
	[sflag:s19] =	ssyncadd.s32 $0xFFFFD800  }
0x366: {  	[spmem:s2] =	stream.indirect.scatter.add.f32 [tilespmem:s17], [sflag:$0x3], $0x80, s25, s16, $0xb8;
	[tilespmem:$0x1E500] =	vst v63  }
0x367: {  	_ = 	snop  }
0x368: {  	[spmem:s14] =	stream.indirect.scatter.add.f32 [tilespmem:s7], [sflag:$0x5], $0x80, s25, s16, $0xb8;
	[tilespmem:$0x1E500] =	vst v63  }
0x369: {  	_ =	swait.ge [sflag:s6], $0x2800  }
0x36a: {  	[sflag:s6] =	ssyncset.done $0x0  }
0x36b: {  	[sflag:s6] =	ssyncadd.s32 $0xFFFFD800  }
0x36c: {  	_ =	swait.ge [sflag:s20], $0x2800  }
0x36d: {  	[sflag:s20] =	ssyncset.done $0x0  }
0x36e: {  	[sflag:s20] =	ssyncadd.s32 $0xFFFFD800  }
0x36f: {  	[tilespmem:s17], [sflag:$0x1] =	stream.indirect.gather [hbm4b:s28+s16], $0x80, s30, s16, $0xb8;
	[tilespmem:$0x1E500] =	vst v63  }
0x370: {  	_ =	swait.ge [sflag:s22], $0x2800  }
0x371: {  	[sflag:s22] =	ssyncset.done $0x0  }
0x372: {  	s31 =	simm.s32 $0x370;
	[sflag:s22] =	ssyncadd.s32 $0xFFFFD800  }
0x373: {  	[spmem:s2] =	stream.indirect.scatter.add.f32 [tilespmem:s18], [sflag:$0x4], $0x80, s31, s16, $0xb8;
	[tilespmem:$0x1E500] =	vst v63  }
0x374: {  	_ = 	snop  }
0x375: {  	[spmem:s14] =	stream.indirect.scatter.add.f32 [tilespmem:s7], [sflag:$0x5], $0x80, s31, s16, $0xb8;
	[tilespmem:$0x1E500] =	vst v63  }
0x376: {  	_ =	swait.ge [sflag:s6], $0x2800  }
0x377: {  	[sflag:s6] =	ssyncset.done $0x0  }
0x378: {  	[sflag:s6] =	ssyncadd.s32 $0xFFFFD800  }
0x379: {  	_ =	swait.ge [sflag:s24], $0x2800  }
0x37a: {  	[sflag:s24] =	ssyncset.done $0x0  }
0x37b: {  	[sflag:s24] =	ssyncadd.s32 $0xFFFFD800  }
0x37c: {  	[tilespmem:s18], [sflag:$0x2] =	stream.indirect.gather [hbm4b:s28+s16], $0x80, s4, s16, $0xb8;
	[tilespmem:$0x1E500] =	vst v63  }
0x37d: {  	_ =	swait.ge [sflag:s19], $0x2800  }
0x37e: {  	[sflag:s19] =	ssyncset.done $0x0  }
0x37f: {  	s9 =	simm.s32 $0x3C0;
	[sflag:s19] =	ssyncadd.s32 $0xFFFFD800  }
0x380: {  	[spmem:s2] =	stream.indirect.scatter.add.f32 [tilespmem:s17], [sflag:$0x3], $0x80, s9, s16, $0xb8;
	[tilespmem:$0x1E500] =	vst v63  }
0x381: {  	_ = 	snop  }
0x382: {  	[spmem:s14] =	stream.indirect.scatter.add.f32 [tilespmem:s7], [sflag:$0x5], $0x80, s9, s16, $0xb8;
	[tilespmem:$0x1E500] =	vst v63  }
0x383: {  	_ =	swait.ge [sflag:s6], $0x2800  }
0x384: {  	[sflag:s6] =	ssyncset.done $0x0  }
0x385: {  	[sflag:s6] =	ssyncadd.s32 $0xFFFFD800  }
0x386: {  	_ =	swait.ge [sflag:s20], $0x2800  }
0x387: {  	[sflag:s20] =	ssyncset.done $0x0  }
0x388: {  	[sflag:s20] =	ssyncadd.s32 $0xFFFFD800  }
0x389: {  	[tilespmem:s17], [sflag:$0x1] =	stream.indirect.gather [hbm4b:s28+s16], $0x80, s26, s16, $0xb8;
	[tilespmem:$0x1E500] =	vst v63  }
0x38a: {  	_ =	swait.ge [sflag:s22], $0x2800  }
0x38b: {  	[sflag:s22] =	ssyncset.done $0x0  }
0x38c: {  	s21 =	simm.s32 $0x410;
	[sflag:s22] =	ssyncadd.s32 $0xFFFFD800  }
0x38d: {  	[spmem:s2] =	stream.indirect.scatter.add.f32 [tilespmem:s18], [sflag:$0x4], $0x80, s21, s16, $0xb8;
	[tilespmem:$0x1E500] =	vst v63  }
0x38e: {  	_ = 	snop  }
0x38f: {  	[spmem:s14] =	stream.indirect.scatter.add.f32 [tilespmem:s7], [sflag:$0x5], $0x80, s21, s16, $0xb8;
	[tilespmem:$0x1E500] =	vst v63  }
0x390: {  	_ =	swait.ge [sflag:s6], $0x2800  }
0x391: {  	[sflag:s6] =	ssyncset.done $0x0  }
0x392: {  	[sflag:s6] =	ssyncadd.s32 $0xFFFFD800  }
0x393: {  	_ =	swait.ge [sflag:s24], $0x2800  }
0x394: {  	[sflag:s24] =	ssyncset.done $0x0  }
0x395: {  	[sflag:s24] =	ssyncadd.s32 $0xFFFFD800  }
0x396: {  	[tilespmem:s18], [sflag:$0x2] =	stream.indirect.gather [hbm4b:s28+s16], $0x80, s8, s16, $0xb8;
	[tilespmem:$0x1E500] =	vst v63  }
0x397: {  	_ =	swait.ge [sflag:s19], $0x2800  }
0x398: {  	[sflag:s19] =	ssyncset.done $0x0  }
0x399: {  	[sflag:s19] =	ssyncadd.s32 $0xFFFFD800  }
0x39a: {  	[spmem:s2] =	stream.indirect.scatter.add.f32 [tilespmem:s17], [sflag:$0x3], $0x80, s29, s16, $0xb8;
	[tilespmem:$0x1E500] =	vst v63  }
0x39b: {  	_ = 	snop  }
0x39c: {  	[spmem:s14] =	stream.indirect.scatter.add.f32 [tilespmem:s7], [sflag:$0x5], $0x80, s29, s16, $0xb8;
	[tilespmem:$0x1E500] =	vst v63  }
0x39d: {  	_ =	swait.ge [sflag:s6], $0x2800  }
0x39e: {  	[sflag:s6] =	ssyncset.done $0x0  }
0x39f: {  	[sflag:s6] =	ssyncadd.s32 $0xFFFFD800  }
0x3a0: {  	_ =	swait.ge [sflag:s22], $0x2800  }
0x3a1: {  	[sflag:s22] =	ssyncset.done $0x0  }
0x3a2: {  	[sflag:s22] =	ssyncadd.s32 $0xFFFFD800  }
0x3a3: {  	[spmem:s2] =	stream.indirect.scatter.add.f32 [tilespmem:s18], [sflag:$0x4], $0x80, s23, s16, $0xb8;
	[tilespmem:$0x1E500] =	vst v63  }
0x3a4: {  	_ = 	snop  }
0x3a5: {  	[spmem:s14] =	stream.indirect.scatter.add.f32 [tilespmem:s7], [sflag:$0x5], $0x80, s23, s16, $0xb8;
	[tilespmem:$0x1E500] =	vst v63  }
0x3a6: {  	_ =	swait.ge [sflag:s6], $0x2800  }
0x3a7: {  	[sflag:s6] =	ssyncset.done $0x0  }
0x3a8: {  	[sflag:s6] =	ssyncadd.s32 $0xFFFFD800  }
0x3a9: {  	_ =	swait.ge [sflag:s24], $0x2800  }
0x3aa: {  	[sflag:s24] =	ssyncset.done $0x0  }
0x3ab: {  	[sflag:s24] =	ssyncadd.s32 $0xFFFFD800  }
0x3ac: {  	_ =	swait.ge [sflag:s20], $0x2800  }
0x3ad: {  	[sflag:s20] =	ssyncset.done $0x0  }
0x3ae: {  	[sflag:s20] =	ssyncadd.s32 $0xFFFFD800  }
0x3af: {  	[bflag:$0x0] =	sbarrier.arrive $0xFFFF  }
0x3b0: {  	s21 =	sld [smem:$0x7FD];
	_ =	sdelay $0x1  }
0x3b1: {  	s25 =	rddreg [dreg:$0x12]  }
0x3b2: {  	[hbm:s25], [sflag:s3] =	dma.local [spmem:s21], $0xA00  }
0x3b3: {  	_ =	swait.ge [sflag:s6], $0xA00  }
0x3b4: {  	s25 =	sld [smem:$0x7F9]  }
0x3b5: {  	[sflag:s6] =	ssyncset.done $0x0  }
0x3b6: {  	s9 =	rddreg [dreg:$0x13];
	[sflag:s6] =	ssyncadd.s32 $0xFFFFF600  }
0x3b7: {  	[hbm:s9], [sflag:s3] =	dma.local [spmem:s25], $0xA00  }
0x3b8: {  	_ =	swait.ge [sflag:s6], $0xA00  }
0x3b9: {  	[sflag:s6] =	ssyncset.done $0x0  }
0x3ba: {  	[sflag:s6] =	ssyncadd.s32 $0xFFFFF600  }
0x3bb: {  	[bflag:$0x0] =	sbarrier.arrive $0xFFFF  }
0x3bc: {  	[spmem:s10] =	stream.linear.scatter [tilespmem:s5], [sflag:$0x5], $0x2800, $0x38;
	[tilespmem:$0x1E500] =	vst v63  }
0x3bd: {  	_ =	swait.ge [sflag:s6], $0x2800  }
0x3be: {  	[sflag:s6] =	ssyncset.done $0x0  }
0x3bf: {  	[sflag:s6] =	ssyncadd.s32 $0xFFFFD800  }
0x3c0: {  	[spmem:s12] =	stream.linear.scatter [tilespmem:s5], [sflag:$0x5], $0x2800, $0x38;
	[tilespmem:$0x1E500] =	vst v63  }
0x3c1: {  	_ =	swait.ge [sflag:s6], $0x2800  }
0x3c2: {  	[sflag:s6] =	ssyncset.done $0x0  }
0x3c3: {  	[sflag:s6] =	ssyncadd.s32 $0xFFFFD800  }
0x3c4: {  	[bflag:$0x0] =	sbarrier.arrive $0xFFFF  }
0x3c5: {  	s12 =	rddreg [dreg:$0x14]  }
0x3c6: {  	[tilespmem:s11], [sflag:$0x5] =	stream.linear.gather [hbm4b:s12+s11], $0x280, $0x38;
	[tilespmem:$0x1E500] =	vst v63  }
0x3c7: {  	_ =	swait.ge [sflag:s6], $0x280  }
0x3c8: {  	[sflag:s6] =	ssyncset.done $0x0  }
0x3c9: {  	[sflag:s6] =	ssyncadd.s32 $0xFFFFFD80  }
0x3ca: {  	[tilespmem:s0], [sflag:$0x5] =	stream.linear.gather [hbm4b:s13+s11], $0x280, $0x38;
	[tilespmem:$0x1E500] =	vst v63  }
0x3cb: {  	_ =	swait.ge [sflag:s6], $0x280  }
0x3cc: {  	[sflag:s6] =	ssyncset.done $0x0  }
0x3cd: {  	[sflag:s6] =	ssyncadd.s32 $0xFFFFFD80  }
0x3ce: {  	[tilespmem:s17], [sflag:$0x1] =	stream.indirect.gather [hbm4b:s28+s16], $0x80, s11, s16, $0xb8;
	[tilespmem:$0x1E500] =	vst v63  }
0x3cf: {  	_ = 	snop  }
0x3d0: {  	[tilespmem:s18], [sflag:$0x2] =	stream.indirect.gather [hbm4b:s28+s16], $0x80, s16, s16, $0xb8;
	[tilespmem:$0x1E500] =	vst v63  }
0x3d1: {  	_ =	swait.ge [sflag:s19], $0x2800  }
0x3d2: {  	[sflag:s19] =	ssyncset.done $0x0  }
0x3d3: {  	[sflag:s19] =	ssyncadd.s32 $0xFFFFD800  }
0x3d4: {  	[spmem:s2] =	stream.indirect.scatter.add.f32 [tilespmem:s17], [sflag:$0x3], $0x80, s0, s16, $0xb8;
	[tilespmem:$0x1E500] =	vst v63  }
0x3d5: {  	_ =	swait.ge [sflag:s20], $0x2800  }
0x3d6: {  	[sflag:s20] =	ssyncset.done $0x0  }
0x3d7: {  	s25 =	simm.s32 $0xA0;
	[sflag:s20] =	ssyncadd.s32 $0xFFFFD800  }
0x3d8: {  	[tilespmem:s17], [sflag:$0x1] =	stream.indirect.gather [hbm4b:s28+s16], $0x80, s25, s16, $0xb8;
	[tilespmem:$0x1E500] =	vst v63  }
0x3d9: {  	_ =	swait.ge [sflag:s22], $0x2800  }
0x3da: {  	[sflag:s22] =	ssyncset.done $0x0  }
0x3db: {  	s9 =	simm.s32 $0x2D0;
	[sflag:s22] =	ssyncadd.s32 $0xFFFFD800  }
0x3dc: {  	[spmem:s2] =	stream.indirect.scatter.add.f32 [tilespmem:s18], [sflag:$0x4], $0x80, s9, s16, $0xb8;
	[tilespmem:$0x1E500] =	vst v63  }
0x3dd: {  	_ =	swait.ge [sflag:s24], $0x2800  }
0x3de: {  	[sflag:s24] =	ssyncset.done $0x0  }
0x3df: {  	s10 =	simm.s32 $0xF0;
	[sflag:s24] =	ssyncadd.s32 $0xFFFFD800  }
0x3e0: {  	[tilespmem:s18], [sflag:$0x2] =	stream.indirect.gather [hbm4b:s28+s16], $0x80, s10, s16, $0xb8;
	[tilespmem:$0x1E500] =	vst v63  }
0x3e1: {  	_ =	swait.ge [sflag:s19], $0x2800  }
0x3e2: {  	[sflag:s19] =	ssyncset.done $0x0  }
0x3e3: {  	s12 =	simm.s32 $0x320;
	[sflag:s19] =	ssyncadd.s32 $0xFFFFD800  }
0x3e4: {  	[spmem:s2] =	stream.indirect.scatter.add.f32 [tilespmem:s17], [sflag:$0x3], $0x80, s12, s16, $0xb8;
	[tilespmem:$0x1E500] =	vst v63  }
0x3e5: {  	_ =	swait.ge [sflag:s20], $0x2800  }
0x3e6: {  	[sflag:s20] =	ssyncset.done $0x0  }
0x3e7: {  	s13 =	simm.s32 $0x140;
	[sflag:s20] =	ssyncadd.s32 $0xFFFFD800  }
0x3e8: {  	[tilespmem:s17], [sflag:$0x1] =	stream.indirect.gather [hbm4b:s28+s16], $0x80, s13, s16, $0xb8;
	[tilespmem:$0x1E500] =	vst v63  }
0x3e9: {  	_ =	swait.ge [sflag:s22], $0x2800  }
0x3ea: {  	[sflag:s22] =	ssyncset.done $0x0  }
0x3eb: {  	s25 =	simm.s32 $0x370;
	[sflag:s22] =	ssyncadd.s32 $0xFFFFD800  }
0x3ec: {  	[spmem:s2] =	stream.indirect.scatter.add.f32 [tilespmem:s18], [sflag:$0x4], $0x80, s25, s16, $0xb8;
	[tilespmem:$0x1E500] =	vst v63  }
0x3ed: {  	_ =	swait.ge [sflag:s24], $0x2800  }
0x3ee: {  	[sflag:s24] =	ssyncset.done $0x0  }
0x3ef: {  	s31 =	simm.s32 $0x190;
	[sflag:s24] =	ssyncadd.s32 $0xFFFFD800  }
0x3f0: {  	[tilespmem:s18], [sflag:$0x2] =	stream.indirect.gather [hbm4b:s28+s16], $0x80, s31, s16, $0xb8;
	[tilespmem:$0x1E500] =	vst v63  }
0x3f1: {  	_ =	swait.ge [sflag:s19], $0x2800  }
0x3f2: {  	[sflag:s19] =	ssyncset.done $0x0  }
0x3f3: {  	s30 =	simm.s32 $0x3C0;
	[sflag:s19] =	ssyncadd.s32 $0xFFFFD800  }
0x3f4: {  	[spmem:s2] =	stream.indirect.scatter.add.f32 [tilespmem:s17], [sflag:$0x3], $0x80, s30, s16, $0xb8;
	[tilespmem:$0x1E500] =	vst v63  }
0x3f5: {  	_ =	swait.ge [sflag:s20], $0x2800  }
0x3f6: {  	[sflag:s20] =	ssyncset.done $0x0  }
0x3f7: {  	s26 =	simm.s32 $0x1E0;
	[sflag:s20] =	ssyncadd.s32 $0xFFFFD800  }
0x3f8: {  	[tilespmem:s17], [sflag:$0x1] =	stream.indirect.gather [hbm4b:s28+s16], $0x80, s26, s16, $0xb8;
	[tilespmem:$0x1E500] =	vst v63  }
0x3f9: {  	_ =	swait.ge [sflag:s22], $0x2800  }
0x3fa: {  	[sflag:s22] =	ssyncset.done $0x0  }
0x3fb: {  	s4 =	simm.s32 $0x410;
	[sflag:s22] =	ssyncadd.s32 $0xFFFFD800  }
0x3fc: {  	[spmem:s2] =	stream.indirect.scatter.add.f32 [tilespmem:s18], [sflag:$0x4], $0x80, s4, s16, $0xb8;
	[tilespmem:$0x1E500] =	vst v63  }
0x3fd: {  	_ =	swait.ge [sflag:s24], $0x2800  }
0x3fe: {  	[sflag:s24] =	ssyncset.done $0x0  }
0x3ff: {  	s8 =	simm.s32 $0x230;
	[sflag:s24] =	ssyncadd.s32 $0xFFFFD800  }
0x400: {  	[tilespmem:s18], [sflag:$0x2] =	stream.indirect.gather [hbm4b:s28+s16], $0x80, s8, s16, $0xb8;
	[tilespmem:$0x1E500] =	vst v63  }
0x401: {  	_ =	swait.ge [sflag:s19], $0x2800  }
0x402: {  	[sflag:s19] =	ssyncset.done $0x0  }
0x403: {  	[sflag:s19] =	ssyncadd.s32 $0xFFFFD800  }
0x404: {  	[spmem:s2] =	stream.indirect.scatter.add.f32 [tilespmem:s17], [sflag:$0x3], $0x80, s29, s16, $0xb8;
	[tilespmem:$0x1E500] =	vst v63  }
0x405: {  	_ =	swait.ge [sflag:s22], $0x2800  }
0x406: {  	[sflag:s22] =	ssyncset.done $0x0  }
0x407: {  	[sflag:s22] =	ssyncadd.s32 $0xFFFFD800  }
0x408: {  	[spmem:s2] =	stream.indirect.scatter.add.f32 [tilespmem:s18], [sflag:$0x4], $0x80, s23, s16, $0xb8;
	[tilespmem:$0x1E500] =	vst v63  }
0x409: {  	_ =	swait.ge [sflag:s24], $0x2800  }
0x40a: {  	[sflag:s24] =	ssyncset.done $0x0  }
0x40b: {  	[sflag:s24] =	ssyncadd.s32 $0xFFFFD800  }
0x40c: {  	_ =	swait.ge [sflag:s20], $0x2800  }
0x40d: {  	[sflag:s20] =	ssyncset.done $0x0  }
0x40e: {  	[sflag:s20] =	ssyncadd.s32 $0xFFFFD800  }
0x40f: {  	p0 =	sne.s32 s1, $0x1;
	[bflag:$0x0] =	sbarrier.arrive $0xFFFF  }
.Ltmp1:
0x410: {  	s31 =	rddreg [dreg:$0x15];
	(pc) =	sbr.rel @p0 .LBB2_2-.Ltmp1, $4  }
0x411: {  	[hbm:s31], [sflag:s3] =	dma.local [spmem:s21], $0xA00  }
0x412: {  	_ =	swait.ge [sflag:s6], $0xA00  }
0x413: {  	[sflag:s6] =	ssyncset.done $0x0  }
0x414: {  	s1 =	sadd.s32 $0xFFFFFFFF, s1;
	[sflag:s6] =	ssyncadd.s32 $0xFFFFF600  }
.LBB2_3:
0x415: {  	[bflag:$0x0] =	sbarrier.arrive $0xFFFF  }
0x416: {  	_ =	sfence.sel $0x180000  }
0x417: {  	[bflag:$0x0] =	sbarrier.arrive $0xFFFF  }
0x418: {  	_ =	strace $0x90000047  }
0x419: {  	s0 =	stileid.u32;
	[bflag:$0x2] =	sbarrier.arrive $0xFFFF  }
0x41a: {  	p0 =	sne.s32 s0, $0x0;
	s0 =	rddreg [dreg:$0x5]  }
0x41b: {  	s0 =	sadd.s32 @!p0 $0x100000, s0  }
0x41c: {  	[sflag:s0] =	ssyncadd.tile.s32 @!p0 $0x1;
	_ =	shalt  }
.Lfunc_end2:
_tile_overlayer_lowered:
.L_overlay_start_2:
0x41d: {  	(tag) =	ssettag $0x2  }
0x41e: {  	s0 =	rddreg [dreg:$0x0];
	s2 =	stileid.u32  }
0x41f: {  	s1 =	rddreg [dreg:$0x1];
	p0 =	sne.s32 s2, $0x0  }
0x420: {  	s3 =	rddreg [dreg:$0x2];
	[bflag:$0x3] =	sbarrier.arrive $0xFFFF;
	s2 =	simm.s32 @!p0 $0x1C05  }
0x421: {  	[timem:s3], [sflag:s2] =	dma.local @!p0 [hbm:s0], s1  }
0x422: {  	s0 =	simm.s32 @!p0 $0x5  }
0x423: {  	_ =	swait.ge @!p0 [sflag:s0], s1  }
0x424: {  	s1 =	ssub.s32 @!p0 $0x0, s1;
	[sflag:s0] =	ssyncset.done @!p0 $0x0  }
0x425: {  	[sflag:s0] =	ssyncadd.s32 @!p0 s1  }
0x426: {  	[bflag:$0x3] =	sbarrier.arrive $0xFFFF  }
0x427: {  	_ =	shalt  }

// kernel: kernel.13.cloned.1.call-start
scs
__scs_entry_jumppad:
0x0: {  	(pc) =	sbr.rel $0x88, $3  }
0x1: {  	(tag) =	ssettag $0x0;
	lr =	simm.s32 $0x1  }
0x2: {  	[smem:$0x3F81] =	sst lr;
	_ =	strace $0xD0000000  }
0x3: {  	_ = 	snop  }
0x4: {  	_ = 	snop  }
0x5: {  	_ = 	snop  }
0x6: {  	_ = 	snop  }
0x7: {  	_ = 	snop  }
__scs_overlays_trampoline_lowered:
0x8: {  	[smem:$0x3F90] =	sst s0  }
0x9: {  	[smem:$0x3F91] =	sst s1  }
0xa: {  	[smem:$0x3F92] =	sst s2  }
0xb: {  	[smem:$0x3F93] =	sst s3  }
0xc: {  	[smem:$0x3F94] =	sst s4  }
0xd: {  	[smem:$0x3F95] =	sst s5  }
0xe: {  	[smem:$0x3F96] =	sst s6  }
0xf: {  	[smem:$0x3F97] =	sst s7  }
0x10: {  	[smem:$0x3F98] =	sst s8  }
0x11: {  	[smem:$0x3F99] =	sst s9;
	s0 =	simm.s32 @!p0 $0x0  }
0x12: {  	s1 =	sld [smem:$0x3F7F];
	s0 =	simm.s32 @p0 $0x1  }
0x13: {  	[smem:$0x3F9A] =	sst s0;
	s0 =	simm.s32 @!p1 $0x0  }
0x14: {  	s2 =	sld [smem:$0x3F7E];
	s0 =	simm.s32 @p1 $0x1  }
0x15: {  	[smem:$0x3F9B] =	sst s0;
	s0 =	simm.s32 @!p2 $0x0  }
0x16: {  	s3 =	sld [smem:$0x3FDB];
	s0 =	simm.s32 @p2 $0x1  }
0x17: {  	s4 =	simm.s32 $0x1BF5;
	[smem:$0x3F9D] =	sst s0  }
0x18: {  	s0 =	sld [smem:$0x3F80];
	_ =	swait.ge [sflag:s4], $0x0  }
0x19: {  	s7 =	sld [smem:$0x3F81]  }
0x1a: {  	s8 =	sadd.s32 $0xFFFFE003, lr  }
0x1b: {  	s9 =	sadd.s32 $0xFFFFFEF7, lr;
	s5 =	simm.s32 $0xFFFFFFFF;
	p2 =	slt.u32 s8, $0xFFFFF086  }
0x1c: {  	p1 =	slt.u32 s9, $0xF7A;
	s5 =	simm.s32 @!p2 $0x0  }
0x1d: {  	s5 =	simm.s32 @p1 $0x1;
	p0 =	seq.s32 s7, s2  }
0x1e: {  	s7 =	smul.u32 @!p0 $0xF7A, s2;
	p2 =	seq.s32 @!p0 s5, $0x0  }
0x1f: {  	s9 =	smul.u32 $0xF7A, s1;
	s8 =	simm.s32 @!p0 $0x1BF5;
	p2 =	por !p2, p0  }
0x20: {  	[sflag:s8] =	ssyncset.s32 @!p0 $0xFFFFF086;
	s6 =	sadd.s32 @!p0 s3, s7;
	s7 =	simm.s32 @!p0 $0x108  }
0x21: {  	s3 =	sadd.s32 s3, s9;
	s6 =	sadd.s32 @!p0 $0x88, s6;
	s7 =	simm.s32 @p2 $0x1082  }
0x22: {  	[simem:s7], [sflag:s8] =	dma.local @!p0 [hbm:s6], $0xF7A  }
0x23: {  	s9 =	sor.u32 $0xD0000000, s2;
	s6 =	simm.s32 $0x108;
	_ =	swait.ge @!p0 [sflag:s8], $0x0  }
0x24: {  	s3 =	sadd.s32 $0x88, s3;
	s6 =	simm.s32 @!p1 $0x1082;
	[sflag:s4] =	ssyncset.s32 $0xFFFFF086  }
0x25: {  	[simem:s6], [sflag:s4] =	dma.local [hbm:s3], $0xF7A  }
0x26: {  	[smem:$0x3F81] =	sst s1;
	(tag) =	ssettag s2;
	_ =	strace s9  }
0x27: {  	s1 =	sld [smem:$0x3F91]  }
0x28: {  	s2 =	sld [smem:$0x3F92]  }
0x29: {  	s4 =	sld [smem:$0x3F94]  }
0x2a: {  	p0 =	seq.s32 s5, $0x0;
	s5 =	sld [smem:$0x3F95]  }
0x2b: {  	s6 =	sld [smem:$0x3F96]  }
0x2c: {  	s7 =	sld [smem:$0x3F97]  }
0x2d: {  	s3 =	simm.s32 $0x108;
	s8 =	sld [smem:$0x3F98]  }
0x2e: {  	s3 =	simm.s32 @!p0 $0x1082;
	s9 =	sld [smem:$0x3F99]  }
0x2f: {  	lr =	sadd.s32 s0, s3;
	s0 =	sld [smem:$0x3F90]  }
0x30: {  	s3 =	sld [smem:$0x3F93]  }
0x31: {  	[smem:$0x3F9C] =	sst s10  }
0x32: {  	s10 =	sld [smem:$0x3F9A];
	_ =	sdelay $0x3  }
0x33: {  	p0 =	seq.s32 s10, $0x1;
	s10 =	sld [smem:$0x3F9C];
	_ =	sdelay $0x3  }
0x34: {  	[smem:$0x3F9C] =	sst s10  }
0x35: {  	s10 =	sld [smem:$0x3F9B];
	_ =	sdelay $0x3  }
0x36: {  	p1 =	seq.s32 s10, $0x1;
	s10 =	sld [smem:$0x3F9C];
	_ =	sdelay $0x3  }
0x37: {  	[smem:$0x3F9C] =	sst s10  }
0x38: {  	s10 =	sld [smem:$0x3F9D]  }
0x39: {  	_ = 	snop;
	(pc) =	sbr.ind lr, $3  }
0x3a: {  	_ = 	snop  }
0x3b: {  	_ = 	snop  }
0x3c: {  	p2 =	seq.s32 s10, $0x1;
	s10 =	sld [smem:$0x3F9C]  }
0x3d: {  	_ =	shalt  }
0x3e: {  	_ =	shalt  }
0x3f: {  	_ =	shalt  }
0x40: {  	_ =	shalt  }
0x41: {  	_ =	shalt  }
0x42: {  	_ =	shalt  }
0x43: {  	_ =	shalt  }
0x44: {  	_ =	shalt  }
0x45: {  	_ =	shalt  }
0x46: {  	_ =	shalt  }
0x47: {  	_ =	shalt  }
0x48: {  	_ =	shalt  }
0x49: {  	_ =	shalt  }
0x4a: {  	_ =	shalt  }
0x4b: {  	_ =	shalt  }
0x4c: {  	_ =	shalt  }
0x4d: {  	_ =	shalt  }
0x4e: {  	_ =	shalt  }
0x4f: {  	_ =	shalt  }
0x50: {  	_ =	shalt  }
0x51: {  	_ =	shalt  }
0x52: {  	_ =	shalt  }
0x53: {  	_ =	shalt  }
0x54: {  	_ =	shalt  }
0x55: {  	_ =	shalt  }
0x56: {  	_ =	shalt  }
0x57: {  	_ =	shalt  }
0x58: {  	_ =	shalt  }
0x59: {  	_ =	shalt  }
0x5a: {  	_ =	shalt  }
0x5b: {  	_ =	shalt  }
0x5c: {  	_ =	shalt  }
0x5d: {  	_ =	shalt  }
0x5e: {  	_ =	shalt  }
0x5f: {  	_ =	shalt  }
0x60: {  	_ =	shalt  }
0x61: {  	_ =	shalt  }
0x62: {  	_ =	shalt  }
0x63: {  	_ =	shalt  }
0x64: {  	_ =	shalt  }
0x65: {  	_ =	shalt  }
0x66: {  	_ =	shalt  }
0x67: {  	_ =	shalt  }
0x68: {  	_ =	shalt  }
0x69: {  	_ =	shalt  }
0x6a: {  	_ =	shalt  }
0x6b: {  	_ =	shalt  }
0x6c: {  	_ =	shalt  }
0x6d: {  	_ =	shalt  }
0x6e: {  	_ =	shalt  }
0x6f: {  	_ =	shalt  }
0x70: {  	_ =	shalt  }
0x71: {  	_ =	shalt  }
0x72: {  	_ =	shalt  }
0x73: {  	_ =	shalt  }
0x74: {  	_ =	shalt  }
0x75: {  	_ =	shalt  }
0x76: {  	_ =	shalt  }
0x77: {  	_ =	shalt  }
0x78: {  	_ =	shalt  }
0x79: {  	_ =	shalt  }
0x7a: {  	_ =	shalt  }
0x7b: {  	_ =	shalt  }
0x7c: {  	_ =	shalt  }
0x7d: {  	_ =	shalt  }
0x7e: {  	_ =	shalt  }
0x7f: {  	_ =	shalt  }
0x80: {  	_ =	shalt  }
0x81: {  	_ =	shalt  }
0x82: {  	_ =	shalt  }
0x83: {  	_ =	shalt  }
0x84: {  	_ =	shalt  }
0x85: {  	_ =	shalt  }
0x86: {  	_ =	shalt  }
0x87: {  	_ =	shalt  }
.Lfunc_end0:
.L_simem_size_0:
called_computation.1_lowered:
.L_overlay_start_0:
0x88: {  	s2 =	sld [smem:$0x3FD9]  }
0x89: {  	s3 =	sld [smem:$0x3FFE];
	_ =	sdelay $0x1  }
0x8a: {  	s1 =	srdreg.scid  }
0x8b: {  	s0 =	sand.u32 $0x1, s1  }
0x8c: {  	s14 =	sshll.u32 s0, $0xA;
	s2 =	sadd.s32 s3, s2  }
0x8d: {  	s2 =	sadd.s32 s2, s14  }
0x8e: {  	[smem:$0x3FA8] =	sst s2  }
0x8f: {  	_ = 	snop  }
0x90: {  	s2 =	sld [smem:$0x3FD0];
	_ =	sdelay $0x2  }
0x91: {  	s15 =	simm.s32 $0xA;
	s4 =	simm.s32 $0x10  }
0x92: {  	[smem:s4], [sflag:s15] =	dma.local [hbm:s2], $0x1  }
0x93: {  	_ =	swait.eq [sflag:s15], $0x1  }
0x94: {  	s16 =	sld [smem:$0x10];
	[sflag:s15] =	ssyncset.done $0x0  }
0x95: {  	s17 =	sld [smem:$0x11];
	[sflag:s15] =	ssyncadd.s32 $0xFFFFFFFF  }
0x96: {  	s18 =	sld [smem:$0x12];
	(tm) =	ssettm $0x1  }
0x97: {  	s5 =	sld [smem:$0x3FFB];
	_ =	sdelay $0x3  }
0x98: {  	_ =	strace s5  }
0x99: {  	s5 =	sld [smem:$0x3FFC];
	_ =	sdelay $0x3  }
0x9a: {  	_ =	strace s5  }
0x9b: {  	s5 =	sld [smem:$0x3FFD];
	_ =	sdelay $0x3  }
0x9c: {  	_ =	strace s5  }
0x9d: {  	_ =	strace $0x8FFFFFFF  }
0x9e: {  	s19 =	sld [smem:$0x3FDB];
	_ =	sdelay $0x1  }
0x9f: {  	s6 =	simm.s32 $_scs_section_size  }
0xa0: {  	s7 =	simm.s32 $_size__tile_overlayer_lowered;
	s8 =	simm.s32 $_tile_overlayer_lowered  }
0xa1: {  	s22 =	simm.s32 $0x1BFF;
	s21 =	sshll.u32 s8, $0x1;
	s5 =	sadd.s32 s6, s19  }
0xa2: {  	s9 =	simm.s32 $0x0;
	s20 =	sshll.u32 s7, $0x1;
	s7 =	sadd.s32 s21, s5  }
0xa3: {  	[timem:s9], [sflag:s22] =	dma.local [hbm:s7], s20  }
0xa4: {  	_ =	swait.ge [sflag:s22], s20  }
0xa5: {  	s6 =	ssub.s32 $0x0, s20;
	[sflag:s22] =	ssyncset.done $0x0  }
0xa6: {  	[sflag:s22] =	ssyncadd.s32 s6;
	_ =	sdelay $0x1  }
0xa7: {  	s23 =	simm.s32 $0x1B8B  }
0xa8: {  	_ =	swait.ge [sflag:s23], $0x1  }
0xa9: {  	[sflag:s23] =	ssyncset.done $0x0  }
0xaa: {  	s25 =	simm.s32 $0x1B8E;
	s24 =	sld [smem:$0x3FFE];
	[sflag:s23] =	ssyncadd.s32 $0xFFFFFFFF  }
0xab: {  	s26 =	simm.s32 $execute0_lowered;
	[smem:$0x3FD2] =	sst s25  }
0xac: {  	s7 =	sshll.u32 s26, $0x1;
	_ =	strace $0x80000049;
	[dreg:$0x1] =	wrdreg $0xFFFFFFFF  }
0xad: {  	s28 =	simm.s32 $_size_execute0_lowered;
	s5 =	sadd.s32 s5, s7;
	[dreg:$0x0] =	wrdreg $0x0  }
0xae: {  	s7 =	sshll.u32 s28, $0x1;
	[dreg:$0x2] =	wrdreg s5  }
0xaf: {  	[dreg:$0x3] =	wrdreg s7  }
0xb0: {  	[dreg:$0x4] =	wrdreg $0xC0  }
0xb1: {  	_ =	task [dreg:s9], $0x5FFFF  }
0xb2: {  	[dreg:$0x1] =	wrdreg $0xFFFFFFFF  }
0xb3: {  	[dreg:$0x0] =	wrdreg $0x60  }
0xb4: {  	[dreg:$0x2] =	wrdreg s17  }
0xb5: {  	[dreg:$0x3] =	wrdreg s24  }
0xb6: {  	[dreg:$0x4] =	wrdreg s16  }
0xb7: {  	[dreg:$0x5] =	wrdreg s18  }
0xb8: {  	[dreg:$0x6] =	wrdreg $0x7D000  }
0xb9: {  	[dreg:$0x7] =	wrdreg $0x9  }
0xba: {  	_ =	task.clear_ibuf [dreg:s9], $0x8FFFF;
	_ =	strace $0x90000049  }
0xbb: {  	s29 =	simm.s32 $0x9;
	_ =	strace $0x8000004B  }
0xbc: {  	_ =	swait.ge [sflag:s29], $0x1  }
0xbd: {  	[sflag:s29] =	ssyncadd.s32 $0xFFFFFFFF  }
0xbe: {  	_ =	strace $0x9000004B  }
0xbf: {  	_ =	sfence  }
0xc0: {  	s30 =	sld [smem:$0x0];
	_ =	sdelay $0x2  }
0xc1: {  	s31 =	sshll.u32 s1, $0xD;
	s1 =	sshrl.u32 s1, $0x2  }
0xc2: {  	s3 =	sand.u32 $0x4000, s31;
	s1 =	sadd.s32 s1, s30  }
0xc3: {  	s0 =	sor.u32 s3, s0;
	s1 =	sshll.u32 s1, $0x11  }
0xc4: {  	s0 =	sor.u32 s1, s0  }
0xc5: {  	s0 =	sadd.s32 $0x8F2B, s0  }
0xc6: {  	[sflag:s0] =	ssyncadd.remote.s32 $0x1  }
0xc7: {  	_ =	sfence.sel $0xFFFF  }
0xc8: {  	[dreg:$0x0] =	wrdreg $0xFFFFFFFF;
	(pc) =	sbr.abs _section_cstart, $3  }
0xc9: {  	[dreg:$0x1] =	wrdreg $0xFFFFFFFF  }
0xca: {  	_ =	task.clear_ibuf [dreg:s9], $0x2FFFF;
	_ =	strace $0x9FFFFFFF  }
0xcb: {  	(tm) =	ssettm $0x7FFFFFFF  }
tec
execute0_lowered:
.L_overlay_start_1:
0x0: {  	(tag) =	ssettag $0x1  }
0x1: {  	s2 =	rddreg [dreg:$0x0]  }
0x2: {  	s12 =	rddreg [dreg:$0x1];
	s17 =	stileid.u32  }
0x3: {  	s1 =	rddreg [dreg:$0x2];
	s7 =	smul.u32 $0x280, s17  }
0x4: {  	s4 =	srdreg.scid;
	s8 =	smul.u32 $0x28000, s17  }
0x5: {  	s3 =	rddreg [dreg:$0x3];
	s5 =	sand.u32 $0x1, s4;
	s9 =	smul.u32 $0x1400, s17  }
0x6: {  	[dreg:$0x6] =	wrdreg s3;
	s6 =	smul.u32 $0x2800, s5  }
0x7: {  	s3 =	rddreg [dreg:$0x4];
	s4 =	simm.s32 $0x0;
	s29 =	smul.u32 $0x14000, s5  }
0x8: {  	[smem:$0x7FF] =	sst s4;
	s18 =	smul.u32 $0xA000, s5  }
0x9: {  	s8 =	sshrl.u32 s8, $0x2;
	_ =	strace $0x8000004A;
	s6 =	sadd.s32 s7, s6  }
0xa: {  	s0 =	sadd.s32 s8, s3;
	s7 =	sadd.s32 s9, s29;
	s23 =	rddreg [dreg:$0x6]  }
0xb: {  	s6 =	sshrl.u32 s6, $0x3;
	s10 =	sadd.s32 $0x2800, s0;
	s7 =	sadd.s32 s7, s12  }
0xc: {  	s11 =	sadd.s32 $0x5000, s0;
	s13 =	sadd.s32 $0x7800, s0;
	[dreg:$0x7] =	wrdreg s10  }
0xd: {  	s30 =	sadd.s32 s6, s12;
	[dreg:$0x8] =	wrdreg s11;
	s10 =	smul.u32 $0x14000, s17  }
0xe: {  	s11 =	smul.u32 $0xA00, s17;
	[dreg:$0x9] =	wrdreg s13;
	s2 =	sadd.s32 s2, s6  }
0xf: {  	s16 =	sadd.s32 $0x42E00, s7;
	s7 =	simm.s32 $0x5500;
	[dreg:$0xa] =	wrdreg s2  }
0x10: {  	s14 =	sadd.s32 $0x6B400, s30;
	[dreg:$0xc] =	wrdreg s16;
	s20 =	sadd.s32 $0x120E00, s30  }
0x11: {  	[tilespmem:s7], [sflag:$0x5] =	stream.linear.gather [hbm4b:s23+s4], $0x2800, $0x38;
	[tilespmem:$0x11D00] =	vst v63  }
0x12: {  	s22 =	sadd.s32 $0x6BE00, s30;
	s15 =	sshrl.u32 s10, $0x2;
	[dreg:$0xb] =	wrdreg s14  }
0x13: {  	s6 =	sadd.s32 s11, s18;
	[dreg:$0xe] =	wrdreg s20;
	s15 =	sadd.s32 s15, s3  }
0x14: {  	[dreg:$0xf] =	wrdreg s22;
	s21 =	sadd.s32 s6, s12;
	s19 =	sadd.s32 $0x2800, s15  }
0x15: {  	s2 =	sadd.s32 $0x2EE00, s21;
	[dreg:$0xd] =	wrdreg s19  }
0x16: {  	s8 =	simm.s32 $0x5;
	[dreg:$0x10] =	wrdreg s2  }
0x17: {  	_ =	swait.ge [sflag:s8], $0x2800  }
0x18: {  	[sflag:s8] =	ssyncset.done $0x0  }
0x19: {  	[sflag:s8] =	ssyncadd.s32 $0xFFFFD800  }
0x1a: {  	[spmem:s0] =	stream.linear.scatter [tilespmem:s7], [sflag:$0x5], $0x2800, $0x38;
	[tilespmem:$0x11D00] =	vst v63  }
0x1b: {  	_ =	swait.ge [sflag:s8], $0x2800  }
0x1c: {  	[sflag:s8] =	ssyncset.done $0x0  }
0x1d: {  	s24 =	rddreg [dreg:$0x7];
	[sflag:s8] =	ssyncadd.s32 $0xFFFFD800  }
0x1e: {  	[spmem:s24] =	stream.linear.scatter [tilespmem:s7], [sflag:$0x5], $0x2800, $0x38;
	[tilespmem:$0x11D00] =	vst v63  }
0x1f: {  	_ =	swait.ge [sflag:s8], $0x2800  }
0x20: {  	[sflag:s8] =	ssyncset.done $0x0  }
0x21: {  	s25 =	rddreg [dreg:$0x8];
	[sflag:s8] =	ssyncadd.s32 $0xFFFFD800  }
0x22: {  	[spmem:s25] =	stream.linear.scatter [tilespmem:s7], [sflag:$0x5], $0x2800, $0x38;
	[tilespmem:$0x11D00] =	vst v63  }
0x23: {  	_ =	swait.ge [sflag:s8], $0x2800  }
0x24: {  	[sflag:s8] =	ssyncset.done $0x0  }
0x25: {  	s26 =	rddreg [dreg:$0x9];
	[sflag:s8] =	ssyncadd.s32 $0xFFFFD800  }
0x26: {  	[spmem:s26] =	stream.linear.scatter [tilespmem:s7], [sflag:$0x5], $0x2800, $0x38;
	[tilespmem:$0x11D00] =	vst v63  }
0x27: {  	_ =	swait.ge [sflag:s8], $0x2800  }
0x28: {  	[sflag:s8] =	ssyncset.done $0x0  }
0x29: {  	[sflag:s8] =	ssyncadd.s32 $0xFFFFD800  }
0x2a: {  	[bflag:$0x0] =	sbarrier.arrive $0xFFFF  }
0x2b: {  	s28 =	rddreg [dreg:$0xa]  }
0x2c: {  	[tilespmem:s4], [sflag:$0x5] =	stream.linear.gather [hbm4b:s28+s4], $0x280, $0x38;
	[tilespmem:$0x11D00] =	vst v63  }
0x2d: {  	_ =	swait.ge [sflag:s8], $0x280  }
0x2e: {  	[sflag:s8] =	ssyncset.done $0x0  }
0x2f: {  	s9 =	simm.s32 $0x280;
	s29 =	rddreg [dreg:$0xb];
	[sflag:s8] =	ssyncadd.s32 $0xFFFFFD80  }
0x30: {  	[tilespmem:s9], [sflag:$0x5] =	stream.linear.gather [hbm4b:s29+s4], $0x280, $0x38;
	[tilespmem:$0x11D00] =	vst v63  }
0x31: {  	_ =	swait.ge [sflag:s8], $0x280  }
0x32: {  	[sflag:s8] =	ssyncset.done $0x0  }
0x33: {  	s10 =	simm.s32 $0x50;
	s11 =	simm.s32 $0x500;
	[sflag:s8] =	ssyncadd.s32 $0xFFFFFD80  }
0x34: {  	[tilespmem:s11], [sflag:$0x1] =	stream.indirect.gather [hbm4b:s1+s10], $0x80, s4, s10, $0xb8;
	[tilespmem:$0x11D00] =	vst v63  }
0x35: {  	s13 =	simm.s32 $0x1;
	s12 =	simm.s32 $0x2D00  }
0x36: {  	[tilespmem:s12], [sflag:$0x2] =	stream.indirect.gather [hbm4b:s1+s10], $0x80, s10, s10, $0xb8;
	[tilespmem:$0x11D00] =	vst v63  }
0x37: {  	_ =	swait.ge [sflag:s13], $0x2800  }
0x38: {  	[sflag:s13] =	ssyncset.done $0x0  }
0x39: {  	s14 =	simm.s32 $0x3;
	[sflag:s13] =	ssyncadd.s32 $0xFFFFD800  }
0x3a: {  	[spmem:s3] =	stream.indirect.scatter.add.f32 [tilespmem:s11], [sflag:$0x3], $0x80, s9, s10, $0xb8;
	[tilespmem:$0x11D00] =	vst v63  }
0x3b: {  	_ =	swait.ge [sflag:s14], $0x2800  }
0x3c: {  	[sflag:s14] =	ssyncset.done $0x0  }
0x3d: {  	s30 =	simm.s32 $0xA0;
	s16 =	simm.s32 $0x2;
	[sflag:s14] =	ssyncadd.s32 $0xFFFFD800  }
0x3e: {  	[tilespmem:s11], [sflag:$0x1] =	stream.indirect.gather [hbm4b:s1+s10], $0x80, s30, s10, $0xb8;
	[tilespmem:$0x11D00] =	vst v63  }
0x3f: {  	_ =	swait.ge [sflag:s16], $0x2800  }
0x40: {  	[sflag:s16] =	ssyncset.done $0x0  }
0x41: {  	s18 =	simm.s32 $0x4;
	s6 =	simm.s32 $0x2D0;
	[sflag:s16] =	ssyncadd.s32 $0xFFFFD800  }
0x42: {  	[spmem:s3] =	stream.indirect.scatter.add.f32 [tilespmem:s12], [sflag:$0x4], $0x80, s6, s10, $0xb8;
	[tilespmem:$0x11D00] =	vst v63  }
0x43: {  	_ =	swait.ge [sflag:s18], $0x2800  }
0x44: {  	[sflag:s18] =	ssyncset.done $0x0  }
0x45: {  	s21 =	simm.s32 $0xF0;
	[sflag:s18] =	ssyncadd.s32 $0xFFFFD800  }
0x46: {  	[tilespmem:s12], [sflag:$0x2] =	stream.indirect.gather [hbm4b:s1+s10], $0x80, s21, s10, $0xb8;
	[tilespmem:$0x11D00] =	vst v63  }
0x47: {  	_ =	swait.ge [sflag:s13], $0x2800  }
0x48: {  	[sflag:s13] =	ssyncset.done $0x0  }
0x49: {  	s22 =	simm.s32 $0x320;
	[sflag:s13] =	ssyncadd.s32 $0xFFFFD800  }
0x4a: {  	[spmem:s3] =	stream.indirect.scatter.add.f32 [tilespmem:s11], [sflag:$0x3], $0x80, s22, s10, $0xb8;
	[tilespmem:$0x11D00] =	vst v63  }
0x4b: {  	_ =	swait.ge [sflag:s14], $0x2800  }
0x4c: {  	[sflag:s14] =	ssyncset.done $0x0  }
0x4d: {  	s23 =	simm.s32 $0x140;
	[sflag:s14] =	ssyncadd.s32 $0xFFFFD800  }
0x4e: {  	[tilespmem:s11], [sflag:$0x1] =	stream.indirect.gather [hbm4b:s1+s10], $0x80, s23, s10, $0xb8;
	[tilespmem:$0x11D00] =	vst v63  }
0x4f: {  	_ =	swait.ge [sflag:s16], $0x2800  }
0x50: {  	[sflag:s16] =	ssyncset.done $0x0  }
0x51: {  	s24 =	simm.s32 $0x370;
	[sflag:s16] =	ssyncadd.s32 $0xFFFFD800  }
0x52: {  	[spmem:s3] =	stream.indirect.scatter.add.f32 [tilespmem:s12], [sflag:$0x4], $0x80, s24, s10, $0xb8;
	[tilespmem:$0x11D00] =	vst v63  }
0x53: {  	_ =	swait.ge [sflag:s18], $0x2800  }
0x54: {  	[sflag:s18] =	ssyncset.done $0x0  }
0x55: {  	s25 =	simm.s32 $0x190;
	[sflag:s18] =	ssyncadd.s32 $0xFFFFD800  }
0x56: {  	[tilespmem:s12], [sflag:$0x2] =	stream.indirect.gather [hbm4b:s1+s10], $0x80, s25, s10, $0xb8;
	[tilespmem:$0x11D00] =	vst v63  }
0x57: {  	_ =	swait.ge [sflag:s13], $0x2800  }
0x58: {  	[sflag:s13] =	ssyncset.done $0x0  }
0x59: {  	s26 =	simm.s32 $0x3C0;
	[sflag:s13] =	ssyncadd.s32 $0xFFFFD800  }
0x5a: {  	[spmem:s3] =	stream.indirect.scatter.add.f32 [tilespmem:s11], [sflag:$0x3], $0x80, s26, s10, $0xb8;
	[tilespmem:$0x11D00] =	vst v63  }
0x5b: {  	_ =	swait.ge [sflag:s14], $0x2800  }
0x5c: {  	[sflag:s14] =	ssyncset.done $0x0  }
0x5d: {  	s28 =	simm.s32 $0x1E0;
	[sflag:s14] =	ssyncadd.s32 $0xFFFFD800  }
0x5e: {  	[tilespmem:s11], [sflag:$0x1] =	stream.indirect.gather [hbm4b:s1+s10], $0x80, s28, s10, $0xb8;
	[tilespmem:$0x11D00] =	vst v63  }
0x5f: {  	_ =	swait.ge [sflag:s16], $0x2800  }
0x60: {  	[sflag:s16] =	ssyncset.done $0x0  }
0x61: {  	s29 =	simm.s32 $0x410;
	[sflag:s16] =	ssyncadd.s32 $0xFFFFD800  }
0x62: {  	[spmem:s3] =	stream.indirect.scatter.add.f32 [tilespmem:s12], [sflag:$0x4], $0x80, s29, s10, $0xb8;
	[tilespmem:$0x11D00] =	vst v63  }
0x63: {  	_ =	swait.ge [sflag:s18], $0x2800  }
0x64: {  	[sflag:s18] =	ssyncset.done $0x0  }
0x65: {  	s30 =	simm.s32 $0x230;
	[sflag:s18] =	ssyncadd.s32 $0xFFFFD800  }
0x66: {  	[tilespmem:s12], [sflag:$0x2] =	stream.indirect.gather [hbm4b:s1+s10], $0x80, s30, s10, $0xb8;
	[tilespmem:$0x11D00] =	vst v63  }
0x67: {  	_ =	swait.ge [sflag:s13], $0x2800  }
0x68: {  	[sflag:s13] =	ssyncset.done $0x0  }
0x69: {  	s20 =	simm.s32 $0x460;
	[sflag:s13] =	ssyncadd.s32 $0xFFFFD800  }
0x6a: {  	[spmem:s3] =	stream.indirect.scatter.add.f32 [tilespmem:s11], [sflag:$0x3], $0x80, s20, s10, $0xb8;
	[tilespmem:$0x11D00] =	vst v63  }
0x6b: {  	_ =	swait.ge [sflag:s16], $0x2800  }
0x6c: {  	[sflag:s16] =	ssyncset.done $0x0  }
0x6d: {  	s19 =	simm.s32 $0x4B0;
	[sflag:s16] =	ssyncadd.s32 $0xFFFFD800  }
0x6e: {  	[spmem:s3] =	stream.indirect.scatter.add.f32 [tilespmem:s12], [sflag:$0x4], $0x80, s19, s10, $0xb8;
	[tilespmem:$0x11D00] =	vst v63  }
0x6f: {  	_ =	swait.ge [sflag:s18], $0x2800  }
0x70: {  	[sflag:s18] =	ssyncset.done $0x0  }
0x71: {  	[sflag:s18] =	ssyncadd.s32 $0xFFFFD800  }
0x72: {  	_ =	swait.ge [sflag:s14], $0x2800  }
0x73: {  	[sflag:s14] =	ssyncset.done $0x0  }
0x74: {  	[sflag:s14] =	ssyncadd.s32 $0xFFFFD800  }
0x75: {  	[bflag:$0x0] =	sbarrier.arrive $0xFFFF  }
0x76: {  	s6 =	rddreg [dreg:$0xc]  }
0x77: {  	s17 =	sshll.u32 s17, $0x6;
	[dreg:$0x11] =	wrdreg s0;
	s0 =	sshrl.u32 s0, $0x3  }
0x78: {  	s31 =	sor.u32 $0x1C05, s17;
	[dreg:$0x12] =	wrdreg s0  }
0x79: {  	[hbm:s6], [sflag:s31] =	dma.local [spmem:s0], $0x1400  }
0x7a: {  	_ =	swait.ge [sflag:s8], $0x1400  }
0x7b: {  	[sflag:s8] =	ssyncset.done $0x0  }
0x7c: {  	[sflag:s8] =	ssyncadd.s32 $0xFFFFEC00  }
0x7d: {  	[bflag:$0x0] =	sbarrier.arrive $0xFFFF  }
0x7e: {  	[spmem:s15] =	stream.linear.scatter [tilespmem:s7], [sflag:$0x5], $0x2800, $0x38;
	[tilespmem:$0x11D00] =	vst v63  }
0x7f: {  	_ =	swait.ge [sflag:s8], $0x2800  }
0x80: {  	[sflag:s8] =	ssyncset.done $0x0  }
0x81: {  	s2 =	rddreg [dreg:$0xd];
	[sflag:s8] =	ssyncadd.s32 $0xFFFFD800  }
0x82: {  	[spmem:s2] =	stream.linear.scatter [tilespmem:s7], [sflag:$0x5], $0x2800, $0x38;
	[tilespmem:$0x11D00] =	vst v63  }
0x83: {  	_ =	swait.ge [sflag:s8], $0x2800  }
0x84: {  	[sflag:s8] =	ssyncset.done $0x0  }
0x85: {  	[sflag:s8] =	ssyncadd.s32 $0xFFFFD800  }
0x86: {  	[bflag:$0x0] =	sbarrier.arrive $0xFFFF  }
0x87: {  	s17 =	rddreg [dreg:$0xe]  }
0x88: {  	[tilespmem:s4], [sflag:$0x5] =	stream.linear.gather [hbm4b:s17+s4], $0x280, $0x38;
	[tilespmem:$0x11D00] =	vst v63  }
0x89: {  	_ =	swait.ge [sflag:s8], $0x280  }
0x8a: {  	[sflag:s8] =	ssyncset.done $0x0  }
0x8b: {  	s0 =	rddreg [dreg:$0xf];
	[sflag:s8] =	ssyncadd.s32 $0xFFFFFD80  }
0x8c: {  	[tilespmem:s9], [sflag:$0x5] =	stream.linear.gather [hbm4b:s0+s4], $0x280, $0x38;
	[tilespmem:$0x11D00] =	vst v63  }
0x8d: {  	_ =	swait.ge [sflag:s8], $0x280  }
0x8e: {  	[sflag:s8] =	ssyncset.done $0x0  }
0x8f: {  	s2 =	rddreg [dreg:$0x1]  }
0x90: {  	[sflag:s8] =	ssyncadd.s32 $0xFFFFFD80;
	s0 =	sadd.s32 $0x6E00, s2  }
0x91: {  	[tilespmem:s11], [sflag:$0x1] =	stream.indirect.gather [hbm4b:s0+s10], $0x80, s4, s10, $0xb8;
	[tilespmem:$0x11D00] =	vst v63  }
0x92: {  	_ = 	snop  }
0x93: {  	[tilespmem:s12], [sflag:$0x2] =	stream.indirect.gather [hbm4b:s0+s10], $0x80, s10, s10, $0xb8;
	[tilespmem:$0x11D00] =	vst v63  }
0x94: {  	_ =	swait.ge [sflag:s13], $0x2800  }
0x95: {  	[sflag:s13] =	ssyncset.done $0x0  }
0x96: {  	[sflag:s13] =	ssyncadd.s32 $0xFFFFD800  }
0x97: {  	[spmem:s3] =	stream.indirect.scatter.add.f32 [tilespmem:s11], [sflag:$0x3], $0x80, s9, s10, $0xb8;
	[tilespmem:$0x11D00] =	vst v63  }
0x98: {  	_ =	swait.ge [sflag:s14], $0x2800  }
0x99: {  	[sflag:s14] =	ssyncset.done $0x0  }
0x9a: {  	s6 =	simm.s32 $0xA0;
	[sflag:s14] =	ssyncadd.s32 $0xFFFFD800  }
0x9b: {  	[tilespmem:s11], [sflag:$0x1] =	stream.indirect.gather [hbm4b:s0+s10], $0x80, s6, s10, $0xb8;
	[tilespmem:$0x11D00] =	vst v63  }
0x9c: {  	_ =	swait.ge [sflag:s16], $0x2800  }
0x9d: {  	[sflag:s16] =	ssyncset.done $0x0  }
0x9e: {  	s17 =	simm.s32 $0x2D0;
	[sflag:s16] =	ssyncadd.s32 $0xFFFFD800  }
0x9f: {  	[spmem:s3] =	stream.indirect.scatter.add.f32 [tilespmem:s12], [sflag:$0x4], $0x80, s17, s10, $0xb8;
	[tilespmem:$0x11D00] =	vst v63  }
0xa0: {  	_ =	swait.ge [sflag:s18], $0x2800  }
0xa1: {  	[sflag:s18] =	ssyncset.done $0x0  }
0xa2: {  	[sflag:s18] =	ssyncadd.s32 $0xFFFFD800  }
0xa3: {  	[tilespmem:s12], [sflag:$0x2] =	stream.indirect.gather [hbm4b:s0+s10], $0x80, s21, s10, $0xb8;
	[tilespmem:$0x11D00] =	vst v63  }
0xa4: {  	_ =	swait.ge [sflag:s13], $0x2800  }
0xa5: {  	[sflag:s13] =	ssyncset.done $0x0  }
0xa6: {  	[sflag:s13] =	ssyncadd.s32 $0xFFFFD800  }
0xa7: {  	[spmem:s3] =	stream.indirect.scatter.add.f32 [tilespmem:s11], [sflag:$0x3], $0x80, s22, s10, $0xb8;
	[tilespmem:$0x11D00] =	vst v63  }
0xa8: {  	_ =	swait.ge [sflag:s14], $0x2800  }
0xa9: {  	[sflag:s14] =	ssyncset.done $0x0  }
0xaa: {  	[sflag:s14] =	ssyncadd.s32 $0xFFFFD800  }
0xab: {  	[tilespmem:s11], [sflag:$0x1] =	stream.indirect.gather [hbm4b:s0+s10], $0x80, s23, s10, $0xb8;
	[tilespmem:$0x11D00] =	vst v63  }
0xac: {  	_ =	swait.ge [sflag:s16], $0x2800  }
0xad: {  	[sflag:s16] =	ssyncset.done $0x0  }
0xae: {  	[sflag:s16] =	ssyncadd.s32 $0xFFFFD800  }
0xaf: {  	[spmem:s3] =	stream.indirect.scatter.add.f32 [tilespmem:s12], [sflag:$0x4], $0x80, s24, s10, $0xb8;
	[tilespmem:$0x11D00] =	vst v63  }
0xb0: {  	_ =	swait.ge [sflag:s18], $0x2800  }
0xb1: {  	[sflag:s18] =	ssyncset.done $0x0  }
0xb2: {  	[sflag:s18] =	ssyncadd.s32 $0xFFFFD800  }
0xb3: {  	[tilespmem:s12], [sflag:$0x2] =	stream.indirect.gather [hbm4b:s0+s10], $0x80, s25, s10, $0xb8;
	[tilespmem:$0x11D00] =	vst v63  }
0xb4: {  	_ =	swait.ge [sflag:s13], $0x2800  }
0xb5: {  	[sflag:s13] =	ssyncset.done $0x0  }
0xb6: {  	[sflag:s13] =	ssyncadd.s32 $0xFFFFD800  }
0xb7: {  	[spmem:s3] =	stream.indirect.scatter.add.f32 [tilespmem:s11], [sflag:$0x3], $0x80, s26, s10, $0xb8;
	[tilespmem:$0x11D00] =	vst v63  }
0xb8: {  	_ =	swait.ge [sflag:s14], $0x2800  }
0xb9: {  	[sflag:s14] =	ssyncset.done $0x0  }
0xba: {  	[sflag:s14] =	ssyncadd.s32 $0xFFFFD800  }
0xbb: {  	[tilespmem:s11], [sflag:$0x1] =	stream.indirect.gather [hbm4b:s0+s10], $0x80, s28, s10, $0xb8;
	[tilespmem:$0x11D00] =	vst v63  }
0xbc: {  	_ =	swait.ge [sflag:s16], $0x2800  }
0xbd: {  	[sflag:s16] =	ssyncset.done $0x0  }
0xbe: {  	[sflag:s16] =	ssyncadd.s32 $0xFFFFD800  }
0xbf: {  	[spmem:s3] =	stream.indirect.scatter.add.f32 [tilespmem:s12], [sflag:$0x4], $0x80, s29, s10, $0xb8;
	[tilespmem:$0x11D00] =	vst v63  }
0xc0: {  	_ =	swait.ge [sflag:s18], $0x2800  }
0xc1: {  	[sflag:s18] =	ssyncset.done $0x0  }
0xc2: {  	[sflag:s18] =	ssyncadd.s32 $0xFFFFD800  }
0xc3: {  	[tilespmem:s12], [sflag:$0x2] =	stream.indirect.gather [hbm4b:s0+s10], $0x80, s30, s10, $0xb8;
	[tilespmem:$0x11D00] =	vst v63  }
0xc4: {  	_ =	swait.ge [sflag:s13], $0x2800  }
0xc5: {  	[sflag:s13] =	ssyncset.done $0x0  }
0xc6: {  	[sflag:s13] =	ssyncadd.s32 $0xFFFFD800  }
0xc7: {  	[spmem:s3] =	stream.indirect.scatter.add.f32 [tilespmem:s11], [sflag:$0x3], $0x80, s20, s10, $0xb8;
	[tilespmem:$0x11D00] =	vst v63  }
0xc8: {  	_ =	swait.ge [sflag:s16], $0x2800  }
0xc9: {  	[sflag:s16] =	ssyncset.done $0x0  }
0xca: {  	[sflag:s16] =	ssyncadd.s32 $0xFFFFD800  }
0xcb: {  	[spmem:s3] =	stream.indirect.scatter.add.f32 [tilespmem:s12], [sflag:$0x4], $0x80, s19, s10, $0xb8;
	[tilespmem:$0x11D00] =	vst v63  }
0xcc: {  	_ =	swait.ge [sflag:s18], $0x2800  }
0xcd: {  	[sflag:s18] =	ssyncset.done $0x0  }
0xce: {  	[sflag:s18] =	ssyncadd.s32 $0xFFFFD800  }
0xcf: {  	_ =	swait.ge [sflag:s14], $0x2800  }
0xd0: {  	s5 =	ssub.s32 $0x2, s5;
	[sflag:s14] =	ssyncset.done $0x0  }
0xd1: {  	s29 =	sshrl.u32 s5, $0x1;
	[sflag:s14] =	ssyncadd.s32 $0xFFFFD800  }
0xd2: {  	s6 =	ssub.s32 s5, s29;
	[bflag:$0x0] =	sbarrier.arrive $0xFFFF  }
0xd3: {  	s6 =	smax.u32 s6, $0x1;
	s28 =	rddreg [dreg:$0x10]  }
0xd4: {  	p0 =	sne.s32 s6, $0x1;
	s30 =	sshrl.u32 s15, $0x3;
	[dreg:$0x13] =	wrdreg s15  }
.Ltmp0:
0xd5: {  	[dreg:$0x14] =	wrdreg s30;
	(pc) =	sbr.rel @!p0 .LBB2_3-.Ltmp0, $4  }
0xd6: {  	[hbm:s28], [sflag:s31] =	dma.local [spmem:s30], $0xA00  }
0xd7: {  	_ =	swait.ge [sflag:s8], $0xA00  }
0xd8: {  	[sflag:s8] =	ssyncset.done $0x0  }
0xd9: {  	s6 =	sadd.s32 $0xFFFFFFFF, s6;
	[sflag:s8] =	ssyncadd.s32 $0xFFFFF600  }
0xda: {  	s20 =	simm.s32 $0xA0;
	s21 =	simm.s32 $0x2D0;
	s22 =	simm.s32 $0xF0  }
0xdb: {  	s23 =	simm.s32 $0x320;
	s24 =	simm.s32 $0x140;
	s25 =	simm.s32 $0x370  }
0xdc: {  	s26 =	simm.s32 $0x190;
	s28 =	simm.s32 $0x3C0;
	s29 =	simm.s32 $0x1E0  }
0xdd: {  	s30 =	simm.s32 $0x410;
	s17 =	simm.s32 $0x460;
	s5 =	simm.s32 $0x4B0  }
.LBB2_2:
0xde: {  	[bflag:$0x0] =	sbarrier.arrive $0xFFFF  }
0xdf: {  	s15 =	rddreg [dreg:$0x6]  }
0xe0: {  	[tilespmem:s7], [sflag:$0x5] =	stream.linear.gather [hbm4b:s15+s4], $0x2800, $0x38;
	[tilespmem:$0x11D00] =	vst v63  }
0xe1: {  	_ =	swait.ge [sflag:s8], $0x2800  }
0xe2: {  	[sflag:s8] =	ssyncset.done $0x0  }
0xe3: {  	s2 =	rddreg [dreg:$0x11];
	[sflag:s8] =	ssyncadd.s32 $0xFFFFD800  }
0xe4: {  	[spmem:s2] =	stream.linear.scatter [tilespmem:s7], [sflag:$0x5], $0x2800, $0x38;
	[tilespmem:$0x11D00] =	vst v63  }
0xe5: {  	_ =	swait.ge [sflag:s8], $0x2800  }
0xe6: {  	[sflag:s8] =	ssyncset.done $0x0  }
0xe7: {  	s2 =	rddreg [dreg:$0x7];
	[sflag:s8] =	ssyncadd.s32 $0xFFFFD800  }
0xe8: {  	[spmem:s2] =	stream.linear.scatter [tilespmem:s7], [sflag:$0x5], $0x2800, $0x38;
	[tilespmem:$0x11D00] =	vst v63  }
0xe9: {  	_ =	swait.ge [sflag:s8], $0x2800  }
0xea: {  	[sflag:s8] =	ssyncset.done $0x0  }
0xeb: {  	s19 =	rddreg [dreg:$0x8];
	[sflag:s8] =	ssyncadd.s32 $0xFFFFD800  }
0xec: {  	[spmem:s19] =	stream.linear.scatter [tilespmem:s7], [sflag:$0x5], $0x2800, $0x38;
	[tilespmem:$0x11D00] =	vst v63  }
0xed: {  	_ =	swait.ge [sflag:s8], $0x2800  }
0xee: {  	[sflag:s8] =	ssyncset.done $0x0  }
0xef: {  	s2 =	rddreg [dreg:$0x9];
	[sflag:s8] =	ssyncadd.s32 $0xFFFFD800  }
0xf0: {  	[spmem:s2] =	stream.linear.scatter [tilespmem:s7], [sflag:$0x5], $0x2800, $0x38;
	[tilespmem:$0x11D00] =	vst v63  }
0xf1: {  	_ =	swait.ge [sflag:s8], $0x2800  }
0xf2: {  	[sflag:s8] =	ssyncset.done $0x0  }
0xf3: {  	[sflag:s8] =	ssyncadd.s32 $0xFFFFD800  }
0xf4: {  	[bflag:$0x0] =	sbarrier.arrive $0xFFFF  }
0xf5: {  	s19 =	rddreg [dreg:$0xa]  }
0xf6: {  	[tilespmem:s4], [sflag:$0x5] =	stream.linear.gather [hbm4b:s19+s4], $0x280, $0x38;
	[tilespmem:$0x11D00] =	vst v63  }
0xf7: {  	_ =	swait.ge [sflag:s8], $0x280  }
0xf8: {  	[sflag:s8] =	ssyncset.done $0x0  }
0xf9: {  	s2 =	rddreg [dreg:$0xb];
	[sflag:s8] =	ssyncadd.s32 $0xFFFFFD80  }
0xfa: {  	[tilespmem:s9], [sflag:$0x5] =	stream.linear.gather [hbm4b:s2+s4], $0x280, $0x38;
	[tilespmem:$0x11D00] =	vst v63  }
0xfb: {  	_ =	swait.ge [sflag:s8], $0x280  }
0xfc: {  	[sflag:s8] =	ssyncset.done $0x0  }
0xfd: {  	[sflag:s8] =	ssyncadd.s32 $0xFFFFFD80  }
0xfe: {  	[tilespmem:s11], [sflag:$0x1] =	stream.indirect.gather [hbm4b:s1+s10], $0x80, s4, s10, $0xb8;
	[tilespmem:$0x11D00] =	vst v63  }
0xff: {  	_ = 	snop  }
0x100: {  	[tilespmem:s12], [sflag:$0x2] =	stream.indirect.gather [hbm4b:s1+s10], $0x80, s10, s10, $0xb8;
	[tilespmem:$0x11D00] =	vst v63  }
0x101: {  	_ =	swait.ge [sflag:s13], $0x2800  }
0x102: {  	[sflag:s13] =	ssyncset.done $0x0  }
0x103: {  	[sflag:s13] =	ssyncadd.s32 $0xFFFFD800  }
0x104: {  	[spmem:s3] =	stream.indirect.scatter.add.f32 [tilespmem:s11], [sflag:$0x3], $0x80, s9, s10, $0xb8;
	[tilespmem:$0x11D00] =	vst v63  }
0x105: {  	_ =	swait.ge [sflag:s14], $0x2800  }
0x106: {  	[sflag:s14] =	ssyncset.done $0x0  }
0x107: {  	[sflag:s14] =	ssyncadd.s32 $0xFFFFD800  }
0x108: {  	[tilespmem:s11], [sflag:$0x1] =	stream.indirect.gather [hbm4b:s1+s10], $0x80, s20, s10, $0xb8;
	[tilespmem:$0x11D00] =	vst v63  }
0x109: {  	_ =	swait.ge [sflag:s16], $0x2800  }
0x10a: {  	[sflag:s16] =	ssyncset.done $0x0  }
0x10b: {  	[sflag:s16] =	ssyncadd.s32 $0xFFFFD800  }
0x10c: {  	[spmem:s3] =	stream.indirect.scatter.add.f32 [tilespmem:s12], [sflag:$0x4], $0x80, s21, s10, $0xb8;
	[tilespmem:$0x11D00] =	vst v63  }
0x10d: {  	_ =	swait.ge [sflag:s18], $0x2800  }
0x10e: {  	[sflag:s18] =	ssyncset.done $0x0  }
0x10f: {  	[sflag:s18] =	ssyncadd.s32 $0xFFFFD800  }
0x110: {  	[tilespmem:s12], [sflag:$0x2] =	stream.indirect.gather [hbm4b:s1+s10], $0x80, s22, s10, $0xb8;
	[tilespmem:$0x11D00] =	vst v63  }
0x111: {  	_ =	swait.ge [sflag:s13], $0x2800  }
0x112: {  	[sflag:s13] =	ssyncset.done $0x0  }
0x113: {  	[sflag:s13] =	ssyncadd.s32 $0xFFFFD800  }
0x114: {  	[spmem:s3] =	stream.indirect.scatter.add.f32 [tilespmem:s11], [sflag:$0x3], $0x80, s23, s10, $0xb8;
	[tilespmem:$0x11D00] =	vst v63  }
0x115: {  	_ =	swait.ge [sflag:s14], $0x2800  }
0x116: {  	[sflag:s14] =	ssyncset.done $0x0  }
0x117: {  	[sflag:s14] =	ssyncadd.s32 $0xFFFFD800  }
0x118: {  	[tilespmem:s11], [sflag:$0x1] =	stream.indirect.gather [hbm4b:s1+s10], $0x80, s24, s10, $0xb8;
	[tilespmem:$0x11D00] =	vst v63  }
0x119: {  	_ =	swait.ge [sflag:s16], $0x2800  }
0x11a: {  	[sflag:s16] =	ssyncset.done $0x0  }
0x11b: {  	[sflag:s16] =	ssyncadd.s32 $0xFFFFD800  }
0x11c: {  	[spmem:s3] =	stream.indirect.scatter.add.f32 [tilespmem:s12], [sflag:$0x4], $0x80, s25, s10, $0xb8;
	[tilespmem:$0x11D00] =	vst v63  }
0x11d: {  	_ =	swait.ge [sflag:s18], $0x2800  }
0x11e: {  	[sflag:s18] =	ssyncset.done $0x0  }
0x11f: {  	[sflag:s18] =	ssyncadd.s32 $0xFFFFD800  }
0x120: {  	[tilespmem:s12], [sflag:$0x2] =	stream.indirect.gather [hbm4b:s1+s10], $0x80, s26, s10, $0xb8;
	[tilespmem:$0x11D00] =	vst v63  }
0x121: {  	_ =	swait.ge [sflag:s13], $0x2800  }
0x122: {  	[sflag:s13] =	ssyncset.done $0x0  }
0x123: {  	[sflag:s13] =	ssyncadd.s32 $0xFFFFD800  }
0x124: {  	[spmem:s3] =	stream.indirect.scatter.add.f32 [tilespmem:s11], [sflag:$0x3], $0x80, s28, s10, $0xb8;
	[tilespmem:$0x11D00] =	vst v63  }
0x125: {  	_ =	swait.ge [sflag:s14], $0x2800  }
0x126: {  	[sflag:s14] =	ssyncset.done $0x0  }
0x127: {  	[sflag:s14] =	ssyncadd.s32 $0xFFFFD800  }
0x128: {  	[tilespmem:s11], [sflag:$0x1] =	stream.indirect.gather [hbm4b:s1+s10], $0x80, s29, s10, $0xb8;
	[tilespmem:$0x11D00] =	vst v63  }
0x129: {  	_ =	swait.ge [sflag:s16], $0x2800  }
0x12a: {  	[sflag:s16] =	ssyncset.done $0x0  }
0x12b: {  	[sflag:s16] =	ssyncadd.s32 $0xFFFFD800  }
0x12c: {  	[spmem:s3] =	stream.indirect.scatter.add.f32 [tilespmem:s12], [sflag:$0x4], $0x80, s30, s10, $0xb8;
	[tilespmem:$0x11D00] =	vst v63  }
0x12d: {  	_ =	swait.ge [sflag:s18], $0x2800  }
0x12e: {  	[sflag:s18] =	ssyncset.done $0x0  }
0x12f: {  	s2 =	simm.s32 $0x230;
	[sflag:s18] =	ssyncadd.s32 $0xFFFFD800  }
0x130: {  	[tilespmem:s12], [sflag:$0x2] =	stream.indirect.gather [hbm4b:s1+s10], $0x80, s2, s10, $0xb8;
	[tilespmem:$0x11D00] =	vst v63  }
0x131: {  	_ =	swait.ge [sflag:s13], $0x2800  }
0x132: {  	[sflag:s13] =	ssyncset.done $0x0  }
0x133: {  	[sflag:s13] =	ssyncadd.s32 $0xFFFFD800  }
0x134: {  	[spmem:s3] =	stream.indirect.scatter.add.f32 [tilespmem:s11], [sflag:$0x3], $0x80, s17, s10, $0xb8;
	[tilespmem:$0x11D00] =	vst v63  }
0x135: {  	_ =	swait.ge [sflag:s16], $0x2800  }
0x136: {  	[sflag:s16] =	ssyncset.done $0x0  }
0x137: {  	[sflag:s16] =	ssyncadd.s32 $0xFFFFD800  }
0x138: {  	[spmem:s3] =	stream.indirect.scatter.add.f32 [tilespmem:s12], [sflag:$0x4], $0x80, s5, s10, $0xb8;
	[tilespmem:$0x11D00] =	vst v63  }
0x139: {  	_ =	swait.ge [sflag:s18], $0x2800  }
0x13a: {  	[sflag:s18] =	ssyncset.done $0x0  }
0x13b: {  	[sflag:s18] =	ssyncadd.s32 $0xFFFFD800  }
0x13c: {  	_ =	swait.ge [sflag:s14], $0x2800  }
0x13d: {  	[sflag:s14] =	ssyncset.done $0x0  }
0x13e: {  	[sflag:s14] =	ssyncadd.s32 $0xFFFFD800  }
0x13f: {  	[bflag:$0x0] =	sbarrier.arrive $0xFFFF  }
0x140: {  	s15 =	rddreg [dreg:$0xc]  }
0x141: {  	s19 =	rddreg [dreg:$0x12]  }
0x142: {  	[hbm:s15], [sflag:s31] =	dma.local [spmem:s19], $0x1400  }
0x143: {  	_ =	swait.ge [sflag:s8], $0x1400  }
0x144: {  	[sflag:s8] =	ssyncset.done $0x0  }
0x145: {  	[sflag:s8] =	ssyncadd.s32 $0xFFFFEC00  }
0x146: {  	[bflag:$0x0] =	sbarrier.arrive $0xFFFF  }
0x147: {  	s19 =	rddreg [dreg:$0x13]  }
0x148: {  	[spmem:s19] =	stream.linear.scatter [tilespmem:s7], [sflag:$0x5], $0x2800, $0x38;
	[tilespmem:$0x11D00] =	vst v63  }
0x149: {  	_ =	swait.ge [sflag:s8], $0x2800  }
0x14a: {  	[sflag:s8] =	ssyncset.done $0x0  }
0x14b: {  	s19 =	rddreg [dreg:$0xd];
	[sflag:s8] =	ssyncadd.s32 $0xFFFFD800  }
0x14c: {  	[spmem:s19] =	stream.linear.scatter [tilespmem:s7], [sflag:$0x5], $0x2800, $0x38;
	[tilespmem:$0x11D00] =	vst v63  }
0x14d: {  	_ =	swait.ge [sflag:s8], $0x2800  }
0x14e: {  	[sflag:s8] =	ssyncset.done $0x0  }
0x14f: {  	[sflag:s8] =	ssyncadd.s32 $0xFFFFD800  }
0x150: {  	[bflag:$0x0] =	sbarrier.arrive $0xFFFF  }
0x151: {  	s19 =	rddreg [dreg:$0xe]  }
0x152: {  	[tilespmem:s4], [sflag:$0x5] =	stream.linear.gather [hbm4b:s19+s4], $0x280, $0x38;
	[tilespmem:$0x11D00] =	vst v63  }
0x153: {  	_ =	swait.ge [sflag:s8], $0x280  }
0x154: {  	[sflag:s8] =	ssyncset.done $0x0  }
0x155: {  	s19 =	rddreg [dreg:$0xf];
	[sflag:s8] =	ssyncadd.s32 $0xFFFFFD80  }
0x156: {  	[tilespmem:s9], [sflag:$0x5] =	stream.linear.gather [hbm4b:s19+s4], $0x280, $0x38;
	[tilespmem:$0x11D00] =	vst v63  }
0x157: {  	_ =	swait.ge [sflag:s8], $0x280  }
0x158: {  	[sflag:s8] =	ssyncset.done $0x0  }
0x159: {  	[sflag:s8] =	ssyncadd.s32 $0xFFFFFD80  }
0x15a: {  	[tilespmem:s11], [sflag:$0x1] =	stream.indirect.gather [hbm4b:s0+s10], $0x80, s4, s10, $0xb8;
	[tilespmem:$0x11D00] =	vst v63  }
0x15b: {  	_ = 	snop  }
0x15c: {  	[tilespmem:s12], [sflag:$0x2] =	stream.indirect.gather [hbm4b:s0+s10], $0x80, s10, s10, $0xb8;
	[tilespmem:$0x11D00] =	vst v63  }
0x15d: {  	_ =	swait.ge [sflag:s13], $0x2800  }
0x15e: {  	[sflag:s13] =	ssyncset.done $0x0  }
0x15f: {  	[sflag:s13] =	ssyncadd.s32 $0xFFFFD800  }
0x160: {  	[spmem:s3] =	stream.indirect.scatter.add.f32 [tilespmem:s11], [sflag:$0x3], $0x80, s9, s10, $0xb8;
	[tilespmem:$0x11D00] =	vst v63  }
0x161: {  	_ =	swait.ge [sflag:s14], $0x2800  }
0x162: {  	[sflag:s14] =	ssyncset.done $0x0  }
0x163: {  	[sflag:s14] =	ssyncadd.s32 $0xFFFFD800  }
0x164: {  	[tilespmem:s11], [sflag:$0x1] =	stream.indirect.gather [hbm4b:s0+s10], $0x80, s20, s10, $0xb8;
	[tilespmem:$0x11D00] =	vst v63  }
0x165: {  	_ =	swait.ge [sflag:s16], $0x2800  }
0x166: {  	[sflag:s16] =	ssyncset.done $0x0  }
0x167: {  	[sflag:s16] =	ssyncadd.s32 $0xFFFFD800  }
0x168: {  	[spmem:s3] =	stream.indirect.scatter.add.f32 [tilespmem:s12], [sflag:$0x4], $0x80, s21, s10, $0xb8;
	[tilespmem:$0x11D00] =	vst v63  }
0x169: {  	_ =	swait.ge [sflag:s18], $0x2800  }
0x16a: {  	[sflag:s18] =	ssyncset.done $0x0  }
0x16b: {  	[sflag:s18] =	ssyncadd.s32 $0xFFFFD800  }
0x16c: {  	[tilespmem:s12], [sflag:$0x2] =	stream.indirect.gather [hbm4b:s0+s10], $0x80, s22, s10, $0xb8;
	[tilespmem:$0x11D00] =	vst v63  }
0x16d: {  	_ =	swait.ge [sflag:s13], $0x2800  }
0x16e: {  	[sflag:s13] =	ssyncset.done $0x0  }
0x16f: {  	[sflag:s13] =	ssyncadd.s32 $0xFFFFD800  }
0x170: {  	[spmem:s3] =	stream.indirect.scatter.add.f32 [tilespmem:s11], [sflag:$0x3], $0x80, s23, s10, $0xb8;
	[tilespmem:$0x11D00] =	vst v63  }
0x171: {  	_ =	swait.ge [sflag:s14], $0x2800  }
0x172: {  	[sflag:s14] =	ssyncset.done $0x0  }
0x173: {  	[sflag:s14] =	ssyncadd.s32 $0xFFFFD800  }
0x174: {  	[tilespmem:s11], [sflag:$0x1] =	stream.indirect.gather [hbm4b:s0+s10], $0x80, s24, s10, $0xb8;
	[tilespmem:$0x11D00] =	vst v63  }
0x175: {  	_ =	swait.ge [sflag:s16], $0x2800  }
0x176: {  	[sflag:s16] =	ssyncset.done $0x0  }
0x177: {  	[sflag:s16] =	ssyncadd.s32 $0xFFFFD800  }
0x178: {  	[spmem:s3] =	stream.indirect.scatter.add.f32 [tilespmem:s12], [sflag:$0x4], $0x80, s25, s10, $0xb8;
	[tilespmem:$0x11D00] =	vst v63  }
0x179: {  	_ =	swait.ge [sflag:s18], $0x2800  }
0x17a: {  	[sflag:s18] =	ssyncset.done $0x0  }
0x17b: {  	[sflag:s18] =	ssyncadd.s32 $0xFFFFD800  }
0x17c: {  	[tilespmem:s12], [sflag:$0x2] =	stream.indirect.gather [hbm4b:s0+s10], $0x80, s26, s10, $0xb8;
	[tilespmem:$0x11D00] =	vst v63  }
0x17d: {  	_ =	swait.ge [sflag:s13], $0x2800  }
0x17e: {  	[sflag:s13] =	ssyncset.done $0x0  }
0x17f: {  	[sflag:s13] =	ssyncadd.s32 $0xFFFFD800  }
0x180: {  	[spmem:s3] =	stream.indirect.scatter.add.f32 [tilespmem:s11], [sflag:$0x3], $0x80, s28, s10, $0xb8;
	[tilespmem:$0x11D00] =	vst v63  }
0x181: {  	_ =	swait.ge [sflag:s14], $0x2800  }
0x182: {  	[sflag:s14] =	ssyncset.done $0x0  }
0x183: {  	[sflag:s14] =	ssyncadd.s32 $0xFFFFD800  }
0x184: {  	[tilespmem:s11], [sflag:$0x1] =	stream.indirect.gather [hbm4b:s0+s10], $0x80, s29, s10, $0xb8;
	[tilespmem:$0x11D00] =	vst v63  }
0x185: {  	_ =	swait.ge [sflag:s16], $0x2800  }
0x186: {  	[sflag:s16] =	ssyncset.done $0x0  }
0x187: {  	[sflag:s16] =	ssyncadd.s32 $0xFFFFD800  }
0x188: {  	[spmem:s3] =	stream.indirect.scatter.add.f32 [tilespmem:s12], [sflag:$0x4], $0x80, s30, s10, $0xb8;
	[tilespmem:$0x11D00] =	vst v63  }
0x189: {  	_ =	swait.ge [sflag:s18], $0x2800  }
0x18a: {  	[sflag:s18] =	ssyncset.done $0x0  }
0x18b: {  	[sflag:s18] =	ssyncadd.s32 $0xFFFFD800  }
0x18c: {  	[tilespmem:s12], [sflag:$0x2] =	stream.indirect.gather [hbm4b:s0+s10], $0x80, s2, s10, $0xb8;
	[tilespmem:$0x11D00] =	vst v63  }
0x18d: {  	_ =	swait.ge [sflag:s13], $0x2800  }
0x18e: {  	[sflag:s13] =	ssyncset.done $0x0  }
0x18f: {  	[sflag:s13] =	ssyncadd.s32 $0xFFFFD800  }
0x190: {  	[spmem:s3] =	stream.indirect.scatter.add.f32 [tilespmem:s11], [sflag:$0x3], $0x80, s17, s10, $0xb8;
	[tilespmem:$0x11D00] =	vst v63  }
0x191: {  	_ =	swait.ge [sflag:s16], $0x2800  }
0x192: {  	[sflag:s16] =	ssyncset.done $0x0  }
0x193: {  	[sflag:s16] =	ssyncadd.s32 $0xFFFFD800  }
0x194: {  	[spmem:s3] =	stream.indirect.scatter.add.f32 [tilespmem:s12], [sflag:$0x4], $0x80, s5, s10, $0xb8;
	[tilespmem:$0x11D00] =	vst v63  }
0x195: {  	_ =	swait.ge [sflag:s18], $0x2800  }
0x196: {  	[sflag:s18] =	ssyncset.done $0x0  }
0x197: {  	[sflag:s18] =	ssyncadd.s32 $0xFFFFD800  }
0x198: {  	_ =	swait.ge [sflag:s14], $0x2800  }
0x199: {  	[sflag:s14] =	ssyncset.done $0x0  }
0x19a: {  	[sflag:s14] =	ssyncadd.s32 $0xFFFFD800  }
0x19b: {  	[bflag:$0x0] =	sbarrier.arrive $0xFFFF  }
0x19c: {  	p0 =	sne.s32 s6, $0x1;
	s2 =	rddreg [dreg:$0x10]  }
.Ltmp1:
0x19d: {  	s19 =	rddreg [dreg:$0x14];
	(pc) =	sbr.rel @p0 .LBB2_2-.Ltmp1, $4  }
0x19e: {  	[hbm:s2], [sflag:s31] =	dma.local [spmem:s19], $0xA00  }
0x19f: {  	_ =	swait.ge [sflag:s8], $0xA00  }
0x1a0: {  	[sflag:s8] =	ssyncset.done $0x0  }
0x1a1: {  	s6 =	sadd.s32 $0xFFFFFFFF, s6;
	[sflag:s8] =	ssyncadd.s32 $0xFFFFF600  }
.LBB2_3:
0x1a2: {  	[bflag:$0x0] =	sbarrier.arrive $0xFFFF  }
0x1a3: {  	_ =	sfence.sel $0x180000  }
0x1a4: {  	[bflag:$0x0] =	sbarrier.arrive $0xFFFF  }
0x1a5: {  	_ =	strace $0x9000004A  }
0x1a6: {  	s0 =	stileid.u32;
	[bflag:$0x2] =	sbarrier.arrive $0xFFFF  }
0x1a7: {  	p0 =	sne.s32 s0, $0x0;
	s0 =	rddreg [dreg:$0x5]  }
0x1a8: {  	s0 =	sadd.s32 @!p0 $0x100000, s0  }
0x1a9: {  	[sflag:s0] =	ssyncadd.tile.s32 @!p0 $0x1;
	_ =	shalt  }
.Lfunc_end2:
_tile_overlayer_lowered:
.L_overlay_start_2:
0x1aa: {  	(tag) =	ssettag $0x2  }
0x1ab: {  	s0 =	rddreg [dreg:$0x0];
	s2 =	stileid.u32  }
0x1ac: {  	s1 =	rddreg [dreg:$0x1];
	p0 =	sne.s32 s2, $0x0  }
0x1ad: {  	s3 =	rddreg [dreg:$0x2];
	[bflag:$0x3] =	sbarrier.arrive $0xFFFF;
	s2 =	simm.s32 @!p0 $0x1C05  }
0x1ae: {  	[timem:s3], [sflag:s2] =	dma.local @!p0 [hbm:s0], s1  }
0x1af: {  	s0 =	simm.s32 @!p0 $0x5  }
0x1b0: {  	_ =	swait.ge @!p0 [sflag:s0], s1  }
0x1b1: {  	s1 =	ssub.s32 @!p0 $0x0, s1;
	[sflag:s0] =	ssyncset.done @!p0 $0x0  }
0x1b2: {  	[sflag:s0] =	ssyncadd.s32 @!p0 s1  }
0x1b3: {  	[bflag:$0x3] =	sbarrier.arrive $0xFFFF  }
0x1b4: {  	_ =	shalt  }

</sc_bundles>
